<compile_context>
chip_gen: v7x
topology: tpu7x:2x2x1
jax: 0.10.2.dev20260603
libtpu: 0.0.44.dev20260713+nightly
codegen_flags: <defaults>
</compile_context>

<pallas_src>
import functools

import jax
import jax.numpy as jnp
from jax import lax
from jax.experimental import pallas as pl
from jax.experimental.pallas import tpu as pltpu
from jax.experimental.pallas import tpu_sc as plsc

N = 10000
E = 320000
D = 128
NG = 128
NA = 4
NPAD = 10240
EPAD = 327680
NTILES = 32
EPT = EPAD // NTILES
K = 128
NCH = EPT // K
NSLOT = 2
LEAD = 1
BLK = 512
NBLK = NPAD // BLK
ROWS_PT = NPAD // 16

_f32 = jnp.float32



def _valid_col(i):
    row = lax.broadcasted_iota(jnp.int32, (BLK, 1), 0) + i * BLK
    return (row < N).astype(_f32)


def _enc_body(x_ref, pe_ref, w_in_ref, w_pe_ref, b_in_ref, b_pe_ref, emb_ref,
              h_ref, aug_ref):
    i = pl.program_id(0)
    h = (jnp.dot(x_ref[...], w_in_ref[...], preferred_element_type=_f32)
         + jnp.dot(pe_ref[...], w_pe_ref[...], preferred_element_type=_f32)
         + b_in_ref[...] + b_pe_ref[...])
    h_ref[...] = h
    valid = _valid_col(i)
    for a in range(NA):
        aug_ref[a] = jnp.maximum(h + emb_ref[a], 0.0) * valid


def _encoder(x, pe, w_in, w_pe, b_in, b_pe, emb0):
    return pl.pallas_call(
        _enc_body,
        grid=(NBLK,),
        in_specs=[
            pl.BlockSpec((BLK, D), lambda i: (i, 0)),
            pl.BlockSpec((BLK, D), lambda i: (i, 0)),
            pl.BlockSpec((D, D), lambda i: (0, 0)),
            pl.BlockSpec((D, D), lambda i: (0, 0)),
            pl.BlockSpec((D,), lambda i: (0,)),
            pl.BlockSpec((D,), lambda i: (0,)),
            pl.BlockSpec((NA, D), lambda i: (0, 0)),
        ],
        out_specs=[
            pl.BlockSpec((BLK, D), lambda i: (i, 0)),
            pl.BlockSpec((NA, BLK, D), lambda i: (0, i, 0)),
        ],
        out_shape=[
            jax.ShapeDtypeStruct((NPAD, D), _f32),
            jax.ShapeDtypeStruct((NA, NPAD, D), _f32),
        ],
    )(x, pe, w_in, w_pe, b_in, b_pe, emb0)


def _layer_body(h_ref, agg_ref, eps_ref, w1_ref, b1_ref, w2_ref, b2_ref,
                emb_ref, h_ref_out, aug_ref):
    i = pl.program_id(0)
    z = (1.0 + eps_ref[0]) * h_ref[...] + agg_ref[0] + agg_ref[1]
    u = jnp.maximum(
        jnp.dot(z, w1_ref[...], preferred_element_type=_f32) + b1_ref[...], 0.0)
    h2 = jnp.dot(u, w2_ref[...], preferred_element_type=_f32) + b2_ref[...]
    h_ref_out[...] = h2
    valid = _valid_col(i)
    for a in range(NA):
        aug_ref[a] = jnp.maximum(h2 + emb_ref[a], 0.0) * valid


def _layer(h, agg2, eps, w1, b1, w2, b2, emb_next):
    return pl.pallas_call(
        _layer_body,
        grid=(NBLK,),
        in_specs=[
            pl.BlockSpec((BLK, D), lambda i: (i, 0)),
            pl.BlockSpec((2, BLK, D), lambda i: (0, i, 0)),
            pl.BlockSpec(memory_space=pltpu.SMEM),
            pl.BlockSpec((D, D), lambda i: (0, 0)),
            pl.BlockSpec((D,), lambda i: (0,)),
            pl.BlockSpec((D, D), lambda i: (0, 0)),
            pl.BlockSpec((D,), lambda i: (0,)),
            pl.BlockSpec((NA, D), lambda i: (0, 0)),
        ],
        out_specs=[
            pl.BlockSpec((BLK, D), lambda i: (i, 0)),
            pl.BlockSpec((NA, BLK, D), lambda i: (0, i, 0)),
        ],
        out_shape=[
            jax.ShapeDtypeStruct((NPAD, D), _f32),
            jax.ShapeDtypeStruct((NA, NPAD, D), _f32),
        ],
    )(h, agg2, eps, w1, b1, w2, b2, emb_next)


def _final_body(h_ref, agg_ref, eps_ref, w1_ref, b1_ref, w2_ref, b2_ref,
                batch_ref, wf1_ref, bf1_ref, wf2_ref, bf2_ref,
                psum_ref, cnt_ref, y_ref):
    step = pl.program_id(0)

    @pl.when(step == 0)
    def _init():
        psum_ref[...] = jnp.zeros((NG, D), _f32)
        cnt_ref[...] = jnp.zeros((NG, D), _f32)

    z = (1.0 + eps_ref[0]) * h_ref[...] + agg_ref[0] + agg_ref[1]
    u = jnp.maximum(
        jnp.dot(z, w1_ref[...], preferred_element_type=_f32) + b1_ref[...], 0.0)
    h3 = jnp.dot(u, w2_ref[...], preferred_element_type=_f32) + b2_ref[...]

    bvec = batch_ref[0, 0, :]
    gi = lax.broadcasted_iota(jnp.int32, (NG, BLK), 0)
    mask = (gi == bvec[None, :]).astype(_f32)
    psum_ref[...] += jnp.dot(mask, h3, preferred_element_type=_f32)
    cnt_ref[...] += jnp.dot(mask, jnp.ones((BLK, D), _f32),
                            preferred_element_type=_f32)

    @pl.when(step == NBLK - 1)
    def _head():
        pooled = psum_ref[...] / jnp.maximum(cnt_ref[...], 1.0)
        t = jnp.maximum(
            jnp.dot(pooled, wf1_ref[...], preferred_element_type=_f32)
            + bf1_ref[...], 0.0)
        y_ref[...] = (jnp.dot(t, wf2_ref[...], preferred_element_type=_f32)
                      + bf2_ref[0])


def _final(h, agg2, eps, w1, b1, w2, b2, batch3, wf1, bf1, wf2p, bf2):
    outs = pl.pallas_call(
        _final_body,
        grid=(NBLK,),
        in_specs=[
            pl.BlockSpec((BLK, D), lambda i: (i, 0)),
            pl.BlockSpec((2, BLK, D), lambda i: (0, i, 0)),
            pl.BlockSpec(memory_space=pltpu.SMEM),
            pl.BlockSpec((D, D), lambda i: (0, 0)),
            pl.BlockSpec((D,), lambda i: (0,)),
            pl.BlockSpec((D, D), lambda i: (0, 0)),
            pl.BlockSpec((D,), lambda i: (0,)),
            pl.BlockSpec((1, 1, BLK), lambda i: (i, 0, 0)),
            pl.BlockSpec((D, D), lambda i: (0, 0)),
            pl.BlockSpec((D,), lambda i: (0,)),
            pl.BlockSpec((D, D), lambda i: (0, 0)),
            pl.BlockSpec(memory_space=pltpu.SMEM),
        ],
        out_specs=[
            pl.BlockSpec((NG, D), lambda i: (0, 0)),
            pl.BlockSpec((NG, D), lambda i: (0, 0)),
            pl.BlockSpec((NG, D), lambda i: (0, 0)),
        ],
        out_shape=[
            jax.ShapeDtypeStruct((NG, D), _f32),
            jax.ShapeDtypeStruct((NG, D), _f32),
            jax.ShapeDtypeStruct((NG, D), _f32),
        ],
    )(h, agg2, eps, w1, b1, w2, b2, batch3, wf1, bf1, wf2p, bf2)
    return outs[2]



_SC_MESH = plsc.VectorSubcoreMesh(core_axis_name="c", subcore_axis_name="s")


@functools.partial(
    pl.kernel,
    out_type=jax.ShapeDtypeStruct((2, NPAD, D), _f32),
    mesh=_SC_MESH,
    scratch_types=(
        [pltpu.VMEM((3, K), jnp.int32) for _ in range(NSLOT)]
        + [pltpu.VMEM((K,), jnp.int32) for _ in range(NSLOT)]
        + [pltpu.VMEM((K,), jnp.int32) for _ in range(NSLOT)]
        + [pltpu.VMEM((K, D), _f32) for _ in range(NSLOT)]
        + [pltpu.VMEM_SHARED((NPAD, D), _f32)]
        + [pltpu.SemaphoreType.DMA for _ in range(3 * NSLOT)]
    ),
)
def _mp_kernel(aug_hbm, edges_hbm, zeros_hbm, out_hbm, *refs):
    ebuf = refs[0:NSLOT]
    gbuf = refs[NSLOT:2 * NSLOT]
    dbuf = refs[2 * NSLOT:3 * NSLOT]
    rbuf = refs[3 * NSLOT:4 * NSLOT]
    agg_sh = refs[4 * NSLOT]
    esem = refs[4 * NSLOT + 1:4 * NSLOT + 1 + NSLOT]
    gsem = refs[4 * NSLOT + 1 + NSLOT:4 * NSLOT + 1 + 2 * NSLOT]
    ssem = refs[4 * NSLOT + 1 + 2 * NSLOT:4 * NSLOT + 1 + 3 * NSLOT]

    cid = lax.axis_index("c")
    sid = lax.axis_index("s")
    tid = cid * 16 + sid
    cbase = tid * NCH

    row0 = pl.multiple_of(sid * ROWS_PT, ROWS_PT)
    pltpu.sync_copy(zeros_hbm, agg_sh.at[pl.ds(row0, ROWS_PT)])
    plsc.subcore_barrier()

    def start_edge(c, b):
        pltpu.async_copy(edges_hbm.at[cbase + c], ebuf[b], esem[b])

    def wait_edge(b):
        pltpu.make_async_copy(edges_hbm.at[cbase], ebuf[b], esem[b]).wait()

    def compute_idx(b):
        for j in range(K // 16):
            s16 = ebuf[b][0, pl.ds(j * 16, 16)]
            a16 = ebuf[b][1, pl.ds(j * 16, 16)]
            gbuf[b][pl.ds(j * 16, 16)] = a16 * NPAD + s16
            dbuf[b][pl.ds(j * 16, 16)] = ebuf[b][2, pl.ds(j * 16, 16)]

    H = K // 2

    def start_gather(b):
        pltpu.async_copy(aug_hbm.at[gbuf[b].at[pl.ds(0, H)]],
                         rbuf[b].at[pl.ds(0, H)], gsem[b])
        pltpu.async_copy(aug_hbm.at[gbuf[b].at[pl.ds(H, H)]],
                         rbuf[b].at[pl.ds(H, H)], gsem[b])

    def wait_gather(b):
        pltpu.make_async_copy(aug_hbm.at[gbuf[b].at[pl.ds(0, H)]],
                              rbuf[b].at[pl.ds(0, H)], gsem[b]).wait()
        pltpu.make_async_copy(aug_hbm.at[gbuf[b].at[pl.ds(H, H)]],
                              rbuf[b].at[pl.ds(H, H)], gsem[b]).wait()

    def start_scatter(b):
        pltpu.async_copy(rbuf[b], agg_sh.at[dbuf[b]], ssem[b], add=True)

    def wait_scatter(b):
        pltpu.make_async_copy(rbuf[b], agg_sh.at[dbuf[b]], ssem[b]).wait()

    def prep(c, b):
        wait_edge(b)
        compute_idx(b)
        start_gather(b)

    for b in range(NSLOT):
        start_edge(b, b)
    for c in range(LEAD):
        wait_edge(c)
        compute_idx(c)
        start_edge(c + NSLOT, c)
        start_gather(c)

    def loop_body(g, carry):
        for b in range(NSLOT):
            c = g * NSLOT + b
            q = c + LEAD
            bq = (b + LEAD) % NSLOT
            qok = q < NCH

            @pl.when(qok)
            def _(b=b, bq=bq, q=q, c=c, g=g):
                wait_edge(bq)
                if (b + LEAD) - NSLOT < 0:
                    @pl.when(g > 0)
                    def _():
                        wait_scatter(bq)
                else:
                    wait_scatter(bq)
                compute_idx(bq)

                @pl.when(q + NSLOT < NCH)
                def _():
                    start_edge(q + NSLOT, bq)
                start_gather(bq)

            wait_gather(b)
            start_scatter(b)
        return carry

    lax.fori_loop(0, NCH // NSLOT, loop_body, 0)
    for b in range(NSLOT):
        wait_scatter(b)

    plsc.subcore_barrier()
    pltpu.sync_copy(agg_sh.at[pl.ds(row0, ROWS_PT)],
                    out_hbm.at[cid, pl.ds(row0, ROWS_PT)])



def kernel(X_n, edge_index, edge_attr, PE, snorm, batch, sketch_features,
           params):
    del snorm, sketch_features
    f32 = _f32
    xp = jnp.pad(X_n, ((0, NPAD - N), (0, 0)))
    pep = jnp.pad(PE, ((0, NPAD - N), (0, D - PE.shape[1])))
    w_pe_p = jnp.pad(params['W_pe'], ((0, D - PE.shape[1]), (0, 0)))

    src = jnp.pad(edge_index[0], (0, EPAD - E), constant_values=N)
    attr = jnp.pad(edge_attr, (0, EPAD - E))
    dst = jnp.pad(edge_index[1], (0, EPAD - E))
    edges = jnp.stack([src.reshape(-1, K), attr.reshape(-1, K),
                       dst.reshape(-1, K)], axis=1)
    zeros640 = jnp.zeros((ROWS_PT, D), f32)
    batch3 = jnp.pad(batch, (0, NPAD - N),
                     constant_values=jnp.int32(2 ** 30)).reshape(NBLK, 1, BLK)

    layers = params['layers']
    h, aug = _encoder(xp, pep, params['W_in'], w_pe_p, params['b_in'],
                      params['b_pe'], layers[0]['edge_emb'])

    for l in range(3):
        lp = layers[l]
        eps1 = jnp.reshape(lp['eps'], (1,))
        agg2 = _mp_kernel(aug.reshape(NA * NPAD, D), edges, zeros640)
        if l < 2:
            h, aug = _layer(h, agg2, eps1, lp['W1'], lp['b1'], lp['W2'],
                            lp['b2'], layers[l + 1]['edge_emb'])
        else:
            wf2p = jnp.pad(params['Wf2'], ((0, 0), (0, D - 1)))
            y = _final(h, agg2, eps1, lp['W1'], lp['b1'], lp['W2'], lp['b2'],
                       batch3, params['Wf1'], params['bf1'], wf2p,
                       params['bf2'])
    return y[:, 0]

# --- scband reference (transcript-rebuilt; emitter-appended) ---
"""Pipeline reference for scband-ginebase-model-51548197486841 (READ-ONLY COPY).

The authoritative reference and input builder live on the scoring server;
editing this copy changes nothing except your own understanding.
"""

import jax, jax.numpy as jnp
import numpy as np

N = 10000
E = 320000
D = 128
PE_DIM = 37
NG = 128
N_LAYERS = 3
N_EDGE_TYPES = 4


def _init_linear(key, fan_in, fan_out):
    k1, k2 = jax.random.split(key)
    s = 1.0 / np.sqrt(fan_in)
    W = jax.random.uniform(k1, (fan_in, fan_out), jnp.float32, -s, s)
    b = jax.random.uniform(k2, (fan_out,), jnp.float32, -s, s)
    return W, b


def setup_inputs(seed: int = 0) -> dict:
    key = jax.random.key(seed)
    ks = jax.random.split(key, 22)
    X_n = jax.random.normal(ks[0], (N, D), jnp.float32)
    edge_index = jax.random.randint(ks[1], (2, E), 0, N, jnp.int32)
    edge_attr = jax.random.randint(ks[2], (E,), 0, N_EDGE_TYPES, jnp.int32)
    PE = jax.random.normal(ks[3], (N, PE_DIM), jnp.float32)
    snorm = jax.random.uniform(ks[4], (N,), dtype=jnp.float32)
    batch = jnp.sort(jax.random.randint(ks[5], (N,), 0, NG, jnp.int32))
    params = {}
    params['W_in'], params['b_in'] = _init_linear(ks[6], D, D)
    params['W_pe'], params['b_pe'] = _init_linear(ks[7], PE_DIM, D)
    layers = []
    for l in range(N_LAYERS):
        k0 = ks[8 + 4 * l]
        k1 = ks[9 + 4 * l]
        k2 = ks[10 + 4 * l]
        edge_emb = jax.random.normal(k0, (N_EDGE_TYPES, D), jnp.float32) * 0.05
        W1, b1 = _init_linear(k1, D, D)
        W2, b2 = _init_linear(k2, D, D)
        layers.append({'edge_emb': edge_emb, 'eps': jnp.zeros((), jnp.float32), 'W1': W1, 'b1': b1, 'W2': W2, 'b2': b2})
    params['layers'] = layers
    params['Wf1'], params['bf1'] = _init_linear(ks[8 + 4 * N_LAYERS], D, D)
    params['Wf2'], params['bf2'] = _init_linear(ks[9 + 4 * N_LAYERS], D, 1)
    return {'X_n': X_n, 'edge_index': edge_index, 'edge_attr': edge_attr, 'PE': PE,
            'snorm': snorm, 'batch': batch, 'sketch_features': 0, 'params': params}


def _forward(X_n, PE, snorm, params, edge_index, edge_attr, batch):
    # input encoders: linear on continuous node features + linear on positional encodings
    h = X_n @ params['W_in'] + params['b_in'] + PE @ params['W_pe'] + params['b_pe']
    src = edge_index[0]
    dst = edge_index[1]
    for layer in params['layers']:
        # GINE conv: x_i' = MLP((1+eps)*x_i + sum_j relu(x_j + edge_emb(e_ij)))
        e = layer['edge_emb'][edge_attr]                      # gather  [E, D]
        m = jax.nn.relu(h[src] + e)                           # gather + message [E, D]
        agg = jax.ops.segment_sum(m, dst, num_segments=N)     # scatter-add [N, D]
        z = (1.0 + layer['eps']) * h + agg
        h = jax.nn.relu(z @ layer['W1'] + layer['b1']) @ layer['W2'] + layer['b2']
    # global mean pool over graphs in the batch
    ones = jnp.ones((N,), jnp.float32)
    counts = jax.ops.segment_sum(ones, batch, num_segments=NG)
    sums = jax.ops.segment_sum(h, batch, num_segments=NG)
    pooled = sums / jnp.maximum(counts, 1.0)[:, None]
    # prediction head MLP -> target_dim=1, then squeeze(dim=1)
    y = jax.nn.relu(pooled @ params['Wf1'] + params['bf1']) @ params['Wf2'] + params['bf2']
    return jnp.squeeze(y, axis=1)


def reference(X_n, edge_index, edge_attr, PE, snorm, batch, sketch_features, params):
    return _forward(X_n, PE, snorm, params, edge_index, edge_attr, batch)

if __name__ == "__main__":
    import jax
    _d = setup_inputs()
    print(jax.jit(kernel)(*tuple(_d.values())))

</pallas_src>

<mosaic_0001>
#map = affine_map<(d0, d1) -> (0, 0)>
#map1 = affine_map<(d0, d1) -> (0, 0, 0)>
module attributes {stable_mosaic.version = 14 : i64} {
  func.func @_mp_kernel(%arg0: i32, %arg1: i32, %arg2: memref<40960x128xf32, #tpu.memory_space<hbm>>, %arg3: memref<2560x3x128xi32, #tpu.memory_space<hbm>>, %arg4: memref<640x128xf32, #tpu.memory_space<hbm>>, %arg5: memref<2x10240x128xf32, #tpu.memory_space<hbm>>, %arg6: memref<3x128xi32, #tpu.memory_space<vmem>>, %arg7: memref<3x128xi32, #tpu.memory_space<vmem>>, %arg8: memref<128xi32, #tpu.memory_space<vmem>>, %arg9: memref<128xi32, #tpu.memory_space<vmem>>, %arg10: memref<128xi32, #tpu.memory_space<vmem>>, %arg11: memref<128xi32, #tpu.memory_space<vmem>>, %arg12: memref<128x128xf32, #tpu.memory_space<vmem>>, %arg13: memref<128x128xf32, #tpu.memory_space<vmem>>, %arg14: memref<10240x128xf32, #tpu.memory_space<vmem_shared>>, %arg15: memref<!tpu.dma_semaphore, #tpu.memory_space<semaphore_mem>>, %arg16: memref<!tpu.dma_semaphore, #tpu.memory_space<semaphore_mem>>, %arg17: memref<!tpu.dma_semaphore, #tpu.memory_space<semaphore_mem>>, %arg18: memref<!tpu.dma_semaphore, #tpu.memory_space<semaphore_mem>>, %arg19: memref<!tpu.dma_semaphore, #tpu.memory_space<semaphore_mem>>, %arg20: memref<!tpu.dma_semaphore, #tpu.memory_space<semaphore_mem>>) attributes {dimension_semantics = [#tpu.dimension_semantics<core_parallel>, #tpu.dimension_semantics<subcore_parallel>], iteration_bounds = array<i64: 2, 16>, scalar_prefetch = 0 : i64, scratch_operands = 15 : i64, tpu.core_type = #tpu.core_type<sc_vector_subcore>, window_params = [{transform_indices = #map}, {transform_indices = #map1}, {transform_indices = #map}, {transform_indices = #map1}]} {
    %mul3A = arith.constant 16 : i32
    %mul3A_0 = arith.muli %arg0, %mul3A : i32
    %add3A = arith.addi %mul3A_0, %arg1 : i32
    %mul3A_1 = arith.constant 80 : i32
    %mul3A_2 = arith.muli %add3A, %mul3A_1 : i32
    %mul3A_3 = arith.constant 640 : i32
    %mul3A_4 = arith.muli %arg1, %mul3A_3 : i32
    %multiple_of3A = tpu.assume_multiple %mul3A_4, 640 : i32
    "tpu.region"() ({
      %run_scoped3A = tpu.sem_alloc : memref<!tpu.dma_semaphore, #tpu.memory_space<semaphore_mem>>
      %dma_start3A_283 = arith.constant 0 : i32
      %dma_start3A_284 = tpu.memref_slice %arg14[%multiple_of3A, %dma_start3A_283] : memref<10240x128xf32, #tpu.memory_space<vmem_shared>> -> memref<640x128xf32, #tpu.memory_space<vmem_shared>>
      tpu.enqueue_dma source(%arg4 : memref<640x128xf32, #tpu.memory_space<hbm>>) target(%dma_start3A_284 : memref<640x128xf32, #tpu.memory_space<vmem_shared>>) target_semaphore(%run_scoped3A : memref<!tpu.dma_semaphore, #tpu.memory_space<semaphore_mem>>)
      %dma_wait3A_285 = arith.constant 0 : i32
      %dma_wait3A_286 = tpu.memref_slice %arg14[%multiple_of3A, %dma_wait3A_285] : memref<10240x128xf32, #tpu.memory_space<vmem_shared>> -> memref<640x128xf32, #tpu.memory_space<vmem_shared>>
      tpu.wait_dma2 semaphore(%run_scoped3A : memref<!tpu.dma_semaphore, #tpu.memory_space<semaphore_mem>>) src(%arg4 : memref<640x128xf32, #tpu.memory_space<hbm>>) dst(%dma_wait3A_286 : memref<640x128xf32, #tpu.memory_space<vmem_shared>>)
      tpu.yield
    }) : () -> ()
    %barrier3A = arith.constant 0 : index
    tpu.barrier barrier_id(%barrier3A)
    %add3A_5 = arith.constant 0 : i32
    %add3A_6 = arith.addi %mul3A_2, %add3A_5 : i32
    %dma_start3A = arith.constant 0 : i32
    %dma_start3A_7 = arith.constant 0 : i32
    %dma_start3A_8 = tpu.memref_slice %arg3[%add3A_6, %dma_start3A, %dma_start3A_7] : memref<2560x3x128xi32, #tpu.memory_space<hbm>> -> memref<1x3x128xi32, #tpu.memory_space<hbm>>
    %dma_start3A_9 = tpu.memref_squeeze %dma_start3A_8 : memref<1x3x128xi32, #tpu.memory_space<hbm>> -> memref<3x128xi32, #tpu.memory_space<hbm>>
    %dma_start3A_10 = arith.constant 0 : i32
    %dma_start3A_11 = arith.constant 0 : i32
    %dma_start3A_12 = tpu.memref_slice %arg3[%add3A_6, %dma_start3A_10, %dma_start3A_11] : memref<2560x3x128xi32, #tpu.memory_space<hbm>> -> memref<1x3x128xi32, #tpu.memory_space<hbm>>
    %dma_start3A_13 = tpu.memref_squeeze %dma_start3A_12 : memref<1x3x128xi32, #tpu.memory_space<hbm>> -> memref<3x128xi32, #tpu.memory_space<hbm>>
    tpu.enqueue_dma source(%dma_start3A_13 : memref<3x128xi32, #tpu.memory_space<hbm>>) target(%arg6 : memref<3x128xi32, #tpu.memory_space<vmem>>) target_semaphore(%arg15 : memref<!tpu.dma_semaphore, #tpu.memory_space<semaphore_mem>>)
    %add3A_14 = arith.constant 1 : i32
    %add3A_15 = arith.addi %mul3A_2, %add3A_14 : i32
    %dma_start3A_16 = arith.constant 0 : i32
    %dma_start3A_17 = arith.constant 0 : i32
    %dma_start3A_18 = tpu.memref_slice %arg3[%add3A_15, %dma_start3A_16, %dma_start3A_17] : memref<2560x3x128xi32, #tpu.memory_space<hbm>> -> memref<1x3x128xi32, #tpu.memory_space<hbm>>
    %dma_start3A_19 = tpu.memref_squeeze %dma_start3A_18 : memref<1x3x128xi32, #tpu.memory_space<hbm>> -> memref<3x128xi32, #tpu.memory_space<hbm>>
    %dma_start3A_20 = arith.constant 0 : i32
    %dma_start3A_21 = arith.constant 0 : i32
    %dma_start3A_22 = tpu.memref_slice %arg3[%add3A_15, %dma_start3A_20, %dma_start3A_21] : memref<2560x3x128xi32, #tpu.memory_space<hbm>> -> memref<1x3x128xi32, #tpu.memory_space<hbm>>
    %dma_start3A_23 = tpu.memref_squeeze %dma_start3A_22 : memref<1x3x128xi32, #tpu.memory_space<hbm>> -> memref<3x128xi32, #tpu.memory_space<hbm>>
    tpu.enqueue_dma source(%dma_start3A_23 : memref<3x128xi32, #tpu.memory_space<hbm>>) target(%arg7 : memref<3x128xi32, #tpu.memory_space<vmem>>) target_semaphore(%arg16 : memref<!tpu.dma_semaphore, #tpu.memory_space<semaphore_mem>>)
    %dma_wait3A = arith.constant 0 : i32
    %dma_wait3A_24 = arith.constant 0 : i32
    %dma_wait3A_25 = tpu.memref_slice %arg3[%mul3A_2, %dma_wait3A, %dma_wait3A_24] : memref<2560x3x128xi32, #tpu.memory_space<hbm>> -> memref<1x3x128xi32, #tpu.memory_space<hbm>>
    %dma_wait3A_26 = tpu.memref_squeeze %dma_wait3A_25 : memref<1x3x128xi32, #tpu.memory_space<hbm>> -> memref<3x128xi32, #tpu.memory_space<hbm>>
    %dma_wait3A_27 = arith.constant 0 : i32
    %dma_wait3A_28 = arith.constant 0 : i32
    %dma_wait3A_29 = tpu.memref_slice %arg3[%mul3A_2, %dma_wait3A_27, %dma_wait3A_28] : memref<2560x3x128xi32, #tpu.memory_space<hbm>> -> memref<1x3x128xi32, #tpu.memory_space<hbm>>
    %dma_wait3A_30 = tpu.memref_squeeze %dma_wait3A_29 : memref<1x3x128xi32, #tpu.memory_space<hbm>> -> memref<3x128xi32, #tpu.memory_space<hbm>>
    tpu.wait_dma2 semaphore(%arg15 : memref<!tpu.dma_semaphore, #tpu.memory_space<semaphore_mem>>) src(%dma_wait3A_30 : memref<3x128xi32, #tpu.memory_space<hbm>>) dst(%arg6 : memref<3x128xi32, #tpu.memory_space<vmem>>)
    %get3A = arith.constant 0 : i32
    %get3A_31 = arith.index_cast %get3A : i32 to index
    %get3A_32 = arith.constant 0 : index
    %get3A_33 = tpu.vector_load %arg6[%get3A_31, %get3A_32] {strides = array<i32>} : memref<3x128xi32, #tpu.memory_space<vmem>>, vector<1x16xi32>,
    %get3A_34 = vector.shape_cast %get3A_33 : vector<1x16xi32> to vector<16xi32>
    %get3A_35 = arith.constant 1 : i32
    %get3A_36 = arith.index_cast %get3A_35 : i32 to index
    %get3A_37 = arith.constant 0 : index
    %get3A_38 = tpu.vector_load %arg6[%get3A_36, %get3A_37] {strides = array<i32>} : memref<3x128xi32, #tpu.memory_space<vmem>>, vector<1x16xi32>,
    %get3A_39 = vector.shape_cast %get3A_38 : vector<1x16xi32> to vector<16xi32>
    %mul3A_40 = arith.constant 10240 : i32
    %mul3A_41 = vector.broadcast %mul3A_40 : i32 to vector<16xi32>
    %mul3A_42 = arith.muli %get3A_39, %mul3A_41 : vector<16xi32>
    %add3A_43 = arith.addi %mul3A_42, %get3A_34 : vector<16xi32>
    %swap3A = arith.constant 0 : index
    %swap3A_44 = tpu.vector_load %arg8[%swap3A] {strides = array<i32>} : memref<128xi32, #tpu.memory_space<vmem>>, vector<16xi32>,
    %swap3A_45 = vector.shape_cast %swap3A_44 : vector<16xi32> to vector<16xi32>
    %swap3A_46 = vector.shape_cast %add3A_43 : vector<16xi32> to vector<16xi32>
    tpu.vector_store %arg8[%swap3A], %swap3A_46 {strides = array<i32>} : memref<128xi32, #tpu.memory_space<vmem>>, vector<16xi32>,
    %get3A_47 = arith.constant 2 : i32
    %get3A_48 = arith.index_cast %get3A_47 : i32 to index
    %get3A_49 = arith.constant 0 : index
    %get3A_50 = tpu.vector_load %arg6[%get3A_48, %get3A_49] {strides = array<i32>} : memref<3x128xi32, #tpu.memory_space<vmem>>, vector<1x16xi32>,
    %get3A_51 = vector.shape_cast %get3A_50 : vector<1x16xi32> to vector<16xi32>
    %swap3A_52 = arith.constant 0 : index
    %swap3A_53 = tpu.vector_load %arg10[%swap3A_52] {strides = array<i32>} : memref<128xi32, #tpu.memory_space<vmem>>, vector<16xi32>,
    %swap3A_54 = vector.shape_cast %swap3A_53 : vector<16xi32> to vector<16xi32>
    %swap3A_55 = vector.shape_cast %get3A_51 : vector<16xi32> to vector<16xi32>
    tpu.vector_store %arg10[%swap3A_52], %swap3A_55 {strides = array<i32>} : memref<128xi32, #tpu.memory_space<vmem>>, vector<16xi32>,
    %get3A_56 = arith.constant 0 : i32
    %get3A_57 = arith.index_cast %get3A_56 : i32 to index
    %get3A_58 = arith.constant 16 : index
    %get3A_59 = tpu.vector_load %arg6[%get3A_57, %get3A_58] {strides = array<i32>} : memref<3x128xi32, #tpu.memory_space<vmem>>, vector<1x16xi32>,
    %get3A_60 = vector.shape_cast %get3A_59 : vector<1x16xi32> to vector<16xi32>
    %get3A_61 = arith.constant 1 : i32
    %get3A_62 = arith.index_cast %get3A_61 : i32 to index
    %get3A_63 = arith.constant 16 : index
    %get3A_64 = tpu.vector_load %arg6[%get3A_62, %get3A_63] {strides = array<i32>} : memref<3x128xi32, #tpu.memory_space<vmem>>, vector<1x16xi32>,
    %get3A_65 = vector.shape_cast %get3A_64 : vector<1x16xi32> to vector<16xi32>
    %mul3A_66 = arith.constant 10240 : i32
    %mul3A_67 = vector.broadcast %mul3A_66 : i32 to vector<16xi32>
    %mul3A_68 = arith.muli %get3A_65, %mul3A_67 : vector<16xi32>
    %add3A_69 = arith.addi %mul3A_68, %get3A_60 : vector<16xi32>
    %swap3A_70 = arith.constant 16 : index
    %swap3A_71 = tpu.vector_load %arg8[%swap3A_70] {strides = array<i32>} : memref<128xi32, #tpu.memory_space<vmem>>, vector<16xi32>,
    %swap3A_72 = vector.shape_cast %swap3A_71 : vector<16xi32> to vector<16xi32>
    %swap3A_73 = vector.shape_cast %add3A_69 : vector<16xi32> to vector<16xi32>
    tpu.vector_store %arg8[%swap3A_70], %swap3A_73 {strides = array<i32>} : memref<128xi32, #tpu.memory_space<vmem>>, vector<16xi32>,
    %get3A_74 = arith.constant 2 : i32
    %get3A_75 = arith.index_cast %get3A_74 : i32 to index
    %get3A_76 = arith.constant 16 : index
    %get3A_77 = tpu.vector_load %arg6[%get3A_75, %get3A_76] {strides = array<i32>} : memref<3x128xi32, #tpu.memory_space<vmem>>, vector<1x16xi32>,
    %get3A_78 = vector.shape_cast %get3A_77 : vector<1x16xi32> to vector<16xi32>
    %swap3A_79 = arith.constant 16 : index
    %swap3A_80 = tpu.vector_load %arg10[%swap3A_79] {strides = array<i32>} : memref<128xi32, #tpu.memory_space<vmem>>, vector<16xi32>,
    %swap3A_81 = vector.shape_cast %swap3A_80 : vector<16xi32> to vector<16xi32>
    %swap3A_82 = vector.shape_cast %get3A_78 : vector<16xi32> to vector<16xi32>
    tpu.vector_store %arg10[%swap3A_79], %swap3A_82 {strides = array<i32>} : memref<128xi32, #tpu.memory_space<vmem>>, vector<16xi32>,
    %get3A_83 = arith.constant 0 : i32
    %get3A_84 = arith.index_cast %get3A_83 : i32 to index
    %get3A_85 = arith.constant 32 : index
    %get3A_86 = tpu.vector_load %arg6[%get3A_84, %get3A_85] {strides = array<i32>} : memref<3x128xi32, #tpu.memory_space<vmem>>, vector<1x16xi32>,
    %get3A_87 = vector.shape_cast %get3A_86 : vector<1x16xi32> to vector<16xi32>
    %get3A_88 = arith.constant 1 : i32
    %get3A_89 = arith.index_cast %get3A_88 : i32 to index
    %get3A_90 = arith.constant 32 : index
    %get3A_91 = tpu.vector_load %arg6[%get3A_89, %get3A_90] {strides = array<i32>} : memref<3x128xi32, #tpu.memory_space<vmem>>, vector<1x16xi32>,
    %get3A_92 = vector.shape_cast %get3A_91 : vector<1x16xi32> to vector<16xi32>
    %mul3A_93 = arith.constant 10240 : i32
    %mul3A_94 = vector.broadcast %mul3A_93 : i32 to vector<16xi32>
    %mul3A_95 = arith.muli %get3A_92, %mul3A_94 : vector<16xi32>
    %add3A_96 = arith.addi %mul3A_95, %get3A_87 : vector<16xi32>
    %swap3A_97 = arith.constant 32 : index
    %swap3A_98 = tpu.vector_load %arg8[%swap3A_97] {strides = array<i32>} : memref<128xi32, #tpu.memory_space<vmem>>, vector<16xi32>,
    %swap3A_99 = vector.shape_cast %swap3A_98 : vector<16xi32> to vector<16xi32>
    %swap3A_100 = vector.shape_cast %add3A_96 : vector<16xi32> to vector<16xi32>
    tpu.vector_store %arg8[%swap3A_97], %swap3A_100 {strides = array<i32>} : memref<128xi32, #tpu.memory_space<vmem>>, vector<16xi32>,
    %get3A_101 = arith.constant 2 : i32
    %get3A_102 = arith.index_cast %get3A_101 : i32 to index
    %get3A_103 = arith.constant 32 : index
    %get3A_104 = tpu.vector_load %arg6[%get3A_102, %get3A_103] {strides = array<i32>} : memref<3x128xi32, #tpu.memory_space<vmem>>, vector<1x16xi32>,
    %get3A_105 = vector.shape_cast %get3A_104 : vector<1x16xi32> to vector<16xi32>
    %swap3A_106 = arith.constant 32 : index
    %swap3A_107 = tpu.vector_load %arg10[%swap3A_106] {strides = array<i32>} : memref<128xi32, #tpu.memory_space<vmem>>, vector<16xi32>,
    %swap3A_108 = vector.shape_cast %swap3A_107 : vector<16xi32> to vector<16xi32>
    %swap3A_109 = vector.shape_cast %get3A_105 : vector<16xi32> to vector<16xi32>
    tpu.vector_store %arg10[%swap3A_106], %swap3A_109 {strides = array<i32>} : memref<128xi32, #tpu.memory_space<vmem>>, vector<16xi32>,
    %get3A_110 = arith.constant 0 : i32
    %get3A_111 = arith.index_cast %get3A_110 : i32 to index
    %get3A_112 = arith.constant 48 : index
    %get3A_113 = tpu.vector_load %arg6[%get3A_111, %get3A_112] {strides = array<i32>} : memref<3x128xi32, #tpu.memory_space<vmem>>, vector<1x16xi32>,
    %get3A_114 = vector.shape_cast %get3A_113 : vector<1x16xi32> to vector<16xi32>
    %get3A_115 = arith.constant 1 : i32
    %get3A_116 = arith.index_cast %get3A_115 : i32 to index
    %get3A_117 = arith.constant 48 : index
    %get3A_118 = tpu.vector_load %arg6[%get3A_116, %get3A_117] {strides = array<i32>} : memref<3x128xi32, #tpu.memory_space<vmem>>, vector<1x16xi32>,
    %get3A_119 = vector.shape_cast %get3A_118 : vector<1x16xi32> to vector<16xi32>
    %mul3A_120 = arith.constant 10240 : i32
    %mul3A_121 = vector.broadcast %mul3A_120 : i32 to vector<16xi32>
    %mul3A_122 = arith.muli %get3A_119, %mul3A_121 : vector<16xi32>
    %add3A_123 = arith.addi %mul3A_122, %get3A_114 : vector<16xi32>
    %swap3A_124 = arith.constant 48 : index
    %swap3A_125 = tpu.vector_load %arg8[%swap3A_124] {strides = array<i32>} : memref<128xi32, #tpu.memory_space<vmem>>, vector<16xi32>,
    %swap3A_126 = vector.shape_cast %swap3A_125 : vector<16xi32> to vector<16xi32>
    %swap3A_127 = vector.shape_cast %add3A_123 : vector<16xi32> to vector<16xi32>
    tpu.vector_store %arg8[%swap3A_124], %swap3A_127 {strides = array<i32>} : memref<128xi32, #tpu.memory_space<vmem>>, vector<16xi32>,
    %get3A_128 = arith.constant 2 : i32
    %get3A_129 = arith.index_cast %get3A_128 : i32 to index
    %get3A_130 = arith.constant 48 : index
    %get3A_131 = tpu.vector_load %arg6[%get3A_129, %get3A_130] {strides = array<i32>} : memref<3x128xi32, #tpu.memory_space<vmem>>, vector<1x16xi32>,
    %get3A_132 = vector.shape_cast %get3A_131 : vector<1x16xi32> to vector<16xi32>
    %swap3A_133 = arith.constant 48 : index
    %swap3A_134 = tpu.vector_load %arg10[%swap3A_133] {strides = array<i32>} : memref<128xi32, #tpu.memory_space<vmem>>, vector<16xi32>,
    %swap3A_135 = vector.shape_cast %swap3A_134 : vector<16xi32> to vector<16xi32>
    %swap3A_136 = vector.shape_cast %get3A_132 : vector<16xi32> to vector<16xi32>
    tpu.vector_store %arg10[%swap3A_133], %swap3A_136 {strides = array<i32>} : memref<128xi32, #tpu.memory_space<vmem>>, vector<16xi32>,
    %get3A_137 = arith.constant 0 : i32
    %get3A_138 = arith.index_cast %get3A_137 : i32 to index
    %get3A_139 = arith.constant 64 : index
    %get3A_140 = tpu.vector_load %arg6[%get3A_138, %get3A_139] {strides = array<i32>} : memref<3x128xi32, #tpu.memory_space<vmem>>, vector<1x16xi32>,
    %get3A_141 = vector.shape_cast %get3A_140 : vector<1x16xi32> to vector<16xi32>
    %get3A_142 = arith.constant 1 : i32
    %get3A_143 = arith.index_cast %get3A_142 : i32 to index
    %get3A_144 = arith.constant 64 : index
    %get3A_145 = tpu.vector_load %arg6[%get3A_143, %get3A_144] {strides = array<i32>} : memref<3x128xi32, #tpu.memory_space<vmem>>, vector<1x16xi32>,
    %get3A_146 = vector.shape_cast %get3A_145 : vector<1x16xi32> to vector<16xi32>
    %mul3A_147 = arith.constant 10240 : i32
    %mul3A_148 = vector.broadcast %mul3A_147 : i32 to vector<16xi32>
    %mul3A_149 = arith.muli %get3A_146, %mul3A_148 : vector<16xi32>
    %add3A_150 = arith.addi %mul3A_149, %get3A_141 : vector<16xi32>
    %swap3A_151 = arith.constant 64 : index
    %swap3A_152 = tpu.vector_load %arg8[%swap3A_151] {strides = array<i32>} : memref<128xi32, #tpu.memory_space<vmem>>, vector<16xi32>,
    %swap3A_153 = vector.shape_cast %swap3A_152 : vector<16xi32> to vector<16xi32>
    %swap3A_154 = vector.shape_cast %add3A_150 : vector<16xi32> to vector<16xi32>
    tpu.vector_store %arg8[%swap3A_151], %swap3A_154 {strides = array<i32>} : memref<128xi32, #tpu.memory_space<vmem>>, vector<16xi32>,
    %get3A_155 = arith.constant 2 : i32
    %get3A_156 = arith.index_cast %get3A_155 : i32 to index
    %get3A_157 = arith.constant 64 : index
    %get3A_158 = tpu.vector_load %arg6[%get3A_156, %get3A_157] {strides = array<i32>} : memref<3x128xi32, #tpu.memory_space<vmem>>, vector<1x16xi32>,
    %get3A_159 = vector.shape_cast %get3A_158 : vector<1x16xi32> to vector<16xi32>
    %swap3A_160 = arith.constant 64 : index
    %swap3A_161 = tpu.vector_load %arg10[%swap3A_160] {strides = array<i32>} : memref<128xi32, #tpu.memory_space<vmem>>, vector<16xi32>,
    %swap3A_162 = vector.shape_cast %swap3A_161 : vector<16xi32> to vector<16xi32>
    %swap3A_163 = vector.shape_cast %get3A_159 : vector<16xi32> to vector<16xi32>
    tpu.vector_store %arg10[%swap3A_160], %swap3A_163 {strides = array<i32>} : memref<128xi32, #tpu.memory_space<vmem>>, vector<16xi32>,
    %get3A_164 = arith.constant 0 : i32
    %get3A_165 = arith.index_cast %get3A_164 : i32 to index
    %get3A_166 = arith.constant 80 : index
    %get3A_167 = tpu.vector_load %arg6[%get3A_165, %get3A_166] {strides = array<i32>} : memref<3x128xi32, #tpu.memory_space<vmem>>, vector<1x16xi32>,
    %get3A_168 = vector.shape_cast %get3A_167 : vector<1x16xi32> to vector<16xi32>
    %get3A_169 = arith.constant 1 : i32
    %get3A_170 = arith.index_cast %get3A_169 : i32 to index
    %get3A_171 = arith.constant 80 : index
    %get3A_172 = tpu.vector_load %arg6[%get3A_170, %get3A_171] {strides = array<i32>} : memref<3x128xi32, #tpu.memory_space<vmem>>, vector<1x16xi32>,
    %get3A_173 = vector.shape_cast %get3A_172 : vector<1x16xi32> to vector<16xi32>
    %mul3A_174 = arith.constant 10240 : i32
    %mul3A_175 = vector.broadcast %mul3A_174 : i32 to vector<16xi32>
    %mul3A_176 = arith.muli %get3A_173, %mul3A_175 : vector<16xi32>
    %add3A_177 = arith.addi %mul3A_176, %get3A_168 : vector<16xi32>
    %swap3A_178 = arith.constant 80 : index
    %swap3A_179 = tpu.vector_load %arg8[%swap3A_178] {strides = array<i32>} : memref<128xi32, #tpu.memory_space<vmem>>, vector<16xi32>,
    %swap3A_180 = vector.shape_cast %swap3A_179 : vector<16xi32> to vector<16xi32>
    %swap3A_181 = vector.shape_cast %add3A_177 : vector<16xi32> to vector<16xi32>
    tpu.vector_store %arg8[%swap3A_178], %swap3A_181 {strides = array<i32>} : memref<128xi32, #tpu.memory_space<vmem>>, vector<16xi32>,
    %get3A_182 = arith.constant 2 : i32
    %get3A_183 = arith.index_cast %get3A_182 : i32 to index
    %get3A_184 = arith.constant 80 : index
    %get3A_185 = tpu.vector_load %arg6[%get3A_183, %get3A_184] {strides = array<i32>} : memref<3x128xi32, #tpu.memory_space<vmem>>, vector<1x16xi32>,
    %get3A_186 = vector.shape_cast %get3A_185 : vector<1x16xi32> to vector<16xi32>
    %swap3A_187 = arith.constant 80 : index
    %swap3A_188 = tpu.vector_load %arg10[%swap3A_187] {strides = array<i32>} : memref<128xi32, #tpu.memory_space<vmem>>, vector<16xi32>,
    %swap3A_189 = vector.shape_cast %swap3A_188 : vector<16xi32> to vector<16xi32>
    %swap3A_190 = vector.shape_cast %get3A_186 : vector<16xi32> to vector<16xi32>
    tpu.vector_store %arg10[%swap3A_187], %swap3A_190 {strides = array<i32>} : memref<128xi32, #tpu.memory_space<vmem>>, vector<16xi32>,
    %get3A_191 = arith.constant 0 : i32
    %get3A_192 = arith.index_cast %get3A_191 : i32 to index
    %get3A_193 = arith.constant 96 : index
    %get3A_194 = tpu.vector_load %arg6[%get3A_192, %get3A_193] {strides = array<i32>} : memref<3x128xi32, #tpu.memory_space<vmem>>, vector<1x16xi32>,
    %get3A_195 = vector.shape_cast %get3A_194 : vector<1x16xi32> to vector<16xi32>
    %get3A_196 = arith.constant 1 : i32
    %get3A_197 = arith.index_cast %get3A_196 : i32 to index
    %get3A_198 = arith.constant 96 : index
    %get3A_199 = tpu.vector_load %arg6[%get3A_197, %get3A_198] {strides = array<i32>} : memref<3x128xi32, #tpu.memory_space<vmem>>, vector<1x16xi32>,
    %get3A_200 = vector.shape_cast %get3A_199 : vector<1x16xi32> to vector<16xi32>
    %mul3A_201 = arith.constant 10240 : i32
    %mul3A_202 = vector.broadcast %mul3A_201 : i32 to vector<16xi32>
    %mul3A_203 = arith.muli %get3A_200, %mul3A_202 : vector<16xi32>
    %add3A_204 = arith.addi %mul3A_203, %get3A_195 : vector<16xi32>
    %swap3A_205 = arith.constant 96 : index
    %swap3A_206 = tpu.vector_load %arg8[%swap3A_205] {strides = array<i32>} : memref<128xi32, #tpu.memory_space<vmem>>, vector<16xi32>,
    %swap3A_207 = vector.shape_cast %swap3A_206 : vector<16xi32> to vector<16xi32>
    %swap3A_208 = vector.shape_cast %add3A_204 : vector<16xi32> to vector<16xi32>
    tpu.vector_store %arg8[%swap3A_205], %swap3A_208 {strides = array<i32>} : memref<128xi32, #tpu.memory_space<vmem>>, vector<16xi32>,
    %get3A_209 = arith.constant 2 : i32
    %get3A_210 = arith.index_cast %get3A_209 : i32 to index
    %get3A_211 = arith.constant 96 : index
    %get3A_212 = tpu.vector_load %arg6[%get3A_210, %get3A_211] {strides = array<i32>} : memref<3x128xi32, #tpu.memory_space<vmem>>, vector<1x16xi32>,
    %get3A_213 = vector.shape_cast %get3A_212 : vector<1x16xi32> to vector<16xi32>
    %swap3A_214 = arith.constant 96 : index
    %swap3A_215 = tpu.vector_load %arg10[%swap3A_214] {strides = array<i32>} : memref<128xi32, #tpu.memory_space<vmem>>, vector<16xi32>,
    %swap3A_216 = vector.shape_cast %swap3A_215 : vector<16xi32> to vector<16xi32>
    %swap3A_217 = vector.shape_cast %get3A_213 : vector<16xi32> to vector<16xi32>
    tpu.vector_store %arg10[%swap3A_214], %swap3A_217 {strides = array<i32>} : memref<128xi32, #tpu.memory_space<vmem>>, vector<16xi32>,
    %get3A_218 = arith.constant 0 : i32
    %get3A_219 = arith.index_cast %get3A_218 : i32 to index
    %get3A_220 = arith.constant 112 : index
    %get3A_221 = tpu.vector_load %arg6[%get3A_219, %get3A_220] {strides = array<i32>} : memref<3x128xi32, #tpu.memory_space<vmem>>, vector<1x16xi32>,
    %get3A_222 = vector.shape_cast %get3A_221 : vector<1x16xi32> to vector<16xi32>
    %get3A_223 = arith.constant 1 : i32
    %get3A_224 = arith.index_cast %get3A_223 : i32 to index
    %get3A_225 = arith.constant 112 : index
    %get3A_226 = tpu.vector_load %arg6[%get3A_224, %get3A_225] {strides = array<i32>} : memref<3x128xi32, #tpu.memory_space<vmem>>, vector<1x16xi32>,
    %get3A_227 = vector.shape_cast %get3A_226 : vector<1x16xi32> to vector<16xi32>
    %mul3A_228 = arith.constant 10240 : i32
    %mul3A_229 = vector.broadcast %mul3A_228 : i32 to vector<16xi32>
    %mul3A_230 = arith.muli %get3A_227, %mul3A_229 : vector<16xi32>
    %add3A_231 = arith.addi %mul3A_230, %get3A_222 : vector<16xi32>
    %swap3A_232 = arith.constant 112 : index
    %swap3A_233 = tpu.vector_load %arg8[%swap3A_232] {strides = array<i32>} : memref<128xi32, #tpu.memory_space<vmem>>, vector<16xi32>,
    %swap3A_234 = vector.shape_cast %swap3A_233 : vector<16xi32> to vector<16xi32>
    %swap3A_235 = vector.shape_cast %add3A_231 : vector<16xi32> to vector<16xi32>
    tpu.vector_store %arg8[%swap3A_232], %swap3A_235 {strides = array<i32>} : memref<128xi32, #tpu.memory_space<vmem>>, vector<16xi32>,
    %get3A_236 = arith.constant 2 : i32
    %get3A_237 = arith.index_cast %get3A_236 : i32 to index
    %get3A_238 = arith.constant 112 : index
    %get3A_239 = tpu.vector_load %arg6[%get3A_237, %get3A_238] {strides = array<i32>} : memref<3x128xi32, #tpu.memory_space<vmem>>, vector<1x16xi32>,
    %get3A_240 = vector.shape_cast %get3A_239 : vector<1x16xi32> to vector<16xi32>
    %swap3A_241 = arith.constant 112 : index
    %swap3A_242 = tpu.vector_load %arg10[%swap3A_241] {strides = array<i32>} : memref<128xi32, #tpu.memory_space<vmem>>, vector<16xi32>,
    %swap3A_243 = vector.shape_cast %swap3A_242 : vector<16xi32> to vector<16xi32>
    %swap3A_244 = vector.shape_cast %get3A_240 : vector<16xi32> to vector<16xi32>
    tpu.vector_store %arg10[%swap3A_241], %swap3A_244 {strides = array<i32>} : memref<128xi32, #tpu.memory_space<vmem>>, vector<16xi32>,
    %add3A_245 = arith.constant 2 : i32
    %add3A_246 = arith.addi %mul3A_2, %add3A_245 : i32
    %dma_start3A_247 = arith.constant 0 : i32
    %dma_start3A_248 = arith.constant 0 : i32
    %dma_start3A_249 = tpu.memref_slice %arg3[%add3A_246, %dma_start3A_247, %dma_start3A_248] : memref<2560x3x128xi32, #tpu.memory_space<hbm>> -> memref<1x3x128xi32, #tpu.memory_space<hbm>>
    %dma_start3A_250 = tpu.memref_squeeze %dma_start3A_249 : memref<1x3x128xi32, #tpu.memory_space<hbm>> -> memref<3x128xi32, #tpu.memory_space<hbm>>
    %dma_start3A_251 = arith.constant 0 : i32
    %dma_start3A_252 = arith.constant 0 : i32
    %dma_start3A_253 = tpu.memref_slice %arg3[%add3A_246, %dma_start3A_251, %dma_start3A_252] : memref<2560x3x128xi32, #tpu.memory_space<hbm>> -> memref<1x3x128xi32, #tpu.memory_space<hbm>>
    %dma_start3A_254 = tpu.memref_squeeze %dma_start3A_253 : memref<1x3x128xi32, #tpu.memory_space<hbm>> -> memref<3x128xi32, #tpu.memory_space<hbm>>
    tpu.enqueue_dma source(%dma_start3A_254 : memref<3x128xi32, #tpu.memory_space<hbm>>) target(%arg6 : memref<3x128xi32, #tpu.memory_space<vmem>>) target_semaphore(%arg15 : memref<!tpu.dma_semaphore, #tpu.memory_space<semaphore_mem>>)
    %dma_start3A_255 = arith.constant 0 : i32
    %dma_start3A_256 = arith.constant 0 : i32
    %dma_start3A_257 = tpu.memref_slice %arg12[%dma_start3A_255, %dma_start3A_256] : memref<128x128xf32, #tpu.memory_space<vmem>> -> memref<64x128xf32, #tpu.memory_space<vmem>>
    %dma_start3A_258 = arith.constant 0 : i32
    %dma_start3A_259 = tpu.memref_slice %arg8[%dma_start3A_258] : memref<128xi32, #tpu.memory_space<vmem>> -> memref<64xi32, #tpu.memory_space<vmem>>
    %dma_start3A_260 = arith.constant 0 : i32
    %dma_start3A_261 = arith.constant 0 : i32
    %dma_start3A_262 = tpu.memref_slice %arg2[%dma_start3A_260, %dma_start3A_261] : memref<40960x128xf32, #tpu.memory_space<hbm>> -> memref<40960x128xf32, #tpu.memory_space<hbm>>
    tpu.enqueue_indirect_dma source(%dma_start3A_262 : memref<40960x128xf32, #tpu.memory_space<hbm>>) target(%dma_start3A_257 : memref<64x128xf32, #tpu.memory_space<vmem>>) offsets(%dma_start3A_259 : memref<64xi32, #tpu.memory_space<vmem>>) semaphore(%arg17 : memref<!tpu.dma_semaphore, #tpu.memory_space<semaphore_mem>>)
    %dma_start3A_263 = arith.constant 64 : i32
    %dma_start3A_264 = arith.constant 0 : i32
    %dma_start3A_265 = tpu.memref_slice %arg12[%dma_start3A_263, %dma_start3A_264] : memref<128x128xf32, #tpu.memory_space<vmem>> -> memref<64x128xf32, #tpu.memory_space<vmem>>
    %dma_start3A_266 = arith.constant 64 : i32
    %dma_start3A_267 = tpu.memref_slice %arg8[%dma_start3A_266] : memref<128xi32, #tpu.memory_space<vmem>> -> memref<64xi32, #tpu.memory_space<vmem>>
    %dma_start3A_268 = arith.constant 0 : i32
    %dma_start3A_269 = arith.constant 0 : i32
    %dma_start3A_270 = tpu.memref_slice %arg2[%dma_start3A_268, %dma_start3A_269] : memref<40960x128xf32, #tpu.memory_space<hbm>> -> memref<40960x128xf32, #tpu.memory_space<hbm>>
    tpu.enqueue_indirect_dma source(%dma_start3A_270 : memref<40960x128xf32, #tpu.memory_space<hbm>>) target(%dma_start3A_265 : memref<64x128xf32, #tpu.memory_space<vmem>>) offsets(%dma_start3A_267 : memref<64xi32, #tpu.memory_space<vmem>>) semaphore(%arg17 : memref<!tpu.dma_semaphore, #tpu.memory_space<semaphore_mem>>)
    %scan3A = arith.constant 0 : i32
    %scan3A_271 = arith.constant 0 : i32
    %scan3A_272 = arith.constant 40 : i32
    %scan3A_273 = arith.addi %scan3A_271, %scan3A_272 : i32
    %scan3A_274 = arith.constant 1 : i32
    scf.for %scan3A_283 = %scan3A_271 to %scan3A_273 step %scan3A_274  : i32 {
      %mul3A_284 = arith.constant 2 : i32
      %mul3A_285 = arith.muli %scan3A_283, %mul3A_284 : i32
      %add3A_286 = arith.constant 0 : i32
      %add3A_287 = arith.addi %mul3A_285, %add3A_286 : i32
      %add3A_288 = arith.constant 1 : i32
      %add3A_289 = arith.addi %add3A_287, %add3A_288 : i32
      %lt3A = arith.constant 80 : i32
      %lt3A_290 = arith.cmpi slt, %add3A_289, %lt3A : i32
      %convert_element_type3A = arith.extui %lt3A_290 : i1 to i32
      %cond3A = arith.constant 0 : i32
      %cond3A_291 = arith.cmpi ne, %convert_element_type3A, %cond3A : i32
      scf.if %cond3A_291 {
        %dma_wait3A_341 = arith.constant 0 : i32
        %dma_wait3A_342 = arith.constant 0 : i32
        %dma_wait3A_343 = tpu.memref_slice %arg3[%mul3A_2, %dma_wait3A_341, %dma_wait3A_342] : memref<2560x3x128xi32, #tpu.memory_space<hbm>> -> memref<1x3x128xi32, #tpu.memory_space<hbm>>
        %dma_wait3A_344 = tpu.memref_squeeze %dma_wait3A_343 : memref<1x3x128xi32, #tpu.memory_space<hbm>> -> memref<3x128xi32, #tpu.memory_space<hbm>>
        %dma_wait3A_345 = arith.constant 0 : i32
        %dma_wait3A_346 = arith.constant 0 : i32
        %dma_wait3A_347 = tpu.memref_slice %arg3[%mul3A_2, %dma_wait3A_345, %dma_wait3A_346] : memref<2560x3x128xi32, #tpu.memory_space<hbm>> -> memref<1x3x128xi32, #tpu.memory_space<hbm>>
        %dma_wait3A_348 = tpu.memref_squeeze %dma_wait3A_347 : memref<1x3x128xi32, #tpu.memory_space<hbm>> -> memref<3x128xi32, #tpu.memory_space<hbm>>
        tpu.wait_dma2 semaphore(%arg16 : memref<!tpu.dma_semaphore, #tpu.memory_space<semaphore_mem>>) src(%dma_wait3A_348 : memref<3x128xi32, #tpu.memory_space<hbm>>) dst(%arg7 : memref<3x128xi32, #tpu.memory_space<vmem>>)
        %gt3A = arith.constant 0 : i32
        %gt3A_349 = arith.cmpi sgt, %scan3A_283, %gt3A : i32
        %convert_element_type3A_350 = arith.extui %gt3A_349 : i1 to i32
        %cond3A_351 = arith.constant 0 : i32
        %cond3A_352 = arith.cmpi ne, %convert_element_type3A_350, %cond3A_351 : i32
        scf.if %cond3A_352 {
          %dma_wait3A_592 = arith.constant 0 : i32
          %dma_wait3A_593 = arith.constant 0 : i32
          %dma_wait3A_594 = tpu.memref_slice %arg14[%dma_wait3A_592, %dma_wait3A_593] : memref<10240x128xf32, #tpu.memory_space<vmem_shared>> -> memref<10240x128xf32, #tpu.memory_space<vmem_shared>>
          tpu.wait_indirect_dma semaphore(%arg20 : memref<!tpu.dma_semaphore, #tpu.memory_space<semaphore_mem>>) src(%arg13 : memref<128x128xf32, #tpu.memory_space<vmem>>) dst(%dma_wait3A_594 : memref<10240x128xf32, #tpu.memory_space<vmem_shared>>)
        } else {
        }
        %get3A_353 = arith.constant 0 : i32
        %get3A_354 = arith.index_cast %get3A_353 : i32 to index
        %get3A_355 = arith.constant 0 : index
        %get3A_356 = tpu.vector_load %arg7[%get3A_354, %get3A_355] {strides = array<i32>} : memref<3x128xi32, #tpu.memory_space<vmem>>, vector<1x16xi32>,
        %get3A_357 = vector.shape_cast %get3A_356 : vector<1x16xi32> to vector<16xi32>
        %get3A_358 = arith.constant 1 : i32
        %get3A_359 = arith.index_cast %get3A_358 : i32 to index
        %get3A_360 = arith.constant 0 : index
        %get3A_361 = tpu.vector_load %arg7[%get3A_359, %get3A_360] {strides = array<i32>} : memref<3x128xi32, #tpu.memory_space<vmem>>, vector<1x16xi32>,
        %get3A_362 = vector.shape_cast %get3A_361 : vector<1x16xi32> to vector<16xi32>
        %mul3A_363 = arith.constant 10240 : i32
        %mul3A_364 = vector.broadcast %mul3A_363 : i32 to vector<16xi32>
        %mul3A_365 = arith.muli %get3A_362, %mul3A_364 : vector<16xi32>
        %add3A_366 = arith.addi %mul3A_365, %get3A_357 : vector<16xi32>
        %swap3A_367 = arith.constant 0 : index
        %swap3A_368 = tpu.vector_load %arg9[%swap3A_367] {strides = array<i32>} : memref<128xi32, #tpu.memory_space<vmem>>, vector<16xi32>,
        %swap3A_369 = vector.shape_cast %swap3A_368 : vector<16xi32> to vector<16xi32>
        %swap3A_370 = vector.shape_cast %add3A_366 : vector<16xi32> to vector<16xi32>
        tpu.vector_store %arg9[%swap3A_367], %swap3A_370 {strides = array<i32>} : memref<128xi32, #tpu.memory_space<vmem>>, vector<16xi32>,
        %get3A_371 = arith.constant 2 : i32
        %get3A_372 = arith.index_cast %get3A_371 : i32 to index
        %get3A_373 = arith.constant 0 : index
        %get3A_374 = tpu.vector_load %arg7[%get3A_372, %get3A_373] {strides = array<i32>} : memref<3x128xi32, #tpu.memory_space<vmem>>, vector<1x16xi32>,
        %get3A_375 = vector.shape_cast %get3A_374 : vector<1x16xi32> to vector<16xi32>
        %swap3A_376 = arith.constant 0 : index
        %swap3A_377 = tpu.vector_load %arg11[%swap3A_376] {strides = array<i32>} : memref<128xi32, #tpu.memory_space<vmem>>, vector<16xi32>,
        %swap3A_378 = vector.shape_cast %swap3A_377 : vector<16xi32> to vector<16xi32>
        %swap3A_379 = vector.shape_cast %get3A_375 : vector<16xi32> to vector<16xi32>
        tpu.vector_store %arg11[%swap3A_376], %swap3A_379 {strides = array<i32>} : memref<128xi32, #tpu.memory_space<vmem>>, vector<16xi32>,
        %get3A_380 = arith.constant 0 : i32
        %get3A_381 = arith.index_cast %get3A_380 : i32 to index
        %get3A_382 = arith.constant 16 : index
        %get3A_383 = tpu.vector_load %arg7[%get3A_381, %get3A_382] {strides = array<i32>} : memref<3x128xi32, #tpu.memory_space<vmem>>, vector<1x16xi32>,
        %get3A_384 = vector.shape_cast %get3A_383 : vector<1x16xi32> to vector<16xi32>
        %get3A_385 = arith.constant 1 : i32
        %get3A_386 = arith.index_cast %get3A_385 : i32 to index
        %get3A_387 = arith.constant 16 : index
        %get3A_388 = tpu.vector_load %arg7[%get3A_386, %get3A_387] {strides = array<i32>} : memref<3x128xi32, #tpu.memory_space<vmem>>, vector<1x16xi32>,
        %get3A_389 = vector.shape_cast %get3A_388 : vector<1x16xi32> to vector<16xi32>
        %mul3A_390 = arith.constant 10240 : i32
        %mul3A_391 = vector.broadcast %mul3A_390 : i32 to vector<16xi32>
        %mul3A_392 = arith.muli %get3A_389, %mul3A_391 : vector<16xi32>
        %add3A_393 = arith.addi %mul3A_392, %get3A_384 : vector<16xi32>
        %swap3A_394 = arith.constant 16 : index
        %swap3A_395 = tpu.vector_load %arg9[%swap3A_394] {strides = array<i32>} : memref<128xi32, #tpu.memory_space<vmem>>, vector<16xi32>,
        %swap3A_396 = vector.shape_cast %swap3A_395 : vector<16xi32> to vector<16xi32>
        %swap3A_397 = vector.shape_cast %add3A_393 : vector<16xi32> to vector<16xi32>
        tpu.vector_store %arg9[%swap3A_394], %swap3A_397 {strides = array<i32>} : memref<128xi32, #tpu.memory_space<vmem>>, vector<16xi32>,
        %get3A_398 = arith.constant 2 : i32
        %get3A_399 = arith.index_cast %get3A_398 : i32 to index
        %get3A_400 = arith.constant 16 : index
        %get3A_401 = tpu.vector_load %arg7[%get3A_399, %get3A_400] {strides = array<i32>} : memref<3x128xi32, #tpu.memory_space<vmem>>, vector<1x16xi32>,
        %get3A_402 = vector.shape_cast %get3A_401 : vector<1x16xi32> to vector<16xi32>
        %swap3A_403 = arith.constant 16 : index
        %swap3A_404 = tpu.vector_load %arg11[%swap3A_403] {strides = array<i32>} : memref<128xi32, #tpu.memory_space<vmem>>, vector<16xi32>,
        %swap3A_405 = vector.shape_cast %swap3A_404 : vector<16xi32> to vector<16xi32>
        %swap3A_406 = vector.shape_cast %get3A_402 : vector<16xi32> to vector<16xi32>
        tpu.vector_store %arg11[%swap3A_403], %swap3A_406 {strides = array<i32>} : memref<128xi32, #tpu.memory_space<vmem>>, vector<16xi32>,
        %get3A_407 = arith.constant 0 : i32
        %get3A_408 = arith.index_cast %get3A_407 : i32 to index
        %get3A_409 = arith.constant 32 : index
        %get3A_410 = tpu.vector_load %arg7[%get3A_408, %get3A_409] {strides = array<i32>} : memref<3x128xi32, #tpu.memory_space<vmem>>, vector<1x16xi32>,
        %get3A_411 = vector.shape_cast %get3A_410 : vector<1x16xi32> to vector<16xi32>
        %get3A_412 = arith.constant 1 : i32
        %get3A_413 = arith.index_cast %get3A_412 : i32 to index
        %get3A_414 = arith.constant 32 : index
        %get3A_415 = tpu.vector_load %arg7[%get3A_413, %get3A_414] {strides = array<i32>} : memref<3x128xi32, #tpu.memory_space<vmem>>, vector<1x16xi32>,
        %get3A_416 = vector.shape_cast %get3A_415 : vector<1x16xi32> to vector<16xi32>
        %mul3A_417 = arith.constant 10240 : i32
        %mul3A_418 = vector.broadcast %mul3A_417 : i32 to vector<16xi32>
        %mul3A_419 = arith.muli %get3A_416, %mul3A_418 : vector<16xi32>
        %add3A_420 = arith.addi %mul3A_419, %get3A_411 : vector<16xi32>
        %swap3A_421 = arith.constant 32 : index
        %swap3A_422 = tpu.vector_load %arg9[%swap3A_421] {strides = array<i32>} : memref<128xi32, #tpu.memory_space<vmem>>, vector<16xi32>,
        %swap3A_423 = vector.shape_cast %swap3A_422 : vector<16xi32> to vector<16xi32>
        %swap3A_424 = vector.shape_cast %add3A_420 : vector<16xi32> to vector<16xi32>
        tpu.vector_store %arg9[%swap3A_421], %swap3A_424 {strides = array<i32>} : memref<128xi32, #tpu.memory_space<vmem>>, vector<16xi32>,
        %get3A_425 = arith.constant 2 : i32
        %get3A_426 = arith.index_cast %get3A_425 : i32 to index
        %get3A_427 = arith.constant 32 : index
        %get3A_428 = tpu.vector_load %arg7[%get3A_426, %get3A_427] {strides = array<i32>} : memref<3x128xi32, #tpu.memory_space<vmem>>, vector<1x16xi32>,
        %get3A_429 = vector.shape_cast %get3A_428 : vector<1x16xi32> to vector<16xi32>
        %swap3A_430 = arith.constant 32 : index
        %swap3A_431 = tpu.vector_load %arg11[%swap3A_430] {strides = array<i32>} : memref<128xi32, #tpu.memory_space<vmem>>, vector<16xi32>,
        %swap3A_432 = vector.shape_cast %swap3A_431 : vector<16xi32> to vector<16xi32>
        %swap3A_433 = vector.shape_cast %get3A_429 : vector<16xi32> to vector<16xi32>
        tpu.vector_store %arg11[%swap3A_430], %swap3A_433 {strides = array<i32>} : memref<128xi32, #tpu.memory_space<vmem>>, vector<16xi32>,
        %get3A_434 = arith.constant 0 : i32
        %get3A_435 = arith.index_cast %get3A_434 : i32 to index
        %get3A_436 = arith.constant 48 : index
        %get3A_437 = tpu.vector_load %arg7[%get3A_435, %get3A_436] {strides = array<i32>} : memref<3x128xi32, #tpu.memory_space<vmem>>, vector<1x16xi32>,
        %get3A_438 = vector.shape_cast %get3A_437 : vector<1x16xi32> to vector<16xi32>
        %get3A_439 = arith.constant 1 : i32
        %get3A_440 = arith.index_cast %get3A_439 : i32 to index
        %get3A_441 = arith.constant 48 : index
        %get3A_442 = tpu.vector_load %arg7[%get3A_440, %get3A_441] {strides = array<i32>} : memref<3x128xi32, #tpu.memory_space<vmem>>, vector<1x16xi32>,
        %get3A_443 = vector.shape_cast %get3A_442 : vector<1x16xi32> to vector<16xi32>
        %mul3A_444 = arith.constant 10240 : i32
        %mul3A_445 = vector.broadcast %mul3A_444 : i32 to vector<16xi32>
        %mul3A_446 = arith.muli %get3A_443, %mul3A_445 : vector<16xi32>
        %add3A_447 = arith.addi %mul3A_446, %get3A_438 : vector<16xi32>
        %swap3A_448 = arith.constant 48 : index
        %swap3A_449 = tpu.vector_load %arg9[%swap3A_448] {strides = array<i32>} : memref<128xi32, #tpu.memory_space<vmem>>, vector<16xi32>,
        %swap3A_450 = vector.shape_cast %swap3A_449 : vector<16xi32> to vector<16xi32>
        %swap3A_451 = vector.shape_cast %add3A_447 : vector<16xi32> to vector<16xi32>
        tpu.vector_store %arg9[%swap3A_448], %swap3A_451 {strides = array<i32>} : memref<128xi32, #tpu.memory_space<vmem>>, vector<16xi32>,
        %get3A_452 = arith.constant 2 : i32
        %get3A_453 = arith.index_cast %get3A_452 : i32 to index
        %get3A_454 = arith.constant 48 : index
        %get3A_455 = tpu.vector_load %arg7[%get3A_453, %get3A_454] {strides = array<i32>} : memref<3x128xi32, #tpu.memory_space<vmem>>, vector<1x16xi32>,
        %get3A_456 = vector.shape_cast %get3A_455 : vector<1x16xi32> to vector<16xi32>
        %swap3A_457 = arith.constant 48 : index
        %swap3A_458 = tpu.vector_load %arg11[%swap3A_457] {strides = array<i32>} : memref<128xi32, #tpu.memory_space<vmem>>, vector<16xi32>,
        %swap3A_459 = vector.shape_cast %swap3A_458 : vector<16xi32> to vector<16xi32>
        %swap3A_460 = vector.shape_cast %get3A_456 : vector<16xi32> to vector<16xi32>
        tpu.vector_store %arg11[%swap3A_457], %swap3A_460 {strides = array<i32>} : memref<128xi32, #tpu.memory_space<vmem>>, vector<16xi32>,
        %get3A_461 = arith.constant 0 : i32
        %get3A_462 = arith.index_cast %get3A_461 : i32 to index
        %get3A_463 = arith.constant 64 : index
        %get3A_464 = tpu.vector_load %arg7[%get3A_462, %get3A_463] {strides = array<i32>} : memref<3x128xi32, #tpu.memory_space<vmem>>, vector<1x16xi32>,
        %get3A_465 = vector.shape_cast %get3A_464 : vector<1x16xi32> to vector<16xi32>
        %get3A_466 = arith.constant 1 : i32
        %get3A_467 = arith.index_cast %get3A_466 : i32 to index
        %get3A_468 = arith.constant 64 : index
        %get3A_469 = tpu.vector_load %arg7[%get3A_467, %get3A_468] {strides = array<i32>} : memref<3x128xi32, #tpu.memory_space<vmem>>, vector<1x16xi32>,
        %get3A_470 = vector.shape_cast %get3A_469 : vector<1x16xi32> to vector<16xi32>
        %mul3A_471 = arith.constant 10240 : i32
        %mul3A_472 = vector.broadcast %mul3A_471 : i32 to vector<16xi32>
        %mul3A_473 = arith.muli %get3A_470, %mul3A_472 : vector<16xi32>
        %add3A_474 = arith.addi %mul3A_473, %get3A_465 : vector<16xi32>
        %swap3A_475 = arith.constant 64 : index
        %swap3A_476 = tpu.vector_load %arg9[%swap3A_475] {strides = array<i32>} : memref<128xi32, #tpu.memory_space<vmem>>, vector<16xi32>,
        %swap3A_477 = vector.shape_cast %swap3A_476 : vector<16xi32> to vector<16xi32>
        %swap3A_478 = vector.shape_cast %add3A_474 : vector<16xi32> to vector<16xi32>
        tpu.vector_store %arg9[%swap3A_475], %swap3A_478 {strides = array<i32>} : memref<128xi32, #tpu.memory_space<vmem>>, vector<16xi32>,
        %get3A_479 = arith.constant 2 : i32
        %get3A_480 = arith.index_cast %get3A_479 : i32 to index
        %get3A_481 = arith.constant 64 : index
        %get3A_482 = tpu.vector_load %arg7[%get3A_480, %get3A_481] {strides = array<i32>} : memref<3x128xi32, #tpu.memory_space<vmem>>, vector<1x16xi32>,
        %get3A_483 = vector.shape_cast %get3A_482 : vector<1x16xi32> to vector<16xi32>
        %swap3A_484 = arith.constant 64 : index
        %swap3A_485 = tpu.vector_load %arg11[%swap3A_484] {strides = array<i32>} : memref<128xi32, #tpu.memory_space<vmem>>, vector<16xi32>,
        %swap3A_486 = vector.shape_cast %swap3A_485 : vector<16xi32> to vector<16xi32>
        %swap3A_487 = vector.shape_cast %get3A_483 : vector<16xi32> to vector<16xi32>
        tpu.vector_store %arg11[%swap3A_484], %swap3A_487 {strides = array<i32>} : memref<128xi32, #tpu.memory_space<vmem>>, vector<16xi32>,
        %get3A_488 = arith.constant 0 : i32
        %get3A_489 = arith.index_cast %get3A_488 : i32 to index
        %get3A_490 = arith.constant 80 : index
        %get3A_491 = tpu.vector_load %arg7[%get3A_489, %get3A_490] {strides = array<i32>} : memref<3x128xi32, #tpu.memory_space<vmem>>, vector<1x16xi32>,
        %get3A_492 = vector.shape_cast %get3A_491 : vector<1x16xi32> to vector<16xi32>
        %get3A_493 = arith.constant 1 : i32
        %get3A_494 = arith.index_cast %get3A_493 : i32 to index
        %get3A_495 = arith.constant 80 : index
        %get3A_496 = tpu.vector_load %arg7[%get3A_494, %get3A_495] {strides = array<i32>} : memref<3x128xi32, #tpu.memory_space<vmem>>, vector<1x16xi32>,
        %get3A_497 = vector.shape_cast %get3A_496 : vector<1x16xi32> to vector<16xi32>
        %mul3A_498 = arith.constant 10240 : i32
        %mul3A_499 = vector.broadcast %mul3A_498 : i32 to vector<16xi32>
        %mul3A_500 = arith.muli %get3A_497, %mul3A_499 : vector<16xi32>
        %add3A_501 = arith.addi %mul3A_500, %get3A_492 : vector<16xi32>
        %swap3A_502 = arith.constant 80 : index
        %swap3A_503 = tpu.vector_load %arg9[%swap3A_502] {strides = array<i32>} : memref<128xi32, #tpu.memory_space<vmem>>, vector<16xi32>,
        %swap3A_504 = vector.shape_cast %swap3A_503 : vector<16xi32> to vector<16xi32>
        %swap3A_505 = vector.shape_cast %add3A_501 : vector<16xi32> to vector<16xi32>
        tpu.vector_store %arg9[%swap3A_502], %swap3A_505 {strides = array<i32>} : memref<128xi32, #tpu.memory_space<vmem>>, vector<16xi32>,
        %get3A_506 = arith.constant 2 : i32
        %get3A_507 = arith.index_cast %get3A_506 : i32 to index
        %get3A_508 = arith.constant 80 : index
        %get3A_509 = tpu.vector_load %arg7[%get3A_507, %get3A_508] {strides = array<i32>} : memref<3x128xi32, #tpu.memory_space<vmem>>, vector<1x16xi32>,
        %get3A_510 = vector.shape_cast %get3A_509 : vector<1x16xi32> to vector<16xi32>
        %swap3A_511 = arith.constant 80 : index
        %swap3A_512 = tpu.vector_load %arg11[%swap3A_511] {strides = array<i32>} : memref<128xi32, #tpu.memory_space<vmem>>, vector<16xi32>,
        %swap3A_513 = vector.shape_cast %swap3A_512 : vector<16xi32> to vector<16xi32>
        %swap3A_514 = vector.shape_cast %get3A_510 : vector<16xi32> to vector<16xi32>
        tpu.vector_store %arg11[%swap3A_511], %swap3A_514 {strides = array<i32>} : memref<128xi32, #tpu.memory_space<vmem>>, vector<16xi32>,
        %get3A_515 = arith.constant 0 : i32
        %get3A_516 = arith.index_cast %get3A_515 : i32 to index
        %get3A_517 = arith.constant 96 : index
        %get3A_518 = tpu.vector_load %arg7[%get3A_516, %get3A_517] {strides = array<i32>} : memref<3x128xi32, #tpu.memory_space<vmem>>, vector<1x16xi32>,
        %get3A_519 = vector.shape_cast %get3A_518 : vector<1x16xi32> to vector<16xi32>
        %get3A_520 = arith.constant 1 : i32
        %get3A_521 = arith.index_cast %get3A_520 : i32 to index
        %get3A_522 = arith.constant 96 : index
        %get3A_523 = tpu.vector_load %arg7[%get3A_521, %get3A_522] {strides = array<i32>} : memref<3x128xi32, #tpu.memory_space<vmem>>, vector<1x16xi32>,
        %get3A_524 = vector.shape_cast %get3A_523 : vector<1x16xi32> to vector<16xi32>
        %mul3A_525 = arith.constant 10240 : i32
        %mul3A_526 = vector.broadcast %mul3A_525 : i32 to vector<16xi32>
        %mul3A_527 = arith.muli %get3A_524, %mul3A_526 : vector<16xi32>
        %add3A_528 = arith.addi %mul3A_527, %get3A_519 : vector<16xi32>
        %swap3A_529 = arith.constant 96 : index
        %swap3A_530 = tpu.vector_load %arg9[%swap3A_529] {strides = array<i32>} : memref<128xi32, #tpu.memory_space<vmem>>, vector<16xi32>,
        %swap3A_531 = vector.shape_cast %swap3A_530 : vector<16xi32> to vector<16xi32>
        %swap3A_532 = vector.shape_cast %add3A_528 : vector<16xi32> to vector<16xi32>
        tpu.vector_store %arg9[%swap3A_529], %swap3A_532 {strides = array<i32>} : memref<128xi32, #tpu.memory_space<vmem>>, vector<16xi32>,
        %get3A_533 = arith.constant 2 : i32
        %get3A_534 = arith.index_cast %get3A_533 : i32 to index
        %get3A_535 = arith.constant 96 : index
        %get3A_536 = tpu.vector_load %arg7[%get3A_534, %get3A_535] {strides = array<i32>} : memref<3x128xi32, #tpu.memory_space<vmem>>, vector<1x16xi32>,
        %get3A_537 = vector.shape_cast %get3A_536 : vector<1x16xi32> to vector<16xi32>
        %swap3A_538 = arith.constant 96 : index
        %swap3A_539 = tpu.vector_load %arg11[%swap3A_538] {strides = array<i32>} : memref<128xi32, #tpu.memory_space<vmem>>, vector<16xi32>,
        %swap3A_540 = vector.shape_cast %swap3A_539 : vector<16xi32> to vector<16xi32>
        %swap3A_541 = vector.shape_cast %get3A_537 : vector<16xi32> to vector<16xi32>
        tpu.vector_store %arg11[%swap3A_538], %swap3A_541 {strides = array<i32>} : memref<128xi32, #tpu.memory_space<vmem>>, vector<16xi32>,
        %get3A_542 = arith.constant 0 : i32
        %get3A_543 = arith.index_cast %get3A_542 : i32 to index
        %get3A_544 = arith.constant 112 : index
        %get3A_545 = tpu.vector_load %arg7[%get3A_543, %get3A_544] {strides = array<i32>} : memref<3x128xi32, #tpu.memory_space<vmem>>, vector<1x16xi32>,
        %get3A_546 = vector.shape_cast %get3A_545 : vector<1x16xi32> to vector<16xi32>
        %get3A_547 = arith.constant 1 : i32
        %get3A_548 = arith.index_cast %get3A_547 : i32 to index
        %get3A_549 = arith.constant 112 : index
        %get3A_550 = tpu.vector_load %arg7[%get3A_548, %get3A_549] {strides = array<i32>} : memref<3x128xi32, #tpu.memory_space<vmem>>, vector<1x16xi32>,
        %get3A_551 = vector.shape_cast %get3A_550 : vector<1x16xi32> to vector<16xi32>
        %mul3A_552 = arith.constant 10240 : i32
        %mul3A_553 = vector.broadcast %mul3A_552 : i32 to vector<16xi32>
        %mul3A_554 = arith.muli %get3A_551, %mul3A_553 : vector<16xi32>
        %add3A_555 = arith.addi %mul3A_554, %get3A_546 : vector<16xi32>
        %swap3A_556 = arith.constant 112 : index
        %swap3A_557 = tpu.vector_load %arg9[%swap3A_556] {strides = array<i32>} : memref<128xi32, #tpu.memory_space<vmem>>, vector<16xi32>,
        %swap3A_558 = vector.shape_cast %swap3A_557 : vector<16xi32> to vector<16xi32>
        %swap3A_559 = vector.shape_cast %add3A_555 : vector<16xi32> to vector<16xi32>
        tpu.vector_store %arg9[%swap3A_556], %swap3A_559 {strides = array<i32>} : memref<128xi32, #tpu.memory_space<vmem>>, vector<16xi32>,
        %get3A_560 = arith.constant 2 : i32
        %get3A_561 = arith.index_cast %get3A_560 : i32 to index
        %get3A_562 = arith.constant 112 : index
        %get3A_563 = tpu.vector_load %arg7[%get3A_561, %get3A_562] {strides = array<i32>} : memref<3x128xi32, #tpu.memory_space<vmem>>, vector<1x16xi32>,
        %get3A_564 = vector.shape_cast %get3A_563 : vector<1x16xi32> to vector<16xi32>
        %swap3A_565 = arith.constant 112 : index
        %swap3A_566 = tpu.vector_load %arg11[%swap3A_565] {strides = array<i32>} : memref<128xi32, #tpu.memory_space<vmem>>, vector<16xi32>,
        %swap3A_567 = vector.shape_cast %swap3A_566 : vector<16xi32> to vector<16xi32>
        %swap3A_568 = vector.shape_cast %get3A_564 : vector<16xi32> to vector<16xi32>
        tpu.vector_store %arg11[%swap3A_565], %swap3A_568 {strides = array<i32>} : memref<128xi32, #tpu.memory_space<vmem>>, vector<16xi32>,
        %add3A_569 = arith.constant 2 : i32
        %add3A_570 = arith.addi %add3A_289, %add3A_569 : i32
        %lt3A_571 = arith.constant 80 : i32
        %lt3A_572 = arith.cmpi slt, %add3A_570, %lt3A_571 : i32
        %convert_element_type3A_573 = arith.extui %lt3A_572 : i1 to i32
        %cond3A_574 = arith.constant 0 : i32
        %cond3A_575 = arith.cmpi ne, %convert_element_type3A_573, %cond3A_574 : i32
        scf.if %cond3A_575 {
          %add3A_592 = arith.constant 2 : i32
          %add3A_593 = arith.addi %add3A_289, %add3A_592 : i32
          %add3A_594 = arith.addi %mul3A_2, %add3A_593 : i32
          %dma_start3A_595 = arith.constant 0 : i32
          %dma_start3A_596 = arith.constant 0 : i32
          %dma_start3A_597 = tpu.memref_slice %arg3[%add3A_594, %dma_start3A_595, %dma_start3A_596] : memref<2560x3x128xi32, #tpu.memory_space<hbm>> -> memref<1x3x128xi32, #tpu.memory_space<hbm>>
          %dma_start3A_598 = tpu.memref_squeeze %dma_start3A_597 : memref<1x3x128xi32, #tpu.memory_space<hbm>> -> memref<3x128xi32, #tpu.memory_space<hbm>>
          %dma_start3A_599 = arith.constant 0 : i32
          %dma_start3A_600 = arith.constant 0 : i32
          %dma_start3A_601 = tpu.memref_slice %arg3[%add3A_594, %dma_start3A_599, %dma_start3A_600] : memref<2560x3x128xi32, #tpu.memory_space<hbm>> -> memref<1x3x128xi32, #tpu.memory_space<hbm>>
          %dma_start3A_602 = tpu.memref_squeeze %dma_start3A_601 : memref<1x3x128xi32, #tpu.memory_space<hbm>> -> memref<3x128xi32, #tpu.memory_space<hbm>>
          tpu.enqueue_dma source(%dma_start3A_602 : memref<3x128xi32, #tpu.memory_space<hbm>>) target(%arg7 : memref<3x128xi32, #tpu.memory_space<vmem>>) target_semaphore(%arg16 : memref<!tpu.dma_semaphore, #tpu.memory_space<semaphore_mem>>)
        } else {
        }
        %dma_start3A_576 = arith.constant 0 : i32
        %dma_start3A_577 = arith.constant 0 : i32
        %dma_start3A_578 = tpu.memref_slice %arg13[%dma_start3A_576, %dma_start3A_577] : memref<128x128xf32, #tpu.memory_space<vmem>> -> memref<64x128xf32, #tpu.memory_space<vmem>>
        %dma_start3A_579 = arith.constant 0 : i32
        %dma_start3A_580 = tpu.memref_slice %arg9[%dma_start3A_579] : memref<128xi32, #tpu.memory_space<vmem>> -> memref<64xi32, #tpu.memory_space<vmem>>
        %dma_start3A_581 = arith.constant 0 : i32
        %dma_start3A_582 = arith.constant 0 : i32
        %dma_start3A_583 = tpu.memref_slice %arg2[%dma_start3A_581, %dma_start3A_582] : memref<40960x128xf32, #tpu.memory_space<hbm>> -> memref<40960x128xf32, #tpu.memory_space<hbm>>
        tpu.enqueue_indirect_dma source(%dma_start3A_583 : memref<40960x128xf32, #tpu.memory_space<hbm>>) target(%dma_start3A_578 : memref<64x128xf32, #tpu.memory_space<vmem>>) offsets(%dma_start3A_580 : memref<64xi32, #tpu.memory_space<vmem>>) semaphore(%arg18 : memref<!tpu.dma_semaphore, #tpu.memory_space<semaphore_mem>>)
        %dma_start3A_584 = arith.constant 64 : i32
        %dma_start3A_585 = arith.constant 0 : i32
        %dma_start3A_586 = tpu.memref_slice %arg13[%dma_start3A_584, %dma_start3A_585] : memref<128x128xf32, #tpu.memory_space<vmem>> -> memref<64x128xf32, #tpu.memory_space<vmem>>
        %dma_start3A_587 = arith.constant 64 : i32
        %dma_start3A_588 = tpu.memref_slice %arg9[%dma_start3A_587] : memref<128xi32, #tpu.memory_space<vmem>> -> memref<64xi32, #tpu.memory_space<vmem>>
        %dma_start3A_589 = arith.constant 0 : i32
        %dma_start3A_590 = arith.constant 0 : i32
        %dma_start3A_591 = tpu.memref_slice %arg2[%dma_start3A_589, %dma_start3A_590] : memref<40960x128xf32, #tpu.memory_space<hbm>> -> memref<40960x128xf32, #tpu.memory_space<hbm>>
        tpu.enqueue_indirect_dma source(%dma_start3A_591 : memref<40960x128xf32, #tpu.memory_space<hbm>>) target(%dma_start3A_586 : memref<64x128xf32, #tpu.memory_space<vmem>>) offsets(%dma_start3A_588 : memref<64xi32, #tpu.memory_space<vmem>>) semaphore(%arg18 : memref<!tpu.dma_semaphore, #tpu.memory_space<semaphore_mem>>)
      } else {
      }
      %dma_wait3A_292 = arith.constant 0 : i32
      %dma_wait3A_293 = arith.constant 0 : i32
      %dma_wait3A_294 = tpu.memref_slice %arg12[%dma_wait3A_292, %dma_wait3A_293] : memref<128x128xf32, #tpu.memory_space<vmem>> -> memref<64x128xf32, #tpu.memory_space<vmem>>
      %dma_wait3A_295 = arith.constant 0 : i32
      %dma_wait3A_296 = tpu.memref_slice %arg8[%dma_wait3A_295] : memref<128xi32, #tpu.memory_space<vmem>> -> memref<64xi32, #tpu.memory_space<vmem>>
      %dma_wait3A_297 = arith.constant 0 : i32
      %dma_wait3A_298 = arith.constant 0 : i32
      %dma_wait3A_299 = tpu.memref_slice %arg2[%dma_wait3A_297, %dma_wait3A_298] : memref<40960x128xf32, #tpu.memory_space<hbm>> -> memref<40960x128xf32, #tpu.memory_space<hbm>>
      tpu.wait_indirect_dma semaphore(%arg17 : memref<!tpu.dma_semaphore, #tpu.memory_space<semaphore_mem>>) src(%dma_wait3A_299 : memref<40960x128xf32, #tpu.memory_space<hbm>>) dst(%dma_wait3A_294 : memref<64x128xf32, #tpu.memory_space<vmem>>)
      %dma_wait3A_300 = arith.constant 64 : i32
      %dma_wait3A_301 = arith.constant 0 : i32
      %dma_wait3A_302 = tpu.memref_slice %arg12[%dma_wait3A_300, %dma_wait3A_301] : memref<128x128xf32, #tpu.memory_space<vmem>> -> memref<64x128xf32, #tpu.memory_space<vmem>>
      %dma_wait3A_303 = arith.constant 64 : i32
      %dma_wait3A_304 = tpu.memref_slice %arg8[%dma_wait3A_303] : memref<128xi32, #tpu.memory_space<vmem>> -> memref<64xi32, #tpu.memory_space<vmem>>
      %dma_wait3A_305 = arith.constant 0 : i32
      %dma_wait3A_306 = arith.constant 0 : i32
      %dma_wait3A_307 = tpu.memref_slice %arg2[%dma_wait3A_305, %dma_wait3A_306] : memref<40960x128xf32, #tpu.memory_space<hbm>> -> memref<40960x128xf32, #tpu.memory_space<hbm>>
      tpu.wait_indirect_dma semaphore(%arg17 : memref<!tpu.dma_semaphore, #tpu.memory_space<semaphore_mem>>) src(%dma_wait3A_307 : memref<40960x128xf32, #tpu.memory_space<hbm>>) dst(%dma_wait3A_302 : memref<64x128xf32, #tpu.memory_space<vmem>>)
      %dma_start3A_308 = arith.constant 0 : i32
      %dma_start3A_309 = arith.constant 0 : i32
      %dma_start3A_310 = tpu.memref_slice %arg14[%dma_start3A_308, %dma_start3A_309] : memref<10240x128xf32, #tpu.memory_space<vmem_shared>> -> memref<10240x128xf32, #tpu.memory_space<vmem_shared>>
      tpu.enqueue_indirect_dma source(%arg12 : memref<128x128xf32, #tpu.memory_space<vmem>>) target(%dma_start3A_310 : memref<10240x128xf32, #tpu.memory_space<vmem_shared>>) offsets(%arg10 : memref<128xi32, #tpu.memory_space<vmem>>) semaphore(%arg19 : memref<!tpu.dma_semaphore, #tpu.memory_space<semaphore_mem>>) {add = true}
      %mul3A_311 = arith.constant 2 : i32
      %mul3A_312 = arith.muli %scan3A_283, %mul3A_311 : i32
      %add3A_313 = arith.constant 1 : i32
      %add3A_314 = arith.addi %mul3A_312, %add3A_313 : i32
      %add3A_315 = arith.constant 1 : i32
      %add3A_316 = arith.addi %add3A_314, %add3A_315 : i32
      %lt3A_317 = arith.constant 80 : i32
      %lt3A_318 = arith.cmpi slt, %add3A_316, %lt3A_317 : i32
      %convert_element_type3A_319 = arith.extui %lt3A_318 : i1 to i32
      %cond3A_320 = arith.constant 0 : i32
      %cond3A_321 = arith.cmpi ne, %convert_element_type3A_319, %cond3A_320 : i32
      scf.if %cond3A_321 {
        %dma_wait3A_341 = arith.constant 0 : i32
        %dma_wait3A_342 = arith.constant 0 : i32
        %dma_wait3A_343 = tpu.memref_slice %arg3[%mul3A_2, %dma_wait3A_341, %dma_wait3A_342] : memref<2560x3x128xi32, #tpu.memory_space<hbm>> -> memref<1x3x128xi32, #tpu.memory_space<hbm>>
        %dma_wait3A_344 = tpu.memref_squeeze %dma_wait3A_343 : memref<1x3x128xi32, #tpu.memory_space<hbm>> -> memref<3x128xi32, #tpu.memory_space<hbm>>
        %dma_wait3A_345 = arith.constant 0 : i32
        %dma_wait3A_346 = arith.constant 0 : i32
        %dma_wait3A_347 = tpu.memref_slice %arg3[%mul3A_2, %dma_wait3A_345, %dma_wait3A_346] : memref<2560x3x128xi32, #tpu.memory_space<hbm>> -> memref<1x3x128xi32, #tpu.memory_space<hbm>>
        %dma_wait3A_348 = tpu.memref_squeeze %dma_wait3A_347 : memref<1x3x128xi32, #tpu.memory_space<hbm>> -> memref<3x128xi32, #tpu.memory_space<hbm>>
        tpu.wait_dma2 semaphore(%arg15 : memref<!tpu.dma_semaphore, #tpu.memory_space<semaphore_mem>>) src(%dma_wait3A_348 : memref<3x128xi32, #tpu.memory_space<hbm>>) dst(%arg6 : memref<3x128xi32, #tpu.memory_space<vmem>>)
        %dma_wait3A_349 = arith.constant 0 : i32
        %dma_wait3A_350 = arith.constant 0 : i32
        %dma_wait3A_351 = tpu.memref_slice %arg14[%dma_wait3A_349, %dma_wait3A_350] : memref<10240x128xf32, #tpu.memory_space<vmem_shared>> -> memref<10240x128xf32, #tpu.memory_space<vmem_shared>>
        tpu.wait_indirect_dma semaphore(%arg19 : memref<!tpu.dma_semaphore, #tpu.memory_space<semaphore_mem>>) src(%arg12 : memref<128x128xf32, #tpu.memory_space<vmem>>) dst(%dma_wait3A_351 : memref<10240x128xf32, #tpu.memory_space<vmem_shared>>)
        %get3A_352 = arith.constant 0 : i32
        %get3A_353 = arith.index_cast %get3A_352 : i32 to index
        %get3A_354 = arith.constant 0 : index
        %get3A_355 = tpu.vector_load %arg6[%get3A_353, %get3A_354] {strides = array<i32>} : memref<3x128xi32, #tpu.memory_space<vmem>>, vector<1x16xi32>,
        %get3A_356 = vector.shape_cast %get3A_355 : vector<1x16xi32> to vector<16xi32>
        %get3A_357 = arith.constant 1 : i32
        %get3A_358 = arith.index_cast %get3A_357 : i32 to index
        %get3A_359 = arith.constant 0 : index
        %get3A_360 = tpu.vector_load %arg6[%get3A_358, %get3A_359] {strides = array<i32>} : memref<3x128xi32, #tpu.memory_space<vmem>>, vector<1x16xi32>,
        %get3A_361 = vector.shape_cast %get3A_360 : vector<1x16xi32> to vector<16xi32>
        %mul3A_362 = arith.constant 10240 : i32
        %mul3A_363 = vector.broadcast %mul3A_362 : i32 to vector<16xi32>
        %mul3A_364 = arith.muli %get3A_361, %mul3A_363 : vector<16xi32>
        %add3A_365 = arith.addi %mul3A_364, %get3A_356 : vector<16xi32>
        %swap3A_366 = arith.constant 0 : index
        %swap3A_367 = tpu.vector_load %arg8[%swap3A_366] {strides = array<i32>} : memref<128xi32, #tpu.memory_space<vmem>>, vector<16xi32>,
        %swap3A_368 = vector.shape_cast %swap3A_367 : vector<16xi32> to vector<16xi32>
        %swap3A_369 = vector.shape_cast %add3A_365 : vector<16xi32> to vector<16xi32>
        tpu.vector_store %arg8[%swap3A_366], %swap3A_369 {strides = array<i32>} : memref<128xi32, #tpu.memory_space<vmem>>, vector<16xi32>,
        %get3A_370 = arith.constant 2 : i32
        %get3A_371 = arith.index_cast %get3A_370 : i32 to index
        %get3A_372 = arith.constant 0 : index
        %get3A_373 = tpu.vector_load %arg6[%get3A_371, %get3A_372] {strides = array<i32>} : memref<3x128xi32, #tpu.memory_space<vmem>>, vector<1x16xi32>,
        %get3A_374 = vector.shape_cast %get3A_373 : vector<1x16xi32> to vector<16xi32>
        %swap3A_375 = arith.constant 0 : index
        %swap3A_376 = tpu.vector_load %arg10[%swap3A_375] {strides = array<i32>} : memref<128xi32, #tpu.memory_space<vmem>>, vector<16xi32>,
        %swap3A_377 = vector.shape_cast %swap3A_376 : vector<16xi32> to vector<16xi32>
        %swap3A_378 = vector.shape_cast %get3A_374 : vector<16xi32> to vector<16xi32>
        tpu.vector_store %arg10[%swap3A_375], %swap3A_378 {strides = array<i32>} : memref<128xi32, #tpu.memory_space<vmem>>, vector<16xi32>,
        %get3A_379 = arith.constant 0 : i32
        %get3A_380 = arith.index_cast %get3A_379 : i32 to index
        %get3A_381 = arith.constant 16 : index
        %get3A_382 = tpu.vector_load %arg6[%get3A_380, %get3A_381] {strides = array<i32>} : memref<3x128xi32, #tpu.memory_space<vmem>>, vector<1x16xi32>,
        %get3A_383 = vector.shape_cast %get3A_382 : vector<1x16xi32> to vector<16xi32>
        %get3A_384 = arith.constant 1 : i32
        %get3A_385 = arith.index_cast %get3A_384 : i32 to index
        %get3A_386 = arith.constant 16 : index
        %get3A_387 = tpu.vector_load %arg6[%get3A_385, %get3A_386] {strides = array<i32>} : memref<3x128xi32, #tpu.memory_space<vmem>>, vector<1x16xi32>,
        %get3A_388 = vector.shape_cast %get3A_387 : vector<1x16xi32> to vector<16xi32>
        %mul3A_389 = arith.constant 10240 : i32
        %mul3A_390 = vector.broadcast %mul3A_389 : i32 to vector<16xi32>
        %mul3A_391 = arith.muli %get3A_388, %mul3A_390 : vector<16xi32>
        %add3A_392 = arith.addi %mul3A_391, %get3A_383 : vector<16xi32>
        %swap3A_393 = arith.constant 16 : index
        %swap3A_394 = tpu.vector_load %arg8[%swap3A_393] {strides = array<i32>} : memref<128xi32, #tpu.memory_space<vmem>>, vector<16xi32>,
        %swap3A_395 = vector.shape_cast %swap3A_394 : vector<16xi32> to vector<16xi32>
        %swap3A_396 = vector.shape_cast %add3A_392 : vector<16xi32> to vector<16xi32>
        tpu.vector_store %arg8[%swap3A_393], %swap3A_396 {strides = array<i32>} : memref<128xi32, #tpu.memory_space<vmem>>, vector<16xi32>,
        %get3A_397 = arith.constant 2 : i32
        %get3A_398 = arith.index_cast %get3A_397 : i32 to index
        %get3A_399 = arith.constant 16 : index
        %get3A_400 = tpu.vector_load %arg6[%get3A_398, %get3A_399] {strides = array<i32>} : memref<3x128xi32, #tpu.memory_space<vmem>>, vector<1x16xi32>,
        %get3A_401 = vector.shape_cast %get3A_400 : vector<1x16xi32> to vector<16xi32>
        %swap3A_402 = arith.constant 16 : index
        %swap3A_403 = tpu.vector_load %arg10[%swap3A_402] {strides = array<i32>} : memref<128xi32, #tpu.memory_space<vmem>>, vector<16xi32>,
        %swap3A_404 = vector.shape_cast %swap3A_403 : vector<16xi32> to vector<16xi32>
        %swap3A_405 = vector.shape_cast %get3A_401 : vector<16xi32> to vector<16xi32>
        tpu.vector_store %arg10[%swap3A_402], %swap3A_405 {strides = array<i32>} : memref<128xi32, #tpu.memory_space<vmem>>, vector<16xi32>,
        %get3A_406 = arith.constant 0 : i32
        %get3A_407 = arith.index_cast %get3A_406 : i32 to index
        %get3A_408 = arith.constant 32 : index
        %get3A_409 = tpu.vector_load %arg6[%get3A_407, %get3A_408] {strides = array<i32>} : memref<3x128xi32, #tpu.memory_space<vmem>>, vector<1x16xi32>,
        %get3A_410 = vector.shape_cast %get3A_409 : vector<1x16xi32> to vector<16xi32>
        %get3A_411 = arith.constant 1 : i32
        %get3A_412 = arith.index_cast %get3A_411 : i32 to index
        %get3A_413 = arith.constant 32 : index
        %get3A_414 = tpu.vector_load %arg6[%get3A_412, %get3A_413] {strides = array<i32>} : memref<3x128xi32, #tpu.memory_space<vmem>>, vector<1x16xi32>,
        %get3A_415 = vector.shape_cast %get3A_414 : vector<1x16xi32> to vector<16xi32>
        %mul3A_416 = arith.constant 10240 : i32
        %mul3A_417 = vector.broadcast %mul3A_416 : i32 to vector<16xi32>
        %mul3A_418 = arith.muli %get3A_415, %mul3A_417 : vector<16xi32>
        %add3A_419 = arith.addi %mul3A_418, %get3A_410 : vector<16xi32>
        %swap3A_420 = arith.constant 32 : index
        %swap3A_421 = tpu.vector_load %arg8[%swap3A_420] {strides = array<i32>} : memref<128xi32, #tpu.memory_space<vmem>>, vector<16xi32>,
        %swap3A_422 = vector.shape_cast %swap3A_421 : vector<16xi32> to vector<16xi32>
        %swap3A_423 = vector.shape_cast %add3A_419 : vector<16xi32> to vector<16xi32>
        tpu.vector_store %arg8[%swap3A_420], %swap3A_423 {strides = array<i32>} : memref<128xi32, #tpu.memory_space<vmem>>, vector<16xi32>,
        %get3A_424 = arith.constant 2 : i32
        %get3A_425 = arith.index_cast %get3A_424 : i32 to index
        %get3A_426 = arith.constant 32 : index
        %get3A_427 = tpu.vector_load %arg6[%get3A_425, %get3A_426] {strides = array<i32>} : memref<3x128xi32, #tpu.memory_space<vmem>>, vector<1x16xi32>,
        %get3A_428 = vector.shape_cast %get3A_427 : vector<1x16xi32> to vector<16xi32>
        %swap3A_429 = arith.constant 32 : index
        %swap3A_430 = tpu.vector_load %arg10[%swap3A_429] {strides = array<i32>} : memref<128xi32, #tpu.memory_space<vmem>>, vector<16xi32>,
        %swap3A_431 = vector.shape_cast %swap3A_430 : vector<16xi32> to vector<16xi32>
        %swap3A_432 = vector.shape_cast %get3A_428 : vector<16xi32> to vector<16xi32>
        tpu.vector_store %arg10[%swap3A_429], %swap3A_432 {strides = array<i32>} : memref<128xi32, #tpu.memory_space<vmem>>, vector<16xi32>,
        %get3A_433 = arith.constant 0 : i32
        %get3A_434 = arith.index_cast %get3A_433 : i32 to index
        %get3A_435 = arith.constant 48 : index
        %get3A_436 = tpu.vector_load %arg6[%get3A_434, %get3A_435] {strides = array<i32>} : memref<3x128xi32, #tpu.memory_space<vmem>>, vector<1x16xi32>,
        %get3A_437 = vector.shape_cast %get3A_436 : vector<1x16xi32> to vector<16xi32>
        %get3A_438 = arith.constant 1 : i32
        %get3A_439 = arith.index_cast %get3A_438 : i32 to index
        %get3A_440 = arith.constant 48 : index
        %get3A_441 = tpu.vector_load %arg6[%get3A_439, %get3A_440] {strides = array<i32>} : memref<3x128xi32, #tpu.memory_space<vmem>>, vector<1x16xi32>,
        %get3A_442 = vector.shape_cast %get3A_441 : vector<1x16xi32> to vector<16xi32>
        %mul3A_443 = arith.constant 10240 : i32
        %mul3A_444 = vector.broadcast %mul3A_443 : i32 to vector<16xi32>
        %mul3A_445 = arith.muli %get3A_442, %mul3A_444 : vector<16xi32>
        %add3A_446 = arith.addi %mul3A_445, %get3A_437 : vector<16xi32>
        %swap3A_447 = arith.constant 48 : index
        %swap3A_448 = tpu.vector_load %arg8[%swap3A_447] {strides = array<i32>} : memref<128xi32, #tpu.memory_space<vmem>>, vector<16xi32>,
        %swap3A_449 = vector.shape_cast %swap3A_448 : vector<16xi32> to vector<16xi32>
        %swap3A_450 = vector.shape_cast %add3A_446 : vector<16xi32> to vector<16xi32>
        tpu.vector_store %arg8[%swap3A_447], %swap3A_450 {strides = array<i32>} : memref<128xi32, #tpu.memory_space<vmem>>, vector<16xi32>,
        %get3A_451 = arith.constant 2 : i32
        %get3A_452 = arith.index_cast %get3A_451 : i32 to index
        %get3A_453 = arith.constant 48 : index
        %get3A_454 = tpu.vector_load %arg6[%get3A_452, %get3A_453] {strides = array<i32>} : memref<3x128xi32, #tpu.memory_space<vmem>>, vector<1x16xi32>,
        %get3A_455 = vector.shape_cast %get3A_454 : vector<1x16xi32> to vector<16xi32>
        %swap3A_456 = arith.constant 48 : index
        %swap3A_457 = tpu.vector_load %arg10[%swap3A_456] {strides = array<i32>} : memref<128xi32, #tpu.memory_space<vmem>>, vector<16xi32>,
        %swap3A_458 = vector.shape_cast %swap3A_457 : vector<16xi32> to vector<16xi32>
        %swap3A_459 = vector.shape_cast %get3A_455 : vector<16xi32> to vector<16xi32>
        tpu.vector_store %arg10[%swap3A_456], %swap3A_459 {strides = array<i32>} : memref<128xi32, #tpu.memory_space<vmem>>, vector<16xi32>,
        %get3A_460 = arith.constant 0 : i32
        %get3A_461 = arith.index_cast %get3A_460 : i32 to index
        %get3A_462 = arith.constant 64 : index
        %get3A_463 = tpu.vector_load %arg6[%get3A_461, %get3A_462] {strides = array<i32>} : memref<3x128xi32, #tpu.memory_space<vmem>>, vector<1x16xi32>,
        %get3A_464 = vector.shape_cast %get3A_463 : vector<1x16xi32> to vector<16xi32>
        %get3A_465 = arith.constant 1 : i32
        %get3A_466 = arith.index_cast %get3A_465 : i32 to index
        %get3A_467 = arith.constant 64 : index
        %get3A_468 = tpu.vector_load %arg6[%get3A_466, %get3A_467] {strides = array<i32>} : memref<3x128xi32, #tpu.memory_space<vmem>>, vector<1x16xi32>,
        %get3A_469 = vector.shape_cast %get3A_468 : vector<1x16xi32> to vector<16xi32>
        %mul3A_470 = arith.constant 10240 : i32
        %mul3A_471 = vector.broadcast %mul3A_470 : i32 to vector<16xi32>
        %mul3A_472 = arith.muli %get3A_469, %mul3A_471 : vector<16xi32>
        %add3A_473 = arith.addi %mul3A_472, %get3A_464 : vector<16xi32>
        %swap3A_474 = arith.constant 64 : index
        %swap3A_475 = tpu.vector_load %arg8[%swap3A_474] {strides = array<i32>} : memref<128xi32, #tpu.memory_space<vmem>>, vector<16xi32>,
        %swap3A_476 = vector.shape_cast %swap3A_475 : vector<16xi32> to vector<16xi32>
        %swap3A_477 = vector.shape_cast %add3A_473 : vector<16xi32> to vector<16xi32>
        tpu.vector_store %arg8[%swap3A_474], %swap3A_477 {strides = array<i32>} : memref<128xi32, #tpu.memory_space<vmem>>, vector<16xi32>,
        %get3A_478 = arith.constant 2 : i32
        %get3A_479 = arith.index_cast %get3A_478 : i32 to index
        %get3A_480 = arith.constant 64 : index
        %get3A_481 = tpu.vector_load %arg6[%get3A_479, %get3A_480] {strides = array<i32>} : memref<3x128xi32, #tpu.memory_space<vmem>>, vector<1x16xi32>,
        %get3A_482 = vector.shape_cast %get3A_481 : vector<1x16xi32> to vector<16xi32>
        %swap3A_483 = arith.constant 64 : index
        %swap3A_484 = tpu.vector_load %arg10[%swap3A_483] {strides = array<i32>} : memref<128xi32, #tpu.memory_space<vmem>>, vector<16xi32>,
        %swap3A_485 = vector.shape_cast %swap3A_484 : vector<16xi32> to vector<16xi32>
        %swap3A_486 = vector.shape_cast %get3A_482 : vector<16xi32> to vector<16xi32>
        tpu.vector_store %arg10[%swap3A_483], %swap3A_486 {strides = array<i32>} : memref<128xi32, #tpu.memory_space<vmem>>, vector<16xi32>,
        %get3A_487 = arith.constant 0 : i32
        %get3A_488 = arith.index_cast %get3A_487 : i32 to index
        %get3A_489 = arith.constant 80 : index
        %get3A_490 = tpu.vector_load %arg6[%get3A_488, %get3A_489] {strides = array<i32>} : memref<3x128xi32, #tpu.memory_space<vmem>>, vector<1x16xi32>,
        %get3A_491 = vector.shape_cast %get3A_490 : vector<1x16xi32> to vector<16xi32>
        %get3A_492 = arith.constant 1 : i32
        %get3A_493 = arith.index_cast %get3A_492 : i32 to index
        %get3A_494 = arith.constant 80 : index
        %get3A_495 = tpu.vector_load %arg6[%get3A_493, %get3A_494] {strides = array<i32>} : memref<3x128xi32, #tpu.memory_space<vmem>>, vector<1x16xi32>,
        %get3A_496 = vector.shape_cast %get3A_495 : vector<1x16xi32> to vector<16xi32>
        %mul3A_497 = arith.constant 10240 : i32
        %mul3A_498 = vector.broadcast %mul3A_497 : i32 to vector<16xi32>
        %mul3A_499 = arith.muli %get3A_496, %mul3A_498 : vector<16xi32>
        %add3A_500 = arith.addi %mul3A_499, %get3A_491 : vector<16xi32>
        %swap3A_501 = arith.constant 80 : index
        %swap3A_502 = tpu.vector_load %arg8[%swap3A_501] {strides = array<i32>} : memref<128xi32, #tpu.memory_space<vmem>>, vector<16xi32>,
        %swap3A_503 = vector.shape_cast %swap3A_502 : vector<16xi32> to vector<16xi32>
        %swap3A_504 = vector.shape_cast %add3A_500 : vector<16xi32> to vector<16xi32>
        tpu.vector_store %arg8[%swap3A_501], %swap3A_504 {strides = array<i32>} : memref<128xi32, #tpu.memory_space<vmem>>, vector<16xi32>,
        %get3A_505 = arith.constant 2 : i32
        %get3A_506 = arith.index_cast %get3A_505 : i32 to index
        %get3A_507 = arith.constant 80 : index
        %get3A_508 = tpu.vector_load %arg6[%get3A_506, %get3A_507] {strides = array<i32>} : memref<3x128xi32, #tpu.memory_space<vmem>>, vector<1x16xi32>,
        %get3A_509 = vector.shape_cast %get3A_508 : vector<1x16xi32> to vector<16xi32>
        %swap3A_510 = arith.constant 80 : index
        %swap3A_511 = tpu.vector_load %arg10[%swap3A_510] {strides = array<i32>} : memref<128xi32, #tpu.memory_space<vmem>>, vector<16xi32>,
        %swap3A_512 = vector.shape_cast %swap3A_511 : vector<16xi32> to vector<16xi32>
        %swap3A_513 = vector.shape_cast %get3A_509 : vector<16xi32> to vector<16xi32>
        tpu.vector_store %arg10[%swap3A_510], %swap3A_513 {strides = array<i32>} : memref<128xi32, #tpu.memory_space<vmem>>, vector<16xi32>,
        %get3A_514 = arith.constant 0 : i32
        %get3A_515 = arith.index_cast %get3A_514 : i32 to index
        %get3A_516 = arith.constant 96 : index
        %get3A_517 = tpu.vector_load %arg6[%get3A_515, %get3A_516] {strides = array<i32>} : memref<3x128xi32, #tpu.memory_space<vmem>>, vector<1x16xi32>,
        %get3A_518 = vector.shape_cast %get3A_517 : vector<1x16xi32> to vector<16xi32>
        %get3A_519 = arith.constant 1 : i32
        %get3A_520 = arith.index_cast %get3A_519 : i32 to index
        %get3A_521 = arith.constant 96 : index
        %get3A_522 = tpu.vector_load %arg6[%get3A_520, %get3A_521] {strides = array<i32>} : memref<3x128xi32, #tpu.memory_space<vmem>>, vector<1x16xi32>,
        %get3A_523 = vector.shape_cast %get3A_522 : vector<1x16xi32> to vector<16xi32>
        %mul3A_524 = arith.constant 10240 : i32
        %mul3A_525 = vector.broadcast %mul3A_524 : i32 to vector<16xi32>
        %mul3A_526 = arith.muli %get3A_523, %mul3A_525 : vector<16xi32>
        %add3A_527 = arith.addi %mul3A_526, %get3A_518 : vector<16xi32>
        %swap3A_528 = arith.constant 96 : index
        %swap3A_529 = tpu.vector_load %arg8[%swap3A_528] {strides = array<i32>} : memref<128xi32, #tpu.memory_space<vmem>>, vector<16xi32>,
        %swap3A_530 = vector.shape_cast %swap3A_529 : vector<16xi32> to vector<16xi32>
        %swap3A_531 = vector.shape_cast %add3A_527 : vector<16xi32> to vector<16xi32>
        tpu.vector_store %arg8[%swap3A_528], %swap3A_531 {strides = array<i32>} : memref<128xi32, #tpu.memory_space<vmem>>, vector<16xi32>,
        %get3A_532 = arith.constant 2 : i32
        %get3A_533 = arith.index_cast %get3A_532 : i32 to index
        %get3A_534 = arith.constant 96 : index
        %get3A_535 = tpu.vector_load %arg6[%get3A_533, %get3A_534] {strides = array<i32>} : memref<3x128xi32, #tpu.memory_space<vmem>>, vector<1x16xi32>,
        %get3A_536 = vector.shape_cast %get3A_535 : vector<1x16xi32> to vector<16xi32>
        %swap3A_537 = arith.constant 96 : index
        %swap3A_538 = tpu.vector_load %arg10[%swap3A_537] {strides = array<i32>} : memref<128xi32, #tpu.memory_space<vmem>>, vector<16xi32>,
        %swap3A_539 = vector.shape_cast %swap3A_538 : vector<16xi32> to vector<16xi32>
        %swap3A_540 = vector.shape_cast %get3A_536 : vector<16xi32> to vector<16xi32>
        tpu.vector_store %arg10[%swap3A_537], %swap3A_540 {strides = array<i32>} : memref<128xi32, #tpu.memory_space<vmem>>, vector<16xi32>,
        %get3A_541 = arith.constant 0 : i32
        %get3A_542 = arith.index_cast %get3A_541 : i32 to index
        %get3A_543 = arith.constant 112 : index
        %get3A_544 = tpu.vector_load %arg6[%get3A_542, %get3A_543] {strides = array<i32>} : memref<3x128xi32, #tpu.memory_space<vmem>>, vector<1x16xi32>,
        %get3A_545 = vector.shape_cast %get3A_544 : vector<1x16xi32> to vector<16xi32>
        %get3A_546 = arith.constant 1 : i32
        %get3A_547 = arith.index_cast %get3A_546 : i32 to index
        %get3A_548 = arith.constant 112 : index
        %get3A_549 = tpu.vector_load %arg6[%get3A_547, %get3A_548] {strides = array<i32>} : memref<3x128xi32, #tpu.memory_space<vmem>>, vector<1x16xi32>,
        %get3A_550 = vector.shape_cast %get3A_549 : vector<1x16xi32> to vector<16xi32>
        %mul3A_551 = arith.constant 10240 : i32
        %mul3A_552 = vector.broadcast %mul3A_551 : i32 to vector<16xi32>
        %mul3A_553 = arith.muli %get3A_550, %mul3A_552 : vector<16xi32>
        %add3A_554 = arith.addi %mul3A_553, %get3A_545 : vector<16xi32>
        %swap3A_555 = arith.constant 112 : index
        %swap3A_556 = tpu.vector_load %arg8[%swap3A_555] {strides = array<i32>} : memref<128xi32, #tpu.memory_space<vmem>>, vector<16xi32>,
        %swap3A_557 = vector.shape_cast %swap3A_556 : vector<16xi32> to vector<16xi32>
        %swap3A_558 = vector.shape_cast %add3A_554 : vector<16xi32> to vector<16xi32>
        tpu.vector_store %arg8[%swap3A_555], %swap3A_558 {strides = array<i32>} : memref<128xi32, #tpu.memory_space<vmem>>, vector<16xi32>,
        %get3A_559 = arith.constant 2 : i32
        %get3A_560 = arith.index_cast %get3A_559 : i32 to index
        %get3A_561 = arith.constant 112 : index
        %get3A_562 = tpu.vector_load %arg6[%get3A_560, %get3A_561] {strides = array<i32>} : memref<3x128xi32, #tpu.memory_space<vmem>>, vector<1x16xi32>,
        %get3A_563 = vector.shape_cast %get3A_562 : vector<1x16xi32> to vector<16xi32>
        %swap3A_564 = arith.constant 112 : index
        %swap3A_565 = tpu.vector_load %arg10[%swap3A_564] {strides = array<i32>} : memref<128xi32, #tpu.memory_space<vmem>>, vector<16xi32>,
        %swap3A_566 = vector.shape_cast %swap3A_565 : vector<16xi32> to vector<16xi32>
        %swap3A_567 = vector.shape_cast %get3A_563 : vector<16xi32> to vector<16xi32>
        tpu.vector_store %arg10[%swap3A_564], %swap3A_567 {strides = array<i32>} : memref<128xi32, #tpu.memory_space<vmem>>, vector<16xi32>,
        %add3A_568 = arith.constant 2 : i32
        %add3A_569 = arith.addi %add3A_316, %add3A_568 : i32
        %lt3A_570 = arith.constant 80 : i32
        %lt3A_571 = arith.cmpi slt, %add3A_569, %lt3A_570 : i32
        %convert_element_type3A_572 = arith.extui %lt3A_571 : i1 to i32
        %cond3A_573 = arith.constant 0 : i32
        %cond3A_574 = arith.cmpi ne, %convert_element_type3A_572, %cond3A_573 : i32
        scf.if %cond3A_574 {
          %add3A_591 = arith.constant 2 : i32
          %add3A_592 = arith.addi %add3A_316, %add3A_591 : i32
          %add3A_593 = arith.addi %mul3A_2, %add3A_592 : i32
          %dma_start3A_594 = arith.constant 0 : i32
          %dma_start3A_595 = arith.constant 0 : i32
          %dma_start3A_596 = tpu.memref_slice %arg3[%add3A_593, %dma_start3A_594, %dma_start3A_595] : memref<2560x3x128xi32, #tpu.memory_space<hbm>> -> memref<1x3x128xi32, #tpu.memory_space<hbm>>
          %dma_start3A_597 = tpu.memref_squeeze %dma_start3A_596 : memref<1x3x128xi32, #tpu.memory_space<hbm>> -> memref<3x128xi32, #tpu.memory_space<hbm>>
          %dma_start3A_598 = arith.constant 0 : i32
          %dma_start3A_599 = arith.constant 0 : i32
          %dma_start3A_600 = tpu.memref_slice %arg3[%add3A_593, %dma_start3A_598, %dma_start3A_599] : memref<2560x3x128xi32, #tpu.memory_space<hbm>> -> memref<1x3x128xi32, #tpu.memory_space<hbm>>
          %dma_start3A_601 = tpu.memref_squeeze %dma_start3A_600 : memref<1x3x128xi32, #tpu.memory_space<hbm>> -> memref<3x128xi32, #tpu.memory_space<hbm>>
          tpu.enqueue_dma source(%dma_start3A_601 : memref<3x128xi32, #tpu.memory_space<hbm>>) target(%arg6 : memref<3x128xi32, #tpu.memory_space<vmem>>) target_semaphore(%arg15 : memref<!tpu.dma_semaphore, #tpu.memory_space<semaphore_mem>>)
        } else {
        }
        %dma_start3A_575 = arith.constant 0 : i32
        %dma_start3A_576 = arith.constant 0 : i32
        %dma_start3A_577 = tpu.memref_slice %arg12[%dma_start3A_575, %dma_start3A_576] : memref<128x128xf32, #tpu.memory_space<vmem>> -> memref<64x128xf32, #tpu.memory_space<vmem>>
        %dma_start3A_578 = arith.constant 0 : i32
        %dma_start3A_579 = tpu.memref_slice %arg8[%dma_start3A_578] : memref<128xi32, #tpu.memory_space<vmem>> -> memref<64xi32, #tpu.memory_space<vmem>>
        %dma_start3A_580 = arith.constant 0 : i32
        %dma_start3A_581 = arith.constant 0 : i32
        %dma_start3A_582 = tpu.memref_slice %arg2[%dma_start3A_580, %dma_start3A_581] : memref<40960x128xf32, #tpu.memory_space<hbm>> -> memref<40960x128xf32, #tpu.memory_space<hbm>>
        tpu.enqueue_indirect_dma source(%dma_start3A_582 : memref<40960x128xf32, #tpu.memory_space<hbm>>) target(%dma_start3A_577 : memref<64x128xf32, #tpu.memory_space<vmem>>) offsets(%dma_start3A_579 : memref<64xi32, #tpu.memory_space<vmem>>) semaphore(%arg17 : memref<!tpu.dma_semaphore, #tpu.memory_space<semaphore_mem>>)
        %dma_start3A_583 = arith.constant 64 : i32
        %dma_start3A_584 = arith.constant 0 : i32
        %dma_start3A_585 = tpu.memref_slice %arg12[%dma_start3A_583, %dma_start3A_584] : memref<128x128xf32, #tpu.memory_space<vmem>> -> memref<64x128xf32, #tpu.memory_space<vmem>>
        %dma_start3A_586 = arith.constant 64 : i32
        %dma_start3A_587 = tpu.memref_slice %arg8[%dma_start3A_586] : memref<128xi32, #tpu.memory_space<vmem>> -> memref<64xi32, #tpu.memory_space<vmem>>
        %dma_start3A_588 = arith.constant 0 : i32
        %dma_start3A_589 = arith.constant 0 : i32
        %dma_start3A_590 = tpu.memref_slice %arg2[%dma_start3A_588, %dma_start3A_589] : memref<40960x128xf32, #tpu.memory_space<hbm>> -> memref<40960x128xf32, #tpu.memory_space<hbm>>
        tpu.enqueue_indirect_dma source(%dma_start3A_590 : memref<40960x128xf32, #tpu.memory_space<hbm>>) target(%dma_start3A_585 : memref<64x128xf32, #tpu.memory_space<vmem>>) offsets(%dma_start3A_587 : memref<64xi32, #tpu.memory_space<vmem>>) semaphore(%arg17 : memref<!tpu.dma_semaphore, #tpu.memory_space<semaphore_mem>>)
      } else {
      }
      %dma_wait3A_322 = arith.constant 0 : i32
      %dma_wait3A_323 = arith.constant 0 : i32
      %dma_wait3A_324 = tpu.memref_slice %arg13[%dma_wait3A_322, %dma_wait3A_323] : memref<128x128xf32, #tpu.memory_space<vmem>> -> memref<64x128xf32, #tpu.memory_space<vmem>>
      %dma_wait3A_325 = arith.constant 0 : i32
      %dma_wait3A_326 = tpu.memref_slice %arg9[%dma_wait3A_325] : memref<128xi32, #tpu.memory_space<vmem>> -> memref<64xi32, #tpu.memory_space<vmem>>
      %dma_wait3A_327 = arith.constant 0 : i32
      %dma_wait3A_328 = arith.constant 0 : i32
      %dma_wait3A_329 = tpu.memref_slice %arg2[%dma_wait3A_327, %dma_wait3A_328] : memref<40960x128xf32, #tpu.memory_space<hbm>> -> memref<40960x128xf32, #tpu.memory_space<hbm>>
      tpu.wait_indirect_dma semaphore(%arg18 : memref<!tpu.dma_semaphore, #tpu.memory_space<semaphore_mem>>) src(%dma_wait3A_329 : memref<40960x128xf32, #tpu.memory_space<hbm>>) dst(%dma_wait3A_324 : memref<64x128xf32, #tpu.memory_space<vmem>>)
      %dma_wait3A_330 = arith.constant 64 : i32
      %dma_wait3A_331 = arith.constant 0 : i32
      %dma_wait3A_332 = tpu.memref_slice %arg13[%dma_wait3A_330, %dma_wait3A_331] : memref<128x128xf32, #tpu.memory_space<vmem>> -> memref<64x128xf32, #tpu.memory_space<vmem>>
      %dma_wait3A_333 = arith.constant 64 : i32
      %dma_wait3A_334 = tpu.memref_slice %arg9[%dma_wait3A_333] : memref<128xi32, #tpu.memory_space<vmem>> -> memref<64xi32, #tpu.memory_space<vmem>>
      %dma_wait3A_335 = arith.constant 0 : i32
      %dma_wait3A_336 = arith.constant 0 : i32
      %dma_wait3A_337 = tpu.memref_slice %arg2[%dma_wait3A_335, %dma_wait3A_336] : memref<40960x128xf32, #tpu.memory_space<hbm>> -> memref<40960x128xf32, #tpu.memory_space<hbm>>
      tpu.wait_indirect_dma semaphore(%arg18 : memref<!tpu.dma_semaphore, #tpu.memory_space<semaphore_mem>>) src(%dma_wait3A_337 : memref<40960x128xf32, #tpu.memory_space<hbm>>) dst(%dma_wait3A_332 : memref<64x128xf32, #tpu.memory_space<vmem>>)
      %dma_start3A_338 = arith.constant 0 : i32
      %dma_start3A_339 = arith.constant 0 : i32
      %dma_start3A_340 = tpu.memref_slice %arg14[%dma_start3A_338, %dma_start3A_339] : memref<10240x128xf32, #tpu.memory_space<vmem_shared>> -> memref<10240x128xf32, #tpu.memory_space<vmem_shared>>
      tpu.enqueue_indirect_dma source(%arg13 : memref<128x128xf32, #tpu.memory_space<vmem>>) target(%dma_start3A_340 : memref<10240x128xf32, #tpu.memory_space<vmem_shared>>) offsets(%arg11 : memref<128xi32, #tpu.memory_space<vmem>>) semaphore(%arg20 : memref<!tpu.dma_semaphore, #tpu.memory_space<semaphore_mem>>) {add = true}
    }
    %scan3A_275 = arith.constant 40 : i32
    %dma_wait3A_276 = arith.constant 0 : i32
    %dma_wait3A_277 = arith.constant 0 : i32
    %dma_wait3A_278 = tpu.memref_slice %arg14[%dma_wait3A_276, %dma_wait3A_277] : memref<10240x128xf32, #tpu.memory_space<vmem_shared>> -> memref<10240x128xf32, #tpu.memory_space<vmem_shared>>
    tpu.wait_indirect_dma semaphore(%arg19 : memref<!tpu.dma_semaphore, #tpu.memory_space<semaphore_mem>>) src(%arg12 : memref<128x128xf32, #tpu.memory_space<vmem>>) dst(%dma_wait3A_278 : memref<10240x128xf32, #tpu.memory_space<vmem_shared>>)
    %dma_wait3A_279 = arith.constant 0 : i32
    %dma_wait3A_280 = arith.constant 0 : i32
    %dma_wait3A_281 = tpu.memref_slice %arg14[%dma_wait3A_279, %dma_wait3A_280] : memref<10240x128xf32, #tpu.memory_space<vmem_shared>> -> memref<10240x128xf32, #tpu.memory_space<vmem_shared>>
    tpu.wait_indirect_dma semaphore(%arg20 : memref<!tpu.dma_semaphore, #tpu.memory_space<semaphore_mem>>) src(%arg13 : memref<128x128xf32, #tpu.memory_space<vmem>>) dst(%dma_wait3A_281 : memref<10240x128xf32, #tpu.memory_space<vmem_shared>>)
    %barrier3A_282 = arith.constant 0 : index
    tpu.barrier barrier_id(%barrier3A_282)
    "tpu.region"() ({
      %run_scoped3A = tpu.sem_alloc : memref<!tpu.dma_semaphore, #tpu.memory_space<semaphore_mem>>
      %dma_start3A_283 = arith.constant 0 : i32
      %dma_start3A_284 = tpu.memref_slice %arg5[%arg0, %multiple_of3A, %dma_start3A_283] : memref<2x10240x128xf32, #tpu.memory_space<hbm>> -> memref<1x640x128xf32, #tpu.memory_space<hbm>>
      %dma_start3A_285 = tpu.memref_squeeze %dma_start3A_284 : memref<1x640x128xf32, #tpu.memory_space<hbm>> -> memref<640x128xf32, #tpu.memory_space<hbm>>
      %dma_start3A_286 = arith.constant 0 : i32
      %dma_start3A_287 = tpu.memref_slice %arg14[%multiple_of3A, %dma_start3A_286] : memref<10240x128xf32, #tpu.memory_space<vmem_shared>> -> memref<640x128xf32, #tpu.memory_space<vmem_shared>>
      tpu.enqueue_dma source(%dma_start3A_287 : memref<640x128xf32, #tpu.memory_space<vmem_shared>>) target(%dma_start3A_285 : memref<640x128xf32, #tpu.memory_space<hbm>>) target_semaphore(%run_scoped3A : memref<!tpu.dma_semaphore, #tpu.memory_space<semaphore_mem>>)
      %dma_wait3A_288 = arith.constant 0 : i32
      %dma_wait3A_289 = tpu.memref_slice %arg5[%arg0, %multiple_of3A, %dma_wait3A_288] : memref<2x10240x128xf32, #tpu.memory_space<hbm>> -> memref<1x640x128xf32, #tpu.memory_space<hbm>>
      %dma_wait3A_290 = tpu.memref_squeeze %dma_wait3A_289 : memref<1x640x128xf32, #tpu.memory_space<hbm>> -> memref<640x128xf32, #tpu.memory_space<hbm>>
      %dma_wait3A_291 = arith.constant 0 : i32
      %dma_wait3A_292 = tpu.memref_slice %arg14[%multiple_of3A, %dma_wait3A_291] : memref<10240x128xf32, #tpu.memory_space<vmem_shared>> -> memref<640x128xf32, #tpu.memory_space<vmem_shared>>
      tpu.wait_dma2 semaphore(%run_scoped3A : memref<!tpu.dma_semaphore, #tpu.memory_space<semaphore_mem>>) src(%dma_wait3A_292 : memref<640x128xf32, #tpu.memory_space<vmem_shared>>) dst(%dma_wait3A_290 : memref<640x128xf32, #tpu.memory_space<hbm>>)
      tpu.yield
    }) : () -> ()
    return
  }
}

#map = affine_map<(d0, d1) -> (0, 0)>
#map1 = affine_map<(d0, d1) -> (0, 0, 0)>
module attributes {stable_mosaic.version = 14 : i64} {
  func.func @_mp_kernel(%arg0: i32, %arg1: i32, %arg2: memref<40960x128xf32, #tpu.memory_space<hbm>>, %arg3: memref<2560x3x128xi32, #tpu.memory_space<hbm>>, %arg4: memref<640x128xf32, #tpu.memory_space<hbm>>, %arg5: memref<2x10240x128xf32, #tpu.memory_space<hbm>>, %arg6: memref<3x128xi32, #tpu.memory_space<vmem>>, %arg7: memref<3x128xi32, #tpu.memory_space<vmem>>, %arg8: memref<128xi32, #tpu.memory_space<vmem>>, %arg9: memref<128xi32, #tpu.memory_space<vmem>>, %arg10: memref<128xi32, #tpu.memory_space<vmem>>, %arg11: memref<128xi32, #tpu.memory_space<vmem>>, %arg12: memref<128x128xf32, #tpu.memory_space<vmem>>, %arg13: memref<128x128xf32, #tpu.memory_space<vmem>>, %arg14: memref<10240x128xf32, #tpu.memory_space<vmem_shared>>, %arg15: memref<!tpu.dma_semaphore, #tpu.memory_space<semaphore_mem>>, %arg16: memref<!tpu.dma_semaphore, #tpu.memory_space<semaphore_mem>>, %arg17: memref<!tpu.dma_semaphore, #tpu.memory_space<semaphore_mem>>, %arg18: memref<!tpu.dma_semaphore, #tpu.memory_space<semaphore_mem>>, %arg19: memref<!tpu.dma_semaphore, #tpu.memory_space<semaphore_mem>>, %arg20: memref<!tpu.dma_semaphore, #tpu.memory_space<semaphore_mem>>) attributes {dimension_semantics = [#tpu.dimension_semantics<core_parallel>, #tpu.dimension_semantics<subcore_parallel>], iteration_bounds = array<i64: 2, 16>, scalar_prefetch = 0 : i64, scratch_operands = 15 : i64, tpu.core_type = #tpu.core_type<sc_vector_subcore>, window_params = [{transform_indices = #map}, {transform_indices = #map1}, {transform_indices = #map}, {transform_indices = #map1}]} {
    %mul3A = arith.constant 16 : i32
    %mul3A_0 = arith.muli %arg0, %mul3A : i32
    %add3A = arith.addi %mul3A_0, %arg1 : i32
    %mul3A_1 = arith.constant 80 : i32
    %mul3A_2 = arith.muli %add3A, %mul3A_1 : i32
    %mul3A_3 = arith.constant 640 : i32
    %mul3A_4 = arith.muli %arg1, %mul3A_3 : i32
    %multiple_of3A = tpu.assume_multiple %mul3A_4, 640 : i32
    "tpu.region"() ({
      %run_scoped3A = tpu.sem_alloc : memref<!tpu.dma_semaphore, #tpu.memory_space<semaphore_mem>>
      %dma_start3A_283 = arith.constant 0 : i32
      %dma_start3A_284 = tpu.memref_slice %arg14[%multiple_of3A, %dma_start3A_283] : memref<10240x128xf32, #tpu.memory_space<vmem_shared>> -> memref<640x128xf32, #tpu.memory_space<vmem_shared>>
      tpu.enqueue_dma source(%arg4 : memref<640x128xf32, #tpu.memory_space<hbm>>) target(%dma_start3A_284 : memref<640x128xf32, #tpu.memory_space<vmem_shared>>) target_semaphore(%run_scoped3A : memref<!tpu.dma_semaphore, #tpu.memory_space<semaphore_mem>>)
      %dma_wait3A_285 = arith.constant 0 : i32
      %dma_wait3A_286 = tpu.memref_slice %arg14[%multiple_of3A, %dma_wait3A_285] : memref<10240x128xf32, #tpu.memory_space<vmem_shared>> -> memref<640x128xf32, #tpu.memory_space<vmem_shared>>
      tpu.wait_dma2 semaphore(%run_scoped3A : memref<!tpu.dma_semaphore, #tpu.memory_space<semaphore_mem>>) src(%arg4 : memref<640x128xf32, #tpu.memory_space<hbm>>) dst(%dma_wait3A_286 : memref<640x128xf32, #tpu.memory_space<vmem_shared>>)
      tpu.yield
    }) : () -> ()
    %barrier3A = arith.constant 0 : index
    tpu.barrier barrier_id(%barrier3A)
    %add3A_5 = arith.constant 0 : i32
    %add3A_6 = arith.addi %mul3A_2, %add3A_5 : i32
    %dma_start3A = arith.constant 0 : i32
    %dma_start3A_7 = arith.constant 0 : i32
    %dma_start3A_8 = tpu.memref_slice %arg3[%add3A_6, %dma_start3A, %dma_start3A_7] : memref<2560x3x128xi32, #tpu.memory_space<hbm>> -> memref<1x3x128xi32, #tpu.memory_space<hbm>>
    %dma_start3A_9 = tpu.memref_squeeze %dma_start3A_8 : memref<1x3x128xi32, #tpu.memory_space<hbm>> -> memref<3x128xi32, #tpu.memory_space<hbm>>
    %dma_start3A_10 = arith.constant 0 : i32
    %dma_start3A_11 = arith.constant 0 : i32
    %dma_start3A_12 = tpu.memref_slice %arg3[%add3A_6, %dma_start3A_10, %dma_start3A_11] : memref<2560x3x128xi32, #tpu.memory_space<hbm>> -> memref<1x3x128xi32, #tpu.memory_space<hbm>>
    %dma_start3A_13 = tpu.memref_squeeze %dma_start3A_12 : memref<1x3x128xi32, #tpu.memory_space<hbm>> -> memref<3x128xi32, #tpu.memory_space<hbm>>
    tpu.enqueue_dma source(%dma_start3A_13 : memref<3x128xi32, #tpu.memory_space<hbm>>) target(%arg6 : memref<3x128xi32, #tpu.memory_space<vmem>>) target_semaphore(%arg15 : memref<!tpu.dma_semaphore, #tpu.memory_space<semaphore_mem>>)
    %add3A_14 = arith.constant 1 : i32
    %add3A_15 = arith.addi %mul3A_2, %add3A_14 : i32
    %dma_start3A_16 = arith.constant 0 : i32
    %dma_start3A_17 = arith.constant 0 : i32
    %dma_start3A_18 = tpu.memref_slice %arg3[%add3A_15, %dma_start3A_16, %dma_start3A_17] : memref<2560x3x128xi32, #tpu.memory_space<hbm>> -> memref<1x3x128xi32, #tpu.memory_space<hbm>>
    %dma_start3A_19 = tpu.memref_squeeze %dma_start3A_18 : memref<1x3x128xi32, #tpu.memory_space<hbm>> -> memref<3x128xi32, #tpu.memory_space<hbm>>
    %dma_start3A_20 = arith.constant 0 : i32
    %dma_start3A_21 = arith.constant 0 : i32
    %dma_start3A_22 = tpu.memref_slice %arg3[%add3A_15, %dma_start3A_20, %dma_start3A_21] : memref<2560x3x128xi32, #tpu.memory_space<hbm>> -> memref<1x3x128xi32, #tpu.memory_space<hbm>>
    %dma_start3A_23 = tpu.memref_squeeze %dma_start3A_22 : memref<1x3x128xi32, #tpu.memory_space<hbm>> -> memref<3x128xi32, #tpu.memory_space<hbm>>
    tpu.enqueue_dma source(%dma_start3A_23 : memref<3x128xi32, #tpu.memory_space<hbm>>) target(%arg7 : memref<3x128xi32, #tpu.memory_space<vmem>>) target_semaphore(%arg16 : memref<!tpu.dma_semaphore, #tpu.memory_space<semaphore_mem>>)
    %dma_wait3A = arith.constant 0 : i32
    %dma_wait3A_24 = arith.constant 0 : i32
    %dma_wait3A_25 = tpu.memref_slice %arg3[%mul3A_2, %dma_wait3A, %dma_wait3A_24] : memref<2560x3x128xi32, #tpu.memory_space<hbm>> -> memref<1x3x128xi32, #tpu.memory_space<hbm>>
    %dma_wait3A_26 = tpu.memref_squeeze %dma_wait3A_25 : memref<1x3x128xi32, #tpu.memory_space<hbm>> -> memref<3x128xi32, #tpu.memory_space<hbm>>
    %dma_wait3A_27 = arith.constant 0 : i32
    %dma_wait3A_28 = arith.constant 0 : i32
    %dma_wait3A_29 = tpu.memref_slice %arg3[%mul3A_2, %dma_wait3A_27, %dma_wait3A_28] : memref<2560x3x128xi32, #tpu.memory_space<hbm>> -> memref<1x3x128xi32, #tpu.memory_space<hbm>>
    %dma_wait3A_30 = tpu.memref_squeeze %dma_wait3A_29 : memref<1x3x128xi32, #tpu.memory_space<hbm>> -> memref<3x128xi32, #tpu.memory_space<hbm>>
    tpu.wait_dma2 semaphore(%arg15 : memref<!tpu.dma_semaphore, #tpu.memory_space<semaphore_mem>>) src(%dma_wait3A_30 : memref<3x128xi32, #tpu.memory_space<hbm>>) dst(%arg6 : memref<3x128xi32, #tpu.memory_space<vmem>>)
    %get3A = arith.constant 0 : i32
    %get3A_31 = arith.index_cast %get3A : i32 to index
    %get3A_32 = arith.constant 0 : index
    %get3A_33 = tpu.vector_load %arg6[%get3A_31, %get3A_32] {strides = array<i32>} : memref<3x128xi32, #tpu.memory_space<vmem>>, vector<1x16xi32>,
    %get3A_34 = vector.shape_cast %get3A_33 : vector<1x16xi32> to vector<16xi32>
    %get3A_35 = arith.constant 1 : i32
    %get3A_36 = arith.index_cast %get3A_35 : i32 to index
    %get3A_37 = arith.constant 0 : index
    %get3A_38 = tpu.vector_load %arg6[%get3A_36, %get3A_37] {strides = array<i32>} : memref<3x128xi32, #tpu.memory_space<vmem>>, vector<1x16xi32>,
    %get3A_39 = vector.shape_cast %get3A_38 : vector<1x16xi32> to vector<16xi32>
    %mul3A_40 = arith.constant 10240 : i32
    %mul3A_41 = vector.broadcast %mul3A_40 : i32 to vector<16xi32>
    %mul3A_42 = arith.muli %get3A_39, %mul3A_41 : vector<16xi32>
    %add3A_43 = arith.addi %mul3A_42, %get3A_34 : vector<16xi32>
    %swap3A = arith.constant 0 : index
    %swap3A_44 = tpu.vector_load %arg8[%swap3A] {strides = array<i32>} : memref<128xi32, #tpu.memory_space<vmem>>, vector<16xi32>,
    %swap3A_45 = vector.shape_cast %swap3A_44 : vector<16xi32> to vector<16xi32>
    %swap3A_46 = vector.shape_cast %add3A_43 : vector<16xi32> to vector<16xi32>
    tpu.vector_store %arg8[%swap3A], %swap3A_46 {strides = array<i32>} : memref<128xi32, #tpu.memory_space<vmem>>, vector<16xi32>,
    %get3A_47 = arith.constant 2 : i32
    %get3A_48 = arith.index_cast %get3A_47 : i32 to index
    %get3A_49 = arith.constant 0 : index
    %get3A_50 = tpu.vector_load %arg6[%get3A_48, %get3A_49] {strides = array<i32>} : memref<3x128xi32, #tpu.memory_space<vmem>>, vector<1x16xi32>,
    %get3A_51 = vector.shape_cast %get3A_50 : vector<1x16xi32> to vector<16xi32>
    %swap3A_52 = arith.constant 0 : index
    %swap3A_53 = tpu.vector_load %arg10[%swap3A_52] {strides = array<i32>} : memref<128xi32, #tpu.memory_space<vmem>>, vector<16xi32>,
    %swap3A_54 = vector.shape_cast %swap3A_53 : vector<16xi32> to vector<16xi32>
    %swap3A_55 = vector.shape_cast %get3A_51 : vector<16xi32> to vector<16xi32>
    tpu.vector_store %arg10[%swap3A_52], %swap3A_55 {strides = array<i32>} : memref<128xi32, #tpu.memory_space<vmem>>, vector<16xi32>,
    %get3A_56 = arith.constant 0 : i32
    %get3A_57 = arith.index_cast %get3A_56 : i32 to index
    %get3A_58 = arith.constant 16 : index
    %get3A_59 = tpu.vector_load %arg6[%get3A_57, %get3A_58] {strides = array<i32>} : memref<3x128xi32, #tpu.memory_space<vmem>>, vector<1x16xi32>,
    %get3A_60 = vector.shape_cast %get3A_59 : vector<1x16xi32> to vector<16xi32>
    %get3A_61 = arith.constant 1 : i32
    %get3A_62 = arith.index_cast %get3A_61 : i32 to index
    %get3A_63 = arith.constant 16 : index
    %get3A_64 = tpu.vector_load %arg6[%get3A_62, %get3A_63] {strides = array<i32>} : memref<3x128xi32, #tpu.memory_space<vmem>>, vector<1x16xi32>,
    %get3A_65 = vector.shape_cast %get3A_64 : vector<1x16xi32> to vector<16xi32>
    %mul3A_66 = arith.constant 10240 : i32
    %mul3A_67 = vector.broadcast %mul3A_66 : i32 to vector<16xi32>
    %mul3A_68 = arith.muli %get3A_65, %mul3A_67 : vector<16xi32>
    %add3A_69 = arith.addi %mul3A_68, %get3A_60 : vector<16xi32>
    %swap3A_70 = arith.constant 16 : index
    %swap3A_71 = tpu.vector_load %arg8[%swap3A_70] {strides = array<i32>} : memref<128xi32, #tpu.memory_space<vmem>>, vector<16xi32>,
    %swap3A_72 = vector.shape_cast %swap3A_71 : vector<16xi32> to vector<16xi32>
    %swap3A_73 = vector.shape_cast %add3A_69 : vector<16xi32> to vector<16xi32>
    tpu.vector_store %arg8[%swap3A_70], %swap3A_73 {strides = array<i32>} : memref<128xi32, #tpu.memory_space<vmem>>, vector<16xi32>,
    %get3A_74 = arith.constant 2 : i32
    %get3A_75 = arith.index_cast %get3A_74 : i32 to index
    %get3A_76 = arith.constant 16 : index
    %get3A_77 = tpu.vector_load %arg6[%get3A_75, %get3A_76] {strides = array<i32>} : memref<3x128xi32, #tpu.memory_space<vmem>>, vector<1x16xi32>,
    %get3A_78 = vector.shape_cast %get3A_77 : vector<1x16xi32> to vector<16xi32>
    %swap3A_79 = arith.constant 16 : index
    %swap3A_80 = tpu.vector_load %arg10[%swap3A_79] {strides = array<i32>} : memref<128xi32, #tpu.memory_space<vmem>>, vector<16xi32>,
    %swap3A_81 = vector.shape_cast %swap3A_80 : vector<16xi32> to vector<16xi32>
    %swap3A_82 = vector.shape_cast %get3A_78 : vector<16xi32> to vector<16xi32>
    tpu.vector_store %arg10[%swap3A_79], %swap3A_82 {strides = array<i32>} : memref<128xi32, #tpu.memory_space<vmem>>, vector<16xi32>,
    %get3A_83 = arith.constant 0 : i32
    %get3A_84 = arith.index_cast %get3A_83 : i32 to index
    %get3A_85 = arith.constant 32 : index
    %get3A_86 = tpu.vector_load %arg6[%get3A_84, %get3A_85] {strides = array<i32>} : memref<3x128xi32, #tpu.memory_space<vmem>>, vector<1x16xi32>,
    %get3A_87 = vector.shape_cast %get3A_86 : vector<1x16xi32> to vector<16xi32>
    %get3A_88 = arith.constant 1 : i32
    %get3A_89 = arith.index_cast %get3A_88 : i32 to index
    %get3A_90 = arith.constant 32 : index
    %get3A_91 = tpu.vector_load %arg6[%get3A_89, %get3A_90] {strides = array<i32>} : memref<3x128xi32, #tpu.memory_space<vmem>>, vector<1x16xi32>,
    %get3A_92 = vector.shape_cast %get3A_91 : vector<1x16xi32> to vector<16xi32>
    %mul3A_93 = arith.constant 10240 : i32
    %mul3A_94 = vector.broadcast %mul3A_93 : i32 to vector<16xi32>
    %mul3A_95 = arith.muli %get3A_92, %mul3A_94 : vector<16xi32>
    %add3A_96 = arith.addi %mul3A_95, %get3A_87 : vector<16xi32>
    %swap3A_97 = arith.constant 32 : index
    %swap3A_98 = tpu.vector_load %arg8[%swap3A_97] {strides = array<i32>} : memref<128xi32, #tpu.memory_space<vmem>>, vector<16xi32>,
    %swap3A_99 = vector.shape_cast %swap3A_98 : vector<16xi32> to vector<16xi32>
    %swap3A_100 = vector.shape_cast %add3A_96 : vector<16xi32> to vector<16xi32>
    tpu.vector_store %arg8[%swap3A_97], %swap3A_100 {strides = array<i32>} : memref<128xi32, #tpu.memory_space<vmem>>, vector<16xi32>,
    %get3A_101 = arith.constant 2 : i32
    %get3A_102 = arith.index_cast %get3A_101 : i32 to index
    %get3A_103 = arith.constant 32 : index
    %get3A_104 = tpu.vector_load %arg6[%get3A_102, %get3A_103] {strides = array<i32>} : memref<3x128xi32, #tpu.memory_space<vmem>>, vector<1x16xi32>,
    %get3A_105 = vector.shape_cast %get3A_104 : vector<1x16xi32> to vector<16xi32>
    %swap3A_106 = arith.constant 32 : index
    %swap3A_107 = tpu.vector_load %arg10[%swap3A_106] {strides = array<i32>} : memref<128xi32, #tpu.memory_space<vmem>>, vector<16xi32>,
    %swap3A_108 = vector.shape_cast %swap3A_107 : vector<16xi32> to vector<16xi32>
    %swap3A_109 = vector.shape_cast %get3A_105 : vector<16xi32> to vector<16xi32>
    tpu.vector_store %arg10[%swap3A_106], %swap3A_109 {strides = array<i32>} : memref<128xi32, #tpu.memory_space<vmem>>, vector<16xi32>,
    %get3A_110 = arith.constant 0 : i32
    %get3A_111 = arith.index_cast %get3A_110 : i32 to index
    %get3A_112 = arith.constant 48 : index
    %get3A_113 = tpu.vector_load %arg6[%get3A_111, %get3A_112] {strides = array<i32>} : memref<3x128xi32, #tpu.memory_space<vmem>>, vector<1x16xi32>,
    %get3A_114 = vector.shape_cast %get3A_113 : vector<1x16xi32> to vector<16xi32>
    %get3A_115 = arith.constant 1 : i32
    %get3A_116 = arith.index_cast %get3A_115 : i32 to index
    %get3A_117 = arith.constant 48 : index
    %get3A_118 = tpu.vector_load %arg6[%get3A_116, %get3A_117] {strides = array<i32>} : memref<3x128xi32, #tpu.memory_space<vmem>>, vector<1x16xi32>,
    %get3A_119 = vector.shape_cast %get3A_118 : vector<1x16xi32> to vector<16xi32>
    %mul3A_120 = arith.constant 10240 : i32
    %mul3A_121 = vector.broadcast %mul3A_120 : i32 to vector<16xi32>
    %mul3A_122 = arith.muli %get3A_119, %mul3A_121 : vector<16xi32>
    %add3A_123 = arith.addi %mul3A_122, %get3A_114 : vector<16xi32>
    %swap3A_124 = arith.constant 48 : index
    %swap3A_125 = tpu.vector_load %arg8[%swap3A_124] {strides = array<i32>} : memref<128xi32, #tpu.memory_space<vmem>>, vector<16xi32>,
    %swap3A_126 = vector.shape_cast %swap3A_125 : vector<16xi32> to vector<16xi32>
    %swap3A_127 = vector.shape_cast %add3A_123 : vector<16xi32> to vector<16xi32>
    tpu.vector_store %arg8[%swap3A_124], %swap3A_127 {strides = array<i32>} : memref<128xi32, #tpu.memory_space<vmem>>, vector<16xi32>,
    %get3A_128 = arith.constant 2 : i32
    %get3A_129 = arith.index_cast %get3A_128 : i32 to index
    %get3A_130 = arith.constant 48 : index
    %get3A_131 = tpu.vector_load %arg6[%get3A_129, %get3A_130] {strides = array<i32>} : memref<3x128xi32, #tpu.memory_space<vmem>>, vector<1x16xi32>,
    %get3A_132 = vector.shape_cast %get3A_131 : vector<1x16xi32> to vector<16xi32>
    %swap3A_133 = arith.constant 48 : index
    %swap3A_134 = tpu.vector_load %arg10[%swap3A_133] {strides = array<i32>} : memref<128xi32, #tpu.memory_space<vmem>>, vector<16xi32>,
    %swap3A_135 = vector.shape_cast %swap3A_134 : vector<16xi32> to vector<16xi32>
    %swap3A_136 = vector.shape_cast %get3A_132 : vector<16xi32> to vector<16xi32>
    tpu.vector_store %arg10[%swap3A_133], %swap3A_136 {strides = array<i32>} : memref<128xi32, #tpu.memory_space<vmem>>, vector<16xi32>,
    %get3A_137 = arith.constant 0 : i32
    %get3A_138 = arith.index_cast %get3A_137 : i32 to index
    %get3A_139 = arith.constant 64 : index
    %get3A_140 = tpu.vector_load %arg6[%get3A_138, %get3A_139] {strides = array<i32>} : memref<3x128xi32, #tpu.memory_space<vmem>>, vector<1x16xi32>,
    %get3A_141 = vector.shape_cast %get3A_140 : vector<1x16xi32> to vector<16xi32>
    %get3A_142 = arith.constant 1 : i32
    %get3A_143 = arith.index_cast %get3A_142 : i32 to index
    %get3A_144 = arith.constant 64 : index
    %get3A_145 = tpu.vector_load %arg6[%get3A_143, %get3A_144] {strides = array<i32>} : memref<3x128xi32, #tpu.memory_space<vmem>>, vector<1x16xi32>,
    %get3A_146 = vector.shape_cast %get3A_145 : vector<1x16xi32> to vector<16xi32>
    %mul3A_147 = arith.constant 10240 : i32
    %mul3A_148 = vector.broadcast %mul3A_147 : i32 to vector<16xi32>
    %mul3A_149 = arith.muli %get3A_146, %mul3A_148 : vector<16xi32>
    %add3A_150 = arith.addi %mul3A_149, %get3A_141 : vector<16xi32>
    %swap3A_151 = arith.constant 64 : index
    %swap3A_152 = tpu.vector_load %arg8[%swap3A_151] {strides = array<i32>} : memref<128xi32, #tpu.memory_space<vmem>>, vector<16xi32>,
    %swap3A_153 = vector.shape_cast %swap3A_152 : vector<16xi32> to vector<16xi32>
    %swap3A_154 = vector.shape_cast %add3A_150 : vector<16xi32> to vector<16xi32>
    tpu.vector_store %arg8[%swap3A_151], %swap3A_154 {strides = array<i32>} : memref<128xi32, #tpu.memory_space<vmem>>, vector<16xi32>,
    %get3A_155 = arith.constant 2 : i32
    %get3A_156 = arith.index_cast %get3A_155 : i32 to index
    %get3A_157 = arith.constant 64 : index
    %get3A_158 = tpu.vector_load %arg6[%get3A_156, %get3A_157] {strides = array<i32>} : memref<3x128xi32, #tpu.memory_space<vmem>>, vector<1x16xi32>,
    %get3A_159 = vector.shape_cast %get3A_158 : vector<1x16xi32> to vector<16xi32>
    %swap3A_160 = arith.constant 64 : index
    %swap3A_161 = tpu.vector_load %arg10[%swap3A_160] {strides = array<i32>} : memref<128xi32, #tpu.memory_space<vmem>>, vector<16xi32>,
    %swap3A_162 = vector.shape_cast %swap3A_161 : vector<16xi32> to vector<16xi32>
    %swap3A_163 = vector.shape_cast %get3A_159 : vector<16xi32> to vector<16xi32>
    tpu.vector_store %arg10[%swap3A_160], %swap3A_163 {strides = array<i32>} : memref<128xi32, #tpu.memory_space<vmem>>, vector<16xi32>,
    %get3A_164 = arith.constant 0 : i32
    %get3A_165 = arith.index_cast %get3A_164 : i32 to index
    %get3A_166 = arith.constant 80 : index
    %get3A_167 = tpu.vector_load %arg6[%get3A_165, %get3A_166] {strides = array<i32>} : memref<3x128xi32, #tpu.memory_space<vmem>>, vector<1x16xi32>,
    %get3A_168 = vector.shape_cast %get3A_167 : vector<1x16xi32> to vector<16xi32>
    %get3A_169 = arith.constant 1 : i32
    %get3A_170 = arith.index_cast %get3A_169 : i32 to index
    %get3A_171 = arith.constant 80 : index
    %get3A_172 = tpu.vector_load %arg6[%get3A_170, %get3A_171] {strides = array<i32>} : memref<3x128xi32, #tpu.memory_space<vmem>>, vector<1x16xi32>,
    %get3A_173 = vector.shape_cast %get3A_172 : vector<1x16xi32> to vector<16xi32>
    %mul3A_174 = arith.constant 10240 : i32
    %mul3A_175 = vector.broadcast %mul3A_174 : i32 to vector<16xi32>
    %mul3A_176 = arith.muli %get3A_173, %mul3A_175 : vector<16xi32>
    %add3A_177 = arith.addi %mul3A_176, %get3A_168 : vector<16xi32>
    %swap3A_178 = arith.constant 80 : index
    %swap3A_179 = tpu.vector_load %arg8[%swap3A_178] {strides = array<i32>} : memref<128xi32, #tpu.memory_space<vmem>>, vector<16xi32>,
    %swap3A_180 = vector.shape_cast %swap3A_179 : vector<16xi32> to vector<16xi32>
    %swap3A_181 = vector.shape_cast %add3A_177 : vector<16xi32> to vector<16xi32>
    tpu.vector_store %arg8[%swap3A_178], %swap3A_181 {strides = array<i32>} : memref<128xi32, #tpu.memory_space<vmem>>, vector<16xi32>,
    %get3A_182 = arith.constant 2 : i32
    %get3A_183 = arith.index_cast %get3A_182 : i32 to index
    %get3A_184 = arith.constant 80 : index
    %get3A_185 = tpu.vector_load %arg6[%get3A_183, %get3A_184] {strides = array<i32>} : memref<3x128xi32, #tpu.memory_space<vmem>>, vector<1x16xi32>,
    %get3A_186 = vector.shape_cast %get3A_185 : vector<1x16xi32> to vector<16xi32>
    %swap3A_187 = arith.constant 80 : index
    %swap3A_188 = tpu.vector_load %arg10[%swap3A_187] {strides = array<i32>} : memref<128xi32, #tpu.memory_space<vmem>>, vector<16xi32>,
    %swap3A_189 = vector.shape_cast %swap3A_188 : vector<16xi32> to vector<16xi32>
    %swap3A_190 = vector.shape_cast %get3A_186 : vector<16xi32> to vector<16xi32>
    tpu.vector_store %arg10[%swap3A_187], %swap3A_190 {strides = array<i32>} : memref<128xi32, #tpu.memory_space<vmem>>, vector<16xi32>,
    %get3A_191 = arith.constant 0 : i32
    %get3A_192 = arith.index_cast %get3A_191 : i32 to index
    %get3A_193 = arith.constant 96 : index
    %get3A_194 = tpu.vector_load %arg6[%get3A_192, %get3A_193] {strides = array<i32>} : memref<3x128xi32, #tpu.memory_space<vmem>>, vector<1x16xi32>,
    %get3A_195 = vector.shape_cast %get3A_194 : vector<1x16xi32> to vector<16xi32>
    %get3A_196 = arith.constant 1 : i32
    %get3A_197 = arith.index_cast %get3A_196 : i32 to index
    %get3A_198 = arith.constant 96 : index
    %get3A_199 = tpu.vector_load %arg6[%get3A_197, %get3A_198] {strides = array<i32>} : memref<3x128xi32, #tpu.memory_space<vmem>>, vector<1x16xi32>,
    %get3A_200 = vector.shape_cast %get3A_199 : vector<1x16xi32> to vector<16xi32>
    %mul3A_201 = arith.constant 10240 : i32
    %mul3A_202 = vector.broadcast %mul3A_201 : i32 to vector<16xi32>
    %mul3A_203 = arith.muli %get3A_200, %mul3A_202 : vector<16xi32>
    %add3A_204 = arith.addi %mul3A_203, %get3A_195 : vector<16xi32>
    %swap3A_205 = arith.constant 96 : index
    %swap3A_206 = tpu.vector_load %arg8[%swap3A_205] {strides = array<i32>} : memref<128xi32, #tpu.memory_space<vmem>>, vector<16xi32>,
    %swap3A_207 = vector.shape_cast %swap3A_206 : vector<16xi32> to vector<16xi32>
    %swap3A_208 = vector.shape_cast %add3A_204 : vector<16xi32> to vector<16xi32>
    tpu.vector_store %arg8[%swap3A_205], %swap3A_208 {strides = array<i32>} : memref<128xi32, #tpu.memory_space<vmem>>, vector<16xi32>,
    %get3A_209 = arith.constant 2 : i32
    %get3A_210 = arith.index_cast %get3A_209 : i32 to index
    %get3A_211 = arith.constant 96 : index
    %get3A_212 = tpu.vector_load %arg6[%get3A_210, %get3A_211] {strides = array<i32>} : memref<3x128xi32, #tpu.memory_space<vmem>>, vector<1x16xi32>,
    %get3A_213 = vector.shape_cast %get3A_212 : vector<1x16xi32> to vector<16xi32>
    %swap3A_214 = arith.constant 96 : index
    %swap3A_215 = tpu.vector_load %arg10[%swap3A_214] {strides = array<i32>} : memref<128xi32, #tpu.memory_space<vmem>>, vector<16xi32>,
    %swap3A_216 = vector.shape_cast %swap3A_215 : vector<16xi32> to vector<16xi32>
    %swap3A_217 = vector.shape_cast %get3A_213 : vector<16xi32> to vector<16xi32>
    tpu.vector_store %arg10[%swap3A_214], %swap3A_217 {strides = array<i32>} : memref<128xi32, #tpu.memory_space<vmem>>, vector<16xi32>,
    %get3A_218 = arith.constant 0 : i32
    %get3A_219 = arith.index_cast %get3A_218 : i32 to index
    %get3A_220 = arith.constant 112 : index
    %get3A_221 = tpu.vector_load %arg6[%get3A_219, %get3A_220] {strides = array<i32>} : memref<3x128xi32, #tpu.memory_space<vmem>>, vector<1x16xi32>,
    %get3A_222 = vector.shape_cast %get3A_221 : vector<1x16xi32> to vector<16xi32>
    %get3A_223 = arith.constant 1 : i32
    %get3A_224 = arith.index_cast %get3A_223 : i32 to index
    %get3A_225 = arith.constant 112 : index
    %get3A_226 = tpu.vector_load %arg6[%get3A_224, %get3A_225] {strides = array<i32>} : memref<3x128xi32, #tpu.memory_space<vmem>>, vector<1x16xi32>,
    %get3A_227 = vector.shape_cast %get3A_226 : vector<1x16xi32> to vector<16xi32>
    %mul3A_228 = arith.constant 10240 : i32
    %mul3A_229 = vector.broadcast %mul3A_228 : i32 to vector<16xi32>
    %mul3A_230 = arith.muli %get3A_227, %mul3A_229 : vector<16xi32>
    %add3A_231 = arith.addi %mul3A_230, %get3A_222 : vector<16xi32>
    %swap3A_232 = arith.constant 112 : index
    %swap3A_233 = tpu.vector_load %arg8[%swap3A_232] {strides = array<i32>} : memref<128xi32, #tpu.memory_space<vmem>>, vector<16xi32>,
    %swap3A_234 = vector.shape_cast %swap3A_233 : vector<16xi32> to vector<16xi32>
    %swap3A_235 = vector.shape_cast %add3A_231 : vector<16xi32> to vector<16xi32>
    tpu.vector_store %arg8[%swap3A_232], %swap3A_235 {strides = array<i32>} : memref<128xi32, #tpu.memory_space<vmem>>, vector<16xi32>,
    %get3A_236 = arith.constant 2 : i32
    %get3A_237 = arith.index_cast %get3A_236 : i32 to index
    %get3A_238 = arith.constant 112 : index
    %get3A_239 = tpu.vector_load %arg6[%get3A_237, %get3A_238] {strides = array<i32>} : memref<3x128xi32, #tpu.memory_space<vmem>>, vector<1x16xi32>,
    %get3A_240 = vector.shape_cast %get3A_239 : vector<1x16xi32> to vector<16xi32>
    %swap3A_241 = arith.constant 112 : index
    %swap3A_242 = tpu.vector_load %arg10[%swap3A_241] {strides = array<i32>} : memref<128xi32, #tpu.memory_space<vmem>>, vector<16xi32>,
    %swap3A_243 = vector.shape_cast %swap3A_242 : vector<16xi32> to vector<16xi32>
    %swap3A_244 = vector.shape_cast %get3A_240 : vector<16xi32> to vector<16xi32>
    tpu.vector_store %arg10[%swap3A_241], %swap3A_244 {strides = array<i32>} : memref<128xi32, #tpu.memory_space<vmem>>, vector<16xi32>,
    %add3A_245 = arith.constant 2 : i32
    %add3A_246 = arith.addi %mul3A_2, %add3A_245 : i32
    %dma_start3A_247 = arith.constant 0 : i32
    %dma_start3A_248 = arith.constant 0 : i32
    %dma_start3A_249 = tpu.memref_slice %arg3[%add3A_246, %dma_start3A_247, %dma_start3A_248] : memref<2560x3x128xi32, #tpu.memory_space<hbm>> -> memref<1x3x128xi32, #tpu.memory_space<hbm>>
    %dma_start3A_250 = tpu.memref_squeeze %dma_start3A_249 : memref<1x3x128xi32, #tpu.memory_space<hbm>> -> memref<3x128xi32, #tpu.memory_space<hbm>>
    %dma_start3A_251 = arith.constant 0 : i32
    %dma_start3A_252 = arith.constant 0 : i32
    %dma_start3A_253 = tpu.memref_slice %arg3[%add3A_246, %dma_start3A_251, %dma_start3A_252] : memref<2560x3x128xi32, #tpu.memory_space<hbm>> -> memref<1x3x128xi32, #tpu.memory_space<hbm>>
    %dma_start3A_254 = tpu.memref_squeeze %dma_start3A_253 : memref<1x3x128xi32, #tpu.memory_space<hbm>> -> memref<3x128xi32, #tpu.memory_space<hbm>>
    tpu.enqueue_dma source(%dma_start3A_254 : memref<3x128xi32, #tpu.memory_space<hbm>>) target(%arg6 : memref<3x128xi32, #tpu.memory_space<vmem>>) target_semaphore(%arg15 : memref<!tpu.dma_semaphore, #tpu.memory_space<semaphore_mem>>)
    %dma_start3A_255 = arith.constant 0 : i32
    %dma_start3A_256 = arith.constant 0 : i32
    %dma_start3A_257 = tpu.memref_slice %arg12[%dma_start3A_255, %dma_start3A_256] : memref<128x128xf32, #tpu.memory_space<vmem>> -> memref<64x128xf32, #tpu.memory_space<vmem>>
    %dma_start3A_258 = arith.constant 0 : i32
    %dma_start3A_259 = tpu.memref_slice %arg8[%dma_start3A_258] : memref<128xi32, #tpu.memory_space<vmem>> -> memref<64xi32, #tpu.memory_space<vmem>>
    %dma_start3A_260 = arith.constant 0 : i32
    %dma_start3A_261 = arith.constant 0 : i32
    %dma_start3A_262 = tpu.memref_slice %arg2[%dma_start3A_260, %dma_start3A_261] : memref<40960x128xf32, #tpu.memory_space<hbm>> -> memref<40960x128xf32, #tpu.memory_space<hbm>>
    tpu.enqueue_indirect_dma source(%dma_start3A_262 : memref<40960x128xf32, #tpu.memory_space<hbm>>) target(%dma_start3A_257 : memref<64x128xf32, #tpu.memory_space<vmem>>) offsets(%dma_start3A_259 : memref<64xi32, #tpu.memory_space<vmem>>) semaphore(%arg17 : memref<!tpu.dma_semaphore, #tpu.memory_space<semaphore_mem>>)
    %dma_start3A_263 = arith.constant 64 : i32
    %dma_start3A_264 = arith.constant 0 : i32
    %dma_start3A_265 = tpu.memref_slice %arg12[%dma_start3A_263, %dma_start3A_264] : memref<128x128xf32, #tpu.memory_space<vmem>> -> memref<64x128xf32, #tpu.memory_space<vmem>>
    %dma_start3A_266 = arith.constant 64 : i32
    %dma_start3A_267 = tpu.memref_slice %arg8[%dma_start3A_266] : memref<128xi32, #tpu.memory_space<vmem>> -> memref<64xi32, #tpu.memory_space<vmem>>
    %dma_start3A_268 = arith.constant 0 : i32
    %dma_start3A_269 = arith.constant 0 : i32
    %dma_start3A_270 = tpu.memref_slice %arg2[%dma_start3A_268, %dma_start3A_269] : memref<40960x128xf32, #tpu.memory_space<hbm>> -> memref<40960x128xf32, #tpu.memory_space<hbm>>
    tpu.enqueue_indirect_dma source(%dma_start3A_270 : memref<40960x128xf32, #tpu.memory_space<hbm>>) target(%dma_start3A_265 : memref<64x128xf32, #tpu.memory_space<vmem>>) offsets(%dma_start3A_267 : memref<64xi32, #tpu.memory_space<vmem>>) semaphore(%arg17 : memref<!tpu.dma_semaphore, #tpu.memory_space<semaphore_mem>>)
    %scan3A = arith.constant 0 : i32
    %scan3A_271 = arith.constant 0 : i32
    %scan3A_272 = arith.constant 40 : i32
    %scan3A_273 = arith.addi %scan3A_271, %scan3A_272 : i32
    %scan3A_274 = arith.constant 1 : i32
    scf.for %scan3A_283 = %scan3A_271 to %scan3A_273 step %scan3A_274  : i32 {
      %mul3A_284 = arith.constant 2 : i32
      %mul3A_285 = arith.muli %scan3A_283, %mul3A_284 : i32
      %add3A_286 = arith.constant 0 : i32
      %add3A_287 = arith.addi %mul3A_285, %add3A_286 : i32
      %add3A_288 = arith.constant 1 : i32
      %add3A_289 = arith.addi %add3A_287, %add3A_288 : i32
      %lt3A = arith.constant 80 : i32
      %lt3A_290 = arith.cmpi slt, %add3A_289, %lt3A : i32
      %convert_element_type3A = arith.extui %lt3A_290 : i1 to i32
      %cond3A = arith.constant 0 : i32
      %cond3A_291 = arith.cmpi ne, %convert_element_type3A, %cond3A : i32
      scf.if %cond3A_291 {
        %dma_wait3A_341 = arith.constant 0 : i32
        %dma_wait3A_342 = arith.constant 0 : i32
        %dma_wait3A_343 = tpu.memref_slice %arg3[%mul3A_2, %dma_wait3A_341, %dma_wait3A_342] : memref<2560x3x128xi32, #tpu.memory_space<hbm>> -> memref<1x3x128xi32, #tpu.memory_space<hbm>>
        %dma_wait3A_344 = tpu.memref_squeeze %dma_wait3A_343 : memref<1x3x128xi32, #tpu.memory_space<hbm>> -> memref<3x128xi32, #tpu.memory_space<hbm>>
        %dma_wait3A_345 = arith.constant 0 : i32
        %dma_wait3A_346 = arith.constant 0 : i32
        %dma_wait3A_347 = tpu.memref_slice %arg3[%mul3A_2, %dma_wait3A_345, %dma_wait3A_346] : memref<2560x3x128xi32, #tpu.memory_space<hbm>> -> memref<1x3x128xi32, #tpu.memory_space<hbm>>
        %dma_wait3A_348 = tpu.memref_squeeze %dma_wait3A_347 : memref<1x3x128xi32, #tpu.memory_space<hbm>> -> memref<3x128xi32, #tpu.memory_space<hbm>>
        tpu.wait_dma2 semaphore(%arg16 : memref<!tpu.dma_semaphore, #tpu.memory_space<semaphore_mem>>) src(%dma_wait3A_348 : memref<3x128xi32, #tpu.memory_space<hbm>>) dst(%arg7 : memref<3x128xi32, #tpu.memory_space<vmem>>)
        %gt3A = arith.constant 0 : i32
        %gt3A_349 = arith.cmpi sgt, %scan3A_283, %gt3A : i32
        %convert_element_type3A_350 = arith.extui %gt3A_349 : i1 to i32
        %cond3A_351 = arith.constant 0 : i32
        %cond3A_352 = arith.cmpi ne, %convert_element_type3A_350, %cond3A_351 : i32
        scf.if %cond3A_352 {
          %dma_wait3A_592 = arith.constant 0 : i32
          %dma_wait3A_593 = arith.constant 0 : i32
          %dma_wait3A_594 = tpu.memref_slice %arg14[%dma_wait3A_592, %dma_wait3A_593] : memref<10240x128xf32, #tpu.memory_space<vmem_shared>> -> memref<10240x128xf32, #tpu.memory_space<vmem_shared>>
          tpu.wait_indirect_dma semaphore(%arg20 : memref<!tpu.dma_semaphore, #tpu.memory_space<semaphore_mem>>) src(%arg13 : memref<128x128xf32, #tpu.memory_space<vmem>>) dst(%dma_wait3A_594 : memref<10240x128xf32, #tpu.memory_space<vmem_shared>>)
        } else {
        }
        %get3A_353 = arith.constant 0 : i32
        %get3A_354 = arith.index_cast %get3A_353 : i32 to index
        %get3A_355 = arith.constant 0 : index
        %get3A_356 = tpu.vector_load %arg7[%get3A_354, %get3A_355] {strides = array<i32>} : memref<3x128xi32, #tpu.memory_space<vmem>>, vector<1x16xi32>,
        %get3A_357 = vector.shape_cast %get3A_356 : vector<1x16xi32> to vector<16xi32>
        %get3A_358 = arith.constant 1 : i32
        %get3A_359 = arith.index_cast %get3A_358 : i32 to index
        %get3A_360 = arith.constant 0 : index
        %get3A_361 = tpu.vector_load %arg7[%get3A_359, %get3A_360] {strides = array<i32>} : memref<3x128xi32, #tpu.memory_space<vmem>>, vector<1x16xi32>,
        %get3A_362 = vector.shape_cast %get3A_361 : vector<1x16xi32> to vector<16xi32>
        %mul3A_363 = arith.constant 10240 : i32
        %mul3A_364 = vector.broadcast %mul3A_363 : i32 to vector<16xi32>
        %mul3A_365 = arith.muli %get3A_362, %mul3A_364 : vector<16xi32>
        %add3A_366 = arith.addi %mul3A_365, %get3A_357 : vector<16xi32>
        %swap3A_367 = arith.constant 0 : index
        %swap3A_368 = tpu.vector_load %arg9[%swap3A_367] {strides = array<i32>} : memref<128xi32, #tpu.memory_space<vmem>>, vector<16xi32>,
        %swap3A_369 = vector.shape_cast %swap3A_368 : vector<16xi32> to vector<16xi32>
        %swap3A_370 = vector.shape_cast %add3A_366 : vector<16xi32> to vector<16xi32>
        tpu.vector_store %arg9[%swap3A_367], %swap3A_370 {strides = array<i32>} : memref<128xi32, #tpu.memory_space<vmem>>, vector<16xi32>,
        %get3A_371 = arith.constant 2 : i32
        %get3A_372 = arith.index_cast %get3A_371 : i32 to index
        %get3A_373 = arith.constant 0 : index
        %get3A_374 = tpu.vector_load %arg7[%get3A_372, %get3A_373] {strides = array<i32>} : memref<3x128xi32, #tpu.memory_space<vmem>>, vector<1x16xi32>,
        %get3A_375 = vector.shape_cast %get3A_374 : vector<1x16xi32> to vector<16xi32>
        %swap3A_376 = arith.constant 0 : index
        %swap3A_377 = tpu.vector_load %arg11[%swap3A_376] {strides = array<i32>} : memref<128xi32, #tpu.memory_space<vmem>>, vector<16xi32>,
        %swap3A_378 = vector.shape_cast %swap3A_377 : vector<16xi32> to vector<16xi32>
        %swap3A_379 = vector.shape_cast %get3A_375 : vector<16xi32> to vector<16xi32>
        tpu.vector_store %arg11[%swap3A_376], %swap3A_379 {strides = array<i32>} : memref<128xi32, #tpu.memory_space<vmem>>, vector<16xi32>,
        %get3A_380 = arith.constant 0 : i32
        %get3A_381 = arith.index_cast %get3A_380 : i32 to index
        %get3A_382 = arith.constant 16 : index
        %get3A_383 = tpu.vector_load %arg7[%get3A_381, %get3A_382] {strides = array<i32>} : memref<3x128xi32, #tpu.memory_space<vmem>>, vector<1x16xi32>,
        %get3A_384 = vector.shape_cast %get3A_383 : vector<1x16xi32> to vector<16xi32>
        %get3A_385 = arith.constant 1 : i32
        %get3A_386 = arith.index_cast %get3A_385 : i32 to index
        %get3A_387 = arith.constant 16 : index
        %get3A_388 = tpu.vector_load %arg7[%get3A_386, %get3A_387] {strides = array<i32>} : memref<3x128xi32, #tpu.memory_space<vmem>>, vector<1x16xi32>,
        %get3A_389 = vector.shape_cast %get3A_388 : vector<1x16xi32> to vector<16xi32>
        %mul3A_390 = arith.constant 10240 : i32
        %mul3A_391 = vector.broadcast %mul3A_390 : i32 to vector<16xi32>
        %mul3A_392 = arith.muli %get3A_389, %mul3A_391 : vector<16xi32>
        %add3A_393 = arith.addi %mul3A_392, %get3A_384 : vector<16xi32>
        %swap3A_394 = arith.constant 16 : index
        %swap3A_395 = tpu.vector_load %arg9[%swap3A_394] {strides = array<i32>} : memref<128xi32, #tpu.memory_space<vmem>>, vector<16xi32>,
        %swap3A_396 = vector.shape_cast %swap3A_395 : vector<16xi32> to vector<16xi32>
        %swap3A_397 = vector.shape_cast %add3A_393 : vector<16xi32> to vector<16xi32>
        tpu.vector_store %arg9[%swap3A_394], %swap3A_397 {strides = array<i32>} : memref<128xi32, #tpu.memory_space<vmem>>, vector<16xi32>,
        %get3A_398 = arith.constant 2 : i32
        %get3A_399 = arith.index_cast %get3A_398 : i32 to index
        %get3A_400 = arith.constant 16 : index
        %get3A_401 = tpu.vector_load %arg7[%get3A_399, %get3A_400] {strides = array<i32>} : memref<3x128xi32, #tpu.memory_space<vmem>>, vector<1x16xi32>,
        %get3A_402 = vector.shape_cast %get3A_401 : vector<1x16xi32> to vector<16xi32>
        %swap3A_403 = arith.constant 16 : index
        %swap3A_404 = tpu.vector_load %arg11[%swap3A_403] {strides = array<i32>} : memref<128xi32, #tpu.memory_space<vmem>>, vector<16xi32>,
        %swap3A_405 = vector.shape_cast %swap3A_404 : vector<16xi32> to vector<16xi32>
        %swap3A_406 = vector.shape_cast %get3A_402 : vector<16xi32> to vector<16xi32>
        tpu.vector_store %arg11[%swap3A_403], %swap3A_406 {strides = array<i32>} : memref<128xi32, #tpu.memory_space<vmem>>, vector<16xi32>,
        %get3A_407 = arith.constant 0 : i32
        %get3A_408 = arith.index_cast %get3A_407 : i32 to index
        %get3A_409 = arith.constant 32 : index
        %get3A_410 = tpu.vector_load %arg7[%get3A_408, %get3A_409] {strides = array<i32>} : memref<3x128xi32, #tpu.memory_space<vmem>>, vector<1x16xi32>,
        %get3A_411 = vector.shape_cast %get3A_410 : vector<1x16xi32> to vector<16xi32>
        %get3A_412 = arith.constant 1 : i32
        %get3A_413 = arith.index_cast %get3A_412 : i32 to index
        %get3A_414 = arith.constant 32 : index
        %get3A_415 = tpu.vector_load %arg7[%get3A_413, %get3A_414] {strides = array<i32>} : memref<3x128xi32, #tpu.memory_space<vmem>>, vector<1x16xi32>,
        %get3A_416 = vector.shape_cast %get3A_415 : vector<1x16xi32> to vector<16xi32>
        %mul3A_417 = arith.constant 10240 : i32
        %mul3A_418 = vector.broadcast %mul3A_417 : i32 to vector<16xi32>
        %mul3A_419 = arith.muli %get3A_416, %mul3A_418 : vector<16xi32>
        %add3A_420 = arith.addi %mul3A_419, %get3A_411 : vector<16xi32>
        %swap3A_421 = arith.constant 32 : index
        %swap3A_422 = tpu.vector_load %arg9[%swap3A_421] {strides = array<i32>} : memref<128xi32, #tpu.memory_space<vmem>>, vector<16xi32>,
        %swap3A_423 = vector.shape_cast %swap3A_422 : vector<16xi32> to vector<16xi32>
        %swap3A_424 = vector.shape_cast %add3A_420 : vector<16xi32> to vector<16xi32>
        tpu.vector_store %arg9[%swap3A_421], %swap3A_424 {strides = array<i32>} : memref<128xi32, #tpu.memory_space<vmem>>, vector<16xi32>,
        %get3A_425 = arith.constant 2 : i32
        %get3A_426 = arith.index_cast %get3A_425 : i32 to index
        %get3A_427 = arith.constant 32 : index
        %get3A_428 = tpu.vector_load %arg7[%get3A_426, %get3A_427] {strides = array<i32>} : memref<3x128xi32, #tpu.memory_space<vmem>>, vector<1x16xi32>,
        %get3A_429 = vector.shape_cast %get3A_428 : vector<1x16xi32> to vector<16xi32>
        %swap3A_430 = arith.constant 32 : index
        %swap3A_431 = tpu.vector_load %arg11[%swap3A_430] {strides = array<i32>} : memref<128xi32, #tpu.memory_space<vmem>>, vector<16xi32>,
        %swap3A_432 = vector.shape_cast %swap3A_431 : vector<16xi32> to vector<16xi32>
        %swap3A_433 = vector.shape_cast %get3A_429 : vector<16xi32> to vector<16xi32>
        tpu.vector_store %arg11[%swap3A_430], %swap3A_433 {strides = array<i32>} : memref<128xi32, #tpu.memory_space<vmem>>, vector<16xi32>,
        %get3A_434 = arith.constant 0 : i32
        %get3A_435 = arith.index_cast %get3A_434 : i32 to index
        %get3A_436 = arith.constant 48 : index
        %get3A_437 = tpu.vector_load %arg7[%get3A_435, %get3A_436] {strides = array<i32>} : memref<3x128xi32, #tpu.memory_space<vmem>>, vector<1x16xi32>,
        %get3A_438 = vector.shape_cast %get3A_437 : vector<1x16xi32> to vector<16xi32>
        %get3A_439 = arith.constant 1 : i32
        %get3A_440 = arith.index_cast %get3A_439 : i32 to index
        %get3A_441 = arith.constant 48 : index
        %get3A_442 = tpu.vector_load %arg7[%get3A_440, %get3A_441] {strides = array<i32>} : memref<3x128xi32, #tpu.memory_space<vmem>>, vector<1x16xi32>,
        %get3A_443 = vector.shape_cast %get3A_442 : vector<1x16xi32> to vector<16xi32>
        %mul3A_444 = arith.constant 10240 : i32
        %mul3A_445 = vector.broadcast %mul3A_444 : i32 to vector<16xi32>
        %mul3A_446 = arith.muli %get3A_443, %mul3A_445 : vector<16xi32>
        %add3A_447 = arith.addi %mul3A_446, %get3A_438 : vector<16xi32>
        %swap3A_448 = arith.constant 48 : index
        %swap3A_449 = tpu.vector_load %arg9[%swap3A_448] {strides = array<i32>} : memref<128xi32, #tpu.memory_space<vmem>>, vector<16xi32>,
        %swap3A_450 = vector.shape_cast %swap3A_449 : vector<16xi32> to vector<16xi32>
        %swap3A_451 = vector.shape_cast %add3A_447 : vector<16xi32> to vector<16xi32>
        tpu.vector_store %arg9[%swap3A_448], %swap3A_451 {strides = array<i32>} : memref<128xi32, #tpu.memory_space<vmem>>, vector<16xi32>,
        %get3A_452 = arith.constant 2 : i32
        %get3A_453 = arith.index_cast %get3A_452 : i32 to index
        %get3A_454 = arith.constant 48 : index
        %get3A_455 = tpu.vector_load %arg7[%get3A_453, %get3A_454] {strides = array<i32>} : memref<3x128xi32, #tpu.memory_space<vmem>>, vector<1x16xi32>,
        %get3A_456 = vector.shape_cast %get3A_455 : vector<1x16xi32> to vector<16xi32>
        %swap3A_457 = arith.constant 48 : index
        %swap3A_458 = tpu.vector_load %arg11[%swap3A_457] {strides = array<i32>} : memref<128xi32, #tpu.memory_space<vmem>>, vector<16xi32>,
        %swap3A_459 = vector.shape_cast %swap3A_458 : vector<16xi32> to vector<16xi32>
        %swap3A_460 = vector.shape_cast %get3A_456 : vector<16xi32> to vector<16xi32>
        tpu.vector_store %arg11[%swap3A_457], %swap3A_460 {strides = array<i32>} : memref<128xi32, #tpu.memory_space<vmem>>, vector<16xi32>,
        %get3A_461 = arith.constant 0 : i32
        %get3A_462 = arith.index_cast %get3A_461 : i32 to index
        %get3A_463 = arith.constant 64 : index
        %get3A_464 = tpu.vector_load %arg7[%get3A_462, %get3A_463] {strides = array<i32>} : memref<3x128xi32, #tpu.memory_space<vmem>>, vector<1x16xi32>,
        %get3A_465 = vector.shape_cast %get3A_464 : vector<1x16xi32> to vector<16xi32>
        %get3A_466 = arith.constant 1 : i32
        %get3A_467 = arith.index_cast %get3A_466 : i32 to index
        %get3A_468 = arith.constant 64 : index
        %get3A_469 = tpu.vector_load %arg7[%get3A_467, %get3A_468] {strides = array<i32>} : memref<3x128xi32, #tpu.memory_space<vmem>>, vector<1x16xi32>,
        %get3A_470 = vector.shape_cast %get3A_469 : vector<1x16xi32> to vector<16xi32>
        %mul3A_471 = arith.constant 10240 : i32
        %mul3A_472 = vector.broadcast %mul3A_471 : i32 to vector<16xi32>
        %mul3A_473 = arith.muli %get3A_470, %mul3A_472 : vector<16xi32>
        %add3A_474 = arith.addi %mul3A_473, %get3A_465 : vector<16xi32>
        %swap3A_475 = arith.constant 64 : index
        %swap3A_476 = tpu.vector_load %arg9[%swap3A_475] {strides = array<i32>} : memref<128xi32, #tpu.memory_space<vmem>>, vector<16xi32>,
        %swap3A_477 = vector.shape_cast %swap3A_476 : vector<16xi32> to vector<16xi32>
        %swap3A_478 = vector.shape_cast %add3A_474 : vector<16xi32> to vector<16xi32>
        tpu.vector_store %arg9[%swap3A_475], %swap3A_478 {strides = array<i32>} : memref<128xi32, #tpu.memory_space<vmem>>, vector<16xi32>,
        %get3A_479 = arith.constant 2 : i32
        %get3A_480 = arith.index_cast %get3A_479 : i32 to index
        %get3A_481 = arith.constant 64 : index
        %get3A_482 = tpu.vector_load %arg7[%get3A_480, %get3A_481] {strides = array<i32>} : memref<3x128xi32, #tpu.memory_space<vmem>>, vector<1x16xi32>,
        %get3A_483 = vector.shape_cast %get3A_482 : vector<1x16xi32> to vector<16xi32>
        %swap3A_484 = arith.constant 64 : index
        %swap3A_485 = tpu.vector_load %arg11[%swap3A_484] {strides = array<i32>} : memref<128xi32, #tpu.memory_space<vmem>>, vector<16xi32>,
        %swap3A_486 = vector.shape_cast %swap3A_485 : vector<16xi32> to vector<16xi32>
        %swap3A_487 = vector.shape_cast %get3A_483 : vector<16xi32> to vector<16xi32>
        tpu.vector_store %arg11[%swap3A_484], %swap3A_487 {strides = array<i32>} : memref<128xi32, #tpu.memory_space<vmem>>, vector<16xi32>,
        %get3A_488 = arith.constant 0 : i32
        %get3A_489 = arith.index_cast %get3A_488 : i32 to index
        %get3A_490 = arith.constant 80 : index
        %get3A_491 = tpu.vector_load %arg7[%get3A_489, %get3A_490] {strides = array<i32>} : memref<3x128xi32, #tpu.memory_space<vmem>>, vector<1x16xi32>,
        %get3A_492 = vector.shape_cast %get3A_491 : vector<1x16xi32> to vector<16xi32>
        %get3A_493 = arith.constant 1 : i32
        %get3A_494 = arith.index_cast %get3A_493 : i32 to index
        %get3A_495 = arith.constant 80 : index
        %get3A_496 = tpu.vector_load %arg7[%get3A_494, %get3A_495] {strides = array<i32>} : memref<3x128xi32, #tpu.memory_space<vmem>>, vector<1x16xi32>,
        %get3A_497 = vector.shape_cast %get3A_496 : vector<1x16xi32> to vector<16xi32>
        %mul3A_498 = arith.constant 10240 : i32
        %mul3A_499 = vector.broadcast %mul3A_498 : i32 to vector<16xi32>
        %mul3A_500 = arith.muli %get3A_497, %mul3A_499 : vector<16xi32>
        %add3A_501 = arith.addi %mul3A_500, %get3A_492 : vector<16xi32>
        %swap3A_502 = arith.constant 80 : index
        %swap3A_503 = tpu.vector_load %arg9[%swap3A_502] {strides = array<i32>} : memref<128xi32, #tpu.memory_space<vmem>>, vector<16xi32>,
        %swap3A_504 = vector.shape_cast %swap3A_503 : vector<16xi32> to vector<16xi32>
        %swap3A_505 = vector.shape_cast %add3A_501 : vector<16xi32> to vector<16xi32>
        tpu.vector_store %arg9[%swap3A_502], %swap3A_505 {strides = array<i32>} : memref<128xi32, #tpu.memory_space<vmem>>, vector<16xi32>,
        %get3A_506 = arith.constant 2 : i32
        %get3A_507 = arith.index_cast %get3A_506 : i32 to index
        %get3A_508 = arith.constant 80 : index
        %get3A_509 = tpu.vector_load %arg7[%get3A_507, %get3A_508] {strides = array<i32>} : memref<3x128xi32, #tpu.memory_space<vmem>>, vector<1x16xi32>,
        %get3A_510 = vector.shape_cast %get3A_509 : vector<1x16xi32> to vector<16xi32>
        %swap3A_511 = arith.constant 80 : index
        %swap3A_512 = tpu.vector_load %arg11[%swap3A_511] {strides = array<i32>} : memref<128xi32, #tpu.memory_space<vmem>>, vector<16xi32>,
        %swap3A_513 = vector.shape_cast %swap3A_512 : vector<16xi32> to vector<16xi32>
        %swap3A_514 = vector.shape_cast %get3A_510 : vector<16xi32> to vector<16xi32>
        tpu.vector_store %arg11[%swap3A_511], %swap3A_514 {strides = array<i32>} : memref<128xi32, #tpu.memory_space<vmem>>, vector<16xi32>,
        %get3A_515 = arith.constant 0 : i32
        %get3A_516 = arith.index_cast %get3A_515 : i32 to index
        %get3A_517 = arith.constant 96 : index
        %get3A_518 = tpu.vector_load %arg7[%get3A_516, %get3A_517] {strides = array<i32>} : memref<3x128xi32, #tpu.memory_space<vmem>>, vector<1x16xi32>,
        %get3A_519 = vector.shape_cast %get3A_518 : vector<1x16xi32> to vector<16xi32>
        %get3A_520 = arith.constant 1 : i32
        %get3A_521 = arith.index_cast %get3A_520 : i32 to index
        %get3A_522 = arith.constant 96 : index
        %get3A_523 = tpu.vector_load %arg7[%get3A_521, %get3A_522] {strides = array<i32>} : memref<3x128xi32, #tpu.memory_space<vmem>>, vector<1x16xi32>,
        %get3A_524 = vector.shape_cast %get3A_523 : vector<1x16xi32> to vector<16xi32>
        %mul3A_525 = arith.constant 10240 : i32
        %mul3A_526 = vector.broadcast %mul3A_525 : i32 to vector<16xi32>
        %mul3A_527 = arith.muli %get3A_524, %mul3A_526 : vector<16xi32>
        %add3A_528 = arith.addi %mul3A_527, %get3A_519 : vector<16xi32>
        %swap3A_529 = arith.constant 96 : index
        %swap3A_530 = tpu.vector_load %arg9[%swap3A_529] {strides = array<i32>} : memref<128xi32, #tpu.memory_space<vmem>>, vector<16xi32>,
        %swap3A_531 = vector.shape_cast %swap3A_530 : vector<16xi32> to vector<16xi32>
        %swap3A_532 = vector.shape_cast %add3A_528 : vector<16xi32> to vector<16xi32>
        tpu.vector_store %arg9[%swap3A_529], %swap3A_532 {strides = array<i32>} : memref<128xi32, #tpu.memory_space<vmem>>, vector<16xi32>,
        %get3A_533 = arith.constant 2 : i32
        %get3A_534 = arith.index_cast %get3A_533 : i32 to index
        %get3A_535 = arith.constant 96 : index
        %get3A_536 = tpu.vector_load %arg7[%get3A_534, %get3A_535] {strides = array<i32>} : memref<3x128xi32, #tpu.memory_space<vmem>>, vector<1x16xi32>,
        %get3A_537 = vector.shape_cast %get3A_536 : vector<1x16xi32> to vector<16xi32>
        %swap3A_538 = arith.constant 96 : index
        %swap3A_539 = tpu.vector_load %arg11[%swap3A_538] {strides = array<i32>} : memref<128xi32, #tpu.memory_space<vmem>>, vector<16xi32>,
        %swap3A_540 = vector.shape_cast %swap3A_539 : vector<16xi32> to vector<16xi32>
        %swap3A_541 = vector.shape_cast %get3A_537 : vector<16xi32> to vector<16xi32>
        tpu.vector_store %arg11[%swap3A_538], %swap3A_541 {strides = array<i32>} : memref<128xi32, #tpu.memory_space<vmem>>, vector<16xi32>,
        %get3A_542 = arith.constant 0 : i32
        %get3A_543 = arith.index_cast %get3A_542 : i32 to index
        %get3A_544 = arith.constant 112 : index
        %get3A_545 = tpu.vector_load %arg7[%get3A_543, %get3A_544] {strides = array<i32>} : memref<3x128xi32, #tpu.memory_space<vmem>>, vector<1x16xi32>,
        %get3A_546 = vector.shape_cast %get3A_545 : vector<1x16xi32> to vector<16xi32>
        %get3A_547 = arith.constant 1 : i32
        %get3A_548 = arith.index_cast %get3A_547 : i32 to index
        %get3A_549 = arith.constant 112 : index
        %get3A_550 = tpu.vector_load %arg7[%get3A_548, %get3A_549] {strides = array<i32>} : memref<3x128xi32, #tpu.memory_space<vmem>>, vector<1x16xi32>,
        %get3A_551 = vector.shape_cast %get3A_550 : vector<1x16xi32> to vector<16xi32>
        %mul3A_552 = arith.constant 10240 : i32
        %mul3A_553 = vector.broadcast %mul3A_552 : i32 to vector<16xi32>
        %mul3A_554 = arith.muli %get3A_551, %mul3A_553 : vector<16xi32>
        %add3A_555 = arith.addi %mul3A_554, %get3A_546 : vector<16xi32>
        %swap3A_556 = arith.constant 112 : index
        %swap3A_557 = tpu.vector_load %arg9[%swap3A_556] {strides = array<i32>} : memref<128xi32, #tpu.memory_space<vmem>>, vector<16xi32>,
        %swap3A_558 = vector.shape_cast %swap3A_557 : vector<16xi32> to vector<16xi32>
        %swap3A_559 = vector.shape_cast %add3A_555 : vector<16xi32> to vector<16xi32>
        tpu.vector_store %arg9[%swap3A_556], %swap3A_559 {strides = array<i32>} : memref<128xi32, #tpu.memory_space<vmem>>, vector<16xi32>,
        %get3A_560 = arith.constant 2 : i32
        %get3A_561 = arith.index_cast %get3A_560 : i32 to index
        %get3A_562 = arith.constant 112 : index
        %get3A_563 = tpu.vector_load %arg7[%get3A_561, %get3A_562] {strides = array<i32>} : memref<3x128xi32, #tpu.memory_space<vmem>>, vector<1x16xi32>,
        %get3A_564 = vector.shape_cast %get3A_563 : vector<1x16xi32> to vector<16xi32>
        %swap3A_565 = arith.constant 112 : index
        %swap3A_566 = tpu.vector_load %arg11[%swap3A_565] {strides = array<i32>} : memref<128xi32, #tpu.memory_space<vmem>>, vector<16xi32>,
        %swap3A_567 = vector.shape_cast %swap3A_566 : vector<16xi32> to vector<16xi32>
        %swap3A_568 = vector.shape_cast %get3A_564 : vector<16xi32> to vector<16xi32>
        tpu.vector_store %arg11[%swap3A_565], %swap3A_568 {strides = array<i32>} : memref<128xi32, #tpu.memory_space<vmem>>, vector<16xi32>,
        %add3A_569 = arith.constant 2 : i32
        %add3A_570 = arith.addi %add3A_289, %add3A_569 : i32
        %lt3A_571 = arith.constant 80 : i32
        %lt3A_572 = arith.cmpi slt, %add3A_570, %lt3A_571 : i32
        %convert_element_type3A_573 = arith.extui %lt3A_572 : i1 to i32
        %cond3A_574 = arith.constant 0 : i32
        %cond3A_575 = arith.cmpi ne, %convert_element_type3A_573, %cond3A_574 : i32
        scf.if %cond3A_575 {
          %add3A_592 = arith.constant 2 : i32
          %add3A_593 = arith.addi %add3A_289, %add3A_592 : i32
          %add3A_594 = arith.addi %mul3A_2, %add3A_593 : i32
          %dma_start3A_595 = arith.constant 0 : i32
          %dma_start3A_596 = arith.constant 0 : i32
          %dma_start3A_597 = tpu.memref_slice %arg3[%add3A_594, %dma_start3A_595, %dma_start3A_596] : memref<2560x3x128xi32, #tpu.memory_space<hbm>> -> memref<1x3x128xi32, #tpu.memory_space<hbm>>
          %dma_start3A_598 = tpu.memref_squeeze %dma_start3A_597 : memref<1x3x128xi32, #tpu.memory_space<hbm>> -> memref<3x128xi32, #tpu.memory_space<hbm>>
          %dma_start3A_599 = arith.constant 0 : i32
          %dma_start3A_600 = arith.constant 0 : i32
          %dma_start3A_601 = tpu.memref_slice %arg3[%add3A_594, %dma_start3A_599, %dma_start3A_600] : memref<2560x3x128xi32, #tpu.memory_space<hbm>> -> memref<1x3x128xi32, #tpu.memory_space<hbm>>
          %dma_start3A_602 = tpu.memref_squeeze %dma_start3A_601 : memref<1x3x128xi32, #tpu.memory_space<hbm>> -> memref<3x128xi32, #tpu.memory_space<hbm>>
          tpu.enqueue_dma source(%dma_start3A_602 : memref<3x128xi32, #tpu.memory_space<hbm>>) target(%arg7 : memref<3x128xi32, #tpu.memory_space<vmem>>) target_semaphore(%arg16 : memref<!tpu.dma_semaphore, #tpu.memory_space<semaphore_mem>>)
        } else {
        }
        %dma_start3A_576 = arith.constant 0 : i32
        %dma_start3A_577 = arith.constant 0 : i32
        %dma_start3A_578 = tpu.memref_slice %arg13[%dma_start3A_576, %dma_start3A_577] : memref<128x128xf32, #tpu.memory_space<vmem>> -> memref<64x128xf32, #tpu.memory_space<vmem>>
        %dma_start3A_579 = arith.constant 0 : i32
        %dma_start3A_580 = tpu.memref_slice %arg9[%dma_start3A_579] : memref<128xi32, #tpu.memory_space<vmem>> -> memref<64xi32, #tpu.memory_space<vmem>>
        %dma_start3A_581 = arith.constant 0 : i32
        %dma_start3A_582 = arith.constant 0 : i32
        %dma_start3A_583 = tpu.memref_slice %arg2[%dma_start3A_581, %dma_start3A_582] : memref<40960x128xf32, #tpu.memory_space<hbm>> -> memref<40960x128xf32, #tpu.memory_space<hbm>>
        tpu.enqueue_indirect_dma source(%dma_start3A_583 : memref<40960x128xf32, #tpu.memory_space<hbm>>) target(%dma_start3A_578 : memref<64x128xf32, #tpu.memory_space<vmem>>) offsets(%dma_start3A_580 : memref<64xi32, #tpu.memory_space<vmem>>) semaphore(%arg18 : memref<!tpu.dma_semaphore, #tpu.memory_space<semaphore_mem>>)
        %dma_start3A_584 = arith.constant 64 : i32
        %dma_start3A_585 = arith.constant 0 : i32
        %dma_start3A_586 = tpu.memref_slice %arg13[%dma_start3A_584, %dma_start3A_585] : memref<128x128xf32, #tpu.memory_space<vmem>> -> memref<64x128xf32, #tpu.memory_space<vmem>>
        %dma_start3A_587 = arith.constant 64 : i32
        %dma_start3A_588 = tpu.memref_slice %arg9[%dma_start3A_587] : memref<128xi32, #tpu.memory_space<vmem>> -> memref<64xi32, #tpu.memory_space<vmem>>
        %dma_start3A_589 = arith.constant 0 : i32
        %dma_start3A_590 = arith.constant 0 : i32
        %dma_start3A_591 = tpu.memref_slice %arg2[%dma_start3A_589, %dma_start3A_590] : memref<40960x128xf32, #tpu.memory_space<hbm>> -> memref<40960x128xf32, #tpu.memory_space<hbm>>
        tpu.enqueue_indirect_dma source(%dma_start3A_591 : memref<40960x128xf32, #tpu.memory_space<hbm>>) target(%dma_start3A_586 : memref<64x128xf32, #tpu.memory_space<vmem>>) offsets(%dma_start3A_588 : memref<64xi32, #tpu.memory_space<vmem>>) semaphore(%arg18 : memref<!tpu.dma_semaphore, #tpu.memory_space<semaphore_mem>>)
      } else {
      }
      %dma_wait3A_292 = arith.constant 0 : i32
      %dma_wait3A_293 = arith.constant 0 : i32
      %dma_wait3A_294 = tpu.memref_slice %arg12[%dma_wait3A_292, %dma_wait3A_293] : memref<128x128xf32, #tpu.memory_space<vmem>> -> memref<64x128xf32, #tpu.memory_space<vmem>>
      %dma_wait3A_295 = arith.constant 0 : i32
      %dma_wait3A_296 = tpu.memref_slice %arg8[%dma_wait3A_295] : memref<128xi32, #tpu.memory_space<vmem>> -> memref<64xi32, #tpu.memory_space<vmem>>
      %dma_wait3A_297 = arith.constant 0 : i32
      %dma_wait3A_298 = arith.constant 0 : i32
      %dma_wait3A_299 = tpu.memref_slice %arg2[%dma_wait3A_297, %dma_wait3A_298] : memref<40960x128xf32, #tpu.memory_space<hbm>> -> memref<40960x128xf32, #tpu.memory_space<hbm>>
      tpu.wait_indirect_dma semaphore(%arg17 : memref<!tpu.dma_semaphore, #tpu.memory_space<semaphore_mem>>) src(%dma_wait3A_299 : memref<40960x128xf32, #tpu.memory_space<hbm>>) dst(%dma_wait3A_294 : memref<64x128xf32, #tpu.memory_space<vmem>>)
      %dma_wait3A_300 = arith.constant 64 : i32
      %dma_wait3A_301 = arith.constant 0 : i32
      %dma_wait3A_302 = tpu.memref_slice %arg12[%dma_wait3A_300, %dma_wait3A_301] : memref<128x128xf32, #tpu.memory_space<vmem>> -> memref<64x128xf32, #tpu.memory_space<vmem>>
      %dma_wait3A_303 = arith.constant 64 : i32
      %dma_wait3A_304 = tpu.memref_slice %arg8[%dma_wait3A_303] : memref<128xi32, #tpu.memory_space<vmem>> -> memref<64xi32, #tpu.memory_space<vmem>>
      %dma_wait3A_305 = arith.constant 0 : i32
      %dma_wait3A_306 = arith.constant 0 : i32
      %dma_wait3A_307 = tpu.memref_slice %arg2[%dma_wait3A_305, %dma_wait3A_306] : memref<40960x128xf32, #tpu.memory_space<hbm>> -> memref<40960x128xf32, #tpu.memory_space<hbm>>
      tpu.wait_indirect_dma semaphore(%arg17 : memref<!tpu.dma_semaphore, #tpu.memory_space<semaphore_mem>>) src(%dma_wait3A_307 : memref<40960x128xf32, #tpu.memory_space<hbm>>) dst(%dma_wait3A_302 : memref<64x128xf32, #tpu.memory_space<vmem>>)
      %dma_start3A_308 = arith.constant 0 : i32
      %dma_start3A_309 = arith.constant 0 : i32
      %dma_start3A_310 = tpu.memref_slice %arg14[%dma_start3A_308, %dma_start3A_309] : memref<10240x128xf32, #tpu.memory_space<vmem_shared>> -> memref<10240x128xf32, #tpu.memory_space<vmem_shared>>
      tpu.enqueue_indirect_dma source(%arg12 : memref<128x128xf32, #tpu.memory_space<vmem>>) target(%dma_start3A_310 : memref<10240x128xf32, #tpu.memory_space<vmem_shared>>) offsets(%arg10 : memref<128xi32, #tpu.memory_space<vmem>>) semaphore(%arg19 : memref<!tpu.dma_semaphore, #tpu.memory_space<semaphore_mem>>) {add = true}
      %mul3A_311 = arith.constant 2 : i32
      %mul3A_312 = arith.muli %scan3A_283, %mul3A_311 : i32
      %add3A_313 = arith.constant 1 : i32
      %add3A_314 = arith.addi %mul3A_312, %add3A_313 : i32
      %add3A_315 = arith.constant 1 : i32
      %add3A_316 = arith.addi %add3A_314, %add3A_315 : i32
      %lt3A_317 = arith.constant 80 : i32
      %lt3A_318 = arith.cmpi slt, %add3A_316, %lt3A_317 : i32
      %convert_element_type3A_319 = arith.extui %lt3A_318 : i1 to i32
      %cond3A_320 = arith.constant 0 : i32
      %cond3A_321 = arith.cmpi ne, %convert_element_type3A_319, %cond3A_320 : i32
      scf.if %cond3A_321 {
        %dma_wait3A_341 = arith.constant 0 : i32
        %dma_wait3A_342 = arith.constant 0 : i32
        %dma_wait3A_343 = tpu.memref_slice %arg3[%mul3A_2, %dma_wait3A_341, %dma_wait3A_342] : memref<2560x3x128xi32, #tpu.memory_space<hbm>> -> memref<1x3x128xi32, #tpu.memory_space<hbm>>
        %dma_wait3A_344 = tpu.memref_squeeze %dma_wait3A_343 : memref<1x3x128xi32, #tpu.memory_space<hbm>> -> memref<3x128xi32, #tpu.memory_space<hbm>>
        %dma_wait3A_345 = arith.constant 0 : i32
        %dma_wait3A_346 = arith.constant 0 : i32
        %dma_wait3A_347 = tpu.memref_slice %arg3[%mul3A_2, %dma_wait3A_345, %dma_wait3A_346] : memref<2560x3x128xi32, #tpu.memory_space<hbm>> -> memref<1x3x128xi32, #tpu.memory_space<hbm>>
        %dma_wait3A_348 = tpu.memref_squeeze %dma_wait3A_347 : memref<1x3x128xi32, #tpu.memory_space<hbm>> -> memref<3x128xi32, #tpu.memory_space<hbm>>
        tpu.wait_dma2 semaphore(%arg15 : memref<!tpu.dma_semaphore, #tpu.memory_space<semaphore_mem>>) src(%dma_wait3A_348 : memref<3x128xi32, #tpu.memory_space<hbm>>) dst(%arg6 : memref<3x128xi32, #tpu.memory_space<vmem>>)
        %dma_wait3A_349 = arith.constant 0 : i32
        %dma_wait3A_350 = arith.constant 0 : i32
        %dma_wait3A_351 = tpu.memref_slice %arg14[%dma_wait3A_349, %dma_wait3A_350] : memref<10240x128xf32, #tpu.memory_space<vmem_shared>> -> memref<10240x128xf32, #tpu.memory_space<vmem_shared>>
        tpu.wait_indirect_dma semaphore(%arg19 : memref<!tpu.dma_semaphore, #tpu.memory_space<semaphore_mem>>) src(%arg12 : memref<128x128xf32, #tpu.memory_space<vmem>>) dst(%dma_wait3A_351 : memref<10240x128xf32, #tpu.memory_space<vmem_shared>>)
        %get3A_352 = arith.constant 0 : i32
        %get3A_353 = arith.index_cast %get3A_352 : i32 to index
        %get3A_354 = arith.constant 0 : index
        %get3A_355 = tpu.vector_load %arg6[%get3A_353, %get3A_354] {strides = array<i32>} : memref<3x128xi32, #tpu.memory_space<vmem>>, vector<1x16xi32>,
        %get3A_356 = vector.shape_cast %get3A_355 : vector<1x16xi32> to vector<16xi32>
        %get3A_357 = arith.constant 1 : i32
        %get3A_358 = arith.index_cast %get3A_357 : i32 to index
        %get3A_359 = arith.constant 0 : index
        %get3A_360 = tpu.vector_load %arg6[%get3A_358, %get3A_359] {strides = array<i32>} : memref<3x128xi32, #tpu.memory_space<vmem>>, vector<1x16xi32>,
        %get3A_361 = vector.shape_cast %get3A_360 : vector<1x16xi32> to vector<16xi32>
        %mul3A_362 = arith.constant 10240 : i32
        %mul3A_363 = vector.broadcast %mul3A_362 : i32 to vector<16xi32>
        %mul3A_364 = arith.muli %get3A_361, %mul3A_363 : vector<16xi32>
        %add3A_365 = arith.addi %mul3A_364, %get3A_356 : vector<16xi32>
        %swap3A_366 = arith.constant 0 : index
        %swap3A_367 = tpu.vector_load %arg8[%swap3A_366] {strides = array<i32>} : memref<128xi32, #tpu.memory_space<vmem>>, vector<16xi32>,
        %swap3A_368 = vector.shape_cast %swap3A_367 : vector<16xi32> to vector<16xi32>
        %swap3A_369 = vector.shape_cast %add3A_365 : vector<16xi32> to vector<16xi32>
        tpu.vector_store %arg8[%swap3A_366], %swap3A_369 {strides = array<i32>} : memref<128xi32, #tpu.memory_space<vmem>>, vector<16xi32>,
        %get3A_370 = arith.constant 2 : i32
        %get3A_371 = arith.index_cast %get3A_370 : i32 to index
        %get3A_372 = arith.constant 0 : index
        %get3A_373 = tpu.vector_load %arg6[%get3A_371, %get3A_372] {strides = array<i32>} : memref<3x128xi32, #tpu.memory_space<vmem>>, vector<1x16xi32>,
        %get3A_374 = vector.shape_cast %get3A_373 : vector<1x16xi32> to vector<16xi32>
        %swap3A_375 = arith.constant 0 : index
        %swap3A_376 = tpu.vector_load %arg10[%swap3A_375] {strides = array<i32>} : memref<128xi32, #tpu.memory_space<vmem>>, vector<16xi32>,
        %swap3A_377 = vector.shape_cast %swap3A_376 : vector<16xi32> to vector<16xi32>
        %swap3A_378 = vector.shape_cast %get3A_374 : vector<16xi32> to vector<16xi32>
        tpu.vector_store %arg10[%swap3A_375], %swap3A_378 {strides = array<i32>} : memref<128xi32, #tpu.memory_space<vmem>>, vector<16xi32>,
        %get3A_379 = arith.constant 0 : i32
        %get3A_380 = arith.index_cast %get3A_379 : i32 to index
        %get3A_381 = arith.constant 16 : index
        %get3A_382 = tpu.vector_load %arg6[%get3A_380, %get3A_381] {strides = array<i32>} : memref<3x128xi32, #tpu.memory_space<vmem>>, vector<1x16xi32>,
        %get3A_383 = vector.shape_cast %get3A_382 : vector<1x16xi32> to vector<16xi32>
        %get3A_384 = arith.constant 1 : i32
        %get3A_385 = arith.index_cast %get3A_384 : i32 to index
        %get3A_386 = arith.constant 16 : index
        %get3A_387 = tpu.vector_load %arg6[%get3A_385, %get3A_386] {strides = array<i32>} : memref<3x128xi32, #tpu.memory_space<vmem>>, vector<1x16xi32>,
        %get3A_388 = vector.shape_cast %get3A_387 : vector<1x16xi32> to vector<16xi32>
        %mul3A_389 = arith.constant 10240 : i32
        %mul3A_390 = vector.broadcast %mul3A_389 : i32 to vector<16xi32>
        %mul3A_391 = arith.muli %get3A_388, %mul3A_390 : vector<16xi32>
        %add3A_392 = arith.addi %mul3A_391, %get3A_383 : vector<16xi32>
        %swap3A_393 = arith.constant 16 : index
        %swap3A_394 = tpu.vector_load %arg8[%swap3A_393] {strides = array<i32>} : memref<128xi32, #tpu.memory_space<vmem>>, vector<16xi32>,
        %swap3A_395 = vector.shape_cast %swap3A_394 : vector<16xi32> to vector<16xi32>
        %swap3A_396 = vector.shape_cast %add3A_392 : vector<16xi32> to vector<16xi32>
        tpu.vector_store %arg8[%swap3A_393], %swap3A_396 {strides = array<i32>} : memref<128xi32, #tpu.memory_space<vmem>>, vector<16xi32>,
        %get3A_397 = arith.constant 2 : i32
        %get3A_398 = arith.index_cast %get3A_397 : i32 to index
        %get3A_399 = arith.constant 16 : index
        %get3A_400 = tpu.vector_load %arg6[%get3A_398, %get3A_399] {strides = array<i32>} : memref<3x128xi32, #tpu.memory_space<vmem>>, vector<1x16xi32>,
        %get3A_401 = vector.shape_cast %get3A_400 : vector<1x16xi32> to vector<16xi32>
        %swap3A_402 = arith.constant 16 : index
        %swap3A_403 = tpu.vector_load %arg10[%swap3A_402] {strides = array<i32>} : memref<128xi32, #tpu.memory_space<vmem>>, vector<16xi32>,
        %swap3A_404 = vector.shape_cast %swap3A_403 : vector<16xi32> to vector<16xi32>
        %swap3A_405 = vector.shape_cast %get3A_401 : vector<16xi32> to vector<16xi32>
        tpu.vector_store %arg10[%swap3A_402], %swap3A_405 {strides = array<i32>} : memref<128xi32, #tpu.memory_space<vmem>>, vector<16xi32>,
        %get3A_406 = arith.constant 0 : i32
        %get3A_407 = arith.index_cast %get3A_406 : i32 to index
        %get3A_408 = arith.constant 32 : index
        %get3A_409 = tpu.vector_load %arg6[%get3A_407, %get3A_408] {strides = array<i32>} : memref<3x128xi32, #tpu.memory_space<vmem>>, vector<1x16xi32>,
        %get3A_410 = vector.shape_cast %get3A_409 : vector<1x16xi32> to vector<16xi32>
        %get3A_411 = arith.constant 1 : i32
        %get3A_412 = arith.index_cast %get3A_411 : i32 to index
        %get3A_413 = arith.constant 32 : index
        %get3A_414 = tpu.vector_load %arg6[%get3A_412, %get3A_413] {strides = array<i32>} : memref<3x128xi32, #tpu.memory_space<vmem>>, vector<1x16xi32>,
        %get3A_415 = vector.shape_cast %get3A_414 : vector<1x16xi32> to vector<16xi32>
        %mul3A_416 = arith.constant 10240 : i32
        %mul3A_417 = vector.broadcast %mul3A_416 : i32 to vector<16xi32>
        %mul3A_418 = arith.muli %get3A_415, %mul3A_417 : vector<16xi32>
        %add3A_419 = arith.addi %mul3A_418, %get3A_410 : vector<16xi32>
        %swap3A_420 = arith.constant 32 : index
        %swap3A_421 = tpu.vector_load %arg8[%swap3A_420] {strides = array<i32>} : memref<128xi32, #tpu.memory_space<vmem>>, vector<16xi32>,
        %swap3A_422 = vector.shape_cast %swap3A_421 : vector<16xi32> to vector<16xi32>
        %swap3A_423 = vector.shape_cast %add3A_419 : vector<16xi32> to vector<16xi32>
        tpu.vector_store %arg8[%swap3A_420], %swap3A_423 {strides = array<i32>} : memref<128xi32, #tpu.memory_space<vmem>>, vector<16xi32>,
        %get3A_424 = arith.constant 2 : i32
        %get3A_425 = arith.index_cast %get3A_424 : i32 to index
        %get3A_426 = arith.constant 32 : index
        %get3A_427 = tpu.vector_load %arg6[%get3A_425, %get3A_426] {strides = array<i32>} : memref<3x128xi32, #tpu.memory_space<vmem>>, vector<1x16xi32>,
        %get3A_428 = vector.shape_cast %get3A_427 : vector<1x16xi32> to vector<16xi32>
        %swap3A_429 = arith.constant 32 : index
        %swap3A_430 = tpu.vector_load %arg10[%swap3A_429] {strides = array<i32>} : memref<128xi32, #tpu.memory_space<vmem>>, vector<16xi32>,
        %swap3A_431 = vector.shape_cast %swap3A_430 : vector<16xi32> to vector<16xi32>
        %swap3A_432 = vector.shape_cast %get3A_428 : vector<16xi32> to vector<16xi32>
        tpu.vector_store %arg10[%swap3A_429], %swap3A_432 {strides = array<i32>} : memref<128xi32, #tpu.memory_space<vmem>>, vector<16xi32>,
        %get3A_433 = arith.constant 0 : i32
        %get3A_434 = arith.index_cast %get3A_433 : i32 to index
        %get3A_435 = arith.constant 48 : index
        %get3A_436 = tpu.vector_load %arg6[%get3A_434, %get3A_435] {strides = array<i32>} : memref<3x128xi32, #tpu.memory_space<vmem>>, vector<1x16xi32>,
        %get3A_437 = vector.shape_cast %get3A_436 : vector<1x16xi32> to vector<16xi32>
        %get3A_438 = arith.constant 1 : i32
        %get3A_439 = arith.index_cast %get3A_438 : i32 to index
        %get3A_440 = arith.constant 48 : index
        %get3A_441 = tpu.vector_load %arg6[%get3A_439, %get3A_440] {strides = array<i32>} : memref<3x128xi32, #tpu.memory_space<vmem>>, vector<1x16xi32>,
        %get3A_442 = vector.shape_cast %get3A_441 : vector<1x16xi32> to vector<16xi32>
        %mul3A_443 = arith.constant 10240 : i32
        %mul3A_444 = vector.broadcast %mul3A_443 : i32 to vector<16xi32>
        %mul3A_445 = arith.muli %get3A_442, %mul3A_444 : vector<16xi32>
        %add3A_446 = arith.addi %mul3A_445, %get3A_437 : vector<16xi32>
        %swap3A_447 = arith.constant 48 : index
        %swap3A_448 = tpu.vector_load %arg8[%swap3A_447] {strides = array<i32>} : memref<128xi32, #tpu.memory_space<vmem>>, vector<16xi32>,
        %swap3A_449 = vector.shape_cast %swap3A_448 : vector<16xi32> to vector<16xi32>
        %swap3A_450 = vector.shape_cast %add3A_446 : vector<16xi32> to vector<16xi32>
        tpu.vector_store %arg8[%swap3A_447], %swap3A_450 {strides = array<i32>} : memref<128xi32, #tpu.memory_space<vmem>>, vector<16xi32>,
        %get3A_451 = arith.constant 2 : i32
        %get3A_452 = arith.index_cast %get3A_451 : i32 to index
        %get3A_453 = arith.constant 48 : index
        %get3A_454 = tpu.vector_load %arg6[%get3A_452, %get3A_453] {strides = array<i32>} : memref<3x128xi32, #tpu.memory_space<vmem>>, vector<1x16xi32>,
        %get3A_455 = vector.shape_cast %get3A_454 : vector<1x16xi32> to vector<16xi32>
        %swap3A_456 = arith.constant 48 : index
        %swap3A_457 = tpu.vector_load %arg10[%swap3A_456] {strides = array<i32>} : memref<128xi32, #tpu.memory_space<vmem>>, vector<16xi32>,
        %swap3A_458 = vector.shape_cast %swap3A_457 : vector<16xi32> to vector<16xi32>
        %swap3A_459 = vector.shape_cast %get3A_455 : vector<16xi32> to vector<16xi32>
        tpu.vector_store %arg10[%swap3A_456], %swap3A_459 {strides = array<i32>} : memref<128xi32, #tpu.memory_space<vmem>>, vector<16xi32>,
        %get3A_460 = arith.constant 0 : i32
        %get3A_461 = arith.index_cast %get3A_460 : i32 to index
        %get3A_462 = arith.constant 64 : index
        %get3A_463 = tpu.vector_load %arg6[%get3A_461, %get3A_462] {strides = array<i32>} : memref<3x128xi32, #tpu.memory_space<vmem>>, vector<1x16xi32>,
        %get3A_464 = vector.shape_cast %get3A_463 : vector<1x16xi32> to vector<16xi32>
        %get3A_465 = arith.constant 1 : i32
        %get3A_466 = arith.index_cast %get3A_465 : i32 to index
        %get3A_467 = arith.constant 64 : index
        %get3A_468 = tpu.vector_load %arg6[%get3A_466, %get3A_467] {strides = array<i32>} : memref<3x128xi32, #tpu.memory_space<vmem>>, vector<1x16xi32>,
        %get3A_469 = vector.shape_cast %get3A_468 : vector<1x16xi32> to vector<16xi32>
        %mul3A_470 = arith.constant 10240 : i32
        %mul3A_471 = vector.broadcast %mul3A_470 : i32 to vector<16xi32>
        %mul3A_472 = arith.muli %get3A_469, %mul3A_471 : vector<16xi32>
        %add3A_473 = arith.addi %mul3A_472, %get3A_464 : vector<16xi32>
        %swap3A_474 = arith.constant 64 : index
        %swap3A_475 = tpu.vector_load %arg8[%swap3A_474] {strides = array<i32>} : memref<128xi32, #tpu.memory_space<vmem>>, vector<16xi32>,
        %swap3A_476 = vector.shape_cast %swap3A_475 : vector<16xi32> to vector<16xi32>
        %swap3A_477 = vector.shape_cast %add3A_473 : vector<16xi32> to vector<16xi32>
        tpu.vector_store %arg8[%swap3A_474], %swap3A_477 {strides = array<i32>} : memref<128xi32, #tpu.memory_space<vmem>>, vector<16xi32>,
        %get3A_478 = arith.constant 2 : i32
        %get3A_479 = arith.index_cast %get3A_478 : i32 to index
        %get3A_480 = arith.constant 64 : index
        %get3A_481 = tpu.vector_load %arg6[%get3A_479, %get3A_480] {strides = array<i32>} : memref<3x128xi32, #tpu.memory_space<vmem>>, vector<1x16xi32>,
        %get3A_482 = vector.shape_cast %get3A_481 : vector<1x16xi32> to vector<16xi32>
        %swap3A_483 = arith.constant 64 : index
        %swap3A_484 = tpu.vector_load %arg10[%swap3A_483] {strides = array<i32>} : memref<128xi32, #tpu.memory_space<vmem>>, vector<16xi32>,
        %swap3A_485 = vector.shape_cast %swap3A_484 : vector<16xi32> to vector<16xi32>
        %swap3A_486 = vector.shape_cast %get3A_482 : vector<16xi32> to vector<16xi32>
        tpu.vector_store %arg10[%swap3A_483], %swap3A_486 {strides = array<i32>} : memref<128xi32, #tpu.memory_space<vmem>>, vector<16xi32>,
        %get3A_487 = arith.constant 0 : i32
        %get3A_488 = arith.index_cast %get3A_487 : i32 to index
        %get3A_489 = arith.constant 80 : index
        %get3A_490 = tpu.vector_load %arg6[%get3A_488, %get3A_489] {strides = array<i32>} : memref<3x128xi32, #tpu.memory_space<vmem>>, vector<1x16xi32>,
        %get3A_491 = vector.shape_cast %get3A_490 : vector<1x16xi32> to vector<16xi32>
        %get3A_492 = arith.constant 1 : i32
        %get3A_493 = arith.index_cast %get3A_492 : i32 to index
        %get3A_494 = arith.constant 80 : index
        %get3A_495 = tpu.vector_load %arg6[%get3A_493, %get3A_494] {strides = array<i32>} : memref<3x128xi32, #tpu.memory_space<vmem>>, vector<1x16xi32>,
        %get3A_496 = vector.shape_cast %get3A_495 : vector<1x16xi32> to vector<16xi32>
        %mul3A_497 = arith.constant 10240 : i32
        %mul3A_498 = vector.broadcast %mul3A_497 : i32 to vector<16xi32>
        %mul3A_499 = arith.muli %get3A_496, %mul3A_498 : vector<16xi32>
        %add3A_500 = arith.addi %mul3A_499, %get3A_491 : vector<16xi32>
        %swap3A_501 = arith.constant 80 : index
        %swap3A_502 = tpu.vector_load %arg8[%swap3A_501] {strides = array<i32>} : memref<128xi32, #tpu.memory_space<vmem>>, vector<16xi32>,
        %swap3A_503 = vector.shape_cast %swap3A_502 : vector<16xi32> to vector<16xi32>
        %swap3A_504 = vector.shape_cast %add3A_500 : vector<16xi32> to vector<16xi32>
        tpu.vector_store %arg8[%swap3A_501], %swap3A_504 {strides = array<i32>} : memref<128xi32, #tpu.memory_space<vmem>>, vector<16xi32>,
        %get3A_505 = arith.constant 2 : i32
        %get3A_506 = arith.index_cast %get3A_505 : i32 to index
        %get3A_507 = arith.constant 80 : index
        %get3A_508 = tpu.vector_load %arg6[%get3A_506, %get3A_507] {strides = array<i32>} : memref<3x128xi32, #tpu.memory_space<vmem>>, vector<1x16xi32>,
        %get3A_509 = vector.shape_cast %get3A_508 : vector<1x16xi32> to vector<16xi32>
        %swap3A_510 = arith.constant 80 : index
        %swap3A_511 = tpu.vector_load %arg10[%swap3A_510] {strides = array<i32>} : memref<128xi32, #tpu.memory_space<vmem>>, vector<16xi32>,
        %swap3A_512 = vector.shape_cast %swap3A_511 : vector<16xi32> to vector<16xi32>
        %swap3A_513 = vector.shape_cast %get3A_509 : vector<16xi32> to vector<16xi32>
        tpu.vector_store %arg10[%swap3A_510], %swap3A_513 {strides = array<i32>} : memref<128xi32, #tpu.memory_space<vmem>>, vector<16xi32>,
        %get3A_514 = arith.constant 0 : i32
        %get3A_515 = arith.index_cast %get3A_514 : i32 to index
        %get3A_516 = arith.constant 96 : index
        %get3A_517 = tpu.vector_load %arg6[%get3A_515, %get3A_516] {strides = array<i32>} : memref<3x128xi32, #tpu.memory_space<vmem>>, vector<1x16xi32>,
        %get3A_518 = vector.shape_cast %get3A_517 : vector<1x16xi32> to vector<16xi32>
        %get3A_519 = arith.constant 1 : i32
        %get3A_520 = arith.index_cast %get3A_519 : i32 to index
        %get3A_521 = arith.constant 96 : index
        %get3A_522 = tpu.vector_load %arg6[%get3A_520, %get3A_521] {strides = array<i32>} : memref<3x128xi32, #tpu.memory_space<vmem>>, vector<1x16xi32>,
        %get3A_523 = vector.shape_cast %get3A_522 : vector<1x16xi32> to vector<16xi32>
        %mul3A_524 = arith.constant 10240 : i32
        %mul3A_525 = vector.broadcast %mul3A_524 : i32 to vector<16xi32>
        %mul3A_526 = arith.muli %get3A_523, %mul3A_525 : vector<16xi32>
        %add3A_527 = arith.addi %mul3A_526, %get3A_518 : vector<16xi32>
        %swap3A_528 = arith.constant 96 : index
        %swap3A_529 = tpu.vector_load %arg8[%swap3A_528] {strides = array<i32>} : memref<128xi32, #tpu.memory_space<vmem>>, vector<16xi32>,
        %swap3A_530 = vector.shape_cast %swap3A_529 : vector<16xi32> to vector<16xi32>
        %swap3A_531 = vector.shape_cast %add3A_527 : vector<16xi32> to vector<16xi32>
        tpu.vector_store %arg8[%swap3A_528], %swap3A_531 {strides = array<i32>} : memref<128xi32, #tpu.memory_space<vmem>>, vector<16xi32>,
        %get3A_532 = arith.constant 2 : i32
        %get3A_533 = arith.index_cast %get3A_532 : i32 to index
        %get3A_534 = arith.constant 96 : index
        %get3A_535 = tpu.vector_load %arg6[%get3A_533, %get3A_534] {strides = array<i32>} : memref<3x128xi32, #tpu.memory_space<vmem>>, vector<1x16xi32>,
        %get3A_536 = vector.shape_cast %get3A_535 : vector<1x16xi32> to vector<16xi32>
        %swap3A_537 = arith.constant 96 : index
        %swap3A_538 = tpu.vector_load %arg10[%swap3A_537] {strides = array<i32>} : memref<128xi32, #tpu.memory_space<vmem>>, vector<16xi32>,
        %swap3A_539 = vector.shape_cast %swap3A_538 : vector<16xi32> to vector<16xi32>
        %swap3A_540 = vector.shape_cast %get3A_536 : vector<16xi32> to vector<16xi32>
        tpu.vector_store %arg10[%swap3A_537], %swap3A_540 {strides = array<i32>} : memref<128xi32, #tpu.memory_space<vmem>>, vector<16xi32>,
        %get3A_541 = arith.constant 0 : i32
        %get3A_542 = arith.index_cast %get3A_541 : i32 to index
        %get3A_543 = arith.constant 112 : index
        %get3A_544 = tpu.vector_load %arg6[%get3A_542, %get3A_543] {strides = array<i32>} : memref<3x128xi32, #tpu.memory_space<vmem>>, vector<1x16xi32>,
        %get3A_545 = vector.shape_cast %get3A_544 : vector<1x16xi32> to vector<16xi32>
        %get3A_546 = arith.constant 1 : i32
        %get3A_547 = arith.index_cast %get3A_546 : i32 to index
        %get3A_548 = arith.constant 112 : index
        %get3A_549 = tpu.vector_load %arg6[%get3A_547, %get3A_548] {strides = array<i32>} : memref<3x128xi32, #tpu.memory_space<vmem>>, vector<1x16xi32>,
        %get3A_550 = vector.shape_cast %get3A_549 : vector<1x16xi32> to vector<16xi32>
        %mul3A_551 = arith.constant 10240 : i32
        %mul3A_552 = vector.broadcast %mul3A_551 : i32 to vector<16xi32>
        %mul3A_553 = arith.muli %get3A_550, %mul3A_552 : vector<16xi32>
        %add3A_554 = arith.addi %mul3A_553, %get3A_545 : vector<16xi32>
        %swap3A_555 = arith.constant 112 : index
        %swap3A_556 = tpu.vector_load %arg8[%swap3A_555] {strides = array<i32>} : memref<128xi32, #tpu.memory_space<vmem>>, vector<16xi32>,
        %swap3A_557 = vector.shape_cast %swap3A_556 : vector<16xi32> to vector<16xi32>
        %swap3A_558 = vector.shape_cast %add3A_554 : vector<16xi32> to vector<16xi32>
        tpu.vector_store %arg8[%swap3A_555], %swap3A_558 {strides = array<i32>} : memref<128xi32, #tpu.memory_space<vmem>>, vector<16xi32>,
        %get3A_559 = arith.constant 2 : i32
        %get3A_560 = arith.index_cast %get3A_559 : i32 to index
        %get3A_561 = arith.constant 112 : index
        %get3A_562 = tpu.vector_load %arg6[%get3A_560, %get3A_561] {strides = array<i32>} : memref<3x128xi32, #tpu.memory_space<vmem>>, vector<1x16xi32>,
        %get3A_563 = vector.shape_cast %get3A_562 : vector<1x16xi32> to vector<16xi32>
        %swap3A_564 = arith.constant 112 : index
        %swap3A_565 = tpu.vector_load %arg10[%swap3A_564] {strides = array<i32>} : memref<128xi32, #tpu.memory_space<vmem>>, vector<16xi32>,
        %swap3A_566 = vector.shape_cast %swap3A_565 : vector<16xi32> to vector<16xi32>
        %swap3A_567 = vector.shape_cast %get3A_563 : vector<16xi32> to vector<16xi32>
        tpu.vector_store %arg10[%swap3A_564], %swap3A_567 {strides = array<i32>} : memref<128xi32, #tpu.memory_space<vmem>>, vector<16xi32>,
        %add3A_568 = arith.constant 2 : i32
        %add3A_569 = arith.addi %add3A_316, %add3A_568 : i32
        %lt3A_570 = arith.constant 80 : i32
        %lt3A_571 = arith.cmpi slt, %add3A_569, %lt3A_570 : i32
        %convert_element_type3A_572 = arith.extui %lt3A_571 : i1 to i32
        %cond3A_573 = arith.constant 0 : i32
        %cond3A_574 = arith.cmpi ne, %convert_element_type3A_572, %cond3A_573 : i32
        scf.if %cond3A_574 {
          %add3A_591 = arith.constant 2 : i32
          %add3A_592 = arith.addi %add3A_316, %add3A_591 : i32
          %add3A_593 = arith.addi %mul3A_2, %add3A_592 : i32
          %dma_start3A_594 = arith.constant 0 : i32
          %dma_start3A_595 = arith.constant 0 : i32
          %dma_start3A_596 = tpu.memref_slice %arg3[%add3A_593, %dma_start3A_594, %dma_start3A_595] : memref<2560x3x128xi32, #tpu.memory_space<hbm>> -> memref<1x3x128xi32, #tpu.memory_space<hbm>>
          %dma_start3A_597 = tpu.memref_squeeze %dma_start3A_596 : memref<1x3x128xi32, #tpu.memory_space<hbm>> -> memref<3x128xi32, #tpu.memory_space<hbm>>
          %dma_start3A_598 = arith.constant 0 : i32
          %dma_start3A_599 = arith.constant 0 : i32
          %dma_start3A_600 = tpu.memref_slice %arg3[%add3A_593, %dma_start3A_598, %dma_start3A_599] : memref<2560x3x128xi32, #tpu.memory_space<hbm>> -> memref<1x3x128xi32, #tpu.memory_space<hbm>>
          %dma_start3A_601 = tpu.memref_squeeze %dma_start3A_600 : memref<1x3x128xi32, #tpu.memory_space<hbm>> -> memref<3x128xi32, #tpu.memory_space<hbm>>
          tpu.enqueue_dma source(%dma_start3A_601 : memref<3x128xi32, #tpu.memory_space<hbm>>) target(%arg6 : memref<3x128xi32, #tpu.memory_space<vmem>>) target_semaphore(%arg15 : memref<!tpu.dma_semaphore, #tpu.memory_space<semaphore_mem>>)
        } else {
        }
        %dma_start3A_575 = arith.constant 0 : i32
        %dma_start3A_576 = arith.constant 0 : i32
        %dma_start3A_577 = tpu.memref_slice %arg12[%dma_start3A_575, %dma_start3A_576] : memref<128x128xf32, #tpu.memory_space<vmem>> -> memref<64x128xf32, #tpu.memory_space<vmem>>
        %dma_start3A_578 = arith.constant 0 : i32
        %dma_start3A_579 = tpu.memref_slice %arg8[%dma_start3A_578] : memref<128xi32, #tpu.memory_space<vmem>> -> memref<64xi32, #tpu.memory_space<vmem>>
        %dma_start3A_580 = arith.constant 0 : i32
        %dma_start3A_581 = arith.constant 0 : i32
        %dma_start3A_582 = tpu.memref_slice %arg2[%dma_start3A_580, %dma_start3A_581] : memref<40960x128xf32, #tpu.memory_space<hbm>> -> memref<40960x128xf32, #tpu.memory_space<hbm>>
        tpu.enqueue_indirect_dma source(%dma_start3A_582 : memref<40960x128xf32, #tpu.memory_space<hbm>>) target(%dma_start3A_577 : memref<64x128xf32, #tpu.memory_space<vmem>>) offsets(%dma_start3A_579 : memref<64xi32, #tpu.memory_space<vmem>>) semaphore(%arg17 : memref<!tpu.dma_semaphore, #tpu.memory_space<semaphore_mem>>)
        %dma_start3A_583 = arith.constant 64 : i32
        %dma_start3A_584 = arith.constant 0 : i32
        %dma_start3A_585 = tpu.memref_slice %arg12[%dma_start3A_583, %dma_start3A_584] : memref<128x128xf32, #tpu.memory_space<vmem>> -> memref<64x128xf32, #tpu.memory_space<vmem>>
        %dma_start3A_586 = arith.constant 64 : i32
        %dma_start3A_587 = tpu.memref_slice %arg8[%dma_start3A_586] : memref<128xi32, #tpu.memory_space<vmem>> -> memref<64xi32, #tpu.memory_space<vmem>>
        %dma_start3A_588 = arith.constant 0 : i32
        %dma_start3A_589 = arith.constant 0 : i32
        %dma_start3A_590 = tpu.memref_slice %arg2[%dma_start3A_588, %dma_start3A_589] : memref<40960x128xf32, #tpu.memory_space<hbm>> -> memref<40960x128xf32, #tpu.memory_space<hbm>>
        tpu.enqueue_indirect_dma source(%dma_start3A_590 : memref<40960x128xf32, #tpu.memory_space<hbm>>) target(%dma_start3A_585 : memref<64x128xf32, #tpu.memory_space<vmem>>) offsets(%dma_start3A_587 : memref<64xi32, #tpu.memory_space<vmem>>) semaphore(%arg17 : memref<!tpu.dma_semaphore, #tpu.memory_space<semaphore_mem>>)
      } else {
      }
      %dma_wait3A_322 = arith.constant 0 : i32
      %dma_wait3A_323 = arith.constant 0 : i32
      %dma_wait3A_324 = tpu.memref_slice %arg13[%dma_wait3A_322, %dma_wait3A_323] : memref<128x128xf32, #tpu.memory_space<vmem>> -> memref<64x128xf32, #tpu.memory_space<vmem>>
      %dma_wait3A_325 = arith.constant 0 : i32
      %dma_wait3A_326 = tpu.memref_slice %arg9[%dma_wait3A_325] : memref<128xi32, #tpu.memory_space<vmem>> -> memref<64xi32, #tpu.memory_space<vmem>>
      %dma_wait3A_327 = arith.constant 0 : i32
      %dma_wait3A_328 = arith.constant 0 : i32
      %dma_wait3A_329 = tpu.memref_slice %arg2[%dma_wait3A_327, %dma_wait3A_328] : memref<40960x128xf32, #tpu.memory_space<hbm>> -> memref<40960x128xf32, #tpu.memory_space<hbm>>
      tpu.wait_indirect_dma semaphore(%arg18 : memref<!tpu.dma_semaphore, #tpu.memory_space<semaphore_mem>>) src(%dma_wait3A_329 : memref<40960x128xf32, #tpu.memory_space<hbm>>) dst(%dma_wait3A_324 : memref<64x128xf32, #tpu.memory_space<vmem>>)
      %dma_wait3A_330 = arith.constant 64 : i32
      %dma_wait3A_331 = arith.constant 0 : i32
      %dma_wait3A_332 = tpu.memref_slice %arg13[%dma_wait3A_330, %dma_wait3A_331] : memref<128x128xf32, #tpu.memory_space<vmem>> -> memref<64x128xf32, #tpu.memory_space<vmem>>
      %dma_wait3A_333 = arith.constant 64 : i32
      %dma_wait3A_334 = tpu.memref_slice %arg9[%dma_wait3A_333] : memref<128xi32, #tpu.memory_space<vmem>> -> memref<64xi32, #tpu.memory_space<vmem>>
      %dma_wait3A_335 = arith.constant 0 : i32
      %dma_wait3A_336 = arith.constant 0 : i32
      %dma_wait3A_337 = tpu.memref_slice %arg2[%dma_wait3A_335, %dma_wait3A_336] : memref<40960x128xf32, #tpu.memory_space<hbm>> -> memref<40960x128xf32, #tpu.memory_space<hbm>>
      tpu.wait_indirect_dma semaphore(%arg18 : memref<!tpu.dma_semaphore, #tpu.memory_space<semaphore_mem>>) src(%dma_wait3A_337 : memref<40960x128xf32, #tpu.memory_space<hbm>>) dst(%dma_wait3A_332 : memref<64x128xf32, #tpu.memory_space<vmem>>)
      %dma_start3A_338 = arith.constant 0 : i32
      %dma_start3A_339 = arith.constant 0 : i32
      %dma_start3A_340 = tpu.memref_slice %arg14[%dma_start3A_338, %dma_start3A_339] : memref<10240x128xf32, #tpu.memory_space<vmem_shared>> -> memref<10240x128xf32, #tpu.memory_space<vmem_shared>>
      tpu.enqueue_indirect_dma source(%arg13 : memref<128x128xf32, #tpu.memory_space<vmem>>) target(%dma_start3A_340 : memref<10240x128xf32, #tpu.memory_space<vmem_shared>>) offsets(%arg11 : memref<128xi32, #tpu.memory_space<vmem>>) semaphore(%arg20 : memref<!tpu.dma_semaphore, #tpu.memory_space<semaphore_mem>>) {add = true}
    }
    %scan3A_275 = arith.constant 40 : i32
    %dma_wait3A_276 = arith.constant 0 : i32
    %dma_wait3A_277 = arith.constant 0 : i32
    %dma_wait3A_278 = tpu.memref_slice %arg14[%dma_wait3A_276, %dma_wait3A_277] : memref<10240x128xf32, #tpu.memory_space<vmem_shared>> -> memref<10240x128xf32, #tpu.memory_space<vmem_shared>>
    tpu.wait_indirect_dma semaphore(%arg19 : memref<!tpu.dma_semaphore, #tpu.memory_space<semaphore_mem>>) src(%arg12 : memref<128x128xf32, #tpu.memory_space<vmem>>) dst(%dma_wait3A_278 : memref<10240x128xf32, #tpu.memory_space<vmem_shared>>)
    %dma_wait3A_279 = arith.constant 0 : i32
    %dma_wait3A_280 = arith.constant 0 : i32
    %dma_wait3A_281 = tpu.memref_slice %arg14[%dma_wait3A_279, %dma_wait3A_280] : memref<10240x128xf32, #tpu.memory_space<vmem_shared>> -> memref<10240x128xf32, #tpu.memory_space<vmem_shared>>
    tpu.wait_indirect_dma semaphore(%arg20 : memref<!tpu.dma_semaphore, #tpu.memory_space<semaphore_mem>>) src(%arg13 : memref<128x128xf32, #tpu.memory_space<vmem>>) dst(%dma_wait3A_281 : memref<10240x128xf32, #tpu.memory_space<vmem_shared>>)
    %barrier3A_282 = arith.constant 0 : index
    tpu.barrier barrier_id(%barrier3A_282)
    "tpu.region"() ({
      %run_scoped3A = tpu.sem_alloc : memref<!tpu.dma_semaphore, #tpu.memory_space<semaphore_mem>>
      %dma_start3A_283 = arith.constant 0 : i32
      %dma_start3A_284 = tpu.memref_slice %arg5[%arg0, %multiple_of3A, %dma_start3A_283] : memref<2x10240x128xf32, #tpu.memory_space<hbm>> -> memref<1x640x128xf32, #tpu.memory_space<hbm>>
      %dma_start3A_285 = tpu.memref_squeeze %dma_start3A_284 : memref<1x640x128xf32, #tpu.memory_space<hbm>> -> memref<640x128xf32, #tpu.memory_space<hbm>>
      %dma_start3A_286 = arith.constant 0 : i32
      %dma_start3A_287 = tpu.memref_slice %arg14[%multiple_of3A, %dma_start3A_286] : memref<10240x128xf32, #tpu.memory_space<vmem_shared>> -> memref<640x128xf32, #tpu.memory_space<vmem_shared>>
      tpu.enqueue_dma source(%dma_start3A_287 : memref<640x128xf32, #tpu.memory_space<vmem_shared>>) target(%dma_start3A_285 : memref<640x128xf32, #tpu.memory_space<hbm>>) target_semaphore(%run_scoped3A : memref<!tpu.dma_semaphore, #tpu.memory_space<semaphore_mem>>)
      %dma_wait3A_288 = arith.constant 0 : i32
      %dma_wait3A_289 = tpu.memref_slice %arg5[%arg0, %multiple_of3A, %dma_wait3A_288] : memref<2x10240x128xf32, #tpu.memory_space<hbm>> -> memref<1x640x128xf32, #tpu.memory_space<hbm>>
      %dma_wait3A_290 = tpu.memref_squeeze %dma_wait3A_289 : memref<1x640x128xf32, #tpu.memory_space<hbm>> -> memref<640x128xf32, #tpu.memory_space<hbm>>
      %dma_wait3A_291 = arith.constant 0 : i32
      %dma_wait3A_292 = tpu.memref_slice %arg14[%multiple_of3A, %dma_wait3A_291] : memref<10240x128xf32, #tpu.memory_space<vmem_shared>> -> memref<640x128xf32, #tpu.memory_space<vmem_shared>>
      tpu.wait_dma2 semaphore(%run_scoped3A : memref<!tpu.dma_semaphore, #tpu.memory_space<semaphore_mem>>) src(%dma_wait3A_292 : memref<640x128xf32, #tpu.memory_space<vmem_shared>>) dst(%dma_wait3A_290 : memref<640x128xf32, #tpu.memory_space<hbm>>)
      tpu.yield
    }) : () -> ()
    return
  }
}

#map = affine_map<(d0, d1) -> (0, 0)>
#map1 = affine_map<(d0, d1) -> (0, 0, 0)>
module attributes {stable_mosaic.version = 14 : i64} {
  func.func @_mp_kernel(%arg0: i32, %arg1: i32, %arg2: memref<40960x128xf32, #tpu.memory_space<hbm>>, %arg3: memref<2560x3x128xi32, #tpu.memory_space<hbm>>, %arg4: memref<640x128xf32, #tpu.memory_space<hbm>>, %arg5: memref<2x10240x128xf32, #tpu.memory_space<hbm>>, %arg6: memref<3x128xi32, #tpu.memory_space<vmem>>, %arg7: memref<3x128xi32, #tpu.memory_space<vmem>>, %arg8: memref<128xi32, #tpu.memory_space<vmem>>, %arg9: memref<128xi32, #tpu.memory_space<vmem>>, %arg10: memref<128xi32, #tpu.memory_space<vmem>>, %arg11: memref<128xi32, #tpu.memory_space<vmem>>, %arg12: memref<128x128xf32, #tpu.memory_space<vmem>>, %arg13: memref<128x128xf32, #tpu.memory_space<vmem>>, %arg14: memref<10240x128xf32, #tpu.memory_space<vmem_shared>>, %arg15: memref<!tpu.dma_semaphore, #tpu.memory_space<semaphore_mem>>, %arg16: memref<!tpu.dma_semaphore, #tpu.memory_space<semaphore_mem>>, %arg17: memref<!tpu.dma_semaphore, #tpu.memory_space<semaphore_mem>>, %arg18: memref<!tpu.dma_semaphore, #tpu.memory_space<semaphore_mem>>, %arg19: memref<!tpu.dma_semaphore, #tpu.memory_space<semaphore_mem>>, %arg20: memref<!tpu.dma_semaphore, #tpu.memory_space<semaphore_mem>>) attributes {dimension_semantics = [#tpu.dimension_semantics<core_parallel>, #tpu.dimension_semantics<subcore_parallel>], iteration_bounds = array<i64: 2, 16>, scalar_prefetch = 0 : i64, scratch_operands = 15 : i64, tpu.core_type = #tpu.core_type<sc_vector_subcore>, window_params = [{transform_indices = #map}, {transform_indices = #map1}, {transform_indices = #map}, {transform_indices = #map1}]} {
    %mul3A = arith.constant 16 : i32
    %mul3A_0 = arith.muli %arg0, %mul3A : i32
    %add3A = arith.addi %mul3A_0, %arg1 : i32
    %mul3A_1 = arith.constant 80 : i32
    %mul3A_2 = arith.muli %add3A, %mul3A_1 : i32
    %mul3A_3 = arith.constant 640 : i32
    %mul3A_4 = arith.muli %arg1, %mul3A_3 : i32
    %multiple_of3A = tpu.assume_multiple %mul3A_4, 640 : i32
    "tpu.region"() ({
      %run_scoped3A = tpu.sem_alloc : memref<!tpu.dma_semaphore, #tpu.memory_space<semaphore_mem>>
      %dma_start3A_283 = arith.constant 0 : i32
      %dma_start3A_284 = tpu.memref_slice %arg14[%multiple_of3A, %dma_start3A_283] : memref<10240x128xf32, #tpu.memory_space<vmem_shared>> -> memref<640x128xf32, #tpu.memory_space<vmem_shared>>
      tpu.enqueue_dma source(%arg4 : memref<640x128xf32, #tpu.memory_space<hbm>>) target(%dma_start3A_284 : memref<640x128xf32, #tpu.memory_space<vmem_shared>>) target_semaphore(%run_scoped3A : memref<!tpu.dma_semaphore, #tpu.memory_space<semaphore_mem>>)
      %dma_wait3A_285 = arith.constant 0 : i32
      %dma_wait3A_286 = tpu.memref_slice %arg14[%multiple_of3A, %dma_wait3A_285] : memref<10240x128xf32, #tpu.memory_space<vmem_shared>> -> memref<640x128xf32, #tpu.memory_space<vmem_shared>>
      tpu.wait_dma2 semaphore(%run_scoped3A : memref<!tpu.dma_semaphore, #tpu.memory_space<semaphore_mem>>) src(%arg4 : memref<640x128xf32, #tpu.memory_space<hbm>>) dst(%dma_wait3A_286 : memref<640x128xf32, #tpu.memory_space<vmem_shared>>)
      tpu.yield
    }) : () -> ()
    %barrier3A = arith.constant 0 : index
    tpu.barrier barrier_id(%barrier3A)
    %add3A_5 = arith.constant 0 : i32
    %add3A_6 = arith.addi %mul3A_2, %add3A_5 : i32
    %dma_start3A = arith.constant 0 : i32
    %dma_start3A_7 = arith.constant 0 : i32
    %dma_start3A_8 = tpu.memref_slice %arg3[%add3A_6, %dma_start3A, %dma_start3A_7] : memref<2560x3x128xi32, #tpu.memory_space<hbm>> -> memref<1x3x128xi32, #tpu.memory_space<hbm>>
    %dma_start3A_9 = tpu.memref_squeeze %dma_start3A_8 : memref<1x3x128xi32, #tpu.memory_space<hbm>> -> memref<3x128xi32, #tpu.memory_space<hbm>>
    %dma_start3A_10 = arith.constant 0 : i32
    %dma_start3A_11 = arith.constant 0 : i32
    %dma_start3A_12 = tpu.memref_slice %arg3[%add3A_6, %dma_start3A_10, %dma_start3A_11] : memref<2560x3x128xi32, #tpu.memory_space<hbm>> -> memref<1x3x128xi32, #tpu.memory_space<hbm>>
    %dma_start3A_13 = tpu.memref_squeeze %dma_start3A_12 : memref<1x3x128xi32, #tpu.memory_space<hbm>> -> memref<3x128xi32, #tpu.memory_space<hbm>>
    tpu.enqueue_dma source(%dma_start3A_13 : memref<3x128xi32, #tpu.memory_space<hbm>>) target(%arg6 : memref<3x128xi32, #tpu.memory_space<vmem>>) target_semaphore(%arg15 : memref<!tpu.dma_semaphore, #tpu.memory_space<semaphore_mem>>)
    %add3A_14 = arith.constant 1 : i32
    %add3A_15 = arith.addi %mul3A_2, %add3A_14 : i32
    %dma_start3A_16 = arith.constant 0 : i32
    %dma_start3A_17 = arith.constant 0 : i32
    %dma_start3A_18 = tpu.memref_slice %arg3[%add3A_15, %dma_start3A_16, %dma_start3A_17] : memref<2560x3x128xi32, #tpu.memory_space<hbm>> -> memref<1x3x128xi32, #tpu.memory_space<hbm>>
    %dma_start3A_19 = tpu.memref_squeeze %dma_start3A_18 : memref<1x3x128xi32, #tpu.memory_space<hbm>> -> memref<3x128xi32, #tpu.memory_space<hbm>>
    %dma_start3A_20 = arith.constant 0 : i32
    %dma_start3A_21 = arith.constant 0 : i32
    %dma_start3A_22 = tpu.memref_slice %arg3[%add3A_15, %dma_start3A_20, %dma_start3A_21] : memref<2560x3x128xi32, #tpu.memory_space<hbm>> -> memref<1x3x128xi32, #tpu.memory_space<hbm>>
    %dma_start3A_23 = tpu.memref_squeeze %dma_start3A_22 : memref<1x3x128xi32, #tpu.memory_space<hbm>> -> memref<3x128xi32, #tpu.memory_space<hbm>>
    tpu.enqueue_dma source(%dma_start3A_23 : memref<3x128xi32, #tpu.memory_space<hbm>>) target(%arg7 : memref<3x128xi32, #tpu.memory_space<vmem>>) target_semaphore(%arg16 : memref<!tpu.dma_semaphore, #tpu.memory_space<semaphore_mem>>)
    %dma_wait3A = arith.constant 0 : i32
    %dma_wait3A_24 = arith.constant 0 : i32
    %dma_wait3A_25 = tpu.memref_slice %arg3[%mul3A_2, %dma_wait3A, %dma_wait3A_24] : memref<2560x3x128xi32, #tpu.memory_space<hbm>> -> memref<1x3x128xi32, #tpu.memory_space<hbm>>
    %dma_wait3A_26 = tpu.memref_squeeze %dma_wait3A_25 : memref<1x3x128xi32, #tpu.memory_space<hbm>> -> memref<3x128xi32, #tpu.memory_space<hbm>>
    %dma_wait3A_27 = arith.constant 0 : i32
    %dma_wait3A_28 = arith.constant 0 : i32
    %dma_wait3A_29 = tpu.memref_slice %arg3[%mul3A_2, %dma_wait3A_27, %dma_wait3A_28] : memref<2560x3x128xi32, #tpu.memory_space<hbm>> -> memref<1x3x128xi32, #tpu.memory_space<hbm>>
    %dma_wait3A_30 = tpu.memref_squeeze %dma_wait3A_29 : memref<1x3x128xi32, #tpu.memory_space<hbm>> -> memref<3x128xi32, #tpu.memory_space<hbm>>
    tpu.wait_dma2 semaphore(%arg15 : memref<!tpu.dma_semaphore, #tpu.memory_space<semaphore_mem>>) src(%dma_wait3A_30 : memref<3x128xi32, #tpu.memory_space<hbm>>) dst(%arg6 : memref<3x128xi32, #tpu.memory_space<vmem>>)
    %get3A = arith.constant 0 : i32
    %get3A_31 = arith.index_cast %get3A : i32 to index
    %get3A_32 = arith.constant 0 : index
    %get3A_33 = tpu.vector_load %arg6[%get3A_31, %get3A_32] {strides = array<i32>} : memref<3x128xi32, #tpu.memory_space<vmem>>, vector<1x16xi32>,
    %get3A_34 = vector.shape_cast %get3A_33 : vector<1x16xi32> to vector<16xi32>
    %get3A_35 = arith.constant 1 : i32
    %get3A_36 = arith.index_cast %get3A_35 : i32 to index
    %get3A_37 = arith.constant 0 : index
    %get3A_38 = tpu.vector_load %arg6[%get3A_36, %get3A_37] {strides = array<i32>} : memref<3x128xi32, #tpu.memory_space<vmem>>, vector<1x16xi32>,
    %get3A_39 = vector.shape_cast %get3A_38 : vector<1x16xi32> to vector<16xi32>
    %mul3A_40 = arith.constant 10240 : i32
    %mul3A_41 = vector.broadcast %mul3A_40 : i32 to vector<16xi32>
    %mul3A_42 = arith.muli %get3A_39, %mul3A_41 : vector<16xi32>
    %add3A_43 = arith.addi %mul3A_42, %get3A_34 : vector<16xi32>
    %swap3A = arith.constant 0 : index
    %swap3A_44 = tpu.vector_load %arg8[%swap3A] {strides = array<i32>} : memref<128xi32, #tpu.memory_space<vmem>>, vector<16xi32>,
    %swap3A_45 = vector.shape_cast %swap3A_44 : vector<16xi32> to vector<16xi32>
    %swap3A_46 = vector.shape_cast %add3A_43 : vector<16xi32> to vector<16xi32>
    tpu.vector_store %arg8[%swap3A], %swap3A_46 {strides = array<i32>} : memref<128xi32, #tpu.memory_space<vmem>>, vector<16xi32>,
    %get3A_47 = arith.constant 2 : i32
    %get3A_48 = arith.index_cast %get3A_47 : i32 to index
    %get3A_49 = arith.constant 0 : index
    %get3A_50 = tpu.vector_load %arg6[%get3A_48, %get3A_49] {strides = array<i32>} : memref<3x128xi32, #tpu.memory_space<vmem>>, vector<1x16xi32>,
    %get3A_51 = vector.shape_cast %get3A_50 : vector<1x16xi32> to vector<16xi32>
    %swap3A_52 = arith.constant 0 : index
    %swap3A_53 = tpu.vector_load %arg10[%swap3A_52] {strides = array<i32>} : memref<128xi32, #tpu.memory_space<vmem>>, vector<16xi32>,
    %swap3A_54 = vector.shape_cast %swap3A_53 : vector<16xi32> to vector<16xi32>
    %swap3A_55 = vector.shape_cast %get3A_51 : vector<16xi32> to vector<16xi32>
    tpu.vector_store %arg10[%swap3A_52], %swap3A_55 {strides = array<i32>} : memref<128xi32, #tpu.memory_space<vmem>>, vector<16xi32>,
    %get3A_56 = arith.constant 0 : i32
    %get3A_57 = arith.index_cast %get3A_56 : i32 to index
    %get3A_58 = arith.constant 16 : index
    %get3A_59 = tpu.vector_load %arg6[%get3A_57, %get3A_58] {strides = array<i32>} : memref<3x128xi32, #tpu.memory_space<vmem>>, vector<1x16xi32>,
    %get3A_60 = vector.shape_cast %get3A_59 : vector<1x16xi32> to vector<16xi32>
    %get3A_61 = arith.constant 1 : i32
    %get3A_62 = arith.index_cast %get3A_61 : i32 to index
    %get3A_63 = arith.constant 16 : index
    %get3A_64 = tpu.vector_load %arg6[%get3A_62, %get3A_63] {strides = array<i32>} : memref<3x128xi32, #tpu.memory_space<vmem>>, vector<1x16xi32>,
    %get3A_65 = vector.shape_cast %get3A_64 : vector<1x16xi32> to vector<16xi32>
    %mul3A_66 = arith.constant 10240 : i32
    %mul3A_67 = vector.broadcast %mul3A_66 : i32 to vector<16xi32>
    %mul3A_68 = arith.muli %get3A_65, %mul3A_67 : vector<16xi32>
    %add3A_69 = arith.addi %mul3A_68, %get3A_60 : vector<16xi32>
    %swap3A_70 = arith.constant 16 : index
    %swap3A_71 = tpu.vector_load %arg8[%swap3A_70] {strides = array<i32>} : memref<128xi32, #tpu.memory_space<vmem>>, vector<16xi32>,
    %swap3A_72 = vector.shape_cast %swap3A_71 : vector<16xi32> to vector<16xi32>
    %swap3A_73 = vector.shape_cast %add3A_69 : vector<16xi32> to vector<16xi32>
    tpu.vector_store %arg8[%swap3A_70], %swap3A_73 {strides = array<i32>} : memref<128xi32, #tpu.memory_space<vmem>>, vector<16xi32>,
    %get3A_74 = arith.constant 2 : i32
    %get3A_75 = arith.index_cast %get3A_74 : i32 to index
    %get3A_76 = arith.constant 16 : index
    %get3A_77 = tpu.vector_load %arg6[%get3A_75, %get3A_76] {strides = array<i32>} : memref<3x128xi32, #tpu.memory_space<vmem>>, vector<1x16xi32>,
    %get3A_78 = vector.shape_cast %get3A_77 : vector<1x16xi32> to vector<16xi32>
    %swap3A_79 = arith.constant 16 : index
    %swap3A_80 = tpu.vector_load %arg10[%swap3A_79] {strides = array<i32>} : memref<128xi32, #tpu.memory_space<vmem>>, vector<16xi32>,
    %swap3A_81 = vector.shape_cast %swap3A_80 : vector<16xi32> to vector<16xi32>
    %swap3A_82 = vector.shape_cast %get3A_78 : vector<16xi32> to vector<16xi32>
    tpu.vector_store %arg10[%swap3A_79], %swap3A_82 {strides = array<i32>} : memref<128xi32, #tpu.memory_space<vmem>>, vector<16xi32>,
    %get3A_83 = arith.constant 0 : i32
    %get3A_84 = arith.index_cast %get3A_83 : i32 to index
    %get3A_85 = arith.constant 32 : index
    %get3A_86 = tpu.vector_load %arg6[%get3A_84, %get3A_85] {strides = array<i32>} : memref<3x128xi32, #tpu.memory_space<vmem>>, vector<1x16xi32>,
    %get3A_87 = vector.shape_cast %get3A_86 : vector<1x16xi32> to vector<16xi32>
    %get3A_88 = arith.constant 1 : i32
    %get3A_89 = arith.index_cast %get3A_88 : i32 to index
    %get3A_90 = arith.constant 32 : index
    %get3A_91 = tpu.vector_load %arg6[%get3A_89, %get3A_90] {strides = array<i32>} : memref<3x128xi32, #tpu.memory_space<vmem>>, vector<1x16xi32>,
    %get3A_92 = vector.shape_cast %get3A_91 : vector<1x16xi32> to vector<16xi32>
    %mul3A_93 = arith.constant 10240 : i32
    %mul3A_94 = vector.broadcast %mul3A_93 : i32 to vector<16xi32>
    %mul3A_95 = arith.muli %get3A_92, %mul3A_94 : vector<16xi32>
    %add3A_96 = arith.addi %mul3A_95, %get3A_87 : vector<16xi32>
    %swap3A_97 = arith.constant 32 : index
    %swap3A_98 = tpu.vector_load %arg8[%swap3A_97] {strides = array<i32>} : memref<128xi32, #tpu.memory_space<vmem>>, vector<16xi32>,
    %swap3A_99 = vector.shape_cast %swap3A_98 : vector<16xi32> to vector<16xi32>
    %swap3A_100 = vector.shape_cast %add3A_96 : vector<16xi32> to vector<16xi32>
    tpu.vector_store %arg8[%swap3A_97], %swap3A_100 {strides = array<i32>} : memref<128xi32, #tpu.memory_space<vmem>>, vector<16xi32>,
    %get3A_101 = arith.constant 2 : i32
    %get3A_102 = arith.index_cast %get3A_101 : i32 to index
    %get3A_103 = arith.constant 32 : index
    %get3A_104 = tpu.vector_load %arg6[%get3A_102, %get3A_103] {strides = array<i32>} : memref<3x128xi32, #tpu.memory_space<vmem>>, vector<1x16xi32>,
    %get3A_105 = vector.shape_cast %get3A_104 : vector<1x16xi32> to vector<16xi32>
    %swap3A_106 = arith.constant 32 : index
    %swap3A_107 = tpu.vector_load %arg10[%swap3A_106] {strides = array<i32>} : memref<128xi32, #tpu.memory_space<vmem>>, vector<16xi32>,
    %swap3A_108 = vector.shape_cast %swap3A_107 : vector<16xi32> to vector<16xi32>
    %swap3A_109 = vector.shape_cast %get3A_105 : vector<16xi32> to vector<16xi32>
    tpu.vector_store %arg10[%swap3A_106], %swap3A_109 {strides = array<i32>} : memref<128xi32, #tpu.memory_space<vmem>>, vector<16xi32>,
    %get3A_110 = arith.constant 0 : i32
    %get3A_111 = arith.index_cast %get3A_110 : i32 to index
    %get3A_112 = arith.constant 48 : index
    %get3A_113 = tpu.vector_load %arg6[%get3A_111, %get3A_112] {strides = array<i32>} : memref<3x128xi32, #tpu.memory_space<vmem>>, vector<1x16xi32>,
    %get3A_114 = vector.shape_cast %get3A_113 : vector<1x16xi32> to vector<16xi32>
    %get3A_115 = arith.constant 1 : i32
    %get3A_116 = arith.index_cast %get3A_115 : i32 to index
    %get3A_117 = arith.constant 48 : index
    %get3A_118 = tpu.vector_load %arg6[%get3A_116, %get3A_117] {strides = array<i32>} : memref<3x128xi32, #tpu.memory_space<vmem>>, vector<1x16xi32>,
    %get3A_119 = vector.shape_cast %get3A_118 : vector<1x16xi32> to vector<16xi32>
    %mul3A_120 = arith.constant 10240 : i32
    %mul3A_121 = vector.broadcast %mul3A_120 : i32 to vector<16xi32>
    %mul3A_122 = arith.muli %get3A_119, %mul3A_121 : vector<16xi32>
    %add3A_123 = arith.addi %mul3A_122, %get3A_114 : vector<16xi32>
    %swap3A_124 = arith.constant 48 : index
    %swap3A_125 = tpu.vector_load %arg8[%swap3A_124] {strides = array<i32>} : memref<128xi32, #tpu.memory_space<vmem>>, vector<16xi32>,
    %swap3A_126 = vector.shape_cast %swap3A_125 : vector<16xi32> to vector<16xi32>
    %swap3A_127 = vector.shape_cast %add3A_123 : vector<16xi32> to vector<16xi32>
    tpu.vector_store %arg8[%swap3A_124], %swap3A_127 {strides = array<i32>} : memref<128xi32, #tpu.memory_space<vmem>>, vector<16xi32>,
    %get3A_128 = arith.constant 2 : i32
    %get3A_129 = arith.index_cast %get3A_128 : i32 to index
    %get3A_130 = arith.constant 48 : index
    %get3A_131 = tpu.vector_load %arg6[%get3A_129, %get3A_130] {strides = array<i32>} : memref<3x128xi32, #tpu.memory_space<vmem>>, vector<1x16xi32>,
    %get3A_132 = vector.shape_cast %get3A_131 : vector<1x16xi32> to vector<16xi32>
    %swap3A_133 = arith.constant 48 : index
    %swap3A_134 = tpu.vector_load %arg10[%swap3A_133] {strides = array<i32>} : memref<128xi32, #tpu.memory_space<vmem>>, vector<16xi32>,
    %swap3A_135 = vector.shape_cast %swap3A_134 : vector<16xi32> to vector<16xi32>
    %swap3A_136 = vector.shape_cast %get3A_132 : vector<16xi32> to vector<16xi32>
    tpu.vector_store %arg10[%swap3A_133], %swap3A_136 {strides = array<i32>} : memref<128xi32, #tpu.memory_space<vmem>>, vector<16xi32>,
    %get3A_137 = arith.constant 0 : i32
    %get3A_138 = arith.index_cast %get3A_137 : i32 to index
    %get3A_139 = arith.constant 64 : index
    %get3A_140 = tpu.vector_load %arg6[%get3A_138, %get3A_139] {strides = array<i32>} : memref<3x128xi32, #tpu.memory_space<vmem>>, vector<1x16xi32>,
    %get3A_141 = vector.shape_cast %get3A_140 : vector<1x16xi32> to vector<16xi32>
    %get3A_142 = arith.constant 1 : i32
    %get3A_143 = arith.index_cast %get3A_142 : i32 to index
    %get3A_144 = arith.constant 64 : index
    %get3A_145 = tpu.vector_load %arg6[%get3A_143, %get3A_144] {strides = array<i32>} : memref<3x128xi32, #tpu.memory_space<vmem>>, vector<1x16xi32>,
    %get3A_146 = vector.shape_cast %get3A_145 : vector<1x16xi32> to vector<16xi32>
    %mul3A_147 = arith.constant 10240 : i32
    %mul3A_148 = vector.broadcast %mul3A_147 : i32 to vector<16xi32>
    %mul3A_149 = arith.muli %get3A_146, %mul3A_148 : vector<16xi32>
    %add3A_150 = arith.addi %mul3A_149, %get3A_141 : vector<16xi32>
    %swap3A_151 = arith.constant 64 : index
    %swap3A_152 = tpu.vector_load %arg8[%swap3A_151] {strides = array<i32>} : memref<128xi32, #tpu.memory_space<vmem>>, vector<16xi32>,
    %swap3A_153 = vector.shape_cast %swap3A_152 : vector<16xi32> to vector<16xi32>
    %swap3A_154 = vector.shape_cast %add3A_150 : vector<16xi32> to vector<16xi32>
    tpu.vector_store %arg8[%swap3A_151], %swap3A_154 {strides = array<i32>} : memref<128xi32, #tpu.memory_space<vmem>>, vector<16xi32>,
    %get3A_155 = arith.constant 2 : i32
    %get3A_156 = arith.index_cast %get3A_155 : i32 to index
    %get3A_157 = arith.constant 64 : index
    %get3A_158 = tpu.vector_load %arg6[%get3A_156, %get3A_157] {strides = array<i32>} : memref<3x128xi32, #tpu.memory_space<vmem>>, vector<1x16xi32>,
    %get3A_159 = vector.shape_cast %get3A_158 : vector<1x16xi32> to vector<16xi32>
    %swap3A_160 = arith.constant 64 : index
    %swap3A_161 = tpu.vector_load %arg10[%swap3A_160] {strides = array<i32>} : memref<128xi32, #tpu.memory_space<vmem>>, vector<16xi32>,
    %swap3A_162 = vector.shape_cast %swap3A_161 : vector<16xi32> to vector<16xi32>
    %swap3A_163 = vector.shape_cast %get3A_159 : vector<16xi32> to vector<16xi32>
    tpu.vector_store %arg10[%swap3A_160], %swap3A_163 {strides = array<i32>} : memref<128xi32, #tpu.memory_space<vmem>>, vector<16xi32>,
    %get3A_164 = arith.constant 0 : i32
    %get3A_165 = arith.index_cast %get3A_164 : i32 to index
    %get3A_166 = arith.constant 80 : index
    %get3A_167 = tpu.vector_load %arg6[%get3A_165, %get3A_166] {strides = array<i32>} : memref<3x128xi32, #tpu.memory_space<vmem>>, vector<1x16xi32>,
    %get3A_168 = vector.shape_cast %get3A_167 : vector<1x16xi32> to vector<16xi32>
    %get3A_169 = arith.constant 1 : i32
    %get3A_170 = arith.index_cast %get3A_169 : i32 to index
    %get3A_171 = arith.constant 80 : index
    %get3A_172 = tpu.vector_load %arg6[%get3A_170, %get3A_171] {strides = array<i32>} : memref<3x128xi32, #tpu.memory_space<vmem>>, vector<1x16xi32>,
    %get3A_173 = vector.shape_cast %get3A_172 : vector<1x16xi32> to vector<16xi32>
    %mul3A_174 = arith.constant 10240 : i32
    %mul3A_175 = vector.broadcast %mul3A_174 : i32 to vector<16xi32>
    %mul3A_176 = arith.muli %get3A_173, %mul3A_175 : vector<16xi32>
    %add3A_177 = arith.addi %mul3A_176, %get3A_168 : vector<16xi32>
    %swap3A_178 = arith.constant 80 : index
    %swap3A_179 = tpu.vector_load %arg8[%swap3A_178] {strides = array<i32>} : memref<128xi32, #tpu.memory_space<vmem>>, vector<16xi32>,
    %swap3A_180 = vector.shape_cast %swap3A_179 : vector<16xi32> to vector<16xi32>
    %swap3A_181 = vector.shape_cast %add3A_177 : vector<16xi32> to vector<16xi32>
    tpu.vector_store %arg8[%swap3A_178], %swap3A_181 {strides = array<i32>} : memref<128xi32, #tpu.memory_space<vmem>>, vector<16xi32>,
    %get3A_182 = arith.constant 2 : i32
    %get3A_183 = arith.index_cast %get3A_182 : i32 to index
    %get3A_184 = arith.constant 80 : index
    %get3A_185 = tpu.vector_load %arg6[%get3A_183, %get3A_184] {strides = array<i32>} : memref<3x128xi32, #tpu.memory_space<vmem>>, vector<1x16xi32>,
    %get3A_186 = vector.shape_cast %get3A_185 : vector<1x16xi32> to vector<16xi32>
    %swap3A_187 = arith.constant 80 : index
    %swap3A_188 = tpu.vector_load %arg10[%swap3A_187] {strides = array<i32>} : memref<128xi32, #tpu.memory_space<vmem>>, vector<16xi32>,
    %swap3A_189 = vector.shape_cast %swap3A_188 : vector<16xi32> to vector<16xi32>
    %swap3A_190 = vector.shape_cast %get3A_186 : vector<16xi32> to vector<16xi32>
    tpu.vector_store %arg10[%swap3A_187], %swap3A_190 {strides = array<i32>} : memref<128xi32, #tpu.memory_space<vmem>>, vector<16xi32>,
    %get3A_191 = arith.constant 0 : i32
    %get3A_192 = arith.index_cast %get3A_191 : i32 to index
    %get3A_193 = arith.constant 96 : index
    %get3A_194 = tpu.vector_load %arg6[%get3A_192, %get3A_193] {strides = array<i32>} : memref<3x128xi32, #tpu.memory_space<vmem>>, vector<1x16xi32>,
    %get3A_195 = vector.shape_cast %get3A_194 : vector<1x16xi32> to vector<16xi32>
    %get3A_196 = arith.constant 1 : i32
    %get3A_197 = arith.index_cast %get3A_196 : i32 to index
    %get3A_198 = arith.constant 96 : index
    %get3A_199 = tpu.vector_load %arg6[%get3A_197, %get3A_198] {strides = array<i32>} : memref<3x128xi32, #tpu.memory_space<vmem>>, vector<1x16xi32>,
    %get3A_200 = vector.shape_cast %get3A_199 : vector<1x16xi32> to vector<16xi32>
    %mul3A_201 = arith.constant 10240 : i32
    %mul3A_202 = vector.broadcast %mul3A_201 : i32 to vector<16xi32>
    %mul3A_203 = arith.muli %get3A_200, %mul3A_202 : vector<16xi32>
    %add3A_204 = arith.addi %mul3A_203, %get3A_195 : vector<16xi32>
    %swap3A_205 = arith.constant 96 : index
    %swap3A_206 = tpu.vector_load %arg8[%swap3A_205] {strides = array<i32>} : memref<128xi32, #tpu.memory_space<vmem>>, vector<16xi32>,
    %swap3A_207 = vector.shape_cast %swap3A_206 : vector<16xi32> to vector<16xi32>
    %swap3A_208 = vector.shape_cast %add3A_204 : vector<16xi32> to vector<16xi32>
    tpu.vector_store %arg8[%swap3A_205], %swap3A_208 {strides = array<i32>} : memref<128xi32, #tpu.memory_space<vmem>>, vector<16xi32>,
    %get3A_209 = arith.constant 2 : i32
    %get3A_210 = arith.index_cast %get3A_209 : i32 to index
    %get3A_211 = arith.constant 96 : index
    %get3A_212 = tpu.vector_load %arg6[%get3A_210, %get3A_211] {strides = array<i32>} : memref<3x128xi32, #tpu.memory_space<vmem>>, vector<1x16xi32>,
    %get3A_213 = vector.shape_cast %get3A_212 : vector<1x16xi32> to vector<16xi32>
    %swap3A_214 = arith.constant 96 : index
    %swap3A_215 = tpu.vector_load %arg10[%swap3A_214] {strides = array<i32>} : memref<128xi32, #tpu.memory_space<vmem>>, vector<16xi32>,
    %swap3A_216 = vector.shape_cast %swap3A_215 : vector<16xi32> to vector<16xi32>
    %swap3A_217 = vector.shape_cast %get3A_213 : vector<16xi32> to vector<16xi32>
    tpu.vector_store %arg10[%swap3A_214], %swap3A_217 {strides = array<i32>} : memref<128xi32, #tpu.memory_space<vmem>>, vector<16xi32>,
    %get3A_218 = arith.constant 0 : i32
    %get3A_219 = arith.index_cast %get3A_218 : i32 to index
    %get3A_220 = arith.constant 112 : index
    %get3A_221 = tpu.vector_load %arg6[%get3A_219, %get3A_220] {strides = array<i32>} : memref<3x128xi32, #tpu.memory_space<vmem>>, vector<1x16xi32>,
    %get3A_222 = vector.shape_cast %get3A_221 : vector<1x16xi32> to vector<16xi32>
    %get3A_223 = arith.constant 1 : i32
    %get3A_224 = arith.index_cast %get3A_223 : i32 to index
    %get3A_225 = arith.constant 112 : index
    %get3A_226 = tpu.vector_load %arg6[%get3A_224, %get3A_225] {strides = array<i32>} : memref<3x128xi32, #tpu.memory_space<vmem>>, vector<1x16xi32>,
    %get3A_227 = vector.shape_cast %get3A_226 : vector<1x16xi32> to vector<16xi32>
    %mul3A_228 = arith.constant 10240 : i32
    %mul3A_229 = vector.broadcast %mul3A_228 : i32 to vector<16xi32>
    %mul3A_230 = arith.muli %get3A_227, %mul3A_229 : vector<16xi32>
    %add3A_231 = arith.addi %mul3A_230, %get3A_222 : vector<16xi32>
    %swap3A_232 = arith.constant 112 : index
    %swap3A_233 = tpu.vector_load %arg8[%swap3A_232] {strides = array<i32>} : memref<128xi32, #tpu.memory_space<vmem>>, vector<16xi32>,
    %swap3A_234 = vector.shape_cast %swap3A_233 : vector<16xi32> to vector<16xi32>
    %swap3A_235 = vector.shape_cast %add3A_231 : vector<16xi32> to vector<16xi32>
    tpu.vector_store %arg8[%swap3A_232], %swap3A_235 {strides = array<i32>} : memref<128xi32, #tpu.memory_space<vmem>>, vector<16xi32>,
    %get3A_236 = arith.constant 2 : i32
    %get3A_237 = arith.index_cast %get3A_236 : i32 to index
    %get3A_238 = arith.constant 112 : index
    %get3A_239 = tpu.vector_load %arg6[%get3A_237, %get3A_238] {strides = array<i32>} : memref<3x128xi32, #tpu.memory_space<vmem>>, vector<1x16xi32>,
    %get3A_240 = vector.shape_cast %get3A_239 : vector<1x16xi32> to vector<16xi32>
    %swap3A_241 = arith.constant 112 : index
    %swap3A_242 = tpu.vector_load %arg10[%swap3A_241] {strides = array<i32>} : memref<128xi32, #tpu.memory_space<vmem>>, vector<16xi32>,
    %swap3A_243 = vector.shape_cast %swap3A_242 : vector<16xi32> to vector<16xi32>
    %swap3A_244 = vector.shape_cast %get3A_240 : vector<16xi32> to vector<16xi32>
    tpu.vector_store %arg10[%swap3A_241], %swap3A_244 {strides = array<i32>} : memref<128xi32, #tpu.memory_space<vmem>>, vector<16xi32>,
    %add3A_245 = arith.constant 2 : i32
    %add3A_246 = arith.addi %mul3A_2, %add3A_245 : i32
    %dma_start3A_247 = arith.constant 0 : i32
    %dma_start3A_248 = arith.constant 0 : i32
    %dma_start3A_249 = tpu.memref_slice %arg3[%add3A_246, %dma_start3A_247, %dma_start3A_248] : memref<2560x3x128xi32, #tpu.memory_space<hbm>> -> memref<1x3x128xi32, #tpu.memory_space<hbm>>
    %dma_start3A_250 = tpu.memref_squeeze %dma_start3A_249 : memref<1x3x128xi32, #tpu.memory_space<hbm>> -> memref<3x128xi32, #tpu.memory_space<hbm>>
    %dma_start3A_251 = arith.constant 0 : i32
    %dma_start3A_252 = arith.constant 0 : i32
    %dma_start3A_253 = tpu.memref_slice %arg3[%add3A_246, %dma_start3A_251, %dma_start3A_252] : memref<2560x3x128xi32, #tpu.memory_space<hbm>> -> memref<1x3x128xi32, #tpu.memory_space<hbm>>
    %dma_start3A_254 = tpu.memref_squeeze %dma_start3A_253 : memref<1x3x128xi32, #tpu.memory_space<hbm>> -> memref<3x128xi32, #tpu.memory_space<hbm>>
    tpu.enqueue_dma source(%dma_start3A_254 : memref<3x128xi32, #tpu.memory_space<hbm>>) target(%arg6 : memref<3x128xi32, #tpu.memory_space<vmem>>) target_semaphore(%arg15 : memref<!tpu.dma_semaphore, #tpu.memory_space<semaphore_mem>>)
    %dma_start3A_255 = arith.constant 0 : i32
    %dma_start3A_256 = arith.constant 0 : i32
    %dma_start3A_257 = tpu.memref_slice %arg12[%dma_start3A_255, %dma_start3A_256] : memref<128x128xf32, #tpu.memory_space<vmem>> -> memref<64x128xf32, #tpu.memory_space<vmem>>
    %dma_start3A_258 = arith.constant 0 : i32
    %dma_start3A_259 = tpu.memref_slice %arg8[%dma_start3A_258] : memref<128xi32, #tpu.memory_space<vmem>> -> memref<64xi32, #tpu.memory_space<vmem>>
    %dma_start3A_260 = arith.constant 0 : i32
    %dma_start3A_261 = arith.constant 0 : i32
    %dma_start3A_262 = tpu.memref_slice %arg2[%dma_start3A_260, %dma_start3A_261] : memref<40960x128xf32, #tpu.memory_space<hbm>> -> memref<40960x128xf32, #tpu.memory_space<hbm>>
    tpu.enqueue_indirect_dma source(%dma_start3A_262 : memref<40960x128xf32, #tpu.memory_space<hbm>>) target(%dma_start3A_257 : memref<64x128xf32, #tpu.memory_space<vmem>>) offsets(%dma_start3A_259 : memref<64xi32, #tpu.memory_space<vmem>>) semaphore(%arg17 : memref<!tpu.dma_semaphore, #tpu.memory_space<semaphore_mem>>)
    %dma_start3A_263 = arith.constant 64 : i32
    %dma_start3A_264 = arith.constant 0 : i32
    %dma_start3A_265 = tpu.memref_slice %arg12[%dma_start3A_263, %dma_start3A_264] : memref<128x128xf32, #tpu.memory_space<vmem>> -> memref<64x128xf32, #tpu.memory_space<vmem>>
    %dma_start3A_266 = arith.constant 64 : i32
    %dma_start3A_267 = tpu.memref_slice %arg8[%dma_start3A_266] : memref<128xi32, #tpu.memory_space<vmem>> -> memref<64xi32, #tpu.memory_space<vmem>>
    %dma_start3A_268 = arith.constant 0 : i32
    %dma_start3A_269 = arith.constant 0 : i32
    %dma_start3A_270 = tpu.memref_slice %arg2[%dma_start3A_268, %dma_start3A_269] : memref<40960x128xf32, #tpu.memory_space<hbm>> -> memref<40960x128xf32, #tpu.memory_space<hbm>>
    tpu.enqueue_indirect_dma source(%dma_start3A_270 : memref<40960x128xf32, #tpu.memory_space<hbm>>) target(%dma_start3A_265 : memref<64x128xf32, #tpu.memory_space<vmem>>) offsets(%dma_start3A_267 : memref<64xi32, #tpu.memory_space<vmem>>) semaphore(%arg17 : memref<!tpu.dma_semaphore, #tpu.memory_space<semaphore_mem>>)
    %scan3A = arith.constant 0 : i32
    %scan3A_271 = arith.constant 0 : i32
    %scan3A_272 = arith.constant 40 : i32
    %scan3A_273 = arith.addi %scan3A_271, %scan3A_272 : i32
    %scan3A_274 = arith.constant 1 : i32
    scf.for %scan3A_283 = %scan3A_271 to %scan3A_273 step %scan3A_274  : i32 {
      %mul3A_284 = arith.constant 2 : i32
      %mul3A_285 = arith.muli %scan3A_283, %mul3A_284 : i32
      %add3A_286 = arith.constant 0 : i32
      %add3A_287 = arith.addi %mul3A_285, %add3A_286 : i32
      %add3A_288 = arith.constant 1 : i32
      %add3A_289 = arith.addi %add3A_287, %add3A_288 : i32
      %lt3A = arith.constant 80 : i32
      %lt3A_290 = arith.cmpi slt, %add3A_289, %lt3A : i32
      %convert_element_type3A = arith.extui %lt3A_290 : i1 to i32
      %cond3A = arith.constant 0 : i32
      %cond3A_291 = arith.cmpi ne, %convert_element_type3A, %cond3A : i32
      scf.if %cond3A_291 {
        %dma_wait3A_341 = arith.constant 0 : i32
        %dma_wait3A_342 = arith.constant 0 : i32
        %dma_wait3A_343 = tpu.memref_slice %arg3[%mul3A_2, %dma_wait3A_341, %dma_wait3A_342] : memref<2560x3x128xi32, #tpu.memory_space<hbm>> -> memref<1x3x128xi32, #tpu.memory_space<hbm>>
        %dma_wait3A_344 = tpu.memref_squeeze %dma_wait3A_343 : memref<1x3x128xi32, #tpu.memory_space<hbm>> -> memref<3x128xi32, #tpu.memory_space<hbm>>
        %dma_wait3A_345 = arith.constant 0 : i32
        %dma_wait3A_346 = arith.constant 0 : i32
        %dma_wait3A_347 = tpu.memref_slice %arg3[%mul3A_2, %dma_wait3A_345, %dma_wait3A_346] : memref<2560x3x128xi32, #tpu.memory_space<hbm>> -> memref<1x3x128xi32, #tpu.memory_space<hbm>>
        %dma_wait3A_348 = tpu.memref_squeeze %dma_wait3A_347 : memref<1x3x128xi32, #tpu.memory_space<hbm>> -> memref<3x128xi32, #tpu.memory_space<hbm>>
        tpu.wait_dma2 semaphore(%arg16 : memref<!tpu.dma_semaphore, #tpu.memory_space<semaphore_mem>>) src(%dma_wait3A_348 : memref<3x128xi32, #tpu.memory_space<hbm>>) dst(%arg7 : memref<3x128xi32, #tpu.memory_space<vmem>>)
        %gt3A = arith.constant 0 : i32
        %gt3A_349 = arith.cmpi sgt, %scan3A_283, %gt3A : i32
        %convert_element_type3A_350 = arith.extui %gt3A_349 : i1 to i32
        %cond3A_351 = arith.constant 0 : i32
        %cond3A_352 = arith.cmpi ne, %convert_element_type3A_350, %cond3A_351 : i32
        scf.if %cond3A_352 {
          %dma_wait3A_592 = arith.constant 0 : i32
          %dma_wait3A_593 = arith.constant 0 : i32
          %dma_wait3A_594 = tpu.memref_slice %arg14[%dma_wait3A_592, %dma_wait3A_593] : memref<10240x128xf32, #tpu.memory_space<vmem_shared>> -> memref<10240x128xf32, #tpu.memory_space<vmem_shared>>
          tpu.wait_indirect_dma semaphore(%arg20 : memref<!tpu.dma_semaphore, #tpu.memory_space<semaphore_mem>>) src(%arg13 : memref<128x128xf32, #tpu.memory_space<vmem>>) dst(%dma_wait3A_594 : memref<10240x128xf32, #tpu.memory_space<vmem_shared>>)
        } else {
        }
        %get3A_353 = arith.constant 0 : i32
        %get3A_354 = arith.index_cast %get3A_353 : i32 to index
        %get3A_355 = arith.constant 0 : index
        %get3A_356 = tpu.vector_load %arg7[%get3A_354, %get3A_355] {strides = array<i32>} : memref<3x128xi32, #tpu.memory_space<vmem>>, vector<1x16xi32>,
        %get3A_357 = vector.shape_cast %get3A_356 : vector<1x16xi32> to vector<16xi32>
        %get3A_358 = arith.constant 1 : i32
        %get3A_359 = arith.index_cast %get3A_358 : i32 to index
        %get3A_360 = arith.constant 0 : index
        %get3A_361 = tpu.vector_load %arg7[%get3A_359, %get3A_360] {strides = array<i32>} : memref<3x128xi32, #tpu.memory_space<vmem>>, vector<1x16xi32>,
        %get3A_362 = vector.shape_cast %get3A_361 : vector<1x16xi32> to vector<16xi32>
        %mul3A_363 = arith.constant 10240 : i32
        %mul3A_364 = vector.broadcast %mul3A_363 : i32 to vector<16xi32>
        %mul3A_365 = arith.muli %get3A_362, %mul3A_364 : vector<16xi32>
        %add3A_366 = arith.addi %mul3A_365, %get3A_357 : vector<16xi32>
        %swap3A_367 = arith.constant 0 : index
        %swap3A_368 = tpu.vector_load %arg9[%swap3A_367] {strides = array<i32>} : memref<128xi32, #tpu.memory_space<vmem>>, vector<16xi32>,
        %swap3A_369 = vector.shape_cast %swap3A_368 : vector<16xi32> to vector<16xi32>
        %swap3A_370 = vector.shape_cast %add3A_366 : vector<16xi32> to vector<16xi32>
        tpu.vector_store %arg9[%swap3A_367], %swap3A_370 {strides = array<i32>} : memref<128xi32, #tpu.memory_space<vmem>>, vector<16xi32>,
        %get3A_371 = arith.constant 2 : i32
        %get3A_372 = arith.index_cast %get3A_371 : i32 to index
        %get3A_373 = arith.constant 0 : index
        %get3A_374 = tpu.vector_load %arg7[%get3A_372, %get3A_373] {strides = array<i32>} : memref<3x128xi32, #tpu.memory_space<vmem>>, vector<1x16xi32>,
        %get3A_375 = vector.shape_cast %get3A_374 : vector<1x16xi32> to vector<16xi32>
        %swap3A_376 = arith.constant 0 : index
        %swap3A_377 = tpu.vector_load %arg11[%swap3A_376] {strides = array<i32>} : memref<128xi32, #tpu.memory_space<vmem>>, vector<16xi32>,
        %swap3A_378 = vector.shape_cast %swap3A_377 : vector<16xi32> to vector<16xi32>
        %swap3A_379 = vector.shape_cast %get3A_375 : vector<16xi32> to vector<16xi32>
        tpu.vector_store %arg11[%swap3A_376], %swap3A_379 {strides = array<i32>} : memref<128xi32, #tpu.memory_space<vmem>>, vector<16xi32>,
        %get3A_380 = arith.constant 0 : i32
        %get3A_381 = arith.index_cast %get3A_380 : i32 to index
        %get3A_382 = arith.constant 16 : index
        %get3A_383 = tpu.vector_load %arg7[%get3A_381, %get3A_382] {strides = array<i32>} : memref<3x128xi32, #tpu.memory_space<vmem>>, vector<1x16xi32>,
        %get3A_384 = vector.shape_cast %get3A_383 : vector<1x16xi32> to vector<16xi32>
        %get3A_385 = arith.constant 1 : i32
        %get3A_386 = arith.index_cast %get3A_385 : i32 to index
        %get3A_387 = arith.constant 16 : index
        %get3A_388 = tpu.vector_load %arg7[%get3A_386, %get3A_387] {strides = array<i32>} : memref<3x128xi32, #tpu.memory_space<vmem>>, vector<1x16xi32>,
        %get3A_389 = vector.shape_cast %get3A_388 : vector<1x16xi32> to vector<16xi32>
        %mul3A_390 = arith.constant 10240 : i32
        %mul3A_391 = vector.broadcast %mul3A_390 : i32 to vector<16xi32>
        %mul3A_392 = arith.muli %get3A_389, %mul3A_391 : vector<16xi32>
        %add3A_393 = arith.addi %mul3A_392, %get3A_384 : vector<16xi32>
        %swap3A_394 = arith.constant 16 : index
        %swap3A_395 = tpu.vector_load %arg9[%swap3A_394] {strides = array<i32>} : memref<128xi32, #tpu.memory_space<vmem>>, vector<16xi32>,
        %swap3A_396 = vector.shape_cast %swap3A_395 : vector<16xi32> to vector<16xi32>
        %swap3A_397 = vector.shape_cast %add3A_393 : vector<16xi32> to vector<16xi32>
        tpu.vector_store %arg9[%swap3A_394], %swap3A_397 {strides = array<i32>} : memref<128xi32, #tpu.memory_space<vmem>>, vector<16xi32>,
        %get3A_398 = arith.constant 2 : i32
        %get3A_399 = arith.index_cast %get3A_398 : i32 to index
        %get3A_400 = arith.constant 16 : index
        %get3A_401 = tpu.vector_load %arg7[%get3A_399, %get3A_400] {strides = array<i32>} : memref<3x128xi32, #tpu.memory_space<vmem>>, vector<1x16xi32>,
        %get3A_402 = vector.shape_cast %get3A_401 : vector<1x16xi32> to vector<16xi32>
        %swap3A_403 = arith.constant 16 : index
        %swap3A_404 = tpu.vector_load %arg11[%swap3A_403] {strides = array<i32>} : memref<128xi32, #tpu.memory_space<vmem>>, vector<16xi32>,
        %swap3A_405 = vector.shape_cast %swap3A_404 : vector<16xi32> to vector<16xi32>
        %swap3A_406 = vector.shape_cast %get3A_402 : vector<16xi32> to vector<16xi32>
        tpu.vector_store %arg11[%swap3A_403], %swap3A_406 {strides = array<i32>} : memref<128xi32, #tpu.memory_space<vmem>>, vector<16xi32>,
        %get3A_407 = arith.constant 0 : i32
        %get3A_408 = arith.index_cast %get3A_407 : i32 to index
        %get3A_409 = arith.constant 32 : index
        %get3A_410 = tpu.vector_load %arg7[%get3A_408, %get3A_409] {strides = array<i32>} : memref<3x128xi32, #tpu.memory_space<vmem>>, vector<1x16xi32>,
        %get3A_411 = vector.shape_cast %get3A_410 : vector<1x16xi32> to vector<16xi32>
        %get3A_412 = arith.constant 1 : i32
        %get3A_413 = arith.index_cast %get3A_412 : i32 to index
        %get3A_414 = arith.constant 32 : index
        %get3A_415 = tpu.vector_load %arg7[%get3A_413, %get3A_414] {strides = array<i32>} : memref<3x128xi32, #tpu.memory_space<vmem>>, vector<1x16xi32>,
        %get3A_416 = vector.shape_cast %get3A_415 : vector<1x16xi32> to vector<16xi32>
        %mul3A_417 = arith.constant 10240 : i32
        %mul3A_418 = vector.broadcast %mul3A_417 : i32 to vector<16xi32>
        %mul3A_419 = arith.muli %get3A_416, %mul3A_418 : vector<16xi32>
        %add3A_420 = arith.addi %mul3A_419, %get3A_411 : vector<16xi32>
        %swap3A_421 = arith.constant 32 : index
        %swap3A_422 = tpu.vector_load %arg9[%swap3A_421] {strides = array<i32>} : memref<128xi32, #tpu.memory_space<vmem>>, vector<16xi32>,
        %swap3A_423 = vector.shape_cast %swap3A_422 : vector<16xi32> to vector<16xi32>
        %swap3A_424 = vector.shape_cast %add3A_420 : vector<16xi32> to vector<16xi32>
        tpu.vector_store %arg9[%swap3A_421], %swap3A_424 {strides = array<i32>} : memref<128xi32, #tpu.memory_space<vmem>>, vector<16xi32>,
        %get3A_425 = arith.constant 2 : i32
        %get3A_426 = arith.index_cast %get3A_425 : i32 to index
        %get3A_427 = arith.constant 32 : index
        %get3A_428 = tpu.vector_load %arg7[%get3A_426, %get3A_427] {strides = array<i32>} : memref<3x128xi32, #tpu.memory_space<vmem>>, vector<1x16xi32>,
        %get3A_429 = vector.shape_cast %get3A_428 : vector<1x16xi32> to vector<16xi32>
        %swap3A_430 = arith.constant 32 : index
        %swap3A_431 = tpu.vector_load %arg11[%swap3A_430] {strides = array<i32>} : memref<128xi32, #tpu.memory_space<vmem>>, vector<16xi32>,
        %swap3A_432 = vector.shape_cast %swap3A_431 : vector<16xi32> to vector<16xi32>
        %swap3A_433 = vector.shape_cast %get3A_429 : vector<16xi32> to vector<16xi32>
        tpu.vector_store %arg11[%swap3A_430], %swap3A_433 {strides = array<i32>} : memref<128xi32, #tpu.memory_space<vmem>>, vector<16xi32>,
        %get3A_434 = arith.constant 0 : i32
        %get3A_435 = arith.index_cast %get3A_434 : i32 to index
        %get3A_436 = arith.constant 48 : index
        %get3A_437 = tpu.vector_load %arg7[%get3A_435, %get3A_436] {strides = array<i32>} : memref<3x128xi32, #tpu.memory_space<vmem>>, vector<1x16xi32>,
        %get3A_438 = vector.shape_cast %get3A_437 : vector<1x16xi32> to vector<16xi32>
        %get3A_439 = arith.constant 1 : i32
        %get3A_440 = arith.index_cast %get3A_439 : i32 to index
        %get3A_441 = arith.constant 48 : index
        %get3A_442 = tpu.vector_load %arg7[%get3A_440, %get3A_441] {strides = array<i32>} : memref<3x128xi32, #tpu.memory_space<vmem>>, vector<1x16xi32>,
        %get3A_443 = vector.shape_cast %get3A_442 : vector<1x16xi32> to vector<16xi32>
        %mul3A_444 = arith.constant 10240 : i32
        %mul3A_445 = vector.broadcast %mul3A_444 : i32 to vector<16xi32>
        %mul3A_446 = arith.muli %get3A_443, %mul3A_445 : vector<16xi32>
        %add3A_447 = arith.addi %mul3A_446, %get3A_438 : vector<16xi32>
        %swap3A_448 = arith.constant 48 : index
        %swap3A_449 = tpu.vector_load %arg9[%swap3A_448] {strides = array<i32>} : memref<128xi32, #tpu.memory_space<vmem>>, vector<16xi32>,
        %swap3A_450 = vector.shape_cast %swap3A_449 : vector<16xi32> to vector<16xi32>
        %swap3A_451 = vector.shape_cast %add3A_447 : vector<16xi32> to vector<16xi32>
        tpu.vector_store %arg9[%swap3A_448], %swap3A_451 {strides = array<i32>} : memref<128xi32, #tpu.memory_space<vmem>>, vector<16xi32>,
        %get3A_452 = arith.constant 2 : i32
        %get3A_453 = arith.index_cast %get3A_452 : i32 to index
        %get3A_454 = arith.constant 48 : index
        %get3A_455 = tpu.vector_load %arg7[%get3A_453, %get3A_454] {strides = array<i32>} : memref<3x128xi32, #tpu.memory_space<vmem>>, vector<1x16xi32>,
        %get3A_456 = vector.shape_cast %get3A_455 : vector<1x16xi32> to vector<16xi32>
        %swap3A_457 = arith.constant 48 : index
        %swap3A_458 = tpu.vector_load %arg11[%swap3A_457] {strides = array<i32>} : memref<128xi32, #tpu.memory_space<vmem>>, vector<16xi32>,
        %swap3A_459 = vector.shape_cast %swap3A_458 : vector<16xi32> to vector<16xi32>
        %swap3A_460 = vector.shape_cast %get3A_456 : vector<16xi32> to vector<16xi32>
        tpu.vector_store %arg11[%swap3A_457], %swap3A_460 {strides = array<i32>} : memref<128xi32, #tpu.memory_space<vmem>>, vector<16xi32>,
        %get3A_461 = arith.constant 0 : i32
        %get3A_462 = arith.index_cast %get3A_461 : i32 to index
        %get3A_463 = arith.constant 64 : index
        %get3A_464 = tpu.vector_load %arg7[%get3A_462, %get3A_463] {strides = array<i32>} : memref<3x128xi32, #tpu.memory_space<vmem>>, vector<1x16xi32>,
        %get3A_465 = vector.shape_cast %get3A_464 : vector<1x16xi32> to vector<16xi32>
        %get3A_466 = arith.constant 1 : i32
        %get3A_467 = arith.index_cast %get3A_466 : i32 to index
        %get3A_468 = arith.constant 64 : index
        %get3A_469 = tpu.vector_load %arg7[%get3A_467, %get3A_468] {strides = array<i32>} : memref<3x128xi32, #tpu.memory_space<vmem>>, vector<1x16xi32>,
        %get3A_470 = vector.shape_cast %get3A_469 : vector<1x16xi32> to vector<16xi32>
        %mul3A_471 = arith.constant 10240 : i32
        %mul3A_472 = vector.broadcast %mul3A_471 : i32 to vector<16xi32>
        %mul3A_473 = arith.muli %get3A_470, %mul3A_472 : vector<16xi32>
        %add3A_474 = arith.addi %mul3A_473, %get3A_465 : vector<16xi32>
        %swap3A_475 = arith.constant 64 : index
        %swap3A_476 = tpu.vector_load %arg9[%swap3A_475] {strides = array<i32>} : memref<128xi32, #tpu.memory_space<vmem>>, vector<16xi32>,
        %swap3A_477 = vector.shape_cast %swap3A_476 : vector<16xi32> to vector<16xi32>
        %swap3A_478 = vector.shape_cast %add3A_474 : vector<16xi32> to vector<16xi32>
        tpu.vector_store %arg9[%swap3A_475], %swap3A_478 {strides = array<i32>} : memref<128xi32, #tpu.memory_space<vmem>>, vector<16xi32>,
        %get3A_479 = arith.constant 2 : i32
        %get3A_480 = arith.index_cast %get3A_479 : i32 to index
        %get3A_481 = arith.constant 64 : index
        %get3A_482 = tpu.vector_load %arg7[%get3A_480, %get3A_481] {strides = array<i32>} : memref<3x128xi32, #tpu.memory_space<vmem>>, vector<1x16xi32>,
        %get3A_483 = vector.shape_cast %get3A_482 : vector<1x16xi32> to vector<16xi32>
        %swap3A_484 = arith.constant 64 : index
        %swap3A_485 = tpu.vector_load %arg11[%swap3A_484] {strides = array<i32>} : memref<128xi32, #tpu.memory_space<vmem>>, vector<16xi32>,
        %swap3A_486 = vector.shape_cast %swap3A_485 : vector<16xi32> to vector<16xi32>
        %swap3A_487 = vector.shape_cast %get3A_483 : vector<16xi32> to vector<16xi32>
        tpu.vector_store %arg11[%swap3A_484], %swap3A_487 {strides = array<i32>} : memref<128xi32, #tpu.memory_space<vmem>>, vector<16xi32>,
        %get3A_488 = arith.constant 0 : i32
        %get3A_489 = arith.index_cast %get3A_488 : i32 to index
        %get3A_490 = arith.constant 80 : index
        %get3A_491 = tpu.vector_load %arg7[%get3A_489, %get3A_490] {strides = array<i32>} : memref<3x128xi32, #tpu.memory_space<vmem>>, vector<1x16xi32>,
        %get3A_492 = vector.shape_cast %get3A_491 : vector<1x16xi32> to vector<16xi32>
        %get3A_493 = arith.constant 1 : i32
        %get3A_494 = arith.index_cast %get3A_493 : i32 to index
        %get3A_495 = arith.constant 80 : index
        %get3A_496 = tpu.vector_load %arg7[%get3A_494, %get3A_495] {strides = array<i32>} : memref<3x128xi32, #tpu.memory_space<vmem>>, vector<1x16xi32>,
        %get3A_497 = vector.shape_cast %get3A_496 : vector<1x16xi32> to vector<16xi32>
        %mul3A_498 = arith.constant 10240 : i32
        %mul3A_499 = vector.broadcast %mul3A_498 : i32 to vector<16xi32>
        %mul3A_500 = arith.muli %get3A_497, %mul3A_499 : vector<16xi32>
        %add3A_501 = arith.addi %mul3A_500, %get3A_492 : vector<16xi32>
        %swap3A_502 = arith.constant 80 : index
        %swap3A_503 = tpu.vector_load %arg9[%swap3A_502] {strides = array<i32>} : memref<128xi32, #tpu.memory_space<vmem>>, vector<16xi32>,
        %swap3A_504 = vector.shape_cast %swap3A_503 : vector<16xi32> to vector<16xi32>
        %swap3A_505 = vector.shape_cast %add3A_501 : vector<16xi32> to vector<16xi32>
        tpu.vector_store %arg9[%swap3A_502], %swap3A_505 {strides = array<i32>} : memref<128xi32, #tpu.memory_space<vmem>>, vector<16xi32>,
        %get3A_506 = arith.constant 2 : i32
        %get3A_507 = arith.index_cast %get3A_506 : i32 to index
        %get3A_508 = arith.constant 80 : index
        %get3A_509 = tpu.vector_load %arg7[%get3A_507, %get3A_508] {strides = array<i32>} : memref<3x128xi32, #tpu.memory_space<vmem>>, vector<1x16xi32>,
        %get3A_510 = vector.shape_cast %get3A_509 : vector<1x16xi32> to vector<16xi32>
        %swap3A_511 = arith.constant 80 : index
        %swap3A_512 = tpu.vector_load %arg11[%swap3A_511] {strides = array<i32>} : memref<128xi32, #tpu.memory_space<vmem>>, vector<16xi32>,
        %swap3A_513 = vector.shape_cast %swap3A_512 : vector<16xi32> to vector<16xi32>
        %swap3A_514 = vector.shape_cast %get3A_510 : vector<16xi32> to vector<16xi32>
        tpu.vector_store %arg11[%swap3A_511], %swap3A_514 {strides = array<i32>} : memref<128xi32, #tpu.memory_space<vmem>>, vector<16xi32>,
        %get3A_515 = arith.constant 0 : i32
        %get3A_516 = arith.index_cast %get3A_515 : i32 to index
        %get3A_517 = arith.constant 96 : index
        %get3A_518 = tpu.vector_load %arg7[%get3A_516, %get3A_517] {strides = array<i32>} : memref<3x128xi32, #tpu.memory_space<vmem>>, vector<1x16xi32>,
        %get3A_519 = vector.shape_cast %get3A_518 : vector<1x16xi32> to vector<16xi32>
        %get3A_520 = arith.constant 1 : i32
        %get3A_521 = arith.index_cast %get3A_520 : i32 to index
        %get3A_522 = arith.constant 96 : index
        %get3A_523 = tpu.vector_load %arg7[%get3A_521, %get3A_522] {strides = array<i32>} : memref<3x128xi32, #tpu.memory_space<vmem>>, vector<1x16xi32>,
        %get3A_524 = vector.shape_cast %get3A_523 : vector<1x16xi32> to vector<16xi32>
        %mul3A_525 = arith.constant 10240 : i32
        %mul3A_526 = vector.broadcast %mul3A_525 : i32 to vector<16xi32>
        %mul3A_527 = arith.muli %get3A_524, %mul3A_526 : vector<16xi32>
        %add3A_528 = arith.addi %mul3A_527, %get3A_519 : vector<16xi32>
        %swap3A_529 = arith.constant 96 : index
        %swap3A_530 = tpu.vector_load %arg9[%swap3A_529] {strides = array<i32>} : memref<128xi32, #tpu.memory_space<vmem>>, vector<16xi32>,
        %swap3A_531 = vector.shape_cast %swap3A_530 : vector<16xi32> to vector<16xi32>
        %swap3A_532 = vector.shape_cast %add3A_528 : vector<16xi32> to vector<16xi32>
        tpu.vector_store %arg9[%swap3A_529], %swap3A_532 {strides = array<i32>} : memref<128xi32, #tpu.memory_space<vmem>>, vector<16xi32>,
        %get3A_533 = arith.constant 2 : i32
        %get3A_534 = arith.index_cast %get3A_533 : i32 to index
        %get3A_535 = arith.constant 96 : index
        %get3A_536 = tpu.vector_load %arg7[%get3A_534, %get3A_535] {strides = array<i32>} : memref<3x128xi32, #tpu.memory_space<vmem>>, vector<1x16xi32>,
        %get3A_537 = vector.shape_cast %get3A_536 : vector<1x16xi32> to vector<16xi32>
        %swap3A_538 = arith.constant 96 : index
        %swap3A_539 = tpu.vector_load %arg11[%swap3A_538] {strides = array<i32>} : memref<128xi32, #tpu.memory_space<vmem>>, vector<16xi32>,
        %swap3A_540 = vector.shape_cast %swap3A_539 : vector<16xi32> to vector<16xi32>
        %swap3A_541 = vector.shape_cast %get3A_537 : vector<16xi32> to vector<16xi32>
        tpu.vector_store %arg11[%swap3A_538], %swap3A_541 {strides = array<i32>} : memref<128xi32, #tpu.memory_space<vmem>>, vector<16xi32>,
        %get3A_542 = arith.constant 0 : i32
        %get3A_543 = arith.index_cast %get3A_542 : i32 to index
        %get3A_544 = arith.constant 112 : index
        %get3A_545 = tpu.vector_load %arg7[%get3A_543, %get3A_544] {strides = array<i32>} : memref<3x128xi32, #tpu.memory_space<vmem>>, vector<1x16xi32>,
        %get3A_546 = vector.shape_cast %get3A_545 : vector<1x16xi32> to vector<16xi32>
        %get3A_547 = arith.constant 1 : i32
        %get3A_548 = arith.index_cast %get3A_547 : i32 to index
        %get3A_549 = arith.constant 112 : index
        %get3A_550 = tpu.vector_load %arg7[%get3A_548, %get3A_549] {strides = array<i32>} : memref<3x128xi32, #tpu.memory_space<vmem>>, vector<1x16xi32>,
        %get3A_551 = vector.shape_cast %get3A_550 : vector<1x16xi32> to vector<16xi32>
        %mul3A_552 = arith.constant 10240 : i32
        %mul3A_553 = vector.broadcast %mul3A_552 : i32 to vector<16xi32>
        %mul3A_554 = arith.muli %get3A_551, %mul3A_553 : vector<16xi32>
        %add3A_555 = arith.addi %mul3A_554, %get3A_546 : vector<16xi32>
        %swap3A_556 = arith.constant 112 : index
        %swap3A_557 = tpu.vector_load %arg9[%swap3A_556] {strides = array<i32>} : memref<128xi32, #tpu.memory_space<vmem>>, vector<16xi32>,
        %swap3A_558 = vector.shape_cast %swap3A_557 : vector<16xi32> to vector<16xi32>
        %swap3A_559 = vector.shape_cast %add3A_555 : vector<16xi32> to vector<16xi32>
        tpu.vector_store %arg9[%swap3A_556], %swap3A_559 {strides = array<i32>} : memref<128xi32, #tpu.memory_space<vmem>>, vector<16xi32>,
        %get3A_560 = arith.constant 2 : i32
        %get3A_561 = arith.index_cast %get3A_560 : i32 to index
        %get3A_562 = arith.constant 112 : index
        %get3A_563 = tpu.vector_load %arg7[%get3A_561, %get3A_562] {strides = array<i32>} : memref<3x128xi32, #tpu.memory_space<vmem>>, vector<1x16xi32>,
        %get3A_564 = vector.shape_cast %get3A_563 : vector<1x16xi32> to vector<16xi32>
        %swap3A_565 = arith.constant 112 : index
        %swap3A_566 = tpu.vector_load %arg11[%swap3A_565] {strides = array<i32>} : memref<128xi32, #tpu.memory_space<vmem>>, vector<16xi32>,
        %swap3A_567 = vector.shape_cast %swap3A_566 : vector<16xi32> to vector<16xi32>
        %swap3A_568 = vector.shape_cast %get3A_564 : vector<16xi32> to vector<16xi32>
        tpu.vector_store %arg11[%swap3A_565], %swap3A_568 {strides = array<i32>} : memref<128xi32, #tpu.memory_space<vmem>>, vector<16xi32>,
        %add3A_569 = arith.constant 2 : i32
        %add3A_570 = arith.addi %add3A_289, %add3A_569 : i32
        %lt3A_571 = arith.constant 80 : i32
        %lt3A_572 = arith.cmpi slt, %add3A_570, %lt3A_571 : i32
        %convert_element_type3A_573 = arith.extui %lt3A_572 : i1 to i32
        %cond3A_574 = arith.constant 0 : i32
        %cond3A_575 = arith.cmpi ne, %convert_element_type3A_573, %cond3A_574 : i32
        scf.if %cond3A_575 {
          %add3A_592 = arith.constant 2 : i32
          %add3A_593 = arith.addi %add3A_289, %add3A_592 : i32
          %add3A_594 = arith.addi %mul3A_2, %add3A_593 : i32
          %dma_start3A_595 = arith.constant 0 : i32
          %dma_start3A_596 = arith.constant 0 : i32
          %dma_start3A_597 = tpu.memref_slice %arg3[%add3A_594, %dma_start3A_595, %dma_start3A_596] : memref<2560x3x128xi32, #tpu.memory_space<hbm>> -> memref<1x3x128xi32, #tpu.memory_space<hbm>>
          %dma_start3A_598 = tpu.memref_squeeze %dma_start3A_597 : memref<1x3x128xi32, #tpu.memory_space<hbm>> -> memref<3x128xi32, #tpu.memory_space<hbm>>
          %dma_start3A_599 = arith.constant 0 : i32
          %dma_start3A_600 = arith.constant 0 : i32
          %dma_start3A_601 = tpu.memref_slice %arg3[%add3A_594, %dma_start3A_599, %dma_start3A_600] : memref<2560x3x128xi32, #tpu.memory_space<hbm>> -> memref<1x3x128xi32, #tpu.memory_space<hbm>>
          %dma_start3A_602 = tpu.memref_squeeze %dma_start3A_601 : memref<1x3x128xi32, #tpu.memory_space<hbm>> -> memref<3x128xi32, #tpu.memory_space<hbm>>
          tpu.enqueue_dma source(%dma_start3A_602 : memref<3x128xi32, #tpu.memory_space<hbm>>) target(%arg7 : memref<3x128xi32, #tpu.memory_space<vmem>>) target_semaphore(%arg16 : memref<!tpu.dma_semaphore, #tpu.memory_space<semaphore_mem>>)
        } else {
        }
        %dma_start3A_576 = arith.constant 0 : i32
        %dma_start3A_577 = arith.constant 0 : i32
        %dma_start3A_578 = tpu.memref_slice %arg13[%dma_start3A_576, %dma_start3A_577] : memref<128x128xf32, #tpu.memory_space<vmem>> -> memref<64x128xf32, #tpu.memory_space<vmem>>
        %dma_start3A_579 = arith.constant 0 : i32
        %dma_start3A_580 = tpu.memref_slice %arg9[%dma_start3A_579] : memref<128xi32, #tpu.memory_space<vmem>> -> memref<64xi32, #tpu.memory_space<vmem>>
        %dma_start3A_581 = arith.constant 0 : i32
        %dma_start3A_582 = arith.constant 0 : i32
        %dma_start3A_583 = tpu.memref_slice %arg2[%dma_start3A_581, %dma_start3A_582] : memref<40960x128xf32, #tpu.memory_space<hbm>> -> memref<40960x128xf32, #tpu.memory_space<hbm>>
        tpu.enqueue_indirect_dma source(%dma_start3A_583 : memref<40960x128xf32, #tpu.memory_space<hbm>>) target(%dma_start3A_578 : memref<64x128xf32, #tpu.memory_space<vmem>>) offsets(%dma_start3A_580 : memref<64xi32, #tpu.memory_space<vmem>>) semaphore(%arg18 : memref<!tpu.dma_semaphore, #tpu.memory_space<semaphore_mem>>)
        %dma_start3A_584 = arith.constant 64 : i32
        %dma_start3A_585 = arith.constant 0 : i32
        %dma_start3A_586 = tpu.memref_slice %arg13[%dma_start3A_584, %dma_start3A_585] : memref<128x128xf32, #tpu.memory_space<vmem>> -> memref<64x128xf32, #tpu.memory_space<vmem>>
        %dma_start3A_587 = arith.constant 64 : i32
        %dma_start3A_588 = tpu.memref_slice %arg9[%dma_start3A_587] : memref<128xi32, #tpu.memory_space<vmem>> -> memref<64xi32, #tpu.memory_space<vmem>>
        %dma_start3A_589 = arith.constant 0 : i32
        %dma_start3A_590 = arith.constant 0 : i32
        %dma_start3A_591 = tpu.memref_slice %arg2[%dma_start3A_589, %dma_start3A_590] : memref<40960x128xf32, #tpu.memory_space<hbm>> -> memref<40960x128xf32, #tpu.memory_space<hbm>>
        tpu.enqueue_indirect_dma source(%dma_start3A_591 : memref<40960x128xf32, #tpu.memory_space<hbm>>) target(%dma_start3A_586 : memref<64x128xf32, #tpu.memory_space<vmem>>) offsets(%dma_start3A_588 : memref<64xi32, #tpu.memory_space<vmem>>) semaphore(%arg18 : memref<!tpu.dma_semaphore, #tpu.memory_space<semaphore_mem>>)
      } else {
      }
      %dma_wait3A_292 = arith.constant 0 : i32
      %dma_wait3A_293 = arith.constant 0 : i32
      %dma_wait3A_294 = tpu.memref_slice %arg12[%dma_wait3A_292, %dma_wait3A_293] : memref<128x128xf32, #tpu.memory_space<vmem>> -> memref<64x128xf32, #tpu.memory_space<vmem>>
      %dma_wait3A_295 = arith.constant 0 : i32
      %dma_wait3A_296 = tpu.memref_slice %arg8[%dma_wait3A_295] : memref<128xi32, #tpu.memory_space<vmem>> -> memref<64xi32, #tpu.memory_space<vmem>>
      %dma_wait3A_297 = arith.constant 0 : i32
      %dma_wait3A_298 = arith.constant 0 : i32
      %dma_wait3A_299 = tpu.memref_slice %arg2[%dma_wait3A_297, %dma_wait3A_298] : memref<40960x128xf32, #tpu.memory_space<hbm>> -> memref<40960x128xf32, #tpu.memory_space<hbm>>
      tpu.wait_indirect_dma semaphore(%arg17 : memref<!tpu.dma_semaphore, #tpu.memory_space<semaphore_mem>>) src(%dma_wait3A_299 : memref<40960x128xf32, #tpu.memory_space<hbm>>) dst(%dma_wait3A_294 : memref<64x128xf32, #tpu.memory_space<vmem>>)
      %dma_wait3A_300 = arith.constant 64 : i32
      %dma_wait3A_301 = arith.constant 0 : i32
      %dma_wait3A_302 = tpu.memref_slice %arg12[%dma_wait3A_300, %dma_wait3A_301] : memref<128x128xf32, #tpu.memory_space<vmem>> -> memref<64x128xf32, #tpu.memory_space<vmem>>
      %dma_wait3A_303 = arith.constant 64 : i32
      %dma_wait3A_304 = tpu.memref_slice %arg8[%dma_wait3A_303] : memref<128xi32, #tpu.memory_space<vmem>> -> memref<64xi32, #tpu.memory_space<vmem>>
      %dma_wait3A_305 = arith.constant 0 : i32
      %dma_wait3A_306 = arith.constant 0 : i32
      %dma_wait3A_307 = tpu.memref_slice %arg2[%dma_wait3A_305, %dma_wait3A_306] : memref<40960x128xf32, #tpu.memory_space<hbm>> -> memref<40960x128xf32, #tpu.memory_space<hbm>>
      tpu.wait_indirect_dma semaphore(%arg17 : memref<!tpu.dma_semaphore, #tpu.memory_space<semaphore_mem>>) src(%dma_wait3A_307 : memref<40960x128xf32, #tpu.memory_space<hbm>>) dst(%dma_wait3A_302 : memref<64x128xf32, #tpu.memory_space<vmem>>)
      %dma_start3A_308 = arith.constant 0 : i32
      %dma_start3A_309 = arith.constant 0 : i32
      %dma_start3A_310 = tpu.memref_slice %arg14[%dma_start3A_308, %dma_start3A_309] : memref<10240x128xf32, #tpu.memory_space<vmem_shared>> -> memref<10240x128xf32, #tpu.memory_space<vmem_shared>>
      tpu.enqueue_indirect_dma source(%arg12 : memref<128x128xf32, #tpu.memory_space<vmem>>) target(%dma_start3A_310 : memref<10240x128xf32, #tpu.memory_space<vmem_shared>>) offsets(%arg10 : memref<128xi32, #tpu.memory_space<vmem>>) semaphore(%arg19 : memref<!tpu.dma_semaphore, #tpu.memory_space<semaphore_mem>>) {add = true}
      %mul3A_311 = arith.constant 2 : i32
      %mul3A_312 = arith.muli %scan3A_283, %mul3A_311 : i32
      %add3A_313 = arith.constant 1 : i32
      %add3A_314 = arith.addi %mul3A_312, %add3A_313 : i32
      %add3A_315 = arith.constant 1 : i32
      %add3A_316 = arith.addi %add3A_314, %add3A_315 : i32
      %lt3A_317 = arith.constant 80 : i32
      %lt3A_318 = arith.cmpi slt, %add3A_316, %lt3A_317 : i32
      %convert_element_type3A_319 = arith.extui %lt3A_318 : i1 to i32
      %cond3A_320 = arith.constant 0 : i32
      %cond3A_321 = arith.cmpi ne, %convert_element_type3A_319, %cond3A_320 : i32
      scf.if %cond3A_321 {
        %dma_wait3A_341 = arith.constant 0 : i32
        %dma_wait3A_342 = arith.constant 0 : i32
        %dma_wait3A_343 = tpu.memref_slice %arg3[%mul3A_2, %dma_wait3A_341, %dma_wait3A_342] : memref<2560x3x128xi32, #tpu.memory_space<hbm>> -> memref<1x3x128xi32, #tpu.memory_space<hbm>>
        %dma_wait3A_344 = tpu.memref_squeeze %dma_wait3A_343 : memref<1x3x128xi32, #tpu.memory_space<hbm>> -> memref<3x128xi32, #tpu.memory_space<hbm>>
        %dma_wait3A_345 = arith.constant 0 : i32
        %dma_wait3A_346 = arith.constant 0 : i32
        %dma_wait3A_347 = tpu.memref_slice %arg3[%mul3A_2, %dma_wait3A_345, %dma_wait3A_346] : memref<2560x3x128xi32, #tpu.memory_space<hbm>> -> memref<1x3x128xi32, #tpu.memory_space<hbm>>
        %dma_wait3A_348 = tpu.memref_squeeze %dma_wait3A_347 : memref<1x3x128xi32, #tpu.memory_space<hbm>> -> memref<3x128xi32, #tpu.memory_space<hbm>>
        tpu.wait_dma2 semaphore(%arg15 : memref<!tpu.dma_semaphore, #tpu.memory_space<semaphore_mem>>) src(%dma_wait3A_348 : memref<3x128xi32, #tpu.memory_space<hbm>>) dst(%arg6 : memref<3x128xi32, #tpu.memory_space<vmem>>)
        %dma_wait3A_349 = arith.constant 0 : i32
        %dma_wait3A_350 = arith.constant 0 : i32
        %dma_wait3A_351 = tpu.memref_slice %arg14[%dma_wait3A_349, %dma_wait3A_350] : memref<10240x128xf32, #tpu.memory_space<vmem_shared>> -> memref<10240x128xf32, #tpu.memory_space<vmem_shared>>
        tpu.wait_indirect_dma semaphore(%arg19 : memref<!tpu.dma_semaphore, #tpu.memory_space<semaphore_mem>>) src(%arg12 : memref<128x128xf32, #tpu.memory_space<vmem>>) dst(%dma_wait3A_351 : memref<10240x128xf32, #tpu.memory_space<vmem_shared>>)
        %get3A_352 = arith.constant 0 : i32
        %get3A_353 = arith.index_cast %get3A_352 : i32 to index
        %get3A_354 = arith.constant 0 : index
        %get3A_355 = tpu.vector_load %arg6[%get3A_353, %get3A_354] {strides = array<i32>} : memref<3x128xi32, #tpu.memory_space<vmem>>, vector<1x16xi32>,
        %get3A_356 = vector.shape_cast %get3A_355 : vector<1x16xi32> to vector<16xi32>
        %get3A_357 = arith.constant 1 : i32
        %get3A_358 = arith.index_cast %get3A_357 : i32 to index
        %get3A_359 = arith.constant 0 : index
        %get3A_360 = tpu.vector_load %arg6[%get3A_358, %get3A_359] {strides = array<i32>} : memref<3x128xi32, #tpu.memory_space<vmem>>, vector<1x16xi32>,
        %get3A_361 = vector.shape_cast %get3A_360 : vector<1x16xi32> to vector<16xi32>
        %mul3A_362 = arith.constant 10240 : i32
        %mul3A_363 = vector.broadcast %mul3A_362 : i32 to vector<16xi32>
        %mul3A_364 = arith.muli %get3A_361, %mul3A_363 : vector<16xi32>
        %add3A_365 = arith.addi %mul3A_364, %get3A_356 : vector<16xi32>
        %swap3A_366 = arith.constant 0 : index
        %swap3A_367 = tpu.vector_load %arg8[%swap3A_366] {strides = array<i32>} : memref<128xi32, #tpu.memory_space<vmem>>, vector<16xi32>,
        %swap3A_368 = vector.shape_cast %swap3A_367 : vector<16xi32> to vector<16xi32>
        %swap3A_369 = vector.shape_cast %add3A_365 : vector<16xi32> to vector<16xi32>
        tpu.vector_store %arg8[%swap3A_366], %swap3A_369 {strides = array<i32>} : memref<128xi32, #tpu.memory_space<vmem>>, vector<16xi32>,
        %get3A_370 = arith.constant 2 : i32
        %get3A_371 = arith.index_cast %get3A_370 : i32 to index
        %get3A_372 = arith.constant 0 : index
        %get3A_373 = tpu.vector_load %arg6[%get3A_371, %get3A_372] {strides = array<i32>} : memref<3x128xi32, #tpu.memory_space<vmem>>, vector<1x16xi32>,
        %get3A_374 = vector.shape_cast %get3A_373 : vector<1x16xi32> to vector<16xi32>
        %swap3A_375 = arith.constant 0 : index
        %swap3A_376 = tpu.vector_load %arg10[%swap3A_375] {strides = array<i32>} : memref<128xi32, #tpu.memory_space<vmem>>, vector<16xi32>,
        %swap3A_377 = vector.shape_cast %swap3A_376 : vector<16xi32> to vector<16xi32>
        %swap3A_378 = vector.shape_cast %get3A_374 : vector<16xi32> to vector<16xi32>
        tpu.vector_store %arg10[%swap3A_375], %swap3A_378 {strides = array<i32>} : memref<128xi32, #tpu.memory_space<vmem>>, vector<16xi32>,
        %get3A_379 = arith.constant 0 : i32
        %get3A_380 = arith.index_cast %get3A_379 : i32 to index
        %get3A_381 = arith.constant 16 : index
        %get3A_382 = tpu.vector_load %arg6[%get3A_380, %get3A_381] {strides = array<i32>} : memref<3x128xi32, #tpu.memory_space<vmem>>, vector<1x16xi32>,
        %get3A_383 = vector.shape_cast %get3A_382 : vector<1x16xi32> to vector<16xi32>
        %get3A_384 = arith.constant 1 : i32
        %get3A_385 = arith.index_cast %get3A_384 : i32 to index
        %get3A_386 = arith.constant 16 : index
        %get3A_387 = tpu.vector_load %arg6[%get3A_385, %get3A_386] {strides = array<i32>} : memref<3x128xi32, #tpu.memory_space<vmem>>, vector<1x16xi32>,
        %get3A_388 = vector.shape_cast %get3A_387 : vector<1x16xi32> to vector<16xi32>
        %mul3A_389 = arith.constant 10240 : i32
        %mul3A_390 = vector.broadcast %mul3A_389 : i32 to vector<16xi32>
        %mul3A_391 = arith.muli %get3A_388, %mul3A_390 : vector<16xi32>
        %add3A_392 = arith.addi %mul3A_391, %get3A_383 : vector<16xi32>
        %swap3A_393 = arith.constant 16 : index
        %swap3A_394 = tpu.vector_load %arg8[%swap3A_393] {strides = array<i32>} : memref<128xi32, #tpu.memory_space<vmem>>, vector<16xi32>,
        %swap3A_395 = vector.shape_cast %swap3A_394 : vector<16xi32> to vector<16xi32>
        %swap3A_396 = vector.shape_cast %add3A_392 : vector<16xi32> to vector<16xi32>
        tpu.vector_store %arg8[%swap3A_393], %swap3A_396 {strides = array<i32>} : memref<128xi32, #tpu.memory_space<vmem>>, vector<16xi32>,
        %get3A_397 = arith.constant 2 : i32
        %get3A_398 = arith.index_cast %get3A_397 : i32 to index
        %get3A_399 = arith.constant 16 : index
        %get3A_400 = tpu.vector_load %arg6[%get3A_398, %get3A_399] {strides = array<i32>} : memref<3x128xi32, #tpu.memory_space<vmem>>, vector<1x16xi32>,
        %get3A_401 = vector.shape_cast %get3A_400 : vector<1x16xi32> to vector<16xi32>
        %swap3A_402 = arith.constant 16 : index
        %swap3A_403 = tpu.vector_load %arg10[%swap3A_402] {strides = array<i32>} : memref<128xi32, #tpu.memory_space<vmem>>, vector<16xi32>,
        %swap3A_404 = vector.shape_cast %swap3A_403 : vector<16xi32> to vector<16xi32>
        %swap3A_405 = vector.shape_cast %get3A_401 : vector<16xi32> to vector<16xi32>
        tpu.vector_store %arg10[%swap3A_402], %swap3A_405 {strides = array<i32>} : memref<128xi32, #tpu.memory_space<vmem>>, vector<16xi32>,
        %get3A_406 = arith.constant 0 : i32
        %get3A_407 = arith.index_cast %get3A_406 : i32 to index
        %get3A_408 = arith.constant 32 : index
        %get3A_409 = tpu.vector_load %arg6[%get3A_407, %get3A_408] {strides = array<i32>} : memref<3x128xi32, #tpu.memory_space<vmem>>, vector<1x16xi32>,
        %get3A_410 = vector.shape_cast %get3A_409 : vector<1x16xi32> to vector<16xi32>
        %get3A_411 = arith.constant 1 : i32
        %get3A_412 = arith.index_cast %get3A_411 : i32 to index
        %get3A_413 = arith.constant 32 : index
        %get3A_414 = tpu.vector_load %arg6[%get3A_412, %get3A_413] {strides = array<i32>} : memref<3x128xi32, #tpu.memory_space<vmem>>, vector<1x16xi32>,
        %get3A_415 = vector.shape_cast %get3A_414 : vector<1x16xi32> to vector<16xi32>
        %mul3A_416 = arith.constant 10240 : i32
        %mul3A_417 = vector.broadcast %mul3A_416 : i32 to vector<16xi32>
        %mul3A_418 = arith.muli %get3A_415, %mul3A_417 : vector<16xi32>
        %add3A_419 = arith.addi %mul3A_418, %get3A_410 : vector<16xi32>
        %swap3A_420 = arith.constant 32 : index
        %swap3A_421 = tpu.vector_load %arg8[%swap3A_420] {strides = array<i32>} : memref<128xi32, #tpu.memory_space<vmem>>, vector<16xi32>,
        %swap3A_422 = vector.shape_cast %swap3A_421 : vector<16xi32> to vector<16xi32>
        %swap3A_423 = vector.shape_cast %add3A_419 : vector<16xi32> to vector<16xi32>
        tpu.vector_store %arg8[%swap3A_420], %swap3A_423 {strides = array<i32>} : memref<128xi32, #tpu.memory_space<vmem>>, vector<16xi32>,
        %get3A_424 = arith.constant 2 : i32
        %get3A_425 = arith.index_cast %get3A_424 : i32 to index
        %get3A_426 = arith.constant 32 : index
        %get3A_427 = tpu.vector_load %arg6[%get3A_425, %get3A_426] {strides = array<i32>} : memref<3x128xi32, #tpu.memory_space<vmem>>, vector<1x16xi32>,
        %get3A_428 = vector.shape_cast %get3A_427 : vector<1x16xi32> to vector<16xi32>
        %swap3A_429 = arith.constant 32 : index
        %swap3A_430 = tpu.vector_load %arg10[%swap3A_429] {strides = array<i32>} : memref<128xi32, #tpu.memory_space<vmem>>, vector<16xi32>,
        %swap3A_431 = vector.shape_cast %swap3A_430 : vector<16xi32> to vector<16xi32>
        %swap3A_432 = vector.shape_cast %get3A_428 : vector<16xi32> to vector<16xi32>
        tpu.vector_store %arg10[%swap3A_429], %swap3A_432 {strides = array<i32>} : memref<128xi32, #tpu.memory_space<vmem>>, vector<16xi32>,
        %get3A_433 = arith.constant 0 : i32
        %get3A_434 = arith.index_cast %get3A_433 : i32 to index
        %get3A_435 = arith.constant 48 : index
        %get3A_436 = tpu.vector_load %arg6[%get3A_434, %get3A_435] {strides = array<i32>} : memref<3x128xi32, #tpu.memory_space<vmem>>, vector<1x16xi32>,
        %get3A_437 = vector.shape_cast %get3A_436 : vector<1x16xi32> to vector<16xi32>
        %get3A_438 = arith.constant 1 : i32
        %get3A_439 = arith.index_cast %get3A_438 : i32 to index
        %get3A_440 = arith.constant 48 : index
        %get3A_441 = tpu.vector_load %arg6[%get3A_439, %get3A_440] {strides = array<i32>} : memref<3x128xi32, #tpu.memory_space<vmem>>, vector<1x16xi32>,
        %get3A_442 = vector.shape_cast %get3A_441 : vector<1x16xi32> to vector<16xi32>
        %mul3A_443 = arith.constant 10240 : i32
        %mul3A_444 = vector.broadcast %mul3A_443 : i32 to vector<16xi32>
        %mul3A_445 = arith.muli %get3A_442, %mul3A_444 : vector<16xi32>
        %add3A_446 = arith.addi %mul3A_445, %get3A_437 : vector<16xi32>
        %swap3A_447 = arith.constant 48 : index
        %swap3A_448 = tpu.vector_load %arg8[%swap3A_447] {strides = array<i32>} : memref<128xi32, #tpu.memory_space<vmem>>, vector<16xi32>,
        %swap3A_449 = vector.shape_cast %swap3A_448 : vector<16xi32> to vector<16xi32>
        %swap3A_450 = vector.shape_cast %add3A_446 : vector<16xi32> to vector<16xi32>
        tpu.vector_store %arg8[%swap3A_447], %swap3A_450 {strides = array<i32>} : memref<128xi32, #tpu.memory_space<vmem>>, vector<16xi32>,
        %get3A_451 = arith.constant 2 : i32
        %get3A_452 = arith.index_cast %get3A_451 : i32 to index
        %get3A_453 = arith.constant 48 : index
        %get3A_454 = tpu.vector_load %arg6[%get3A_452, %get3A_453] {strides = array<i32>} : memref<3x128xi32, #tpu.memory_space<vmem>>, vector<1x16xi32>,
        %get3A_455 = vector.shape_cast %get3A_454 : vector<1x16xi32> to vector<16xi32>
        %swap3A_456 = arith.constant 48 : index
        %swap3A_457 = tpu.vector_load %arg10[%swap3A_456] {strides = array<i32>} : memref<128xi32, #tpu.memory_space<vmem>>, vector<16xi32>,
        %swap3A_458 = vector.shape_cast %swap3A_457 : vector<16xi32> to vector<16xi32>
        %swap3A_459 = vector.shape_cast %get3A_455 : vector<16xi32> to vector<16xi32>
        tpu.vector_store %arg10[%swap3A_456], %swap3A_459 {strides = array<i32>} : memref<128xi32, #tpu.memory_space<vmem>>, vector<16xi32>,
        %get3A_460 = arith.constant 0 : i32
        %get3A_461 = arith.index_cast %get3A_460 : i32 to index
        %get3A_462 = arith.constant 64 : index
        %get3A_463 = tpu.vector_load %arg6[%get3A_461, %get3A_462] {strides = array<i32>} : memref<3x128xi32, #tpu.memory_space<vmem>>, vector<1x16xi32>,
        %get3A_464 = vector.shape_cast %get3A_463 : vector<1x16xi32> to vector<16xi32>
        %get3A_465 = arith.constant 1 : i32
        %get3A_466 = arith.index_cast %get3A_465 : i32 to index
        %get3A_467 = arith.constant 64 : index
        %get3A_468 = tpu.vector_load %arg6[%get3A_466, %get3A_467] {strides = array<i32>} : memref<3x128xi32, #tpu.memory_space<vmem>>, vector<1x16xi32>,
        %get3A_469 = vector.shape_cast %get3A_468 : vector<1x16xi32> to vector<16xi32>
        %mul3A_470 = arith.constant 10240 : i32
        %mul3A_471 = vector.broadcast %mul3A_470 : i32 to vector<16xi32>
        %mul3A_472 = arith.muli %get3A_469, %mul3A_471 : vector<16xi32>
        %add3A_473 = arith.addi %mul3A_472, %get3A_464 : vector<16xi32>
        %swap3A_474 = arith.constant 64 : index
        %swap3A_475 = tpu.vector_load %arg8[%swap3A_474] {strides = array<i32>} : memref<128xi32, #tpu.memory_space<vmem>>, vector<16xi32>,
        %swap3A_476 = vector.shape_cast %swap3A_475 : vector<16xi32> to vector<16xi32>
        %swap3A_477 = vector.shape_cast %add3A_473 : vector<16xi32> to vector<16xi32>
        tpu.vector_store %arg8[%swap3A_474], %swap3A_477 {strides = array<i32>} : memref<128xi32, #tpu.memory_space<vmem>>, vector<16xi32>,
        %get3A_478 = arith.constant 2 : i32
        %get3A_479 = arith.index_cast %get3A_478 : i32 to index
        %get3A_480 = arith.constant 64 : index
        %get3A_481 = tpu.vector_load %arg6[%get3A_479, %get3A_480] {strides = array<i32>} : memref<3x128xi32, #tpu.memory_space<vmem>>, vector<1x16xi32>,
        %get3A_482 = vector.shape_cast %get3A_481 : vector<1x16xi32> to vector<16xi32>
        %swap3A_483 = arith.constant 64 : index
        %swap3A_484 = tpu.vector_load %arg10[%swap3A_483] {strides = array<i32>} : memref<128xi32, #tpu.memory_space<vmem>>, vector<16xi32>,
        %swap3A_485 = vector.shape_cast %swap3A_484 : vector<16xi32> to vector<16xi32>
        %swap3A_486 = vector.shape_cast %get3A_482 : vector<16xi32> to vector<16xi32>
        tpu.vector_store %arg10[%swap3A_483], %swap3A_486 {strides = array<i32>} : memref<128xi32, #tpu.memory_space<vmem>>, vector<16xi32>,
        %get3A_487 = arith.constant 0 : i32
        %get3A_488 = arith.index_cast %get3A_487 : i32 to index
        %get3A_489 = arith.constant 80 : index
        %get3A_490 = tpu.vector_load %arg6[%get3A_488, %get3A_489] {strides = array<i32>} : memref<3x128xi32, #tpu.memory_space<vmem>>, vector<1x16xi32>,
        %get3A_491 = vector.shape_cast %get3A_490 : vector<1x16xi32> to vector<16xi32>
        %get3A_492 = arith.constant 1 : i32
        %get3A_493 = arith.index_cast %get3A_492 : i32 to index
        %get3A_494 = arith.constant 80 : index
        %get3A_495 = tpu.vector_load %arg6[%get3A_493, %get3A_494] {strides = array<i32>} : memref<3x128xi32, #tpu.memory_space<vmem>>, vector<1x16xi32>,
        %get3A_496 = vector.shape_cast %get3A_495 : vector<1x16xi32> to vector<16xi32>
        %mul3A_497 = arith.constant 10240 : i32
        %mul3A_498 = vector.broadcast %mul3A_497 : i32 to vector<16xi32>
        %mul3A_499 = arith.muli %get3A_496, %mul3A_498 : vector<16xi32>
        %add3A_500 = arith.addi %mul3A_499, %get3A_491 : vector<16xi32>
        %swap3A_501 = arith.constant 80 : index
        %swap3A_502 = tpu.vector_load %arg8[%swap3A_501] {strides = array<i32>} : memref<128xi32, #tpu.memory_space<vmem>>, vector<16xi32>,
        %swap3A_503 = vector.shape_cast %swap3A_502 : vector<16xi32> to vector<16xi32>
        %swap3A_504 = vector.shape_cast %add3A_500 : vector<16xi32> to vector<16xi32>
        tpu.vector_store %arg8[%swap3A_501], %swap3A_504 {strides = array<i32>} : memref<128xi32, #tpu.memory_space<vmem>>, vector<16xi32>,
        %get3A_505 = arith.constant 2 : i32
        %get3A_506 = arith.index_cast %get3A_505 : i32 to index
        %get3A_507 = arith.constant 80 : index
        %get3A_508 = tpu.vector_load %arg6[%get3A_506, %get3A_507] {strides = array<i32>} : memref<3x128xi32, #tpu.memory_space<vmem>>, vector<1x16xi32>,
        %get3A_509 = vector.shape_cast %get3A_508 : vector<1x16xi32> to vector<16xi32>
        %swap3A_510 = arith.constant 80 : index
        %swap3A_511 = tpu.vector_load %arg10[%swap3A_510] {strides = array<i32>} : memref<128xi32, #tpu.memory_space<vmem>>, vector<16xi32>,
        %swap3A_512 = vector.shape_cast %swap3A_511 : vector<16xi32> to vector<16xi32>
        %swap3A_513 = vector.shape_cast %get3A_509 : vector<16xi32> to vector<16xi32>
        tpu.vector_store %arg10[%swap3A_510], %swap3A_513 {strides = array<i32>} : memref<128xi32, #tpu.memory_space<vmem>>, vector<16xi32>,
        %get3A_514 = arith.constant 0 : i32
        %get3A_515 = arith.index_cast %get3A_514 : i32 to index
        %get3A_516 = arith.constant 96 : index
        %get3A_517 = tpu.vector_load %arg6[%get3A_515, %get3A_516] {strides = array<i32>} : memref<3x128xi32, #tpu.memory_space<vmem>>, vector<1x16xi32>,
        %get3A_518 = vector.shape_cast %get3A_517 : vector<1x16xi32> to vector<16xi32>
        %get3A_519 = arith.constant 1 : i32
        %get3A_520 = arith.index_cast %get3A_519 : i32 to index
        %get3A_521 = arith.constant 96 : index
        %get3A_522 = tpu.vector_load %arg6[%get3A_520, %get3A_521] {strides = array<i32>} : memref<3x128xi32, #tpu.memory_space<vmem>>, vector<1x16xi32>,
        %get3A_523 = vector.shape_cast %get3A_522 : vector<1x16xi32> to vector<16xi32>
        %mul3A_524 = arith.constant 10240 : i32
        %mul3A_525 = vector.broadcast %mul3A_524 : i32 to vector<16xi32>
        %mul3A_526 = arith.muli %get3A_523, %mul3A_525 : vector<16xi32>
        %add3A_527 = arith.addi %mul3A_526, %get3A_518 : vector<16xi32>
        %swap3A_528 = arith.constant 96 : index
        %swap3A_529 = tpu.vector_load %arg8[%swap3A_528] {strides = array<i32>} : memref<128xi32, #tpu.memory_space<vmem>>, vector<16xi32>,
        %swap3A_530 = vector.shape_cast %swap3A_529 : vector<16xi32> to vector<16xi32>
        %swap3A_531 = vector.shape_cast %add3A_527 : vector<16xi32> to vector<16xi32>
        tpu.vector_store %arg8[%swap3A_528], %swap3A_531 {strides = array<i32>} : memref<128xi32, #tpu.memory_space<vmem>>, vector<16xi32>,
        %get3A_532 = arith.constant 2 : i32
        %get3A_533 = arith.index_cast %get3A_532 : i32 to index
        %get3A_534 = arith.constant 96 : index
        %get3A_535 = tpu.vector_load %arg6[%get3A_533, %get3A_534] {strides = array<i32>} : memref<3x128xi32, #tpu.memory_space<vmem>>, vector<1x16xi32>,
        %get3A_536 = vector.shape_cast %get3A_535 : vector<1x16xi32> to vector<16xi32>
        %swap3A_537 = arith.constant 96 : index
        %swap3A_538 = tpu.vector_load %arg10[%swap3A_537] {strides = array<i32>} : memref<128xi32, #tpu.memory_space<vmem>>, vector<16xi32>,
        %swap3A_539 = vector.shape_cast %swap3A_538 : vector<16xi32> to vector<16xi32>
        %swap3A_540 = vector.shape_cast %get3A_536 : vector<16xi32> to vector<16xi32>
        tpu.vector_store %arg10[%swap3A_537], %swap3A_540 {strides = array<i32>} : memref<128xi32, #tpu.memory_space<vmem>>, vector<16xi32>,
        %get3A_541 = arith.constant 0 : i32
        %get3A_542 = arith.index_cast %get3A_541 : i32 to index
        %get3A_543 = arith.constant 112 : index
        %get3A_544 = tpu.vector_load %arg6[%get3A_542, %get3A_543] {strides = array<i32>} : memref<3x128xi32, #tpu.memory_space<vmem>>, vector<1x16xi32>,
        %get3A_545 = vector.shape_cast %get3A_544 : vector<1x16xi32> to vector<16xi32>
        %get3A_546 = arith.constant 1 : i32
        %get3A_547 = arith.index_cast %get3A_546 : i32 to index
        %get3A_548 = arith.constant 112 : index
        %get3A_549 = tpu.vector_load %arg6[%get3A_547, %get3A_548] {strides = array<i32>} : memref<3x128xi32, #tpu.memory_space<vmem>>, vector<1x16xi32>,
        %get3A_550 = vector.shape_cast %get3A_549 : vector<1x16xi32> to vector<16xi32>
        %mul3A_551 = arith.constant 10240 : i32
        %mul3A_552 = vector.broadcast %mul3A_551 : i32 to vector<16xi32>
        %mul3A_553 = arith.muli %get3A_550, %mul3A_552 : vector<16xi32>
        %add3A_554 = arith.addi %mul3A_553, %get3A_545 : vector<16xi32>
        %swap3A_555 = arith.constant 112 : index
        %swap3A_556 = tpu.vector_load %arg8[%swap3A_555] {strides = array<i32>} : memref<128xi32, #tpu.memory_space<vmem>>, vector<16xi32>,
        %swap3A_557 = vector.shape_cast %swap3A_556 : vector<16xi32> to vector<16xi32>
        %swap3A_558 = vector.shape_cast %add3A_554 : vector<16xi32> to vector<16xi32>
        tpu.vector_store %arg8[%swap3A_555], %swap3A_558 {strides = array<i32>} : memref<128xi32, #tpu.memory_space<vmem>>, vector<16xi32>,
        %get3A_559 = arith.constant 2 : i32
        %get3A_560 = arith.index_cast %get3A_559 : i32 to index
        %get3A_561 = arith.constant 112 : index
        %get3A_562 = tpu.vector_load %arg6[%get3A_560, %get3A_561] {strides = array<i32>} : memref<3x128xi32, #tpu.memory_space<vmem>>, vector<1x16xi32>,
        %get3A_563 = vector.shape_cast %get3A_562 : vector<1x16xi32> to vector<16xi32>
        %swap3A_564 = arith.constant 112 : index
        %swap3A_565 = tpu.vector_load %arg10[%swap3A_564] {strides = array<i32>} : memref<128xi32, #tpu.memory_space<vmem>>, vector<16xi32>,
        %swap3A_566 = vector.shape_cast %swap3A_565 : vector<16xi32> to vector<16xi32>
        %swap3A_567 = vector.shape_cast %get3A_563 : vector<16xi32> to vector<16xi32>
        tpu.vector_store %arg10[%swap3A_564], %swap3A_567 {strides = array<i32>} : memref<128xi32, #tpu.memory_space<vmem>>, vector<16xi32>,
        %add3A_568 = arith.constant 2 : i32
        %add3A_569 = arith.addi %add3A_316, %add3A_568 : i32
        %lt3A_570 = arith.constant 80 : i32
        %lt3A_571 = arith.cmpi slt, %add3A_569, %lt3A_570 : i32
        %convert_element_type3A_572 = arith.extui %lt3A_571 : i1 to i32
        %cond3A_573 = arith.constant 0 : i32
        %cond3A_574 = arith.cmpi ne, %convert_element_type3A_572, %cond3A_573 : i32
        scf.if %cond3A_574 {
          %add3A_591 = arith.constant 2 : i32
          %add3A_592 = arith.addi %add3A_316, %add3A_591 : i32
          %add3A_593 = arith.addi %mul3A_2, %add3A_592 : i32
          %dma_start3A_594 = arith.constant 0 : i32
          %dma_start3A_595 = arith.constant 0 : i32
          %dma_start3A_596 = tpu.memref_slice %arg3[%add3A_593, %dma_start3A_594, %dma_start3A_595] : memref<2560x3x128xi32, #tpu.memory_space<hbm>> -> memref<1x3x128xi32, #tpu.memory_space<hbm>>
          %dma_start3A_597 = tpu.memref_squeeze %dma_start3A_596 : memref<1x3x128xi32, #tpu.memory_space<hbm>> -> memref<3x128xi32, #tpu.memory_space<hbm>>
          %dma_start3A_598 = arith.constant 0 : i32
          %dma_start3A_599 = arith.constant 0 : i32
          %dma_start3A_600 = tpu.memref_slice %arg3[%add3A_593, %dma_start3A_598, %dma_start3A_599] : memref<2560x3x128xi32, #tpu.memory_space<hbm>> -> memref<1x3x128xi32, #tpu.memory_space<hbm>>
          %dma_start3A_601 = tpu.memref_squeeze %dma_start3A_600 : memref<1x3x128xi32, #tpu.memory_space<hbm>> -> memref<3x128xi32, #tpu.memory_space<hbm>>
          tpu.enqueue_dma source(%dma_start3A_601 : memref<3x128xi32, #tpu.memory_space<hbm>>) target(%arg6 : memref<3x128xi32, #tpu.memory_space<vmem>>) target_semaphore(%arg15 : memref<!tpu.dma_semaphore, #tpu.memory_space<semaphore_mem>>)
        } else {
        }
        %dma_start3A_575 = arith.constant 0 : i32
        %dma_start3A_576 = arith.constant 0 : i32
        %dma_start3A_577 = tpu.memref_slice %arg12[%dma_start3A_575, %dma_start3A_576] : memref<128x128xf32, #tpu.memory_space<vmem>> -> memref<64x128xf32, #tpu.memory_space<vmem>>
        %dma_start3A_578 = arith.constant 0 : i32
        %dma_start3A_579 = tpu.memref_slice %arg8[%dma_start3A_578] : memref<128xi32, #tpu.memory_space<vmem>> -> memref<64xi32, #tpu.memory_space<vmem>>
        %dma_start3A_580 = arith.constant 0 : i32
        %dma_start3A_581 = arith.constant 0 : i32
        %dma_start3A_582 = tpu.memref_slice %arg2[%dma_start3A_580, %dma_start3A_581] : memref<40960x128xf32, #tpu.memory_space<hbm>> -> memref<40960x128xf32, #tpu.memory_space<hbm>>
        tpu.enqueue_indirect_dma source(%dma_start3A_582 : memref<40960x128xf32, #tpu.memory_space<hbm>>) target(%dma_start3A_577 : memref<64x128xf32, #tpu.memory_space<vmem>>) offsets(%dma_start3A_579 : memref<64xi32, #tpu.memory_space<vmem>>) semaphore(%arg17 : memref<!tpu.dma_semaphore, #tpu.memory_space<semaphore_mem>>)
        %dma_start3A_583 = arith.constant 64 : i32
        %dma_start3A_584 = arith.constant 0 : i32
        %dma_start3A_585 = tpu.memref_slice %arg12[%dma_start3A_583, %dma_start3A_584] : memref<128x128xf32, #tpu.memory_space<vmem>> -> memref<64x128xf32, #tpu.memory_space<vmem>>
        %dma_start3A_586 = arith.constant 64 : i32
        %dma_start3A_587 = tpu.memref_slice %arg8[%dma_start3A_586] : memref<128xi32, #tpu.memory_space<vmem>> -> memref<64xi32, #tpu.memory_space<vmem>>
        %dma_start3A_588 = arith.constant 0 : i32
        %dma_start3A_589 = arith.constant 0 : i32
        %dma_start3A_590 = tpu.memref_slice %arg2[%dma_start3A_588, %dma_start3A_589] : memref<40960x128xf32, #tpu.memory_space<hbm>> -> memref<40960x128xf32, #tpu.memory_space<hbm>>
        tpu.enqueue_indirect_dma source(%dma_start3A_590 : memref<40960x128xf32, #tpu.memory_space<hbm>>) target(%dma_start3A_585 : memref<64x128xf32, #tpu.memory_space<vmem>>) offsets(%dma_start3A_587 : memref<64xi32, #tpu.memory_space<vmem>>) semaphore(%arg17 : memref<!tpu.dma_semaphore, #tpu.memory_space<semaphore_mem>>)
      } else {
      }
      %dma_wait3A_322 = arith.constant 0 : i32
      %dma_wait3A_323 = arith.constant 0 : i32
      %dma_wait3A_324 = tpu.memref_slice %arg13[%dma_wait3A_322, %dma_wait3A_323] : memref<128x128xf32, #tpu.memory_space<vmem>> -> memref<64x128xf32, #tpu.memory_space<vmem>>
      %dma_wait3A_325 = arith.constant 0 : i32
      %dma_wait3A_326 = tpu.memref_slice %arg9[%dma_wait3A_325] : memref<128xi32, #tpu.memory_space<vmem>> -> memref<64xi32, #tpu.memory_space<vmem>>
      %dma_wait3A_327 = arith.constant 0 : i32
      %dma_wait3A_328 = arith.constant 0 : i32
      %dma_wait3A_329 = tpu.memref_slice %arg2[%dma_wait3A_327, %dma_wait3A_328] : memref<40960x128xf32, #tpu.memory_space<hbm>> -> memref<40960x128xf32, #tpu.memory_space<hbm>>
      tpu.wait_indirect_dma semaphore(%arg18 : memref<!tpu.dma_semaphore, #tpu.memory_space<semaphore_mem>>) src(%dma_wait3A_329 : memref<40960x128xf32, #tpu.memory_space<hbm>>) dst(%dma_wait3A_324 : memref<64x128xf32, #tpu.memory_space<vmem>>)
      %dma_wait3A_330 = arith.constant 64 : i32
      %dma_wait3A_331 = arith.constant 0 : i32
      %dma_wait3A_332 = tpu.memref_slice %arg13[%dma_wait3A_330, %dma_wait3A_331] : memref<128x128xf32, #tpu.memory_space<vmem>> -> memref<64x128xf32, #tpu.memory_space<vmem>>
      %dma_wait3A_333 = arith.constant 64 : i32
      %dma_wait3A_334 = tpu.memref_slice %arg9[%dma_wait3A_333] : memref<128xi32, #tpu.memory_space<vmem>> -> memref<64xi32, #tpu.memory_space<vmem>>
      %dma_wait3A_335 = arith.constant 0 : i32
      %dma_wait3A_336 = arith.constant 0 : i32
      %dma_wait3A_337 = tpu.memref_slice %arg2[%dma_wait3A_335, %dma_wait3A_336] : memref<40960x128xf32, #tpu.memory_space<hbm>> -> memref<40960x128xf32, #tpu.memory_space<hbm>>
      tpu.wait_indirect_dma semaphore(%arg18 : memref<!tpu.dma_semaphore, #tpu.memory_space<semaphore_mem>>) src(%dma_wait3A_337 : memref<40960x128xf32, #tpu.memory_space<hbm>>) dst(%dma_wait3A_332 : memref<64x128xf32, #tpu.memory_space<vmem>>)
      %dma_start3A_338 = arith.constant 0 : i32
      %dma_start3A_339 = arith.constant 0 : i32
      %dma_start3A_340 = tpu.memref_slice %arg14[%dma_start3A_338, %dma_start3A_339] : memref<10240x128xf32, #tpu.memory_space<vmem_shared>> -> memref<10240x128xf32, #tpu.memory_space<vmem_shared>>
      tpu.enqueue_indirect_dma source(%arg13 : memref<128x128xf32, #tpu.memory_space<vmem>>) target(%dma_start3A_340 : memref<10240x128xf32, #tpu.memory_space<vmem_shared>>) offsets(%arg11 : memref<128xi32, #tpu.memory_space<vmem>>) semaphore(%arg20 : memref<!tpu.dma_semaphore, #tpu.memory_space<semaphore_mem>>) {add = true}
    }
    %scan3A_275 = arith.constant 40 : i32
    %dma_wait3A_276 = arith.constant 0 : i32
    %dma_wait3A_277 = arith.constant 0 : i32
    %dma_wait3A_278 = tpu.memref_slice %arg14[%dma_wait3A_276, %dma_wait3A_277] : memref<10240x128xf32, #tpu.memory_space<vmem_shared>> -> memref<10240x128xf32, #tpu.memory_space<vmem_shared>>
    tpu.wait_indirect_dma semaphore(%arg19 : memref<!tpu.dma_semaphore, #tpu.memory_space<semaphore_mem>>) src(%arg12 : memref<128x128xf32, #tpu.memory_space<vmem>>) dst(%dma_wait3A_278 : memref<10240x128xf32, #tpu.memory_space<vmem_shared>>)
    %dma_wait3A_279 = arith.constant 0 : i32
    %dma_wait3A_280 = arith.constant 0 : i32
    %dma_wait3A_281 = tpu.memref_slice %arg14[%dma_wait3A_279, %dma_wait3A_280] : memref<10240x128xf32, #tpu.memory_space<vmem_shared>> -> memref<10240x128xf32, #tpu.memory_space<vmem_shared>>
    tpu.wait_indirect_dma semaphore(%arg20 : memref<!tpu.dma_semaphore, #tpu.memory_space<semaphore_mem>>) src(%arg13 : memref<128x128xf32, #tpu.memory_space<vmem>>) dst(%dma_wait3A_281 : memref<10240x128xf32, #tpu.memory_space<vmem_shared>>)
    %barrier3A_282 = arith.constant 0 : index
    tpu.barrier barrier_id(%barrier3A_282)
    "tpu.region"() ({
      %run_scoped3A = tpu.sem_alloc : memref<!tpu.dma_semaphore, #tpu.memory_space<semaphore_mem>>
      %dma_start3A_283 = arith.constant 0 : i32
      %dma_start3A_284 = tpu.memref_slice %arg5[%arg0, %multiple_of3A, %dma_start3A_283] : memref<2x10240x128xf32, #tpu.memory_space<hbm>> -> memref<1x640x128xf32, #tpu.memory_space<hbm>>
      %dma_start3A_285 = tpu.memref_squeeze %dma_start3A_284 : memref<1x640x128xf32, #tpu.memory_space<hbm>> -> memref<640x128xf32, #tpu.memory_space<hbm>>
      %dma_start3A_286 = arith.constant 0 : i32
      %dma_start3A_287 = tpu.memref_slice %arg14[%multiple_of3A, %dma_start3A_286] : memref<10240x128xf32, #tpu.memory_space<vmem_shared>> -> memref<640x128xf32, #tpu.memory_space<vmem_shared>>
      tpu.enqueue_dma source(%dma_start3A_287 : memref<640x128xf32, #tpu.memory_space<vmem_shared>>) target(%dma_start3A_285 : memref<640x128xf32, #tpu.memory_space<hbm>>) target_semaphore(%run_scoped3A : memref<!tpu.dma_semaphore, #tpu.memory_space<semaphore_mem>>)
      %dma_wait3A_288 = arith.constant 0 : i32
      %dma_wait3A_289 = tpu.memref_slice %arg5[%arg0, %multiple_of3A, %dma_wait3A_288] : memref<2x10240x128xf32, #tpu.memory_space<hbm>> -> memref<1x640x128xf32, #tpu.memory_space<hbm>>
      %dma_wait3A_290 = tpu.memref_squeeze %dma_wait3A_289 : memref<1x640x128xf32, #tpu.memory_space<hbm>> -> memref<640x128xf32, #tpu.memory_space<hbm>>
      %dma_wait3A_291 = arith.constant 0 : i32
      %dma_wait3A_292 = tpu.memref_slice %arg14[%multiple_of3A, %dma_wait3A_291] : memref<10240x128xf32, #tpu.memory_space<vmem_shared>> -> memref<640x128xf32, #tpu.memory_space<vmem_shared>>
      tpu.wait_dma2 semaphore(%run_scoped3A : memref<!tpu.dma_semaphore, #tpu.memory_space<semaphore_mem>>) src(%dma_wait3A_292 : memref<640x128xf32, #tpu.memory_space<vmem_shared>>) dst(%dma_wait3A_290 : memref<640x128xf32, #tpu.memory_space<hbm>>)
      tpu.yield
    }) : () -> ()
    return
  }
}

module attributes {stable_mosaic.version = 14 : i64} {
  func.func @_enc_body(%arg0: i32, %arg1: memref<512x128xf32, #tpu.memory_space<vmem>>, %arg2: memref<512x128xf32, #tpu.memory_space<vmem>>, %arg3: memref<128x128xf32, #tpu.memory_space<vmem>>, %arg4: memref<128x128xf32, #tpu.memory_space<vmem>>, %arg5: memref<128xf32, #tpu.memory_space<vmem>>, %arg6: memref<128xf32, #tpu.memory_space<vmem>>, %arg7: memref<4x128xf32, #tpu.memory_space<vmem>>, %arg8: memref<512x128xf32, #tpu.memory_space<vmem>>, %arg9: memref<4x512x128xf32, #tpu.memory_space<vmem>>) attributes {dimension_semantics = [#tpu.dimension_semantics<arbitrary>], iteration_bounds = array<i64: 20>, scalar_prefetch = 0 : i64, scratch_operands = 0 : i64, tpu.core_type = #tpu.core_type<tc>, window_params = [{transform_indices = @transform_0, window_bounds = array<i64: 512, 128>}, {transform_indices = @transform_1, window_bounds = array<i64: 512, 128>}, {pipeline_mode = #tpu.pipeline_mode<synchronous>, transform_indices = @transform_2, window_bounds = array<i64: 128, 128>}, {pipeline_mode = #tpu.pipeline_mode<synchronous>, transform_indices = @transform_3, window_bounds = array<i64: 128, 128>}, {pipeline_mode = #tpu.pipeline_mode<synchronous>, transform_indices = @transform_4, window_bounds = array<i64: 128>}, {pipeline_mode = #tpu.pipeline_mode<synchronous>, transform_indices = @transform_5, window_bounds = array<i64: 128>}, {pipeline_mode = #tpu.pipeline_mode<synchronous>, transform_indices = @transform_6, window_bounds = array<i64: 4, 128>}, {transform_indices = @transform_7, window_bounds = array<i64: 512, 128>}, {transform_indices = @transform_8, window_bounds = array<i64: 4, 512, 128>}]} {
    %get3A = arith.constant 0 : index
    %get3A_0 = arith.constant 0 : index
    %get3A_1 = vector.load %arg1[%get3A, %get3A_0] : memref<512x128xf32, #tpu.memory_space<vmem>>, vector<512x128xf32>
    %get3A_2 = arith.constant 0 : index
    %get3A_3 = arith.constant 0 : index
    %get3A_4 = vector.load %arg3[%get3A_2, %get3A_3] : memref<128x128xf32, #tpu.memory_space<vmem>>, vector<128x128xf32>
    %dot_general3A = arith.constant dense<0.000000e+00> : vector<512x128xf32>
    %dot_general3A_5 = tpu.matmul %get3A_1, %get3A_4, %dot_general3A {dimension_numbers = #tpu.dot_dimension_numbers<[1], [0], [0], [1], [0, 0, 1, 1], [], []>, transpose_lhs_hint = false} : vector<512x128xf32>, vector<128x128xf32>, vector<512x128xf32> -> vector<512x128xf32>
    %get3A_6 = arith.constant 0 : index
    %get3A_7 = arith.constant 0 : index
    %get3A_8 = vector.load %arg2[%get3A_6, %get3A_7] : memref<512x128xf32, #tpu.memory_space<vmem>>, vector<512x128xf32>
    %get3A_9 = arith.constant 0 : index
    %get3A_10 = arith.constant 0 : index
    %get3A_11 = vector.load %arg4[%get3A_9, %get3A_10] : memref<128x128xf32, #tpu.memory_space<vmem>>, vector<128x128xf32>
    %dot_general3A_12 = arith.constant dense<0.000000e+00> : vector<512x128xf32>
    %dot_general3A_13 = tpu.matmul %get3A_8, %get3A_11, %dot_general3A_12 {dimension_numbers = #tpu.dot_dimension_numbers<[1], [0], [0], [1], [0, 0, 1, 1], [], []>, transpose_lhs_hint = false} : vector<512x128xf32>, vector<128x128xf32>, vector<512x128xf32> -> vector<512x128xf32>
    %add3A = arith.addf %dot_general3A_5, %dot_general3A_13 : vector<512x128xf32>
    %get3A_14 = arith.constant 0 : index
    %get3A_15 = vector.load %arg5[%get3A_14] : memref<128xf32, #tpu.memory_space<vmem>>, vector<128xf32>
    %broadcast_in_dim3A = vector.shape_cast %get3A_15 : vector<128xf32> to vector<1x128xf32>
    %add3A_16 = vector.broadcast %broadcast_in_dim3A : vector<1x128xf32> to vector<512x128xf32>
    %add3A_17 = arith.addf %add3A, %add3A_16 : vector<512x128xf32>
    %get3A_18 = arith.constant 0 : index
    %get3A_19 = vector.load %arg6[%get3A_18] : memref<128xf32, #tpu.memory_space<vmem>>, vector<128xf32>
    %broadcast_in_dim3A_20 = vector.shape_cast %get3A_19 : vector<128xf32> to vector<1x128xf32>
    %add3A_21 = vector.broadcast %broadcast_in_dim3A_20 : vector<1x128xf32> to vector<512x128xf32>
    %add3A_22 = arith.addf %add3A_17, %add3A_21 : vector<512x128xf32>
    %swap3A = arith.constant 0 : index
    %swap3A_23 = arith.constant 0 : index
    %swap3A_24 = vector.load %arg8[%swap3A, %swap3A_23] : memref<512x128xf32, #tpu.memory_space<vmem>>, vector<512x128xf32>
    tpu.vector_store %arg8[%swap3A, %swap3A_23], %add3A_22 {strides = array<i32>} : memref<512x128xf32, #tpu.memory_space<vmem>>, vector<512x128xf32>,
    %iota3A = tpu.iota {dimensions = array<i32: 0>} : vector<512x1xi32>
    %mul3A = arith.constant 512 : i32
    %mul3A_25 = arith.muli %arg0, %mul3A : i32
    %add3A_26 = vector.broadcast %mul3A_25 : i32 to vector<512x1xi32>
    %add3A_27 = arith.addi %iota3A, %add3A_26 : vector<512x1xi32>
    %lt3A = arith.constant 10000 : i32
    %lt3A_28 = vector.broadcast %lt3A : i32 to vector<512x1xi32>
    %lt3A_29 = arith.cmpi slt, %add3A_27, %lt3A_28 : vector<512x1xi32>
    %convert_element_type3A = arith.extui %lt3A_29 : vector<512x1xi1> to vector<512x1xi32>
    %convert_element_type3A_30 = arith.sitofp %convert_element_type3A : vector<512x1xi32> to vector<512x1xf32>
    %get3A_31 = arith.constant 0 : index
    %get3A_32 = arith.constant 0 : index
    %get3A_33 = vector.load %arg7[%get3A_31, %get3A_32] : memref<4x128xf32, #tpu.memory_space<vmem>>, vector<1x128xf32>
    %get3A_34 = vector.shape_cast %get3A_33 : vector<1x128xf32> to vector<128xf32>
    %broadcast_in_dim3A_35 = vector.shape_cast %get3A_34 : vector<128xf32> to vector<1x128xf32>
    %add3A_36 = vector.broadcast %broadcast_in_dim3A_35 : vector<1x128xf32> to vector<512x128xf32>
    %add3A_37 = arith.addf %add3A_22, %add3A_36 : vector<512x128xf32>
    %max3A = arith.constant 0.000000e+00 : f32
    %max3A_38 = vector.broadcast %max3A : f32 to vector<512x128xf32>
    %max3A_39 = arith.maximumf %add3A_37, %max3A_38 : vector<512x128xf32>
    %mul3A_40 = vector.broadcast %convert_element_type3A_30 : vector<512x1xf32> to vector<512x128xf32>
    %mul3A_41 = arith.mulf %max3A_39, %mul3A_40 : vector<512x128xf32>
    %swap3A_42 = arith.constant 0 : index
    %swap3A_43 = arith.constant 0 : index
    %swap3A_44 = arith.constant 0 : index
    %swap3A_45 = vector.load %arg9[%swap3A_42, %swap3A_43, %swap3A_44] : memref<4x512x128xf32, #tpu.memory_space<vmem>>, vector<1x512x128xf32>
    %swap3A_46 = vector.shape_cast %swap3A_45 : vector<1x512x128xf32> to vector<512x128xf32>
    %swap3A_47 = vector.shape_cast %mul3A_41 : vector<512x128xf32> to vector<1x512x128xf32>
    tpu.vector_store %arg9[%swap3A_42, %swap3A_43, %swap3A_44], %swap3A_47 {strides = array<i32>} : memref<4x512x128xf32, #tpu.memory_space<vmem>>, vector<1x512x128xf32>,
    %get3A_48 = arith.constant 1 : index
    %get3A_49 = arith.constant 0 : index
    %get3A_50 = vector.load %arg7[%get3A_48, %get3A_49] : memref<4x128xf32, #tpu.memory_space<vmem>>, vector<1x128xf32>
    %get3A_51 = vector.shape_cast %get3A_50 : vector<1x128xf32> to vector<128xf32>
    %broadcast_in_dim3A_52 = vector.shape_cast %get3A_51 : vector<128xf32> to vector<1x128xf32>
    %add3A_53 = vector.broadcast %broadcast_in_dim3A_52 : vector<1x128xf32> to vector<512x128xf32>
    %add3A_54 = arith.addf %add3A_22, %add3A_53 : vector<512x128xf32>
    %max3A_55 = arith.constant 0.000000e+00 : f32
    %max3A_56 = vector.broadcast %max3A_55 : f32 to vector<512x128xf32>
    %max3A_57 = arith.maximumf %add3A_54, %max3A_56 : vector<512x128xf32>
    %mul3A_58 = vector.broadcast %convert_element_type3A_30 : vector<512x1xf32> to vector<512x128xf32>
    %mul3A_59 = arith.mulf %max3A_57, %mul3A_58 : vector<512x128xf32>
    %swap3A_60 = arith.constant 1 : index
    %swap3A_61 = arith.constant 0 : index
    %swap3A_62 = arith.constant 0 : index
    %swap3A_63 = vector.load %arg9[%swap3A_60, %swap3A_61, %swap3A_62] : memref<4x512x128xf32, #tpu.memory_space<vmem>>, vector<1x512x128xf32>
    %swap3A_64 = vector.shape_cast %swap3A_63 : vector<1x512x128xf32> to vector<512x128xf32>
    %swap3A_65 = vector.shape_cast %mul3A_59 : vector<512x128xf32> to vector<1x512x128xf32>
    tpu.vector_store %arg9[%swap3A_60, %swap3A_61, %swap3A_62], %swap3A_65 {strides = array<i32>} : memref<4x512x128xf32, #tpu.memory_space<vmem>>, vector<1x512x128xf32>,
    %get3A_66 = arith.constant 2 : index
    %get3A_67 = arith.constant 0 : index
    %get3A_68 = vector.load %arg7[%get3A_66, %get3A_67] : memref<4x128xf32, #tpu.memory_space<vmem>>, vector<1x128xf32>
    %get3A_69 = vector.shape_cast %get3A_68 : vector<1x128xf32> to vector<128xf32>
    %broadcast_in_dim3A_70 = vector.shape_cast %get3A_69 : vector<128xf32> to vector<1x128xf32>
    %add3A_71 = vector.broadcast %broadcast_in_dim3A_70 : vector<1x128xf32> to vector<512x128xf32>
    %add3A_72 = arith.addf %add3A_22, %add3A_71 : vector<512x128xf32>
    %max3A_73 = arith.constant 0.000000e+00 : f32
    %max3A_74 = vector.broadcast %max3A_73 : f32 to vector<512x128xf32>
    %max3A_75 = arith.maximumf %add3A_72, %max3A_74 : vector<512x128xf32>
    %mul3A_76 = vector.broadcast %convert_element_type3A_30 : vector<512x1xf32> to vector<512x128xf32>
    %mul3A_77 = arith.mulf %max3A_75, %mul3A_76 : vector<512x128xf32>
    %swap3A_78 = arith.constant 2 : index
    %swap3A_79 = arith.constant 0 : index
    %swap3A_80 = arith.constant 0 : index
    %swap3A_81 = vector.load %arg9[%swap3A_78, %swap3A_79, %swap3A_80] : memref<4x512x128xf32, #tpu.memory_space<vmem>>, vector<1x512x128xf32>
    %swap3A_82 = vector.shape_cast %swap3A_81 : vector<1x512x128xf32> to vector<512x128xf32>
    %swap3A_83 = vector.shape_cast %mul3A_77 : vector<512x128xf32> to vector<1x512x128xf32>
    tpu.vector_store %arg9[%swap3A_78, %swap3A_79, %swap3A_80], %swap3A_83 {strides = array<i32>} : memref<4x512x128xf32, #tpu.memory_space<vmem>>, vector<1x512x128xf32>,
    %get3A_84 = arith.constant 3 : index
    %get3A_85 = arith.constant 0 : index
    %get3A_86 = vector.load %arg7[%get3A_84, %get3A_85] : memref<4x128xf32, #tpu.memory_space<vmem>>, vector<1x128xf32>
    %get3A_87 = vector.shape_cast %get3A_86 : vector<1x128xf32> to vector<128xf32>
    %broadcast_in_dim3A_88 = vector.shape_cast %get3A_87 : vector<128xf32> to vector<1x128xf32>
    %add3A_89 = vector.broadcast %broadcast_in_dim3A_88 : vector<1x128xf32> to vector<512x128xf32>
    %add3A_90 = arith.addf %add3A_22, %add3A_89 : vector<512x128xf32>
    %max3A_91 = arith.constant 0.000000e+00 : f32
    %max3A_92 = vector.broadcast %max3A_91 : f32 to vector<512x128xf32>
    %max3A_93 = arith.maximumf %add3A_90, %max3A_92 : vector<512x128xf32>
    %mul3A_94 = vector.broadcast %convert_element_type3A_30 : vector<512x1xf32> to vector<512x128xf32>
    %mul3A_95 = arith.mulf %max3A_93, %mul3A_94 : vector<512x128xf32>
    %swap3A_96 = arith.constant 3 : index
    %swap3A_97 = arith.constant 0 : index
    %swap3A_98 = arith.constant 0 : index
    %swap3A_99 = vector.load %arg9[%swap3A_96, %swap3A_97, %swap3A_98] : memref<4x512x128xf32, #tpu.memory_space<vmem>>, vector<1x512x128xf32>
    %swap3A_100 = vector.shape_cast %swap3A_99 : vector<1x512x128xf32> to vector<512x128xf32>
    %swap3A_101 = vector.shape_cast %mul3A_95 : vector<512x128xf32> to vector<1x512x128xf32>
    tpu.vector_store %arg9[%swap3A_96, %swap3A_97, %swap3A_98], %swap3A_101 {strides = array<i32>} : memref<4x512x128xf32, #tpu.memory_space<vmem>>, vector<1x512x128xf32>,
    return
  }
  func.func @transform_0(%arg0: i32) -> (i32, i32) {
    %c0_i32 = arith.constant 0 : i32
    %c0_i32_0 = arith.constant 0 : i32
    return %arg0, %c0_i32 : i32, i32
  }
  func.func @transform_1(%arg0: i32) -> (i32, i32) {
    %c0_i32 = arith.constant 0 : i32
    %c0_i32_0 = arith.constant 0 : i32
    return %arg0, %c0_i32 : i32, i32
  }
  func.func @transform_2(%arg0: i32) -> (i32, i32) {
    %c0_i32 = arith.constant 0 : i32
    %c0_i32_0 = arith.constant 0 : i32
    %c0_i32_1 = arith.constant 0 : i32
    return %c0_i32, %c0_i32_0 : i32, i32
  }
  func.func @transform_3(%arg0: i32) -> (i32, i32) {
    %c0_i32 = arith.constant 0 : i32
    %c0_i32_0 = arith.constant 0 : i32
    %c0_i32_1 = arith.constant 0 : i32
    return %c0_i32, %c0_i32_0 : i32, i32
  }
  func.func @transform_4(%arg0: i32) -> i32 {
    %c0_i32 = arith.constant 0 : i32
    %c0_i32_0 = arith.constant 0 : i32
    return %c0_i32 : i32
  }
  func.func @transform_5(%arg0: i32) -> i32 {
    %c0_i32 = arith.constant 0 : i32
    %c0_i32_0 = arith.constant 0 : i32
    return %c0_i32 : i32
  }
  func.func @transform_6(%arg0: i32) -> (i32, i32) {
    %c0_i32 = arith.constant 0 : i32
    %c0_i32_0 = arith.constant 0 : i32
    %c0_i32_1 = arith.constant 0 : i32
    return %c0_i32, %c0_i32_0 : i32, i32
  }
  func.func @transform_7(%arg0: i32) -> (i32, i32) {
    %c0_i32 = arith.constant 0 : i32
    %c0_i32_0 = arith.constant 0 : i32
    return %arg0, %c0_i32 : i32, i32
  }
  func.func @transform_8(%arg0: i32) -> (i32, i32, i32) {
    %c0_i32 = arith.constant 0 : i32
    %c0_i32_0 = arith.constant 0 : i32
    %c0_i32_1 = arith.constant 0 : i32
    return %c0_i32, %arg0, %c0_i32_0 : i32, i32, i32
  }
}

module attributes {stable_mosaic.version = 14 : i64} {
  func.func @_layer_body(%arg0: i32, %arg1: memref<512x128xf32, #tpu.memory_space<vmem>>, %arg2: memref<2x512x128xf32, #tpu.memory_space<vmem>>, %arg3: memref<1xf32, #tpu.memory_space<smem>>, %arg4: memref<128x128xf32, #tpu.memory_space<vmem>>, %arg5: memref<128xf32, #tpu.memory_space<vmem>>, %arg6: memref<128x128xf32, #tpu.memory_space<vmem>>, %arg7: memref<128xf32, #tpu.memory_space<vmem>>, %arg8: memref<4x128xf32, #tpu.memory_space<vmem>>, %arg9: memref<512x128xf32, #tpu.memory_space<vmem>>, %arg10: memref<4x512x128xf32, #tpu.memory_space<vmem>>) attributes {dimension_semantics = [#tpu.dimension_semantics<arbitrary>], iteration_bounds = array<i64: 20>, scalar_prefetch = 0 : i64, scratch_operands = 0 : i64, tpu.core_type = #tpu.core_type<tc>, window_params = [{transform_indices = @transform_0, window_bounds = array<i64: 512, 128>}, {transform_indices = @transform_1, window_bounds = array<i64: 2, 512, 128>}, {transform_indices = @transform_2, window_bounds = array<i64: 1>}, {pipeline_mode = #tpu.pipeline_mode<synchronous>, transform_indices = @transform_3, window_bounds = array<i64: 128, 128>}, {pipeline_mode = #tpu.pipeline_mode<synchronous>, transform_indices = @transform_4, window_bounds = array<i64: 128>}, {pipeline_mode = #tpu.pipeline_mode<synchronous>, transform_indices = @transform_5, window_bounds = array<i64: 128, 128>}, {pipeline_mode = #tpu.pipeline_mode<synchronous>, transform_indices = @transform_6, window_bounds = array<i64: 128>}, {pipeline_mode = #tpu.pipeline_mode<synchronous>, transform_indices = @transform_7, window_bounds = array<i64: 4, 128>}, {transform_indices = @transform_8, window_bounds = array<i64: 512, 128>}, {transform_indices = @transform_9, window_bounds = array<i64: 4, 512, 128>}]} {
    %get3A = arith.constant 0 : index
    %get3A_0 = memref.load %arg3[%get3A] : memref<1xf32, #tpu.memory_space<smem>>
    %add3A = arith.constant 1.000000e+00 : f32
    %add3A_1 = arith.addf %add3A, %get3A_0 : f32
    %get3A_2 = arith.constant 0 : index
    %get3A_3 = arith.constant 0 : index
    %get3A_4 = vector.load %arg1[%get3A_2, %get3A_3] : memref<512x128xf32, #tpu.memory_space<vmem>>, vector<512x128xf32>
    %mul3A = vector.broadcast %add3A_1 : f32 to vector<512x128xf32>
    %mul3A_5 = arith.mulf %mul3A, %get3A_4 : vector<512x128xf32>
    %get3A_6 = arith.constant 0 : index
    %get3A_7 = arith.constant 0 : index
    %get3A_8 = arith.constant 0 : index
    %get3A_9 = vector.load %arg2[%get3A_6, %get3A_7, %get3A_8] : memref<2x512x128xf32, #tpu.memory_space<vmem>>, vector<1x512x128xf32>
    %get3A_10 = vector.shape_cast %get3A_9 : vector<1x512x128xf32> to vector<512x128xf32>
    %add3A_11 = arith.addf %mul3A_5, %get3A_10 : vector<512x128xf32>
    %get3A_12 = arith.constant 1 : index
    %get3A_13 = arith.constant 0 : index
    %get3A_14 = arith.constant 0 : index
    %get3A_15 = vector.load %arg2[%get3A_12, %get3A_13, %get3A_14] : memref<2x512x128xf32, #tpu.memory_space<vmem>>, vector<1x512x128xf32>
    %get3A_16 = vector.shape_cast %get3A_15 : vector<1x512x128xf32> to vector<512x128xf32>
    %add3A_17 = arith.addf %add3A_11, %get3A_16 : vector<512x128xf32>
    %get3A_18 = arith.constant 0 : index
    %get3A_19 = arith.constant 0 : index
    %get3A_20 = vector.load %arg4[%get3A_18, %get3A_19] : memref<128x128xf32, #tpu.memory_space<vmem>>, vector<128x128xf32>
    %dot_general3A = arith.constant dense<0.000000e+00> : vector<512x128xf32>
    %dot_general3A_21 = tpu.matmul %add3A_17, %get3A_20, %dot_general3A {dimension_numbers = #tpu.dot_dimension_numbers<[1], [0], [0], [1], [0, 0, 1, 1], [], []>, transpose_lhs_hint = false} : vector<512x128xf32>, vector<128x128xf32>, vector<512x128xf32> -> vector<512x128xf32>
    %get3A_22 = arith.constant 0 : index
    %get3A_23 = vector.load %arg5[%get3A_22] : memref<128xf32, #tpu.memory_space<vmem>>, vector<128xf32>
    %broadcast_in_dim3A = vector.shape_cast %get3A_23 : vector<128xf32> to vector<1x128xf32>
    %add3A_24 = vector.broadcast %broadcast_in_dim3A : vector<1x128xf32> to vector<512x128xf32>
    %add3A_25 = arith.addf %dot_general3A_21, %add3A_24 : vector<512x128xf32>
    %max3A = arith.constant 0.000000e+00 : f32
    %max3A_26 = vector.broadcast %max3A : f32 to vector<512x128xf32>
    %max3A_27 = arith.maximumf %add3A_25, %max3A_26 : vector<512x128xf32>
    %get3A_28 = arith.constant 0 : index
    %get3A_29 = arith.constant 0 : index
    %get3A_30 = vector.load %arg6[%get3A_28, %get3A_29] : memref<128x128xf32, #tpu.memory_space<vmem>>, vector<128x128xf32>
    %dot_general3A_31 = arith.constant dense<0.000000e+00> : vector<512x128xf32>
    %dot_general3A_32 = tpu.matmul %max3A_27, %get3A_30, %dot_general3A_31 {dimension_numbers = #tpu.dot_dimension_numbers<[1], [0], [0], [1], [0, 0, 1, 1], [], []>, transpose_lhs_hint = false} : vector<512x128xf32>, vector<128x128xf32>, vector<512x128xf32> -> vector<512x128xf32>
    %get3A_33 = arith.constant 0 : index
    %get3A_34 = vector.load %arg7[%get3A_33] : memref<128xf32, #tpu.memory_space<vmem>>, vector<128xf32>
    %broadcast_in_dim3A_35 = vector.shape_cast %get3A_34 : vector<128xf32> to vector<1x128xf32>
    %add3A_36 = vector.broadcast %broadcast_in_dim3A_35 : vector<1x128xf32> to vector<512x128xf32>
    %add3A_37 = arith.addf %dot_general3A_32, %add3A_36 : vector<512x128xf32>
    %swap3A = arith.constant 0 : index
    %swap3A_38 = arith.constant 0 : index
    %swap3A_39 = vector.load %arg9[%swap3A, %swap3A_38] : memref<512x128xf32, #tpu.memory_space<vmem>>, vector<512x128xf32>
    tpu.vector_store %arg9[%swap3A, %swap3A_38], %add3A_37 {strides = array<i32>} : memref<512x128xf32, #tpu.memory_space<vmem>>, vector<512x128xf32>,
    %iota3A = tpu.iota {dimensions = array<i32: 0>} : vector<512x1xi32>
    %mul3A_40 = arith.constant 512 : i32
    %mul3A_41 = arith.muli %arg0, %mul3A_40 : i32
    %add3A_42 = vector.broadcast %mul3A_41 : i32 to vector<512x1xi32>
    %add3A_43 = arith.addi %iota3A, %add3A_42 : vector<512x1xi32>
    %lt3A = arith.constant 10000 : i32
    %lt3A_44 = vector.broadcast %lt3A : i32 to vector<512x1xi32>
    %lt3A_45 = arith.cmpi slt, %add3A_43, %lt3A_44 : vector<512x1xi32>
    %convert_element_type3A = arith.extui %lt3A_45 : vector<512x1xi1> to vector<512x1xi32>
    %convert_element_type3A_46 = arith.sitofp %convert_element_type3A : vector<512x1xi32> to vector<512x1xf32>
    %get3A_47 = arith.constant 0 : index
    %get3A_48 = arith.constant 0 : index
    %get3A_49 = vector.load %arg8[%get3A_47, %get3A_48] : memref<4x128xf32, #tpu.memory_space<vmem>>, vector<1x128xf32>
    %get3A_50 = vector.shape_cast %get3A_49 : vector<1x128xf32> to vector<128xf32>
    %broadcast_in_dim3A_51 = vector.shape_cast %get3A_50 : vector<128xf32> to vector<1x128xf32>
    %add3A_52 = vector.broadcast %broadcast_in_dim3A_51 : vector<1x128xf32> to vector<512x128xf32>
    %add3A_53 = arith.addf %add3A_37, %add3A_52 : vector<512x128xf32>
    %max3A_54 = arith.constant 0.000000e+00 : f32
    %max3A_55 = vector.broadcast %max3A_54 : f32 to vector<512x128xf32>
    %max3A_56 = arith.maximumf %add3A_53, %max3A_55 : vector<512x128xf32>
    %mul3A_57 = vector.broadcast %convert_element_type3A_46 : vector<512x1xf32> to vector<512x128xf32>
    %mul3A_58 = arith.mulf %max3A_56, %mul3A_57 : vector<512x128xf32>
    %swap3A_59 = arith.constant 0 : index
    %swap3A_60 = arith.constant 0 : index
    %swap3A_61 = arith.constant 0 : index
    %swap3A_62 = vector.load %arg10[%swap3A_59, %swap3A_60, %swap3A_61] : memref<4x512x128xf32, #tpu.memory_space<vmem>>, vector<1x512x128xf32>
    %swap3A_63 = vector.shape_cast %swap3A_62 : vector<1x512x128xf32> to vector<512x128xf32>
    %swap3A_64 = vector.shape_cast %mul3A_58 : vector<512x128xf32> to vector<1x512x128xf32>
    tpu.vector_store %arg10[%swap3A_59, %swap3A_60, %swap3A_61], %swap3A_64 {strides = array<i32>} : memref<4x512x128xf32, #tpu.memory_space<vmem>>, vector<1x512x128xf32>,
    %get3A_65 = arith.constant 1 : index
    %get3A_66 = arith.constant 0 : index
    %get3A_67 = vector.load %arg8[%get3A_65, %get3A_66] : memref<4x128xf32, #tpu.memory_space<vmem>>, vector<1x128xf32>
    %get3A_68 = vector.shape_cast %get3A_67 : vector<1x128xf32> to vector<128xf32>
    %broadcast_in_dim3A_69 = vector.shape_cast %get3A_68 : vector<128xf32> to vector<1x128xf32>
    %add3A_70 = vector.broadcast %broadcast_in_dim3A_69 : vector<1x128xf32> to vector<512x128xf32>
    %add3A_71 = arith.addf %add3A_37, %add3A_70 : vector<512x128xf32>
    %max3A_72 = arith.constant 0.000000e+00 : f32
    %max3A_73 = vector.broadcast %max3A_72 : f32 to vector<512x128xf32>
    %max3A_74 = arith.maximumf %add3A_71, %max3A_73 : vector<512x128xf32>
    %mul3A_75 = vector.broadcast %convert_element_type3A_46 : vector<512x1xf32> to vector<512x128xf32>
    %mul3A_76 = arith.mulf %max3A_74, %mul3A_75 : vector<512x128xf32>
    %swap3A_77 = arith.constant 1 : index
    %swap3A_78 = arith.constant 0 : index
    %swap3A_79 = arith.constant 0 : index
    %swap3A_80 = vector.load %arg10[%swap3A_77, %swap3A_78, %swap3A_79] : memref<4x512x128xf32, #tpu.memory_space<vmem>>, vector<1x512x128xf32>
    %swap3A_81 = vector.shape_cast %swap3A_80 : vector<1x512x128xf32> to vector<512x128xf32>
    %swap3A_82 = vector.shape_cast %mul3A_76 : vector<512x128xf32> to vector<1x512x128xf32>
    tpu.vector_store %arg10[%swap3A_77, %swap3A_78, %swap3A_79], %swap3A_82 {strides = array<i32>} : memref<4x512x128xf32, #tpu.memory_space<vmem>>, vector<1x512x128xf32>,
    %get3A_83 = arith.constant 2 : index
    %get3A_84 = arith.constant 0 : index
    %get3A_85 = vector.load %arg8[%get3A_83, %get3A_84] : memref<4x128xf32, #tpu.memory_space<vmem>>, vector<1x128xf32>
    %get3A_86 = vector.shape_cast %get3A_85 : vector<1x128xf32> to vector<128xf32>
    %broadcast_in_dim3A_87 = vector.shape_cast %get3A_86 : vector<128xf32> to vector<1x128xf32>
    %add3A_88 = vector.broadcast %broadcast_in_dim3A_87 : vector<1x128xf32> to vector<512x128xf32>
    %add3A_89 = arith.addf %add3A_37, %add3A_88 : vector<512x128xf32>
    %max3A_90 = arith.constant 0.000000e+00 : f32
    %max3A_91 = vector.broadcast %max3A_90 : f32 to vector<512x128xf32>
    %max3A_92 = arith.maximumf %add3A_89, %max3A_91 : vector<512x128xf32>
    %mul3A_93 = vector.broadcast %convert_element_type3A_46 : vector<512x1xf32> to vector<512x128xf32>
    %mul3A_94 = arith.mulf %max3A_92, %mul3A_93 : vector<512x128xf32>
    %swap3A_95 = arith.constant 2 : index
    %swap3A_96 = arith.constant 0 : index
    %swap3A_97 = arith.constant 0 : index
    %swap3A_98 = vector.load %arg10[%swap3A_95, %swap3A_96, %swap3A_97] : memref<4x512x128xf32, #tpu.memory_space<vmem>>, vector<1x512x128xf32>
    %swap3A_99 = vector.shape_cast %swap3A_98 : vector<1x512x128xf32> to vector<512x128xf32>
    %swap3A_100 = vector.shape_cast %mul3A_94 : vector<512x128xf32> to vector<1x512x128xf32>
    tpu.vector_store %arg10[%swap3A_95, %swap3A_96, %swap3A_97], %swap3A_100 {strides = array<i32>} : memref<4x512x128xf32, #tpu.memory_space<vmem>>, vector<1x512x128xf32>,
    %get3A_101 = arith.constant 3 : index
    %get3A_102 = arith.constant 0 : index
    %get3A_103 = vector.load %arg8[%get3A_101, %get3A_102] : memref<4x128xf32, #tpu.memory_space<vmem>>, vector<1x128xf32>
    %get3A_104 = vector.shape_cast %get3A_103 : vector<1x128xf32> to vector<128xf32>
    %broadcast_in_dim3A_105 = vector.shape_cast %get3A_104 : vector<128xf32> to vector<1x128xf32>
    %add3A_106 = vector.broadcast %broadcast_in_dim3A_105 : vector<1x128xf32> to vector<512x128xf32>
    %add3A_107 = arith.addf %add3A_37, %add3A_106 : vector<512x128xf32>
    %max3A_108 = arith.constant 0.000000e+00 : f32
    %max3A_109 = vector.broadcast %max3A_108 : f32 to vector<512x128xf32>
    %max3A_110 = arith.maximumf %add3A_107, %max3A_109 : vector<512x128xf32>
    %mul3A_111 = vector.broadcast %convert_element_type3A_46 : vector<512x1xf32> to vector<512x128xf32>
    %mul3A_112 = arith.mulf %max3A_110, %mul3A_111 : vector<512x128xf32>
    %swap3A_113 = arith.constant 3 : index
    %swap3A_114 = arith.constant 0 : index
    %swap3A_115 = arith.constant 0 : index
    %swap3A_116 = vector.load %arg10[%swap3A_113, %swap3A_114, %swap3A_115] : memref<4x512x128xf32, #tpu.memory_space<vmem>>, vector<1x512x128xf32>
    %swap3A_117 = vector.shape_cast %swap3A_116 : vector<1x512x128xf32> to vector<512x128xf32>
    %swap3A_118 = vector.shape_cast %mul3A_112 : vector<512x128xf32> to vector<1x512x128xf32>
    tpu.vector_store %arg10[%swap3A_113, %swap3A_114, %swap3A_115], %swap3A_118 {strides = array<i32>} : memref<4x512x128xf32, #tpu.memory_space<vmem>>, vector<1x512x128xf32>,
    return
  }
  func.func @transform_0(%arg0: i32) -> (i32, i32) {
    %c0_i32 = arith.constant 0 : i32
    %c0_i32_0 = arith.constant 0 : i32
    return %arg0, %c0_i32 : i32, i32
  }
  func.func @transform_1(%arg0: i32) -> (i32, i32, i32) {
    %c0_i32 = arith.constant 0 : i32
    %c0_i32_0 = arith.constant 0 : i32
    %c0_i32_1 = arith.constant 0 : i32
    return %c0_i32, %arg0, %c0_i32_0 : i32, i32, i32
  }
  func.func @transform_2(%arg0: i32) -> i32 {
    %c0_i32 = arith.constant 0 : i32
    %c0_i32_0 = arith.constant 0 : i32
    return %c0_i32 : i32
  }
  func.func @transform_3(%arg0: i32) -> (i32, i32) {
    %c0_i32 = arith.constant 0 : i32
    %c0_i32_0 = arith.constant 0 : i32
    %c0_i32_1 = arith.constant 0 : i32
    return %c0_i32, %c0_i32_0 : i32, i32
  }
  func.func @transform_4(%arg0: i32) -> i32 {
    %c0_i32 = arith.constant 0 : i32
    %c0_i32_0 = arith.constant 0 : i32
    return %c0_i32 : i32
  }
  func.func @transform_5(%arg0: i32) -> (i32, i32) {
    %c0_i32 = arith.constant 0 : i32
    %c0_i32_0 = arith.constant 0 : i32
    %c0_i32_1 = arith.constant 0 : i32
    return %c0_i32, %c0_i32_0 : i32, i32
  }
  func.func @transform_6(%arg0: i32) -> i32 {
    %c0_i32 = arith.constant 0 : i32
    %c0_i32_0 = arith.constant 0 : i32
    return %c0_i32 : i32
  }
  func.func @transform_7(%arg0: i32) -> (i32, i32) {
    %c0_i32 = arith.constant 0 : i32
    %c0_i32_0 = arith.constant 0 : i32
    %c0_i32_1 = arith.constant 0 : i32
    return %c0_i32, %c0_i32_0 : i32, i32
  }
  func.func @transform_8(%arg0: i32) -> (i32, i32) {
    %c0_i32 = arith.constant 0 : i32
    %c0_i32_0 = arith.constant 0 : i32
    return %arg0, %c0_i32 : i32, i32
  }
  func.func @transform_9(%arg0: i32) -> (i32, i32, i32) {
    %c0_i32 = arith.constant 0 : i32
    %c0_i32_0 = arith.constant 0 : i32
    %c0_i32_1 = arith.constant 0 : i32
    return %c0_i32, %arg0, %c0_i32_0 : i32, i32, i32
  }
}

module attributes {stable_mosaic.version = 14 : i64} {
  func.func @_final_body(%arg0: i32, %arg1: memref<512x128xf32, #tpu.memory_space<vmem>>, %arg2: memref<2x512x128xf32, #tpu.memory_space<vmem>>, %arg3: memref<1xf32, #tpu.memory_space<smem>>, %arg4: memref<128x128xf32, #tpu.memory_space<vmem>>, %arg5: memref<128xf32, #tpu.memory_space<vmem>>, %arg6: memref<128x128xf32, #tpu.memory_space<vmem>>, %arg7: memref<128xf32, #tpu.memory_space<vmem>>, %arg8: memref<1x1x512xi32, #tpu.memory_space<vmem>>, %arg9: memref<128x128xf32, #tpu.memory_space<vmem>>, %arg10: memref<128xf32, #tpu.memory_space<vmem>>, %arg11: memref<128x128xf32, #tpu.memory_space<vmem>>, %arg12: memref<1xf32, #tpu.memory_space<smem>>, %arg13: memref<128x128xf32, #tpu.memory_space<vmem>>, %arg14: memref<128x128xf32, #tpu.memory_space<vmem>>, %arg15: memref<128x128xf32, #tpu.memory_space<vmem>>) attributes {dimension_semantics = [#tpu.dimension_semantics<arbitrary>], iteration_bounds = array<i64: 20>, scalar_prefetch = 0 : i64, scratch_operands = 0 : i64, tpu.core_type = #tpu.core_type<tc>, window_params = [{transform_indices = @transform_0, window_bounds = array<i64: 512, 128>}, {transform_indices = @transform_1, window_bounds = array<i64: 2, 512, 128>}, {transform_indices = @transform_2, window_bounds = array<i64: 1>}, {pipeline_mode = #tpu.pipeline_mode<synchronous>, transform_indices = @transform_3, window_bounds = array<i64: 128, 128>}, {pipeline_mode = #tpu.pipeline_mode<synchronous>, transform_indices = @transform_4, window_bounds = array<i64: 128>}, {pipeline_mode = #tpu.pipeline_mode<synchronous>, transform_indices = @transform_5, window_bounds = array<i64: 128, 128>}, {pipeline_mode = #tpu.pipeline_mode<synchronous>, transform_indices = @transform_6, window_bounds = array<i64: 128>}, {transform_indices = @transform_7, window_bounds = array<i64: 1, 1, 512>}, {pipeline_mode = #tpu.pipeline_mode<synchronous>, transform_indices = @transform_8, window_bounds = array<i64: 128, 128>}, {pipeline_mode = #tpu.pipeline_mode<synchronous>, transform_indices = @transform_9, window_bounds = array<i64: 128>}, {pipeline_mode = #tpu.pipeline_mode<synchronous>, transform_indices = @transform_10, window_bounds = array<i64: 128, 128>}, {transform_indices = @transform_11, window_bounds = array<i64: 1>}, {pipeline_mode = #tpu.pipeline_mode<synchronous>, transform_indices = @transform_12, window_bounds = array<i64: 128, 128>}, {pipeline_mode = #tpu.pipeline_mode<synchronous>, transform_indices = @transform_13, window_bounds = array<i64: 128, 128>}, {pipeline_mode = #tpu.pipeline_mode<synchronous>, transform_indices = @transform_14, window_bounds = array<i64: 128, 128>}]} {
    %eq3A = arith.constant 0 : i32
    %eq3A_0 = arith.cmpi eq, %arg0, %eq3A : i32
    %convert_element_type3A = arith.extui %eq3A_0 : i1 to i32
    %cond3A = arith.constant 0 : i32
    %cond3A_1 = arith.cmpi ne, %convert_element_type3A, %cond3A : i32
    scf.if %cond3A_1 {
      %broadcast_in_dim3A_74 = arith.constant 0.000000e+00 : f32
      %broadcast_in_dim3A_75 = vector.broadcast %broadcast_in_dim3A_74 : f32 to vector<128x128xf32>
      %swap3A_76 = arith.constant 0 : index
      %swap3A_77 = arith.constant 0 : index
      %swap3A_78 = vector.load %arg13[%swap3A_76, %swap3A_77] : memref<128x128xf32, #tpu.memory_space<vmem>>, vector<128x128xf32>
      tpu.vector_store %arg13[%swap3A_76, %swap3A_77], %broadcast_in_dim3A_75 {strides = array<i32>} : memref<128x128xf32, #tpu.memory_space<vmem>>, vector<128x128xf32>,
      %broadcast_in_dim3A_79 = arith.constant 0.000000e+00 : f32
      %broadcast_in_dim3A_80 = vector.broadcast %broadcast_in_dim3A_79 : f32 to vector<128x128xf32>
      %swap3A_81 = arith.constant 0 : index
      %swap3A_82 = arith.constant 0 : index
      %swap3A_83 = vector.load %arg14[%swap3A_81, %swap3A_82] : memref<128x128xf32, #tpu.memory_space<vmem>>, vector<128x128xf32>
      tpu.vector_store %arg14[%swap3A_81, %swap3A_82], %broadcast_in_dim3A_80 {strides = array<i32>} : memref<128x128xf32, #tpu.memory_space<vmem>>, vector<128x128xf32>,
    } else {
    }
    %get3A = arith.constant 0 : index
    %get3A_2 = memref.load %arg3[%get3A] : memref<1xf32, #tpu.memory_space<smem>>
    %add3A = arith.constant 1.000000e+00 : f32
    %add3A_3 = arith.addf %add3A, %get3A_2 : f32
    %get3A_4 = arith.constant 0 : index
    %get3A_5 = arith.constant 0 : index
    %get3A_6 = vector.load %arg1[%get3A_4, %get3A_5] : memref<512x128xf32, #tpu.memory_space<vmem>>, vector<512x128xf32>
    %mul3A = vector.broadcast %add3A_3 : f32 to vector<512x128xf32>
    %mul3A_7 = arith.mulf %mul3A, %get3A_6 : vector<512x128xf32>
    %get3A_8 = arith.constant 0 : index
    %get3A_9 = arith.constant 0 : index
    %get3A_10 = arith.constant 0 : index
    %get3A_11 = vector.load %arg2[%get3A_8, %get3A_9, %get3A_10] : memref<2x512x128xf32, #tpu.memory_space<vmem>>, vector<1x512x128xf32>
    %get3A_12 = vector.shape_cast %get3A_11 : vector<1x512x128xf32> to vector<512x128xf32>
    %add3A_13 = arith.addf %mul3A_7, %get3A_12 : vector<512x128xf32>
    %get3A_14 = arith.constant 1 : index
    %get3A_15 = arith.constant 0 : index
    %get3A_16 = arith.constant 0 : index
    %get3A_17 = vector.load %arg2[%get3A_14, %get3A_15, %get3A_16] : memref<2x512x128xf32, #tpu.memory_space<vmem>>, vector<1x512x128xf32>
    %get3A_18 = vector.shape_cast %get3A_17 : vector<1x512x128xf32> to vector<512x128xf32>
    %add3A_19 = arith.addf %add3A_13, %get3A_18 : vector<512x128xf32>
    %get3A_20 = arith.constant 0 : index
    %get3A_21 = arith.constant 0 : index
    %get3A_22 = vector.load %arg4[%get3A_20, %get3A_21] : memref<128x128xf32, #tpu.memory_space<vmem>>, vector<128x128xf32>
    %dot_general3A = arith.constant dense<0.000000e+00> : vector<512x128xf32>
    %dot_general3A_23 = tpu.matmul %add3A_19, %get3A_22, %dot_general3A {dimension_numbers = #tpu.dot_dimension_numbers<[1], [0], [0], [1], [0, 0, 1, 1], [], []>, transpose_lhs_hint = false} : vector<512x128xf32>, vector<128x128xf32>, vector<512x128xf32> -> vector<512x128xf32>
    %get3A_24 = arith.constant 0 : index
    %get3A_25 = vector.load %arg5[%get3A_24] : memref<128xf32, #tpu.memory_space<vmem>>, vector<128xf32>
    %broadcast_in_dim3A = vector.shape_cast %get3A_25 : vector<128xf32> to vector<1x128xf32>
    %add3A_26 = vector.broadcast %broadcast_in_dim3A : vector<1x128xf32> to vector<512x128xf32>
    %add3A_27 = arith.addf %dot_general3A_23, %add3A_26 : vector<512x128xf32>
    %max3A = arith.constant 0.000000e+00 : f32
    %max3A_28 = vector.broadcast %max3A : f32 to vector<512x128xf32>
    %max3A_29 = arith.maximumf %add3A_27, %max3A_28 : vector<512x128xf32>
    %get3A_30 = arith.constant 0 : index
    %get3A_31 = arith.constant 0 : index
    %get3A_32 = vector.load %arg6[%get3A_30, %get3A_31] : memref<128x128xf32, #tpu.memory_space<vmem>>, vector<128x128xf32>
    %dot_general3A_33 = arith.constant dense<0.000000e+00> : vector<512x128xf32>
    %dot_general3A_34 = tpu.matmul %max3A_29, %get3A_32, %dot_general3A_33 {dimension_numbers = #tpu.dot_dimension_numbers<[1], [0], [0], [1], [0, 0, 1, 1], [], []>, transpose_lhs_hint = false} : vector<512x128xf32>, vector<128x128xf32>, vector<512x128xf32> -> vector<512x128xf32>
    %get3A_35 = arith.constant 0 : index
    %get3A_36 = vector.load %arg7[%get3A_35] : memref<128xf32, #tpu.memory_space<vmem>>, vector<128xf32>
    %broadcast_in_dim3A_37 = vector.shape_cast %get3A_36 : vector<128xf32> to vector<1x128xf32>
    %add3A_38 = vector.broadcast %broadcast_in_dim3A_37 : vector<1x128xf32> to vector<512x128xf32>
    %add3A_39 = arith.addf %dot_general3A_34, %add3A_38 : vector<512x128xf32>
    %get3A_40 = arith.constant 0 : index
    %get3A_41 = arith.constant 0 : index
    %get3A_42 = arith.constant 0 : index
    %get3A_43 = vector.load %arg8[%get3A_40, %get3A_41, %get3A_42] : memref<1x1x512xi32, #tpu.memory_space<vmem>>, vector<1x1x512xi32>
    %get3A_44 = vector.shape_cast %get3A_43 : vector<1x1x512xi32> to vector<512xi32>
    %iota3A = tpu.iota {dimensions = array<i32: 0>} : vector<128x512xi32>
    %broadcast_in_dim3A_45 = vector.shape_cast %get3A_44 : vector<512xi32> to vector<1x512xi32>
    %eq3A_46 = vector.broadcast %broadcast_in_dim3A_45 : vector<1x512xi32> to vector<128x512xi32>
    %eq3A_47 = arith.cmpi eq, %iota3A, %eq3A_46 : vector<128x512xi32>
    %convert_element_type3A_48 = arith.extui %eq3A_47 : vector<128x512xi1> to vector<128x512xi32>
    %convert_element_type3A_49 = arith.sitofp %convert_element_type3A_48 : vector<128x512xi32> to vector<128x512xf32>
    %get3A_50 = arith.constant 0 : index
    %get3A_51 = arith.constant 0 : index
    %get3A_52 = vector.load %arg13[%get3A_50, %get3A_51] : memref<128x128xf32, #tpu.memory_space<vmem>>, vector<128x128xf32>
    %dot_general3A_53 = arith.constant dense<0.000000e+00> : vector<128x128xf32>
    %dot_general3A_54 = tpu.matmul %convert_element_type3A_49, %add3A_39, %dot_general3A_53 {dimension_numbers = #tpu.dot_dimension_numbers<[1], [0], [0], [1], [0, 0, 1, 1], [], []>, transpose_lhs_hint = false} : vector<128x512xf32>, vector<512x128xf32>, vector<128x128xf32> -> vector<128x128xf32>
    %add3A_55 = arith.addf %get3A_52, %dot_general3A_54 : vector<128x128xf32>
    %swap3A = arith.constant 0 : index
    %swap3A_56 = arith.constant 0 : index
    %swap3A_57 = vector.load %arg13[%swap3A, %swap3A_56] : memref<128x128xf32, #tpu.memory_space<vmem>>, vector<128x128xf32>
    tpu.vector_store %arg13[%swap3A, %swap3A_56], %add3A_55 {strides = array<i32>} : memref<128x128xf32, #tpu.memory_space<vmem>>, vector<128x128xf32>,
    %get3A_58 = arith.constant 0 : index
    %get3A_59 = arith.constant 0 : index
    %get3A_60 = vector.load %arg14[%get3A_58, %get3A_59] : memref<128x128xf32, #tpu.memory_space<vmem>>, vector<128x128xf32>
    %broadcast_in_dim3A_61 = arith.constant 1.000000e+00 : f32
    %broadcast_in_dim3A_62 = vector.broadcast %broadcast_in_dim3A_61 : f32 to vector<512x128xf32>
    %dot_general3A_63 = arith.constant dense<0.000000e+00> : vector<128x128xf32>
    %dot_general3A_64 = tpu.matmul %convert_element_type3A_49, %broadcast_in_dim3A_62, %dot_general3A_63 {dimension_numbers = #tpu.dot_dimension_numbers<[1], [0], [0], [1], [0, 0, 1, 1], [], []>, transpose_lhs_hint = false} : vector<128x512xf32>, vector<512x128xf32>, vector<128x128xf32> -> vector<128x128xf32>
    %add3A_65 = arith.addf %get3A_60, %dot_general3A_64 : vector<128x128xf32>
    %swap3A_66 = arith.constant 0 : index
    %swap3A_67 = arith.constant 0 : index
    %swap3A_68 = vector.load %arg14[%swap3A_66, %swap3A_67] : memref<128x128xf32, #tpu.memory_space<vmem>>, vector<128x128xf32>
    tpu.vector_store %arg14[%swap3A_66, %swap3A_67], %add3A_65 {strides = array<i32>} : memref<128x128xf32, #tpu.memory_space<vmem>>, vector<128x128xf32>,
    %eq3A_69 = arith.constant 19 : i32
    %eq3A_70 = arith.cmpi eq, %arg0, %eq3A_69 : i32
    %convert_element_type3A_71 = arith.extui %eq3A_70 : i1 to i32
    %cond3A_72 = arith.constant 0 : i32
    %cond3A_73 = arith.cmpi ne, %convert_element_type3A_71, %cond3A_72 : i32
    scf.if %cond3A_73 {
      %get3A_74 = arith.constant 0 : index
      %get3A_75 = arith.constant 0 : index
      %get3A_76 = vector.load %arg13[%get3A_74, %get3A_75] : memref<128x128xf32, #tpu.memory_space<vmem>>, vector<128x128xf32>
      %get3A_77 = arith.constant 0 : index
      %get3A_78 = arith.constant 0 : index
      %get3A_79 = vector.load %arg14[%get3A_77, %get3A_78] : memref<128x128xf32, #tpu.memory_space<vmem>>, vector<128x128xf32>
      %max3A_80 = arith.constant 1.000000e+00 : f32
      %max3A_81 = vector.broadcast %max3A_80 : f32 to vector<128x128xf32>
      %max3A_82 = arith.maximumf %get3A_79, %max3A_81 : vector<128x128xf32>
      %div3A = arith.divf %get3A_76, %max3A_82 : vector<128x128xf32>
      %get3A_83 = arith.constant 0 : index
      %get3A_84 = arith.constant 0 : index
      %get3A_85 = vector.load %arg9[%get3A_83, %get3A_84] : memref<128x128xf32, #tpu.memory_space<vmem>>, vector<128x128xf32>
      %dot_general3A_86 = arith.constant dense<0.000000e+00> : vector<128x128xf32>
      %dot_general3A_87 = tpu.matmul %div3A, %get3A_85, %dot_general3A_86 {dimension_numbers = #tpu.dot_dimension_numbers<[1], [0], [0], [1], [0, 0, 1, 1], [], []>, transpose_lhs_hint = false} : vector<128x128xf32>, vector<128x128xf32>, vector<128x128xf32> -> vector<128x128xf32>
      %get3A_88 = arith.constant 0 : index
      %get3A_89 = vector.load %arg10[%get3A_88] : memref<128xf32, #tpu.memory_space<vmem>>, vector<128xf32>
      %broadcast_in_dim3A_90 = vector.shape_cast %get3A_89 : vector<128xf32> to vector<1x128xf32>
      %add3A_91 = vector.broadcast %broadcast_in_dim3A_90 : vector<1x128xf32> to vector<128x128xf32>
      %add3A_92 = arith.addf %dot_general3A_87, %add3A_91 : vector<128x128xf32>
      %max3A_93 = arith.constant 0.000000e+00 : f32
      %max3A_94 = vector.broadcast %max3A_93 : f32 to vector<128x128xf32>
      %max3A_95 = arith.maximumf %add3A_92, %max3A_94 : vector<128x128xf32>
      %get3A_96 = arith.constant 0 : index
      %get3A_97 = arith.constant 0 : index
      %get3A_98 = vector.load %arg11[%get3A_96, %get3A_97] : memref<128x128xf32, #tpu.memory_space<vmem>>, vector<128x128xf32>
      %dot_general3A_99 = arith.constant dense<0.000000e+00> : vector<128x128xf32>
      %dot_general3A_100 = tpu.matmul %max3A_95, %get3A_98, %dot_general3A_99 {dimension_numbers = #tpu.dot_dimension_numbers<[1], [0], [0], [1], [0, 0, 1, 1], [], []>, transpose_lhs_hint = false} : vector<128x128xf32>, vector<128x128xf32>, vector<128x128xf32> -> vector<128x128xf32>
      %get3A_101 = arith.constant 0 : index
      %get3A_102 = memref.load %arg12[%get3A_101] : memref<1xf32, #tpu.memory_space<smem>>
      %add3A_103 = vector.broadcast %get3A_102 : f32 to vector<128x128xf32>
      %add3A_104 = arith.addf %dot_general3A_100, %add3A_103 : vector<128x128xf32>
      %swap3A_105 = arith.constant 0 : index
      %swap3A_106 = arith.constant 0 : index
      %swap3A_107 = vector.load %arg15[%swap3A_105, %swap3A_106] : memref<128x128xf32, #tpu.memory_space<vmem>>, vector<128x128xf32>
      tpu.vector_store %arg15[%swap3A_105, %swap3A_106], %add3A_104 {strides = array<i32>} : memref<128x128xf32, #tpu.memory_space<vmem>>, vector<128x128xf32>,
    } else {
    }
    return
  }
  func.func @transform_0(%arg0: i32) -> (i32, i32) {
    %c0_i32 = arith.constant 0 : i32
    %c0_i32_0 = arith.constant 0 : i32
    return %arg0, %c0_i32 : i32, i32
  }
  func.func @transform_1(%arg0: i32) -> (i32, i32, i32) {
    %c0_i32 = arith.constant 0 : i32
    %c0_i32_0 = arith.constant 0 : i32
    %c0_i32_1 = arith.constant 0 : i32
    return %c0_i32, %arg0, %c0_i32_0 : i32, i32, i32
  }
  func.func @transform_2(%arg0: i32) -> i32 {
    %c0_i32 = arith.constant 0 : i32
    %c0_i32_0 = arith.constant 0 : i32
    return %c0_i32 : i32
  }
  func.func @transform_3(%arg0: i32) -> (i32, i32) {
    %c0_i32 = arith.constant 0 : i32
    %c0_i32_0 = arith.constant 0 : i32
    %c0_i32_1 = arith.constant 0 : i32
    return %c0_i32, %c0_i32_0 : i32, i32
  }
  func.func @transform_4(%arg0: i32) -> i32 {
    %c0_i32 = arith.constant 0 : i32
    %c0_i32_0 = arith.constant 0 : i32
    return %c0_i32 : i32
  }
  func.func @transform_5(%arg0: i32) -> (i32, i32) {
    %c0_i32 = arith.constant 0 : i32
    %c0_i32_0 = arith.constant 0 : i32
    %c0_i32_1 = arith.constant 0 : i32
    return %c0_i32, %c0_i32_0 : i32, i32
  }
  func.func @transform_6(%arg0: i32) -> i32 {
    %c0_i32 = arith.constant 0 : i32
    %c0_i32_0 = arith.constant 0 : i32
    return %c0_i32 : i32
  }
  func.func @transform_7(%arg0: i32) -> (i32, i32, i32) {
    %c0_i32 = arith.constant 0 : i32
    %c0_i32_0 = arith.constant 0 : i32
    %c0_i32_1 = arith.constant 0 : i32
    return %arg0, %c0_i32, %c0_i32_0 : i32, i32, i32
  }
  func.func @transform_8(%arg0: i32) -> (i32, i32) {
    %c0_i32 = arith.constant 0 : i32
    %c0_i32_0 = arith.constant 0 : i32
    %c0_i32_1 = arith.constant 0 : i32
    return %c0_i32, %c0_i32_0 : i32, i32
  }
  func.func @transform_9(%arg0: i32) -> i32 {
    %c0_i32 = arith.constant 0 : i32
    %c0_i32_0 = arith.constant 0 : i32
    return %c0_i32 : i32
  }
  func.func @transform_10(%arg0: i32) -> (i32, i32) {
    %c0_i32 = arith.constant 0 : i32
    %c0_i32_0 = arith.constant 0 : i32
    %c0_i32_1 = arith.constant 0 : i32
    return %c0_i32, %c0_i32_0 : i32, i32
  }
  func.func @transform_11(%arg0: i32) -> i32 {
    %c0_i32 = arith.constant 0 : i32
    %c0_i32_0 = arith.constant 0 : i32
    return %c0_i32 : i32
  }
  func.func @transform_12(%arg0: i32) -> (i32, i32) {
    %c0_i32 = arith.constant 0 : i32
    %c0_i32_0 = arith.constant 0 : i32
    %c0_i32_1 = arith.constant 0 : i32
    return %c0_i32, %c0_i32_0 : i32, i32
  }
  func.func @transform_13(%arg0: i32) -> (i32, i32) {
    %c0_i32 = arith.constant 0 : i32
    %c0_i32_0 = arith.constant 0 : i32
    %c0_i32_1 = arith.constant 0 : i32
    return %c0_i32, %c0_i32_0 : i32, i32
  }
  func.func @transform_14(%arg0: i32) -> (i32, i32) {
    %c0_i32 = arith.constant 0 : i32
    %c0_i32_0 = arith.constant 0 : i32
    %c0_i32_1 = arith.constant 0 : i32
    return %c0_i32, %c0_i32_0 : i32, i32
  }
}

</mosaic_0001>

<sc_bundles>
// kernel: kernel.12.cloned.1.call-start
scs
__scs_entry_jumppad:
0x0: {  	(pc) =	sbr.rel $0x88, $3  }
0x1: {  	(tag) =	ssettag $0x0;
	lr =	simm.s32 $0x1  }
0x2: {  	[smem:$0x3F82] =	sst lr;
	_ =	strace $0xD0000000  }
0x3: {  	_ = 	snop  }
0x4: {  	_ = 	snop  }
0x5: {  	_ = 	snop  }
0x6: {  	_ = 	snop  }
0x7: {  	_ = 	snop  }
__scs_overlays_trampoline_lowered:
0x8: {  	[smem:$0x3F91] =	sst s0  }
0x9: {  	[smem:$0x3F92] =	sst s1  }
0xa: {  	[smem:$0x3F93] =	sst s2  }
0xb: {  	[smem:$0x3F94] =	sst s3  }
0xc: {  	[smem:$0x3F95] =	sst s4  }
0xd: {  	[smem:$0x3F96] =	sst s5  }
0xe: {  	[smem:$0x3F97] =	sst s6  }
0xf: {  	[smem:$0x3F98] =	sst s7  }
0x10: {  	[smem:$0x3F99] =	sst s8  }
0x11: {  	[smem:$0x3F9A] =	sst s9;
	s0 =	simm.s32 @!p0 $0x0  }
0x12: {  	s1 =	sld [smem:$0x3F80];
	s0 =	simm.s32 @p0 $0x1  }
0x13: {  	[smem:$0x3F9B] =	sst s0;
	s0 =	simm.s32 @!p1 $0x0  }
0x14: {  	s2 =	sld [smem:$0x3F7F];
	s0 =	simm.s32 @p1 $0x1  }
0x15: {  	[smem:$0x3F9C] =	sst s0;
	s0 =	simm.s32 @!p2 $0x0  }
0x16: {  	s3 =	sld [smem:$0x3FDB];
	s0 =	simm.s32 @p2 $0x1  }
0x17: {  	s4 =	simm.s32 $0x1BF5;
	[smem:$0x3F9E] =	sst s0  }
0x18: {  	s0 =	sld [smem:$0x3F81];
	_ =	swait.ge [sflag:s4], $0x0  }
0x19: {  	s7 =	sld [smem:$0x3F82]  }
0x1a: {  	s8 =	sadd.s32 $0xFFFFE003, lr  }
0x1b: {  	s9 =	sadd.s32 $0xFFFFFEF7, lr;
	s5 =	simm.s32 $0xFFFFFFFF;
	p2 =	slt.u32 s8, $0xFFFFF086  }
0x1c: {  	p1 =	slt.u32 s9, $0xF7A;
	s5 =	simm.s32 @!p2 $0x0  }
0x1d: {  	s5 =	simm.s32 @p1 $0x1;
	p0 =	seq.s32 s7, s2  }
0x1e: {  	s7 =	smul.u32 @!p0 $0xF7A, s2;
	p2 =	seq.s32 @!p0 s5, $0x0  }
0x1f: {  	s9 =	smul.u32 $0xF7A, s1;
	s8 =	simm.s32 @!p0 $0x1BF5;
	p2 =	por !p2, p0  }
0x20: {  	[sflag:s8] =	ssyncset.s32 @!p0 $0xFFFFF086;
	s6 =	sadd.s32 @!p0 s3, s7;
	s7 =	simm.s32 @!p0 $0x108  }
0x21: {  	s3 =	sadd.s32 s3, s9;
	s6 =	sadd.s32 @!p0 $0x88, s6;
	s7 =	simm.s32 @p2 $0x1082  }
0x22: {  	[simem:s7], [sflag:s8] =	dma.local @!p0 [hbm:s6], $0xF7A  }
0x23: {  	s9 =	sor.u32 $0xD0000000, s2;
	s6 =	simm.s32 $0x108;
	_ =	swait.ge @!p0 [sflag:s8], $0x0  }
0x24: {  	s3 =	sadd.s32 $0x88, s3;
	s6 =	simm.s32 @!p1 $0x1082;
	[sflag:s4] =	ssyncset.s32 $0xFFFFF086  }
0x25: {  	[simem:s6], [sflag:s4] =	dma.local [hbm:s3], $0xF7A  }
0x26: {  	[smem:$0x3F82] =	sst s1;
	(tag) =	ssettag s2;
	_ =	strace s9  }
0x27: {  	s1 =	sld [smem:$0x3F92]  }
0x28: {  	s2 =	sld [smem:$0x3F93]  }
0x29: {  	s4 =	sld [smem:$0x3F95]  }
0x2a: {  	p0 =	seq.s32 s5, $0x0;
	s5 =	sld [smem:$0x3F96]  }
0x2b: {  	s6 =	sld [smem:$0x3F97]  }
0x2c: {  	s7 =	sld [smem:$0x3F98]  }
0x2d: {  	s3 =	simm.s32 $0x108;
	s8 =	sld [smem:$0x3F99]  }
0x2e: {  	s3 =	simm.s32 @!p0 $0x1082;
	s9 =	sld [smem:$0x3F9A]  }
0x2f: {  	lr =	sadd.s32 s0, s3;
	s0 =	sld [smem:$0x3F91]  }
0x30: {  	s3 =	sld [smem:$0x3F94]  }
0x31: {  	[smem:$0x3F9D] =	sst s10  }
0x32: {  	s10 =	sld [smem:$0x3F9B];
	_ =	sdelay $0x3  }
0x33: {  	p0 =	seq.s32 s10, $0x1;
	s10 =	sld [smem:$0x3F9D];
	_ =	sdelay $0x3  }
0x34: {  	[smem:$0x3F9D] =	sst s10  }
0x35: {  	s10 =	sld [smem:$0x3F9C];
	_ =	sdelay $0x3  }
0x36: {  	p1 =	seq.s32 s10, $0x1;
	s10 =	sld [smem:$0x3F9D];
	_ =	sdelay $0x3  }
0x37: {  	[smem:$0x3F9D] =	sst s10  }
0x38: {  	s10 =	sld [smem:$0x3F9E]  }
0x39: {  	_ = 	snop;
	(pc) =	sbr.ind lr, $3  }
0x3a: {  	_ = 	snop  }
0x3b: {  	_ = 	snop  }
0x3c: {  	p2 =	seq.s32 s10, $0x1;
	s10 =	sld [smem:$0x3F9D]  }
0x3d: {  	_ =	shalt  }
0x3e: {  	_ =	shalt  }
0x3f: {  	_ =	shalt  }
0x40: {  	_ =	shalt  }
0x41: {  	_ =	shalt  }
0x42: {  	_ =	shalt  }
0x43: {  	_ =	shalt  }
0x44: {  	_ =	shalt  }
0x45: {  	_ =	shalt  }
0x46: {  	_ =	shalt  }
0x47: {  	_ =	shalt  }
0x48: {  	_ =	shalt  }
0x49: {  	_ =	shalt  }
0x4a: {  	_ =	shalt  }
0x4b: {  	_ =	shalt  }
0x4c: {  	_ =	shalt  }
0x4d: {  	_ =	shalt  }
0x4e: {  	_ =	shalt  }
0x4f: {  	_ =	shalt  }
0x50: {  	_ =	shalt  }
0x51: {  	_ =	shalt  }
0x52: {  	_ =	shalt  }
0x53: {  	_ =	shalt  }
0x54: {  	_ =	shalt  }
0x55: {  	_ =	shalt  }
0x56: {  	_ =	shalt  }
0x57: {  	_ =	shalt  }
0x58: {  	_ =	shalt  }
0x59: {  	_ =	shalt  }
0x5a: {  	_ =	shalt  }
0x5b: {  	_ =	shalt  }
0x5c: {  	_ =	shalt  }
0x5d: {  	_ =	shalt  }
0x5e: {  	_ =	shalt  }
0x5f: {  	_ =	shalt  }
0x60: {  	_ =	shalt  }
0x61: {  	_ =	shalt  }
0x62: {  	_ =	shalt  }
0x63: {  	_ =	shalt  }
0x64: {  	_ =	shalt  }
0x65: {  	_ =	shalt  }
0x66: {  	_ =	shalt  }
0x67: {  	_ =	shalt  }
0x68: {  	_ =	shalt  }
0x69: {  	_ =	shalt  }
0x6a: {  	_ =	shalt  }
0x6b: {  	_ =	shalt  }
0x6c: {  	_ =	shalt  }
0x6d: {  	_ =	shalt  }
0x6e: {  	_ =	shalt  }
0x6f: {  	_ =	shalt  }
0x70: {  	_ =	shalt  }
0x71: {  	_ =	shalt  }
0x72: {  	_ =	shalt  }
0x73: {  	_ =	shalt  }
0x74: {  	_ =	shalt  }
0x75: {  	_ =	shalt  }
0x76: {  	_ =	shalt  }
0x77: {  	_ =	shalt  }
0x78: {  	_ =	shalt  }
0x79: {  	_ =	shalt  }
0x7a: {  	_ =	shalt  }
0x7b: {  	_ =	shalt  }
0x7c: {  	_ =	shalt  }
0x7d: {  	_ =	shalt  }
0x7e: {  	_ =	shalt  }
0x7f: {  	_ =	shalt  }
0x80: {  	_ =	shalt  }
0x81: {  	_ =	shalt  }
0x82: {  	_ =	shalt  }
0x83: {  	_ =	shalt  }
0x84: {  	_ =	shalt  }
0x85: {  	_ =	shalt  }
0x86: {  	_ =	shalt  }
0x87: {  	_ =	shalt  }
.Lfunc_end0:
.L_simem_size_0:
called_computation.1_lowered:
.L_overlay_start_0:
0x88: {  	s2 =	sld [smem:$0x3FD9]  }
0x89: {  	s3 =	sld [smem:$0x3FFE];
	_ =	sdelay $0x1  }
0x8a: {  	s1 =	srdreg.scid  }
0x8b: {  	s0 =	sand.u32 $0x1, s1  }
0x8c: {  	s16 =	sshll.u32 s0, $0xA;
	s2 =	sadd.s32 s3, s2  }
0x8d: {  	s2 =	sadd.s32 s2, s16  }
0x8e: {  	[smem:$0x3FA9] =	sst s2  }
0x8f: {  	_ = 	snop  }
0x90: {  	(tm) =	ssettm $0x1  }
0x91: {  	s17 =	sld [smem:$0x3FFB];
	_ =	sdelay $0x3  }
0x92: {  	_ =	strace s17  }
0x93: {  	s2 =	sld [smem:$0x3FFC];
	_ =	sdelay $0x3  }
0x94: {  	_ =	strace s2  }
0x95: {  	s2 =	sld [smem:$0x3FFD];
	_ =	sdelay $0x3  }
0x96: {  	_ =	strace s2  }
0x97: {  	_ =	strace $0x8FFFFFFF  }
0x98: {  	s18 =	sld [smem:$0x3FDB];
	_ =	sdelay $0x1  }
0x99: {  	s19 =	simm.s32 $_scs_section_size  }
0x9a: {  	s4 =	simm.s32 $_size__tile_overlayer_lowered;
	s5 =	simm.s32 $_tile_overlayer_lowered  }
0x9b: {  	s22 =	simm.s32 $0x1BFF;
	s21 =	sshll.u32 s5, $0x1;
	s2 =	sadd.s32 s19, s18  }
0x9c: {  	s6 =	simm.s32 $0x0;
	s20 =	sshll.u32 s4, $0x1;
	s4 =	sadd.s32 s21, s2  }
0x9d: {  	[timem:s6], [sflag:s22] =	dma.local [hbm:s4], s20  }
0x9e: {  	_ =	swait.ge [sflag:s22], s20  }
0x9f: {  	s3 =	ssub.s32 $0x0, s20;
	[sflag:s22] =	ssyncset.done $0x0  }
0xa0: {  	[sflag:s22] =	ssyncadd.s32 s3;
	_ =	sdelay $0x1  }
0xa1: {  	s23 =	simm.s32 $0x1B8B  }
0xa2: {  	_ =	swait.ge [sflag:s23], $0x1  }
0xa3: {  	[sflag:s23] =	ssyncset.done $0x0  }
0xa4: {  	s25 =	simm.s32 $0x1B8E;
	s24 =	sld [smem:$0x3FFE];
	[sflag:s23] =	ssyncadd.s32 $0xFFFFFFFF  }
0xa5: {  	s26 =	simm.s32 $execute0_lowered;
	[smem:$0x3FD2] =	sst s25  }
0xa6: {  	s4 =	sshll.u32 s26, $0x1;
	_ =	strace $0x80000049;
	[dreg:$0x1] =	wrdreg $0xFFFFFFFF  }
0xa7: {  	s28 =	simm.s32 $_size_execute0_lowered;
	s2 =	sadd.s32 s2, s4;
	[dreg:$0x0] =	wrdreg $0x0  }
0xa8: {  	s4 =	sshll.u32 s28, $0x1;
	[dreg:$0x2] =	wrdreg s2  }
0xa9: {  	[dreg:$0x3] =	wrdreg s4  }
0xaa: {  	[dreg:$0x4] =	wrdreg $0xC0  }
0xab: {  	_ =	task [dreg:s6], $0x5FFFF  }
0xac: {  	[dreg:$0x1] =	wrdreg $0xFFFFFFFF  }
0xad: {  	[dreg:$0x0] =	wrdreg $0x60  }
0xae: {  	[dreg:$0x2] =	wrdreg s24  }
0xaf: {  	[dreg:$0x3] =	wrdreg $0x86000  }
0xb0: {  	[dreg:$0x4] =	wrdreg $0x9  }
0xb1: {  	_ =	task.clear_ibuf [dreg:s6], $0x5FFFF;
	_ =	strace $0x90000049  }
0xb2: {  	s29 =	simm.s32 $0x9;
	_ =	strace $0x8000004B  }
0xb3: {  	_ =	swait.ge [sflag:s29], $0x1  }
0xb4: {  	[sflag:s29] =	ssyncadd.s32 $0xFFFFFFFF  }
0xb5: {  	_ =	strace $0x9000004B  }
0xb6: {  	_ =	sfence  }
0xb7: {  	s30 =	sld [smem:$0x0];
	_ =	sdelay $0x2  }
0xb8: {  	s31 =	sshll.u32 s1, $0xD;
	s1 =	sshrl.u32 s1, $0x2  }
0xb9: {  	s3 =	sand.u32 $0x4000, s31;
	s1 =	sadd.s32 s1, s30  }
0xba: {  	s0 =	sor.u32 s3, s0;
	s1 =	sshll.u32 s1, $0x11  }
0xbb: {  	s0 =	sor.u32 s1, s0  }
0xbc: {  	s0 =	sadd.s32 $0x8F2B, s0  }
0xbd: {  	[sflag:s0] =	ssyncadd.remote.s32 $0x1  }
0xbe: {  	_ =	sfence.sel $0xFFFF  }
0xbf: {  	[dreg:$0x0] =	wrdreg $0xFFFFFFFF;
	(pc) =	sbr.abs _section_cstart, $3  }
0xc0: {  	[dreg:$0x1] =	wrdreg $0xFFFFFFFF  }
0xc1: {  	_ =	task.clear_ibuf [dreg:s6], $0x2FFFF;
	_ =	strace $0x9FFFFFFF  }
0xc2: {  	(tm) =	ssettm $0x7FFFFFFF  }
0xc3: {  	_ =	shalt  }
tec
execute0_lowered:
.L_overlay_start_1:
0x0: {  	(tag) =	ssettag $0x1  }
0x1: {  	s0 =	rddreg [dreg:$0x0]  }
0x2: {  	s1 =	rddreg [dreg:$0x1];
	s3 =	simm.s32 $0x0;
	s2 =	srdreg.scid  }
0x3: {  	s12 =	stileid.u32;
	s15 =	simm.s32 $0x7;
	s16 =	simm.s32 $0x200  }
0x4: {  	s17 =	simm.s32 $0x1;
	s28 =	simm.s32 $0x6600;
	s29 =	simm.s32 $0x3  }
0x5: {  	s30 =	simm.s32 $0x80;
	s31 =	simm.s32 $0x500;
	s6 =	smul.u32 $0x14000, s12  }
0x6: {  	[smem:$0x7FF] =	sst s3;
	s2 =	sand.u32 $0x1, s2;
	s19 =	smul.u32 $0x50000, s12  }
0x7: {  	s4 =	sadd.s32 $0x2C600, s0;
	s8 =	sadd.s32 $0x4600, s0;
	s10 =	smul.u32 $0x50, s12  }
0x8: {  	s9 =	sadd.s32 $0xCC600, s0;
	s23 =	sshll.u32 s12, $0x6;
	s5 =	smul.u32 $0x140000, s2  }
0x9: {  	_ =	strace $0x8000004A;
	s7 =	sshll.u32 s2, $0x4;
	[dreg:$0x3] =	wrdreg s9  }
0xa: {  	s21 =	ssub.s32 $0x2, s2;
	s2 =	smul.u32 $0x500, s2;
	s18 =	sor.u32 s12, s7  }
0xb: {  	s22 =	sshrl.u32 s21, $0x1;
	s7 =	sshrl.u32 s19, $0x2;
	s19 =	simm.s32 $0x400  }
0xc: {  	s5 =	sadd.s32 s6, s5;
	s20 =	smul.u32 $0x1400, s18;
	s11 =	sadd.s32 s7, s1  }
0xd: {  	s6 =	sor.u32 $0x1C07, s23;
	s2 =	sadd.s32 s10, s2;
	s18 =	simm.s32 $0x40  }
0xe: {  	s23 =	simm.s32 $0x2;
	s5 =	sshrl.u32 s5, $0x3;
	s2 =	sshll.u32 s2, $0x6  }
0xf: {  	s14 =	sshrl.u32 s11, $0x3;
	s0 =	sadd.s32 s5, s0;
	s5 =	ssub.s32 s21, s22  }
0x10: {  	s24 =	sadd.s32 s8, s20;
	s26 =	sadd.s32 s2, s8;
	s20 =	simm.s32 $0x600  }
0x11: {  	s21 =	simm.s32 $0x440;
	s22 =	simm.s32 $0x2600;
	s2 =	simm.s32 $0x580  }
0x12: {  	s9 =	sadd.s32 $0x40, s24;
	[dreg:$0x4] =	wrdreg s24;
	s7 =	sadd.s32 $0x80, s24  }
.Ltmp0:
0x13: {  	s0 =	sadd.s32 $0xCEE00, s0;
	[dreg:$0x5] =	wrdreg s9;
	(pc) =	sbr.rel .LBB2_1-.Ltmp0, $4  }
0x14: {  	s25 =	smax.u32 s5, $0x1;
	s12 =	sadd.s32 $0x100, s26;
	[dreg:$0x6] =	wrdreg s7  }
0x15: {  	s13 =	sadd.s32 $0xC0, s26;
	s24 =	simm.s32 $0x480;
	[dreg:$0x7] =	wrdreg s0  }
0x16: {  	s26 =	simm.s32 $0x4C0;
	s5 =	simm.s32 $0x5;
	[dreg:$0x8] =	wrdreg s25  }
0x17: {  	s25 =	simm.s32 $0x4600;
	s0 =	simm.s32 $0x4;
	s9 =	simm.s32 $0x0  }
.LBB2_6:
0x18: {  	_ =	swait.ge [sflag:s5], $0x4000  }
0x19: {  	[sflag:s5] =	ssyncset.done $0x0  }
0x1a: {  	s7 =	simm.s32 $0x6;
	[sflag:s5] =	ssyncadd.s32 $0xFFFFC000  }
0x1b: {  	_ =	swait.ge [sflag:s7], $0x4000  }
0x1c: {  	[sflag:s7] =	ssyncset.done $0x0  }
0x1d: {  	[sflag:s7] =	ssyncadd.s32 $0xFFFFC000  }
0x1e: {  	[bflag:$0x0] =	sbarrier.arrive $0xFFFF  }
0x1f: {  	s10 =	rddreg [dreg:$0x7]  }
0x20: {  	[hbm:s10], [sflag:s6] =	dma.local [spmem:s14], $0x2800  }
0x21: {  	_ =	swait.ge [sflag:s15], $0x2800  }
0x22: {  	s9 =	sadd.s32 $0x1, s9;
	s11 =	rddreg [dreg:$0x8]  }
0x23: {  	p0 =	sne.s32 s9, s11  }
.Ltmp1:
0x24: {  	_ = 	snop;
	(pc) =	sbr.rel @!p0 .LBB2_7-.Ltmp1, $3  }
0x25: {  	_ =	sdelay $0x1  }
0x26: {  	[sflag:s15] =	ssyncset.done $0x0  }
0x27: {  	[sflag:s15] =	ssyncadd.s32 $0xFFFFD800  }
.LBB2_1:
0x28: {  	s7 =	rddreg [dreg:$0x3]  }
0x29: {  	[spmem:s14], [sflag:s6] =	dma.local [hbm:s7], $0x2800  }
0x2a: {  	_ =	swait.ge [sflag:s15], $0x2800  }
0x2b: {  	[sflag:s15] =	ssyncset.done $0x0  }
0x2c: {  	[sflag:s15] =	ssyncadd.s32 $0xFFFFD800  }
0x2d: {  	[bflag:$0x0] =	sbarrier.arrive $0xFFFF  }
0x2e: {  	s8 =	rddreg [dreg:$0x4]  }
0x2f: {  	[tilespmem:s3], [sflag:$0x1] =	stream.linear.gather [hbm4b:s8+s3], $0x180, $0x38;
	[tilespmem:$0x1C600] =	vst v63  }
0x30: {  	s10 =	rddreg [dreg:$0x5]  }
0x31: {  	[tilespmem:s16], [sflag:$0x2] =	stream.linear.gather [hbm4b:s10+s3], $0x180, $0x38;
	[tilespmem:$0x1C600] =	vst v63  }
0x32: {  	_ =	swait.ge [sflag:s17], $0x180  }
0x33: {  	[sflag:s17] =	ssyncset.done $0x0  }
0x34: {  	[sflag:s17] =	ssyncadd.s32 $0xFFFFFE80  }
0x35: {  	v0 =	vld [tilespmem:$0x0]  }
0x36: {  	v1 =	vld [tilespmem:$0x80]  }
0x37: {  	v2 =	vld [tilespmem:$0x100]  }
0x38: {  	v3 =	vld [tilespmem:$0x10]  }
0x39: {  	v4 =	vld [tilespmem:$0x90]  }
0x3a: {  	v5 =	vld [tilespmem:$0x110]  }
0x3b: {  	v6 =	vld [tilespmem:$0x20]  }
0x3c: {  	v7 =	vld [tilespmem:$0xA0]  }
0x3d: {  	v8 =	vld [tilespmem:$0x120]  }
0x3e: {  	v9 =	vld [tilespmem:$0x30]  }
0x3f: {  	v10 =	vld [tilespmem:$0xB0]  }
0x40: {  	v11 =	vld [tilespmem:$0x130]  }
0x41: {  	v12 =	vld [tilespmem:$0x40]  }
0x42: {  	v48 =	vld [tilespmem:$0x140]  }
0x43: {  	v53 =	vld [tilespmem:$0x150];
	[tilespmem:$0x500] =	vst v2  }
0x44: {  	v57 =	vld [tilespmem:$0x160];
	[tilespmem:$0x510] =	vst v5  }
0x45: {  	v61 =	vld [tilespmem:$0x170];
	[tilespmem:$0x520] =	vst v8  }
0x46: {  	v47 =	vld [tilespmem:$0xC0];
	[tilespmem:$0x530] =	vst v11  }
0x47: {  	v51 =	vld [tilespmem:$0xD0];
	[tilespmem:$0x540] =	vst v48  }
0x48: {  	v56 =	vld [tilespmem:$0xF0];
	v1 =	vmul.u32 $0x2800, v1;
	[tilespmem:$0x550] =	vst v53  }
0x49: {  	v54 =	vld [tilespmem:$0xE0];
	v46 =	vmul.u32 $0x2800, v4;
	[tilespmem:$0x560] =	vst v57  }
0x4a: {  	v58 =	vld [tilespmem:$0x70];
	v49 =	vmul.u32 $0x2800, v7;
	[tilespmem:$0x570] =	vst v61;
	v0 =	vadd.s32 v0, v1  }
0x4b: {  	v50 =	vld [tilespmem:$0x50];
	v52 =	vmul.u32 $0x2800, v10;
	v1 =	vadd.s32 v3, v46;
	[tilespmem:$0x400] =	vst v0  }
0x4c: {  	v55 =	vld [tilespmem:$0x60];
	v4 =	vmul.u32 $0x2800, v47;
	v2 =	vadd.s32 v6, v49;
	[tilespmem:$0x410] =	vst v1  }
0x4d: {  	v62 =	vmul.u32 $0x2800, v56;
	v5 =	vadd.s32 v9, v52;
	[tilespmem:$0x420] =	vst v2  }
0x4e: {  	v4 =	vadd.s32 v12, v4;
	[tilespmem:$0x430] =	vst v5;
	v1 =	vmul.u32 $0x2800, v51  }
0x4f: {  	v60 =	vmul.u32 $0x2800, v54;
	v63 =	vadd.s32 v58, v62;
	[tilespmem:$0x440] =	vst v4  }
0x50: {  	[tilespmem:$0x470] =	vst v63;
	v59 =	vadd.s32 v50, v1  }
0x51: {  	v1 =	vadd.s32 v55, v60;
	[tilespmem:$0x450] =	vst v59  }
0x52: {  	s11 =	rddreg [dreg:$0x6];
	[tilespmem:$0x460] =	vst v1  }
0x53: {  	[tilespmem:s3], [sflag:$0x1] =	stream.linear.gather [hbm4b:s11+s3], $0x180, $0x38;
	[tilespmem:$0x1C600] =	vst v63  }
.Ltmp2:
0x54: {  	_ = 	snop;
	(pc) =	sbr.rel .LBB2_2-.Ltmp2, $4  }
0x55: {  	_ = 	snop  }
0x56: {  	[tilespmem:s20], [sflag:$0x3] =	stream.indirect.gather [hbm4b:s4+s18], $0x80, s19, s18, $0xb8;
	[tilespmem:$0x1C600] =	vst v63  }
0x57: {  	s10 =	simm.s32 $0x0;
	s11 =	simm.s32 $0x0  }
0x58: {  	[tilespmem:s22], [sflag:$0x3] =	stream.indirect.gather [hbm4b:s4+s18], $0x80, s21, s18, $0xb8;
	[tilespmem:$0x1C600] =	vst v63  }
.LBB2_4:
0x59: {  	[tilespmem:s25], [sflag:$0x4] =	stream.indirect.gather [hbm4b:s4+s18], $0x80, s24, s18, $0xb8;
	[tilespmem:$0x1C600] =	vst v63  }
0x5a: {  	_ = 	snop  }
0x5b: {  	[tilespmem:s28], [sflag:$0x4] =	stream.indirect.gather [hbm4b:s4+s18], $0x80, s26, s18, $0xb8;
	[tilespmem:$0x1C600] =	vst v63  }
0x5c: {  	_ =	swait.ge [sflag:s29], $0x2000  }
0x5d: {  	[sflag:s29] =	ssyncset.done $0x0  }
0x5e: {  	[sflag:s29] =	ssyncadd.s32 $0xFFFFE000  }
0x5f: {  	_ =	swait.ge [sflag:s29], $0x2000  }
0x60: {  	[sflag:s29] =	ssyncset.done $0x0  }
0x61: {  	[sflag:s29] =	ssyncadd.s32 $0xFFFFE000  }
0x62: {  	[spmem:s1] =	stream.indirect.scatter.add.f32 [tilespmem:s20], [sflag:$0x5], $0x80, s31, s30, $0xb8;
	[tilespmem:$0x1C600] =	vst v63  }
.LBB2_5:
0x63: {  	_ =	swait.ge [sflag:s0], $0x2000;
	s10 =	sadd.s32 $0x80, s10  }
0x64: {  	[sflag:s0] =	ssyncset.done $0x0;
	p0 =	sne.s32 s10, $0x1400  }
.Ltmp3:
0x65: {  	[sflag:s0] =	ssyncadd.s32 $0xFFFFE000;
	(pc) =	sbr.rel @!p0 .LBB2_6-.Ltmp3, $4  }
0x66: {  	_ =	swait.ge [sflag:s0], $0x2000  }
0x67: {  	[sflag:s0] =	ssyncset.done $0x0  }
0x68: {  	s11 =	sadd.s32 $0x1, s11;
	[sflag:s0] =	ssyncadd.s32 $0xFFFFE000  }
0x69: {  	[spmem:s1] =	stream.indirect.scatter.add.f32 [tilespmem:s25], [sflag:$0x6], $0x80, s2, s30, $0xb8;
	[tilespmem:$0x1C600] =	vst v63  }
.LBB2_2:
0x6a: {  	_ =	swait.ge [sflag:s23], $0x180  }
0x6b: {  	p0 =	seq.s32 s10, $0x0;
	[sflag:s23] =	ssyncset.done $0x0  }
0x6c: {  	s7 =	simm.s32 @!p0 $0x6;
	[sflag:s23] =	ssyncadd.s32 $0xFFFFFE80  }
0x6d: {  	_ =	swait.ge @!p0 [sflag:s7], $0x4000  }
0x6e: {  	[sflag:s7] =	ssyncset.done @!p0 $0x0  }
0x6f: {  	[sflag:s7] =	ssyncadd.s32 @!p0 $0xFFFFC000  }
0x70: {  	v0 =	vld [tilespmem:$0x200]  }
0x71: {  	v1 =	vld [tilespmem:$0x280]  }
0x72: {  	v2 =	vld [tilespmem:$0x300]  }
0x73: {  	v3 =	vld [tilespmem:$0x210]  }
0x74: {  	v4 =	vld [tilespmem:$0x290]  }
0x75: {  	v5 =	vld [tilespmem:$0x310]  }
0x76: {  	v6 =	vld [tilespmem:$0x220]  }
0x77: {  	v7 =	vld [tilespmem:$0x2A0]  }
0x78: {  	v8 =	vld [tilespmem:$0x320]  }
0x79: {  	v9 =	vld [tilespmem:$0x230]  }
0x7a: {  	v10 =	vld [tilespmem:$0x2B0]  }
0x7b: {  	v11 =	vld [tilespmem:$0x330]  }
0x7c: {  	v12 =	vld [tilespmem:$0x240]  }
0x7d: {  	v48 =	vld [tilespmem:$0x340]  }
0x7e: {  	v53 =	vld [tilespmem:$0x350];
	[tilespmem:$0x580] =	vst v2  }
0x7f: {  	v57 =	vld [tilespmem:$0x360];
	[tilespmem:$0x590] =	vst v5  }
0x80: {  	v61 =	vld [tilespmem:$0x370];
	[tilespmem:$0x5A0] =	vst v8  }
0x81: {  	v47 =	vld [tilespmem:$0x2C0];
	[tilespmem:$0x5B0] =	vst v11  }
0x82: {  	v51 =	vld [tilespmem:$0x2D0];
	[tilespmem:$0x5C0] =	vst v48  }
0x83: {  	v56 =	vld [tilespmem:$0x2F0];
	v1 =	vmul.u32 $0x2800, v1;
	[tilespmem:$0x5D0] =	vst v53  }
0x84: {  	v54 =	vld [tilespmem:$0x2E0];
	v46 =	vmul.u32 $0x2800, v4;
	[tilespmem:$0x5E0] =	vst v57  }
0x85: {  	v58 =	vld [tilespmem:$0x270];
	v49 =	vmul.u32 $0x2800, v7;
	[tilespmem:$0x5F0] =	vst v61;
	v0 =	vadd.s32 v0, v1  }
0x86: {  	v50 =	vld [tilespmem:$0x250];
	v52 =	vmul.u32 $0x2800, v10;
	v1 =	vadd.s32 v3, v46;
	[tilespmem:$0x480] =	vst v0  }
0x87: {  	v55 =	vld [tilespmem:$0x260];
	v4 =	vmul.u32 $0x2800, v47;
	v2 =	vadd.s32 v6, v49;
	[tilespmem:$0x490] =	vst v1  }
0x88: {  	p0 =	seq.s32 s10, $0x1380;
	v62 =	vmul.u32 $0x2800, v56;
	v5 =	vadd.s32 v9, v52;
	[tilespmem:$0x4A0] =	vst v2  }
.Ltmp4:
0x89: {  	v4 =	vadd.s32 v12, v4;
	[tilespmem:$0x4B0] =	vst v5;
	v1 =	vmul.u32 $0x2800, v51;
	(pc) =	sbr.rel @p0 .LBB2_4-.Ltmp4, $4  }
0x8a: {  	v60 =	vmul.u32 $0x2800, v54;
	v63 =	vadd.s32 v58, v62;
	[tilespmem:$0x4C0] =	vst v4  }
0x8b: {  	[tilespmem:$0x4F0] =	vst v63;
	v59 =	vadd.s32 v50, v1  }
0x8c: {  	v1 =	vadd.s32 v55, v60;
	[tilespmem:$0x4D0] =	vst v59  }
0x8d: {  	[tilespmem:$0x4E0] =	vst v1  }
0x8e: {  	s7 =	sadd.s32 s10, s13  }
0x8f: {  	[tilespmem:s16], [sflag:$0x2] =	stream.linear.gather [hbm4b:s7+s3], $0x180, $0x38;
	[tilespmem:$0x1C600] =	vst v63  }
0x90: {  	_ = 	snop  }
0x91: {  	[tilespmem:s25], [sflag:$0x4] =	stream.indirect.gather [hbm4b:s4+s18], $0x80, s24, s18, $0xb8;
	[tilespmem:$0x1C600] =	vst v63  }
0x92: {  	_ = 	snop  }
0x93: {  	[tilespmem:s28], [sflag:$0x4] =	stream.indirect.gather [hbm4b:s4+s18], $0x80, s26, s18, $0xb8;
	[tilespmem:$0x1C600] =	vst v63  }
0x94: {  	_ =	swait.ge [sflag:s29], $0x2000  }
0x95: {  	[sflag:s29] =	ssyncset.done $0x0  }
0x96: {  	[sflag:s29] =	ssyncadd.s32 $0xFFFFE000  }
0x97: {  	_ =	swait.ge [sflag:s29], $0x2000  }
0x98: {  	[sflag:s29] =	ssyncset.done $0x0  }
0x99: {  	[sflag:s29] =	ssyncadd.s32 $0xFFFFE000  }
0x9a: {  	[spmem:s1] =	stream.indirect.scatter.add.f32 [tilespmem:s20], [sflag:$0x5], $0x80, s31, s30, $0xb8;
	[tilespmem:$0x1C600] =	vst v63  }
0x9b: {  	_ =	swait.ge [sflag:s17], $0x180  }
0x9c: {  	[sflag:s17] =	ssyncset.done $0x0  }
0x9d: {  	[sflag:s17] =	ssyncadd.s32 $0xFFFFFE80  }
0x9e: {  	_ =	swait.ge [sflag:s5], $0x4000  }
0x9f: {  	[sflag:s5] =	ssyncset.done $0x0  }
0xa0: {  	[sflag:s5] =	ssyncadd.s32 $0xFFFFC000  }
0xa1: {  	v0 =	vld [tilespmem:$0x0]  }
0xa2: {  	v1 =	vld [tilespmem:$0x80]  }
0xa3: {  	v2 =	vld [tilespmem:$0x100]  }
0xa4: {  	v3 =	vld [tilespmem:$0x10]  }
0xa5: {  	v4 =	vld [tilespmem:$0x90]  }
0xa6: {  	v5 =	vld [tilespmem:$0x110]  }
0xa7: {  	v6 =	vld [tilespmem:$0x20]  }
0xa8: {  	v7 =	vld [tilespmem:$0xA0]  }
0xa9: {  	v8 =	vld [tilespmem:$0x120]  }
0xaa: {  	v9 =	vld [tilespmem:$0x30]  }
0xab: {  	v10 =	vld [tilespmem:$0xB0]  }
0xac: {  	v11 =	vld [tilespmem:$0x130]  }
0xad: {  	v12 =	vld [tilespmem:$0x40]  }
0xae: {  	v48 =	vld [tilespmem:$0x140]  }
0xaf: {  	v53 =	vld [tilespmem:$0x150];
	[tilespmem:$0x500] =	vst v2  }
0xb0: {  	v57 =	vld [tilespmem:$0x160];
	[tilespmem:$0x510] =	vst v5  }
0xb1: {  	v61 =	vld [tilespmem:$0x170];
	[tilespmem:$0x520] =	vst v8  }
0xb2: {  	v47 =	vld [tilespmem:$0xC0];
	[tilespmem:$0x530] =	vst v11  }
0xb3: {  	v51 =	vld [tilespmem:$0xD0];
	[tilespmem:$0x540] =	vst v48  }
0xb4: {  	v56 =	vld [tilespmem:$0xF0];
	v1 =	vmul.u32 $0x2800, v1;
	[tilespmem:$0x550] =	vst v53  }
0xb5: {  	v54 =	vld [tilespmem:$0xE0];
	v46 =	vmul.u32 $0x2800, v4;
	[tilespmem:$0x560] =	vst v57  }
0xb6: {  	v58 =	vld [tilespmem:$0x70];
	v49 =	vmul.u32 $0x2800, v7;
	[tilespmem:$0x570] =	vst v61;
	v0 =	vadd.s32 v0, v1  }
0xb7: {  	v50 =	vld [tilespmem:$0x50];
	v52 =	vmul.u32 $0x2800, v10;
	v1 =	vadd.s32 v3, v46;
	[tilespmem:$0x400] =	vst v0  }
0xb8: {  	v55 =	vld [tilespmem:$0x60];
	v4 =	vmul.u32 $0x2800, v47;
	v2 =	vadd.s32 v6, v49;
	[tilespmem:$0x410] =	vst v1  }
0xb9: {  	v62 =	vmul.u32 $0x2800, v56;
	v5 =	vadd.s32 v9, v52;
	[tilespmem:$0x420] =	vst v2  }
0xba: {  	v4 =	vadd.s32 v12, v4;
	[tilespmem:$0x430] =	vst v5;
	v1 =	vmul.u32 $0x2800, v51  }
0xbb: {  	v60 =	vmul.u32 $0x2800, v54;
	v63 =	vadd.s32 v58, v62;
	[tilespmem:$0x440] =	vst v4  }
0xbc: {  	[tilespmem:$0x470] =	vst v63;
	v59 =	vadd.s32 v50, v1  }
0xbd: {  	p0 =	sgt.u32 s11, $0x25;
	v1 =	vadd.s32 v55, v60;
	[tilespmem:$0x450] =	vst v59  }
0xbe: {  	s7 =	sadd.s32 @!p0 s10, s12;
	s8 =	simm.s32 @!p0 $0x0;
	[tilespmem:$0x460] =	vst v1  }
0xbf: {  	[tilespmem:s8], [sflag:$0x1] =	stream.linear.gather @!p0 [hbm4b:s7+s8], $0x180, $0x38;
	[tilespmem:$0x1C600] =	vst v63  }
.Ltmp5:
0xc0: {  	_ = 	snop;
	(pc) =	sbr.rel .LBB2_5-.Ltmp5, $4  }
0xc1: {  	_ = 	snop  }
0xc2: {  	[tilespmem:s20], [sflag:$0x3] =	stream.indirect.gather [hbm4b:s4+s18], $0x80, s19, s18, $0xb8;
	[tilespmem:$0x1C600] =	vst v63  }
0xc3: {  	_ = 	snop  }
0xc4: {  	[tilespmem:s22], [sflag:$0x3] =	stream.indirect.gather [hbm4b:s4+s18], $0x80, s21, s18, $0xb8;
	[tilespmem:$0x1C600] =	vst v63  }
.LBB2_7:
0xc5: {  	_ =	sfence.sel $0x180000  }
0xc6: {  	[bflag:$0x0] =	sbarrier.arrive $0xFFFF  }
0xc7: {  	_ =	strace $0x9000004A  }
0xc8: {  	s0 =	stileid.u32;
	[bflag:$0x2] =	sbarrier.arrive $0xFFFF  }
0xc9: {  	p0 =	sne.s32 s0, $0x0;
	s0 =	rddreg [dreg:$0x2]  }
0xca: {  	s0 =	sadd.s32 @!p0 $0x100000, s0  }
0xcb: {  	[sflag:s0] =	ssyncadd.tile.s32 @!p0 $0x1;
	_ =	shalt  }
.Lfunc_end2:
_tile_overlayer_lowered:
.L_overlay_start_2:
0xcc: {  	(tag) =	ssettag $0x2  }
0xcd: {  	s0 =	rddreg [dreg:$0x0];
	s2 =	stileid.u32  }
0xce: {  	s1 =	rddreg [dreg:$0x1];
	p0 =	sne.s32 s2, $0x0  }
0xcf: {  	s3 =	rddreg [dreg:$0x2];
	[bflag:$0x3] =	sbarrier.arrive $0xFFFF;
	s2 =	simm.s32 @!p0 $0x1C07  }
0xd0: {  	[timem:s3], [sflag:s2] =	dma.local @!p0 [hbm:s0], s1  }
0xd1: {  	s0 =	simm.s32 @!p0 $0x7  }
0xd2: {  	_ =	swait.ge @!p0 [sflag:s0], s1  }
0xd3: {  	s1 =	ssub.s32 @!p0 $0x0, s1;
	[sflag:s0] =	ssyncset.done @!p0 $0x0  }
0xd4: {  	[sflag:s0] =	ssyncadd.s32 @!p0 s1  }
0xd5: {  	[bflag:$0x3] =	sbarrier.arrive $0xFFFF  }
0xd6: {  	_ =	shalt  }

// kernel: kernel.15.cloned.1.call-start
scs
__scs_entry_jumppad:
0x0: {  	(pc) =	sbr.rel $0x88, $3  }
0x1: {  	(tag) =	ssettag $0x0;
	lr =	simm.s32 $0x1  }
0x2: {  	[smem:$0x3F82] =	sst lr;
	_ =	strace $0xD0000000  }
0x3: {  	_ = 	snop  }
0x4: {  	_ = 	snop  }
0x5: {  	_ = 	snop  }
0x6: {  	_ = 	snop  }
0x7: {  	_ = 	snop  }
__scs_overlays_trampoline_lowered:
0x8: {  	[smem:$0x3F91] =	sst s0  }
0x9: {  	[smem:$0x3F92] =	sst s1  }
0xa: {  	[smem:$0x3F93] =	sst s2  }
0xb: {  	[smem:$0x3F94] =	sst s3  }
0xc: {  	[smem:$0x3F95] =	sst s4  }
0xd: {  	[smem:$0x3F96] =	sst s5  }
0xe: {  	[smem:$0x3F97] =	sst s6  }
0xf: {  	[smem:$0x3F98] =	sst s7  }
0x10: {  	[smem:$0x3F99] =	sst s8  }
0x11: {  	[smem:$0x3F9A] =	sst s9;
	s0 =	simm.s32 @!p0 $0x0  }
0x12: {  	s1 =	sld [smem:$0x3F80];
	s0 =	simm.s32 @p0 $0x1  }
0x13: {  	[smem:$0x3F9B] =	sst s0;
	s0 =	simm.s32 @!p1 $0x0  }
0x14: {  	s2 =	sld [smem:$0x3F7F];
	s0 =	simm.s32 @p1 $0x1  }
0x15: {  	[smem:$0x3F9C] =	sst s0;
	s0 =	simm.s32 @!p2 $0x0  }
0x16: {  	s3 =	sld [smem:$0x3FDB];
	s0 =	simm.s32 @p2 $0x1  }
0x17: {  	s4 =	simm.s32 $0x1BF5;
	[smem:$0x3F9E] =	sst s0  }
0x18: {  	s0 =	sld [smem:$0x3F81];
	_ =	swait.ge [sflag:s4], $0x0  }
0x19: {  	s7 =	sld [smem:$0x3F82]  }
0x1a: {  	s8 =	sadd.s32 $0xFFFFE003, lr  }
0x1b: {  	s9 =	sadd.s32 $0xFFFFFEF7, lr;
	s5 =	simm.s32 $0xFFFFFFFF;
	p2 =	slt.u32 s8, $0xFFFFF086  }
0x1c: {  	p1 =	slt.u32 s9, $0xF7A;
	s5 =	simm.s32 @!p2 $0x0  }
0x1d: {  	s5 =	simm.s32 @p1 $0x1;
	p0 =	seq.s32 s7, s2  }
0x1e: {  	s7 =	smul.u32 @!p0 $0xF7A, s2;
	p2 =	seq.s32 @!p0 s5, $0x0  }
0x1f: {  	s9 =	smul.u32 $0xF7A, s1;
	s8 =	simm.s32 @!p0 $0x1BF5;
	p2 =	por !p2, p0  }
0x20: {  	[sflag:s8] =	ssyncset.s32 @!p0 $0xFFFFF086;
	s6 =	sadd.s32 @!p0 s3, s7;
	s7 =	simm.s32 @!p0 $0x108  }
0x21: {  	s3 =	sadd.s32 s3, s9;
	s6 =	sadd.s32 @!p0 $0x88, s6;
	s7 =	simm.s32 @p2 $0x1082  }
0x22: {  	[simem:s7], [sflag:s8] =	dma.local @!p0 [hbm:s6], $0xF7A  }
0x23: {  	s9 =	sor.u32 $0xD0000000, s2;
	s6 =	simm.s32 $0x108;
	_ =	swait.ge @!p0 [sflag:s8], $0x0  }
0x24: {  	s3 =	sadd.s32 $0x88, s3;
	s6 =	simm.s32 @!p1 $0x1082;
	[sflag:s4] =	ssyncset.s32 $0xFFFFF086  }
0x25: {  	[simem:s6], [sflag:s4] =	dma.local [hbm:s3], $0xF7A  }
0x26: {  	[smem:$0x3F82] =	sst s1;
	(tag) =	ssettag s2;
	_ =	strace s9  }
0x27: {  	s1 =	sld [smem:$0x3F92]  }
0x28: {  	s2 =	sld [smem:$0x3F93]  }
0x29: {  	s4 =	sld [smem:$0x3F95]  }
0x2a: {  	p0 =	seq.s32 s5, $0x0;
	s5 =	sld [smem:$0x3F96]  }
0x2b: {  	s6 =	sld [smem:$0x3F97]  }
0x2c: {  	s7 =	sld [smem:$0x3F98]  }
0x2d: {  	s3 =	simm.s32 $0x108;
	s8 =	sld [smem:$0x3F99]  }
0x2e: {  	s3 =	simm.s32 @!p0 $0x1082;
	s9 =	sld [smem:$0x3F9A]  }
0x2f: {  	lr =	sadd.s32 s0, s3;
	s0 =	sld [smem:$0x3F91]  }
0x30: {  	s3 =	sld [smem:$0x3F94]  }
0x31: {  	[smem:$0x3F9D] =	sst s10  }
0x32: {  	s10 =	sld [smem:$0x3F9B];
	_ =	sdelay $0x3  }
0x33: {  	p0 =	seq.s32 s10, $0x1;
	s10 =	sld [smem:$0x3F9D];
	_ =	sdelay $0x3  }
0x34: {  	[smem:$0x3F9D] =	sst s10  }
0x35: {  	s10 =	sld [smem:$0x3F9C];
	_ =	sdelay $0x3  }
0x36: {  	p1 =	seq.s32 s10, $0x1;
	s10 =	sld [smem:$0x3F9D];
	_ =	sdelay $0x3  }
0x37: {  	[smem:$0x3F9D] =	sst s10  }
0x38: {  	s10 =	sld [smem:$0x3F9E]  }
0x39: {  	_ = 	snop;
	(pc) =	sbr.ind lr, $3  }
0x3a: {  	_ = 	snop  }
0x3b: {  	_ = 	snop  }
0x3c: {  	p2 =	seq.s32 s10, $0x1;
	s10 =	sld [smem:$0x3F9D]  }
0x3d: {  	_ =	shalt  }
0x3e: {  	_ =	shalt  }
0x3f: {  	_ =	shalt  }
0x40: {  	_ =	shalt  }
0x41: {  	_ =	shalt  }
0x42: {  	_ =	shalt  }
0x43: {  	_ =	shalt  }
0x44: {  	_ =	shalt  }
0x45: {  	_ =	shalt  }
0x46: {  	_ =	shalt  }
0x47: {  	_ =	shalt  }
0x48: {  	_ =	shalt  }
0x49: {  	_ =	shalt  }
0x4a: {  	_ =	shalt  }
0x4b: {  	_ =	shalt  }
0x4c: {  	_ =	shalt  }
0x4d: {  	_ =	shalt  }
0x4e: {  	_ =	shalt  }
0x4f: {  	_ =	shalt  }
0x50: {  	_ =	shalt  }
0x51: {  	_ =	shalt  }
0x52: {  	_ =	shalt  }
0x53: {  	_ =	shalt  }
0x54: {  	_ =	shalt  }
0x55: {  	_ =	shalt  }
0x56: {  	_ =	shalt  }
0x57: {  	_ =	shalt  }
0x58: {  	_ =	shalt  }
0x59: {  	_ =	shalt  }
0x5a: {  	_ =	shalt  }
0x5b: {  	_ =	shalt  }
0x5c: {  	_ =	shalt  }
0x5d: {  	_ =	shalt  }
0x5e: {  	_ =	shalt  }
0x5f: {  	_ =	shalt  }
0x60: {  	_ =	shalt  }
0x61: {  	_ =	shalt  }
0x62: {  	_ =	shalt  }
0x63: {  	_ =	shalt  }
0x64: {  	_ =	shalt  }
0x65: {  	_ =	shalt  }
0x66: {  	_ =	shalt  }
0x67: {  	_ =	shalt  }
0x68: {  	_ =	shalt  }
0x69: {  	_ =	shalt  }
0x6a: {  	_ =	shalt  }
0x6b: {  	_ =	shalt  }
0x6c: {  	_ =	shalt  }
0x6d: {  	_ =	shalt  }
0x6e: {  	_ =	shalt  }
0x6f: {  	_ =	shalt  }
0x70: {  	_ =	shalt  }
0x71: {  	_ =	shalt  }
0x72: {  	_ =	shalt  }
0x73: {  	_ =	shalt  }
0x74: {  	_ =	shalt  }
0x75: {  	_ =	shalt  }
0x76: {  	_ =	shalt  }
0x77: {  	_ =	shalt  }
0x78: {  	_ =	shalt  }
0x79: {  	_ =	shalt  }
0x7a: {  	_ =	shalt  }
0x7b: {  	_ =	shalt  }
0x7c: {  	_ =	shalt  }
0x7d: {  	_ =	shalt  }
0x7e: {  	_ =	shalt  }
0x7f: {  	_ =	shalt  }
0x80: {  	_ =	shalt  }
0x81: {  	_ =	shalt  }
0x82: {  	_ =	shalt  }
0x83: {  	_ =	shalt  }
0x84: {  	_ =	shalt  }
0x85: {  	_ =	shalt  }
0x86: {  	_ =	shalt  }
0x87: {  	_ =	shalt  }
.Lfunc_end0:
.L_simem_size_0:
called_computation.2_lowered:
.L_overlay_start_0:
0x88: {  	s2 =	sld [smem:$0x3FD9]  }
0x89: {  	s3 =	sld [smem:$0x3FFE];
	_ =	sdelay $0x1  }
0x8a: {  	s1 =	srdreg.scid  }
0x8b: {  	s0 =	sand.u32 $0x1, s1  }
0x8c: {  	s16 =	sshll.u32 s0, $0xA;
	s2 =	sadd.s32 s3, s2  }
0x8d: {  	s2 =	sadd.s32 s2, s16  }
0x8e: {  	[smem:$0x3FA9] =	sst s2  }
0x8f: {  	_ = 	snop  }
0x90: {  	(tm) =	ssettm $0x1  }
0x91: {  	s17 =	sld [smem:$0x3FFB];
	_ =	sdelay $0x3  }
0x92: {  	_ =	strace s17  }
0x93: {  	s2 =	sld [smem:$0x3FFC];
	_ =	sdelay $0x3  }
0x94: {  	_ =	strace s2  }
0x95: {  	s2 =	sld [smem:$0x3FFD];
	_ =	sdelay $0x3  }
0x96: {  	_ =	strace s2  }
0x97: {  	_ =	strace $0x8FFFFFFF  }
0x98: {  	s18 =	sld [smem:$0x3FDB];
	_ =	sdelay $0x1  }
0x99: {  	s19 =	simm.s32 $_scs_section_size  }
0x9a: {  	s4 =	simm.s32 $_size__tile_overlayer_lowered;
	s5 =	simm.s32 $_tile_overlayer_lowered  }
0x9b: {  	s22 =	simm.s32 $0x1BFF;
	s21 =	sshll.u32 s5, $0x1;
	s2 =	sadd.s32 s19, s18  }
0x9c: {  	s6 =	simm.s32 $0x0;
	s20 =	sshll.u32 s4, $0x1;
	s4 =	sadd.s32 s21, s2  }
0x9d: {  	[timem:s6], [sflag:s22] =	dma.local [hbm:s4], s20  }
0x9e: {  	_ =	swait.ge [sflag:s22], s20  }
0x9f: {  	s3 =	ssub.s32 $0x0, s20;
	[sflag:s22] =	ssyncset.done $0x0  }
0xa0: {  	[sflag:s22] =	ssyncadd.s32 s3;
	_ =	sdelay $0x1  }
0xa1: {  	s23 =	simm.s32 $0x1B8B  }
0xa2: {  	_ =	swait.ge [sflag:s23], $0x1  }
0xa3: {  	[sflag:s23] =	ssyncset.done $0x0  }
0xa4: {  	s25 =	simm.s32 $0x1B8E;
	s24 =	sld [smem:$0x3FFE];
	[sflag:s23] =	ssyncadd.s32 $0xFFFFFFFF  }
0xa5: {  	s26 =	simm.s32 $execute0_lowered;
	[smem:$0x3FD2] =	sst s25  }
0xa6: {  	s4 =	sshll.u32 s26, $0x1;
	_ =	strace $0x8000004C;
	[dreg:$0x1] =	wrdreg $0xFFFFFFFF  }
0xa7: {  	s28 =	simm.s32 $_size_execute0_lowered;
	s2 =	sadd.s32 s2, s4;
	[dreg:$0x0] =	wrdreg $0x0  }
0xa8: {  	s4 =	sshll.u32 s28, $0x1;
	[dreg:$0x2] =	wrdreg s2  }
0xa9: {  	[dreg:$0x3] =	wrdreg s4  }
0xaa: {  	[dreg:$0x4] =	wrdreg $0xC0  }
0xab: {  	_ =	task [dreg:s6], $0x5FFFF  }
0xac: {  	[dreg:$0x1] =	wrdreg $0xFFFFFFFF  }
0xad: {  	[dreg:$0x0] =	wrdreg $0x60  }
0xae: {  	[dreg:$0x2] =	wrdreg s24  }
0xaf: {  	[dreg:$0x3] =	wrdreg $0x86000  }
0xb0: {  	[dreg:$0x4] =	wrdreg $0x9  }
0xb1: {  	_ =	task.clear_ibuf [dreg:s6], $0x5FFFF;
	_ =	strace $0x9000004C  }
0xb2: {  	s29 =	simm.s32 $0x9;
	_ =	strace $0x8000004E  }
0xb3: {  	_ =	swait.ge [sflag:s29], $0x1  }
0xb4: {  	[sflag:s29] =	ssyncadd.s32 $0xFFFFFFFF  }
0xb5: {  	_ =	strace $0x9000004E  }
0xb6: {  	_ =	sfence  }
0xb7: {  	s30 =	sld [smem:$0x0];
	_ =	sdelay $0x2  }
0xb8: {  	s31 =	sshll.u32 s1, $0xD;
	s1 =	sshrl.u32 s1, $0x2  }
0xb9: {  	s3 =	sand.u32 $0x4000, s31;
	s1 =	sadd.s32 s1, s30  }
0xba: {  	s0 =	sor.u32 s3, s0;
	s1 =	sshll.u32 s1, $0x11  }
0xbb: {  	s0 =	sor.u32 s1, s0  }
0xbc: {  	s0 =	sadd.s32 $0x8F2B, s0  }
0xbd: {  	[sflag:s0] =	ssyncadd.remote.s32 $0x1  }
0xbe: {  	_ =	sfence.sel $0xFFFF  }
0xbf: {  	[dreg:$0x0] =	wrdreg $0xFFFFFFFF;
	(pc) =	sbr.abs _section_cstart, $3  }
0xc0: {  	[dreg:$0x1] =	wrdreg $0xFFFFFFFF  }
0xc1: {  	_ =	task.clear_ibuf [dreg:s6], $0x2FFFF;
	_ =	strace $0x9FFFFFFF  }
0xc2: {  	(tm) =	ssettm $0x7FFFFFFF  }
0xc3: {  	_ =	shalt  }
tec
execute0_lowered:
.L_overlay_start_1:
0x0: {  	(tag) =	ssettag $0x1  }
0x1: {  	s0 =	rddreg [dreg:$0x0]  }
0x2: {  	s1 =	rddreg [dreg:$0x1];
	s3 =	simm.s32 $0x0;
	s2 =	srdreg.scid  }
0x3: {  	s12 =	stileid.u32;
	s15 =	simm.s32 $0x7;
	s16 =	simm.s32 $0x200  }
0x4: {  	s17 =	simm.s32 $0x1;
	s28 =	simm.s32 $0x6600;
	s29 =	simm.s32 $0x3  }
0x5: {  	s30 =	simm.s32 $0x80;
	s31 =	simm.s32 $0x500;
	s6 =	smul.u32 $0x14000, s12  }
0x6: {  	[smem:$0x7FF] =	sst s3;
	s2 =	sand.u32 $0x1, s2;
	s19 =	smul.u32 $0x50000, s12  }
0x7: {  	s4 =	sadd.s32 $0x2C600, s0;
	s8 =	sadd.s32 $0x4600, s0;
	s10 =	smul.u32 $0x50, s12  }
0x8: {  	s9 =	sadd.s32 $0xCC600, s0;
	s23 =	sshll.u32 s12, $0x6;
	s5 =	smul.u32 $0x140000, s2  }
0x9: {  	_ =	strace $0x8000004D;
	s7 =	sshll.u32 s2, $0x4;
	[dreg:$0x3] =	wrdreg s9  }
0xa: {  	s21 =	ssub.s32 $0x2, s2;
	s2 =	smul.u32 $0x500, s2;
	s18 =	sor.u32 s12, s7  }
0xb: {  	s22 =	sshrl.u32 s21, $0x1;
	s7 =	sshrl.u32 s19, $0x2;
	s19 =	simm.s32 $0x400  }
0xc: {  	s5 =	sadd.s32 s6, s5;
	s20 =	smul.u32 $0x1400, s18;
	s11 =	sadd.s32 s7, s1  }
0xd: {  	s6 =	sor.u32 $0x1C07, s23;
	s2 =	sadd.s32 s10, s2;
	s18 =	simm.s32 $0x40  }
0xe: {  	s23 =	simm.s32 $0x2;
	s5 =	sshrl.u32 s5, $0x3;
	s2 =	sshll.u32 s2, $0x6  }
0xf: {  	s14 =	sshrl.u32 s11, $0x3;
	s0 =	sadd.s32 s5, s0;
	s5 =	ssub.s32 s21, s22  }
0x10: {  	s24 =	sadd.s32 s8, s20;
	s26 =	sadd.s32 s2, s8;
	s20 =	simm.s32 $0x600  }
0x11: {  	s21 =	simm.s32 $0x440;
	s22 =	simm.s32 $0x2600;
	s2 =	simm.s32 $0x580  }
0x12: {  	s9 =	sadd.s32 $0x40, s24;
	[dreg:$0x4] =	wrdreg s24;
	s7 =	sadd.s32 $0x80, s24  }
.Ltmp0:
0x13: {  	s0 =	sadd.s32 $0xCEE00, s0;
	[dreg:$0x5] =	wrdreg s9;
	(pc) =	sbr.rel .LBB2_1-.Ltmp0, $4  }
0x14: {  	s25 =	smax.u32 s5, $0x1;
	s12 =	sadd.s32 $0x100, s26;
	[dreg:$0x6] =	wrdreg s7  }
0x15: {  	s13 =	sadd.s32 $0xC0, s26;
	s24 =	simm.s32 $0x480;
	[dreg:$0x7] =	wrdreg s0  }
0x16: {  	s26 =	simm.s32 $0x4C0;
	s5 =	simm.s32 $0x5;
	[dreg:$0x8] =	wrdreg s25  }
0x17: {  	s25 =	simm.s32 $0x4600;
	s0 =	simm.s32 $0x4;
	s9 =	simm.s32 $0x0  }
.LBB2_6:
0x18: {  	_ =	swait.ge [sflag:s5], $0x4000  }
0x19: {  	[sflag:s5] =	ssyncset.done $0x0  }
0x1a: {  	s7 =	simm.s32 $0x6;
	[sflag:s5] =	ssyncadd.s32 $0xFFFFC000  }
0x1b: {  	_ =	swait.ge [sflag:s7], $0x4000  }
0x1c: {  	[sflag:s7] =	ssyncset.done $0x0  }
0x1d: {  	[sflag:s7] =	ssyncadd.s32 $0xFFFFC000  }
0x1e: {  	[bflag:$0x0] =	sbarrier.arrive $0xFFFF  }
0x1f: {  	s10 =	rddreg [dreg:$0x7]  }
0x20: {  	[hbm:s10], [sflag:s6] =	dma.local [spmem:s14], $0x2800  }
0x21: {  	_ =	swait.ge [sflag:s15], $0x2800  }
0x22: {  	s9 =	sadd.s32 $0x1, s9;
	s11 =	rddreg [dreg:$0x8]  }
0x23: {  	p0 =	sne.s32 s9, s11  }
.Ltmp1:
0x24: {  	_ = 	snop;
	(pc) =	sbr.rel @!p0 .LBB2_7-.Ltmp1, $3  }
0x25: {  	_ =	sdelay $0x1  }
0x26: {  	[sflag:s15] =	ssyncset.done $0x0  }
0x27: {  	[sflag:s15] =	ssyncadd.s32 $0xFFFFD800  }
.LBB2_1:
0x28: {  	s7 =	rddreg [dreg:$0x3]  }
0x29: {  	[spmem:s14], [sflag:s6] =	dma.local [hbm:s7], $0x2800  }
0x2a: {  	_ =	swait.ge [sflag:s15], $0x2800  }
0x2b: {  	[sflag:s15] =	ssyncset.done $0x0  }
0x2c: {  	[sflag:s15] =	ssyncadd.s32 $0xFFFFD800  }
0x2d: {  	[bflag:$0x0] =	sbarrier.arrive $0xFFFF  }
0x2e: {  	s8 =	rddreg [dreg:$0x4]  }
0x2f: {  	[tilespmem:s3], [sflag:$0x1] =	stream.linear.gather [hbm4b:s8+s3], $0x180, $0x38;
	[tilespmem:$0x1C600] =	vst v63  }
0x30: {  	s10 =	rddreg [dreg:$0x5]  }
0x31: {  	[tilespmem:s16], [sflag:$0x2] =	stream.linear.gather [hbm4b:s10+s3], $0x180, $0x38;
	[tilespmem:$0x1C600] =	vst v63  }
0x32: {  	_ =	swait.ge [sflag:s17], $0x180  }
0x33: {  	[sflag:s17] =	ssyncset.done $0x0  }
0x34: {  	[sflag:s17] =	ssyncadd.s32 $0xFFFFFE80  }
0x35: {  	v0 =	vld [tilespmem:$0x0]  }
0x36: {  	v1 =	vld [tilespmem:$0x80]  }
0x37: {  	v2 =	vld [tilespmem:$0x100]  }
0x38: {  	v3 =	vld [tilespmem:$0x10]  }
0x39: {  	v4 =	vld [tilespmem:$0x90]  }
0x3a: {  	v5 =	vld [tilespmem:$0x110]  }
0x3b: {  	v6 =	vld [tilespmem:$0x20]  }
0x3c: {  	v7 =	vld [tilespmem:$0xA0]  }
0x3d: {  	v8 =	vld [tilespmem:$0x120]  }
0x3e: {  	v9 =	vld [tilespmem:$0x30]  }
0x3f: {  	v10 =	vld [tilespmem:$0xB0]  }
0x40: {  	v11 =	vld [tilespmem:$0x130]  }
0x41: {  	v12 =	vld [tilespmem:$0x40]  }
0x42: {  	v48 =	vld [tilespmem:$0x140]  }
0x43: {  	v53 =	vld [tilespmem:$0x150];
	[tilespmem:$0x500] =	vst v2  }
0x44: {  	v57 =	vld [tilespmem:$0x160];
	[tilespmem:$0x510] =	vst v5  }
0x45: {  	v61 =	vld [tilespmem:$0x170];
	[tilespmem:$0x520] =	vst v8  }
0x46: {  	v47 =	vld [tilespmem:$0xC0];
	[tilespmem:$0x530] =	vst v11  }
0x47: {  	v51 =	vld [tilespmem:$0xD0];
	[tilespmem:$0x540] =	vst v48  }
0x48: {  	v56 =	vld [tilespmem:$0xF0];
	v1 =	vmul.u32 $0x2800, v1;
	[tilespmem:$0x550] =	vst v53  }
0x49: {  	v54 =	vld [tilespmem:$0xE0];
	v46 =	vmul.u32 $0x2800, v4;
	[tilespmem:$0x560] =	vst v57  }
0x4a: {  	v58 =	vld [tilespmem:$0x70];
	v49 =	vmul.u32 $0x2800, v7;
	[tilespmem:$0x570] =	vst v61;
	v0 =	vadd.s32 v0, v1  }
0x4b: {  	v50 =	vld [tilespmem:$0x50];
	v52 =	vmul.u32 $0x2800, v10;
	v1 =	vadd.s32 v3, v46;
	[tilespmem:$0x400] =	vst v0  }
0x4c: {  	v55 =	vld [tilespmem:$0x60];
	v4 =	vmul.u32 $0x2800, v47;
	v2 =	vadd.s32 v6, v49;
	[tilespmem:$0x410] =	vst v1  }
0x4d: {  	v62 =	vmul.u32 $0x2800, v56;
	v5 =	vadd.s32 v9, v52;
	[tilespmem:$0x420] =	vst v2  }
0x4e: {  	v4 =	vadd.s32 v12, v4;
	[tilespmem:$0x430] =	vst v5;
	v1 =	vmul.u32 $0x2800, v51  }
0x4f: {  	v60 =	vmul.u32 $0x2800, v54;
	v63 =	vadd.s32 v58, v62;
	[tilespmem:$0x440] =	vst v4  }
0x50: {  	[tilespmem:$0x470] =	vst v63;
	v59 =	vadd.s32 v50, v1  }
0x51: {  	v1 =	vadd.s32 v55, v60;
	[tilespmem:$0x450] =	vst v59  }
0x52: {  	s11 =	rddreg [dreg:$0x6];
	[tilespmem:$0x460] =	vst v1  }
0x53: {  	[tilespmem:s3], [sflag:$0x1] =	stream.linear.gather [hbm4b:s11+s3], $0x180, $0x38;
	[tilespmem:$0x1C600] =	vst v63  }
.Ltmp2:
0x54: {  	_ = 	snop;
	(pc) =	sbr.rel .LBB2_2-.Ltmp2, $4  }
0x55: {  	_ = 	snop  }
0x56: {  	[tilespmem:s20], [sflag:$0x3] =	stream.indirect.gather [hbm4b:s4+s18], $0x80, s19, s18, $0xb8;
	[tilespmem:$0x1C600] =	vst v63  }
0x57: {  	s10 =	simm.s32 $0x0;
	s11 =	simm.s32 $0x0  }
0x58: {  	[tilespmem:s22], [sflag:$0x3] =	stream.indirect.gather [hbm4b:s4+s18], $0x80, s21, s18, $0xb8;
	[tilespmem:$0x1C600] =	vst v63  }
.LBB2_4:
0x59: {  	[tilespmem:s25], [sflag:$0x4] =	stream.indirect.gather [hbm4b:s4+s18], $0x80, s24, s18, $0xb8;
	[tilespmem:$0x1C600] =	vst v63  }
0x5a: {  	_ = 	snop  }
0x5b: {  	[tilespmem:s28], [sflag:$0x4] =	stream.indirect.gather [hbm4b:s4+s18], $0x80, s26, s18, $0xb8;
	[tilespmem:$0x1C600] =	vst v63  }
0x5c: {  	_ =	swait.ge [sflag:s29], $0x2000  }
0x5d: {  	[sflag:s29] =	ssyncset.done $0x0  }
0x5e: {  	[sflag:s29] =	ssyncadd.s32 $0xFFFFE000  }
0x5f: {  	_ =	swait.ge [sflag:s29], $0x2000  }
0x60: {  	[sflag:s29] =	ssyncset.done $0x0  }
0x61: {  	[sflag:s29] =	ssyncadd.s32 $0xFFFFE000  }
0x62: {  	[spmem:s1] =	stream.indirect.scatter.add.f32 [tilespmem:s20], [sflag:$0x5], $0x80, s31, s30, $0xb8;
	[tilespmem:$0x1C600] =	vst v63  }
.LBB2_5:
0x63: {  	_ =	swait.ge [sflag:s0], $0x2000;
	s10 =	sadd.s32 $0x80, s10  }
0x64: {  	[sflag:s0] =	ssyncset.done $0x0;
	p0 =	sne.s32 s10, $0x1400  }
.Ltmp3:
0x65: {  	[sflag:s0] =	ssyncadd.s32 $0xFFFFE000;
	(pc) =	sbr.rel @!p0 .LBB2_6-.Ltmp3, $4  }
0x66: {  	_ =	swait.ge [sflag:s0], $0x2000  }
0x67: {  	[sflag:s0] =	ssyncset.done $0x0  }
0x68: {  	s11 =	sadd.s32 $0x1, s11;
	[sflag:s0] =	ssyncadd.s32 $0xFFFFE000  }
0x69: {  	[spmem:s1] =	stream.indirect.scatter.add.f32 [tilespmem:s25], [sflag:$0x6], $0x80, s2, s30, $0xb8;
	[tilespmem:$0x1C600] =	vst v63  }
.LBB2_2:
0x6a: {  	_ =	swait.ge [sflag:s23], $0x180  }
0x6b: {  	p0 =	seq.s32 s10, $0x0;
	[sflag:s23] =	ssyncset.done $0x0  }
0x6c: {  	s7 =	simm.s32 @!p0 $0x6;
	[sflag:s23] =	ssyncadd.s32 $0xFFFFFE80  }
0x6d: {  	_ =	swait.ge @!p0 [sflag:s7], $0x4000  }
0x6e: {  	[sflag:s7] =	ssyncset.done @!p0 $0x0  }
0x6f: {  	[sflag:s7] =	ssyncadd.s32 @!p0 $0xFFFFC000  }
0x70: {  	v0 =	vld [tilespmem:$0x200]  }
0x71: {  	v1 =	vld [tilespmem:$0x280]  }
0x72: {  	v2 =	vld [tilespmem:$0x300]  }
0x73: {  	v3 =	vld [tilespmem:$0x210]  }
0x74: {  	v4 =	vld [tilespmem:$0x290]  }
0x75: {  	v5 =	vld [tilespmem:$0x310]  }
0x76: {  	v6 =	vld [tilespmem:$0x220]  }
0x77: {  	v7 =	vld [tilespmem:$0x2A0]  }
0x78: {  	v8 =	vld [tilespmem:$0x320]  }
0x79: {  	v9 =	vld [tilespmem:$0x230]  }
0x7a: {  	v10 =	vld [tilespmem:$0x2B0]  }
0x7b: {  	v11 =	vld [tilespmem:$0x330]  }
0x7c: {  	v12 =	vld [tilespmem:$0x240]  }
0x7d: {  	v48 =	vld [tilespmem:$0x340]  }
0x7e: {  	v53 =	vld [tilespmem:$0x350];
	[tilespmem:$0x580] =	vst v2  }
0x7f: {  	v57 =	vld [tilespmem:$0x360];
	[tilespmem:$0x590] =	vst v5  }
0x80: {  	v61 =	vld [tilespmem:$0x370];
	[tilespmem:$0x5A0] =	vst v8  }
0x81: {  	v47 =	vld [tilespmem:$0x2C0];
	[tilespmem:$0x5B0] =	vst v11  }
0x82: {  	v51 =	vld [tilespmem:$0x2D0];
	[tilespmem:$0x5C0] =	vst v48  }
0x83: {  	v56 =	vld [tilespmem:$0x2F0];
	v1 =	vmul.u32 $0x2800, v1;
	[tilespmem:$0x5D0] =	vst v53  }
0x84: {  	v54 =	vld [tilespmem:$0x2E0];
	v46 =	vmul.u32 $0x2800, v4;
	[tilespmem:$0x5E0] =	vst v57  }
0x85: {  	v58 =	vld [tilespmem:$0x270];
	v49 =	vmul.u32 $0x2800, v7;
	[tilespmem:$0x5F0] =	vst v61;
	v0 =	vadd.s32 v0, v1  }
0x86: {  	v50 =	vld [tilespmem:$0x250];
	v52 =	vmul.u32 $0x2800, v10;
	v1 =	vadd.s32 v3, v46;
	[tilespmem:$0x480] =	vst v0  }
0x87: {  	v55 =	vld [tilespmem:$0x260];
	v4 =	vmul.u32 $0x2800, v47;
	v2 =	vadd.s32 v6, v49;
	[tilespmem:$0x490] =	vst v1  }
0x88: {  	p0 =	seq.s32 s10, $0x1380;
	v62 =	vmul.u32 $0x2800, v56;
	v5 =	vadd.s32 v9, v52;
	[tilespmem:$0x4A0] =	vst v2  }
.Ltmp4:
0x89: {  	v4 =	vadd.s32 v12, v4;
	[tilespmem:$0x4B0] =	vst v5;
	v1 =	vmul.u32 $0x2800, v51;
	(pc) =	sbr.rel @p0 .LBB2_4-.Ltmp4, $4  }
0x8a: {  	v60 =	vmul.u32 $0x2800, v54;
	v63 =	vadd.s32 v58, v62;
	[tilespmem:$0x4C0] =	vst v4  }
0x8b: {  	[tilespmem:$0x4F0] =	vst v63;
	v59 =	vadd.s32 v50, v1  }
0x8c: {  	v1 =	vadd.s32 v55, v60;
	[tilespmem:$0x4D0] =	vst v59  }
0x8d: {  	[tilespmem:$0x4E0] =	vst v1  }
0x8e: {  	s7 =	sadd.s32 s10, s13  }
0x8f: {  	[tilespmem:s16], [sflag:$0x2] =	stream.linear.gather [hbm4b:s7+s3], $0x180, $0x38;
	[tilespmem:$0x1C600] =	vst v63  }
0x90: {  	_ = 	snop  }
0x91: {  	[tilespmem:s25], [sflag:$0x4] =	stream.indirect.gather [hbm4b:s4+s18], $0x80, s24, s18, $0xb8;
	[tilespmem:$0x1C600] =	vst v63  }
0x92: {  	_ = 	snop  }
0x93: {  	[tilespmem:s28], [sflag:$0x4] =	stream.indirect.gather [hbm4b:s4+s18], $0x80, s26, s18, $0xb8;
	[tilespmem:$0x1C600] =	vst v63  }
0x94: {  	_ =	swait.ge [sflag:s29], $0x2000  }
0x95: {  	[sflag:s29] =	ssyncset.done $0x0  }
0x96: {  	[sflag:s29] =	ssyncadd.s32 $0xFFFFE000  }
0x97: {  	_ =	swait.ge [sflag:s29], $0x2000  }
0x98: {  	[sflag:s29] =	ssyncset.done $0x0  }
0x99: {  	[sflag:s29] =	ssyncadd.s32 $0xFFFFE000  }
0x9a: {  	[spmem:s1] =	stream.indirect.scatter.add.f32 [tilespmem:s20], [sflag:$0x5], $0x80, s31, s30, $0xb8;
	[tilespmem:$0x1C600] =	vst v63  }
0x9b: {  	_ =	swait.ge [sflag:s17], $0x180  }
0x9c: {  	[sflag:s17] =	ssyncset.done $0x0  }
0x9d: {  	[sflag:s17] =	ssyncadd.s32 $0xFFFFFE80  }
0x9e: {  	_ =	swait.ge [sflag:s5], $0x4000  }
0x9f: {  	[sflag:s5] =	ssyncset.done $0x0  }
0xa0: {  	[sflag:s5] =	ssyncadd.s32 $0xFFFFC000  }
0xa1: {  	v0 =	vld [tilespmem:$0x0]  }
0xa2: {  	v1 =	vld [tilespmem:$0x80]  }
0xa3: {  	v2 =	vld [tilespmem:$0x100]  }
0xa4: {  	v3 =	vld [tilespmem:$0x10]  }
0xa5: {  	v4 =	vld [tilespmem:$0x90]  }
0xa6: {  	v5 =	vld [tilespmem:$0x110]  }
0xa7: {  	v6 =	vld [tilespmem:$0x20]  }
0xa8: {  	v7 =	vld [tilespmem:$0xA0]  }
0xa9: {  	v8 =	vld [tilespmem:$0x120]  }
0xaa: {  	v9 =	vld [tilespmem:$0x30]  }
0xab: {  	v10 =	vld [tilespmem:$0xB0]  }
0xac: {  	v11 =	vld [tilespmem:$0x130]  }
0xad: {  	v12 =	vld [tilespmem:$0x40]  }
0xae: {  	v48 =	vld [tilespmem:$0x140]  }
0xaf: {  	v53 =	vld [tilespmem:$0x150];
	[tilespmem:$0x500] =	vst v2  }
0xb0: {  	v57 =	vld [tilespmem:$0x160];
	[tilespmem:$0x510] =	vst v5  }
0xb1: {  	v61 =	vld [tilespmem:$0x170];
	[tilespmem:$0x520] =	vst v8  }
0xb2: {  	v47 =	vld [tilespmem:$0xC0];
	[tilespmem:$0x530] =	vst v11  }
0xb3: {  	v51 =	vld [tilespmem:$0xD0];
	[tilespmem:$0x540] =	vst v48  }
0xb4: {  	v56 =	vld [tilespmem:$0xF0];
	v1 =	vmul.u32 $0x2800, v1;
	[tilespmem:$0x550] =	vst v53  }
0xb5: {  	v54 =	vld [tilespmem:$0xE0];
	v46 =	vmul.u32 $0x2800, v4;
	[tilespmem:$0x560] =	vst v57  }
0xb6: {  	v58 =	vld [tilespmem:$0x70];
	v49 =	vmul.u32 $0x2800, v7;
	[tilespmem:$0x570] =	vst v61;
	v0 =	vadd.s32 v0, v1  }
0xb7: {  	v50 =	vld [tilespmem:$0x50];
	v52 =	vmul.u32 $0x2800, v10;
	v1 =	vadd.s32 v3, v46;
	[tilespmem:$0x400] =	vst v0  }
0xb8: {  	v55 =	vld [tilespmem:$0x60];
	v4 =	vmul.u32 $0x2800, v47;
	v2 =	vadd.s32 v6, v49;
	[tilespmem:$0x410] =	vst v1  }
0xb9: {  	v62 =	vmul.u32 $0x2800, v56;
	v5 =	vadd.s32 v9, v52;
	[tilespmem:$0x420] =	vst v2  }
0xba: {  	v4 =	vadd.s32 v12, v4;
	[tilespmem:$0x430] =	vst v5;
	v1 =	vmul.u32 $0x2800, v51  }
0xbb: {  	v60 =	vmul.u32 $0x2800, v54;
	v63 =	vadd.s32 v58, v62;
	[tilespmem:$0x440] =	vst v4  }
0xbc: {  	[tilespmem:$0x470] =	vst v63;
	v59 =	vadd.s32 v50, v1  }
0xbd: {  	p0 =	sgt.u32 s11, $0x25;
	v1 =	vadd.s32 v55, v60;
	[tilespmem:$0x450] =	vst v59  }
0xbe: {  	s7 =	sadd.s32 @!p0 s10, s12;
	s8 =	simm.s32 @!p0 $0x0;
	[tilespmem:$0x460] =	vst v1  }
0xbf: {  	[tilespmem:s8], [sflag:$0x1] =	stream.linear.gather @!p0 [hbm4b:s7+s8], $0x180, $0x38;
	[tilespmem:$0x1C600] =	vst v63  }
.Ltmp5:
0xc0: {  	_ = 	snop;
	(pc) =	sbr.rel .LBB2_5-.Ltmp5, $4  }
0xc1: {  	_ = 	snop  }
0xc2: {  	[tilespmem:s20], [sflag:$0x3] =	stream.indirect.gather [hbm4b:s4+s18], $0x80, s19, s18, $0xb8;
	[tilespmem:$0x1C600] =	vst v63  }
0xc3: {  	_ = 	snop  }
0xc4: {  	[tilespmem:s22], [sflag:$0x3] =	stream.indirect.gather [hbm4b:s4+s18], $0x80, s21, s18, $0xb8;
	[tilespmem:$0x1C600] =	vst v63  }
.LBB2_7:
0xc5: {  	_ =	sfence.sel $0x180000  }
0xc6: {  	[bflag:$0x0] =	sbarrier.arrive $0xFFFF  }
0xc7: {  	_ =	strace $0x9000004D  }
0xc8: {  	s0 =	stileid.u32;
	[bflag:$0x2] =	sbarrier.arrive $0xFFFF  }
0xc9: {  	p0 =	sne.s32 s0, $0x0;
	s0 =	rddreg [dreg:$0x2]  }
0xca: {  	s0 =	sadd.s32 @!p0 $0x100000, s0  }
0xcb: {  	[sflag:s0] =	ssyncadd.tile.s32 @!p0 $0x1;
	_ =	shalt  }
.Lfunc_end2:
_tile_overlayer_lowered:
.L_overlay_start_2:
0xcc: {  	(tag) =	ssettag $0x2  }
0xcd: {  	s0 =	rddreg [dreg:$0x0];
	s2 =	stileid.u32  }
0xce: {  	s1 =	rddreg [dreg:$0x1];
	p0 =	sne.s32 s2, $0x0  }
0xcf: {  	s3 =	rddreg [dreg:$0x2];
	[bflag:$0x3] =	sbarrier.arrive $0xFFFF;
	s2 =	simm.s32 @!p0 $0x1C07  }
0xd0: {  	[timem:s3], [sflag:s2] =	dma.local @!p0 [hbm:s0], s1  }
0xd1: {  	s0 =	simm.s32 @!p0 $0x7  }
0xd2: {  	_ =	swait.ge @!p0 [sflag:s0], s1  }
0xd3: {  	s1 =	ssub.s32 @!p0 $0x0, s1;
	[sflag:s0] =	ssyncset.done @!p0 $0x0  }
0xd4: {  	[sflag:s0] =	ssyncadd.s32 @!p0 s1  }
0xd5: {  	[bflag:$0x3] =	sbarrier.arrive $0xFFFF  }
0xd6: {  	_ =	shalt  }

// kernel: kernel.9.cloned.1.call-start
scs
__scs_entry_jumppad:
0x0: {  	(pc) =	sbr.rel $0x88, $3  }
0x1: {  	(tag) =	ssettag $0x0;
	lr =	simm.s32 $0x1  }
0x2: {  	[smem:$0x3F82] =	sst lr;
	_ =	strace $0xD0000000  }
0x3: {  	_ = 	snop  }
0x4: {  	_ = 	snop  }
0x5: {  	_ = 	snop  }
0x6: {  	_ = 	snop  }
0x7: {  	_ = 	snop  }
__scs_overlays_trampoline_lowered:
0x8: {  	[smem:$0x3F91] =	sst s0  }
0x9: {  	[smem:$0x3F92] =	sst s1  }
0xa: {  	[smem:$0x3F93] =	sst s2  }
0xb: {  	[smem:$0x3F94] =	sst s3  }
0xc: {  	[smem:$0x3F95] =	sst s4  }
0xd: {  	[smem:$0x3F96] =	sst s5  }
0xe: {  	[smem:$0x3F97] =	sst s6  }
0xf: {  	[smem:$0x3F98] =	sst s7  }
0x10: {  	[smem:$0x3F99] =	sst s8  }
0x11: {  	[smem:$0x3F9A] =	sst s9;
	s0 =	simm.s32 @!p0 $0x0  }
0x12: {  	s1 =	sld [smem:$0x3F80];
	s0 =	simm.s32 @p0 $0x1  }
0x13: {  	[smem:$0x3F9B] =	sst s0;
	s0 =	simm.s32 @!p1 $0x0  }
0x14: {  	s2 =	sld [smem:$0x3F7F];
	s0 =	simm.s32 @p1 $0x1  }
0x15: {  	[smem:$0x3F9C] =	sst s0;
	s0 =	simm.s32 @!p2 $0x0  }
0x16: {  	s3 =	sld [smem:$0x3FDB];
	s0 =	simm.s32 @p2 $0x1  }
0x17: {  	s4 =	simm.s32 $0x1BF5;
	[smem:$0x3F9E] =	sst s0  }
0x18: {  	s0 =	sld [smem:$0x3F81];
	_ =	swait.ge [sflag:s4], $0x0  }
0x19: {  	s7 =	sld [smem:$0x3F82]  }
0x1a: {  	s8 =	sadd.s32 $0xFFFFE003, lr  }
0x1b: {  	s9 =	sadd.s32 $0xFFFFFEF7, lr;
	s5 =	simm.s32 $0xFFFFFFFF;
	p2 =	slt.u32 s8, $0xFFFFF086  }
0x1c: {  	p1 =	slt.u32 s9, $0xF7A;
	s5 =	simm.s32 @!p2 $0x0  }
0x1d: {  	s5 =	simm.s32 @p1 $0x1;
	p0 =	seq.s32 s7, s2  }
0x1e: {  	s7 =	smul.u32 @!p0 $0xF7A, s2;
	p2 =	seq.s32 @!p0 s5, $0x0  }
0x1f: {  	s9 =	smul.u32 $0xF7A, s1;
	s8 =	simm.s32 @!p0 $0x1BF5;
	p2 =	por !p2, p0  }
0x20: {  	[sflag:s8] =	ssyncset.s32 @!p0 $0xFFFFF086;
	s6 =	sadd.s32 @!p0 s3, s7;
	s7 =	simm.s32 @!p0 $0x108  }
0x21: {  	s3 =	sadd.s32 s3, s9;
	s6 =	sadd.s32 @!p0 $0x88, s6;
	s7 =	simm.s32 @p2 $0x1082  }
0x22: {  	[simem:s7], [sflag:s8] =	dma.local @!p0 [hbm:s6], $0xF7A  }
0x23: {  	s9 =	sor.u32 $0xD0000000, s2;
	s6 =	simm.s32 $0x108;
	_ =	swait.ge @!p0 [sflag:s8], $0x0  }
0x24: {  	s3 =	sadd.s32 $0x88, s3;
	s6 =	simm.s32 @!p1 $0x1082;
	[sflag:s4] =	ssyncset.s32 $0xFFFFF086  }
0x25: {  	[simem:s6], [sflag:s4] =	dma.local [hbm:s3], $0xF7A  }
0x26: {  	[smem:$0x3F82] =	sst s1;
	(tag) =	ssettag s2;
	_ =	strace s9  }
0x27: {  	s1 =	sld [smem:$0x3F92]  }
0x28: {  	s2 =	sld [smem:$0x3F93]  }
0x29: {  	s4 =	sld [smem:$0x3F95]  }
0x2a: {  	p0 =	seq.s32 s5, $0x0;
	s5 =	sld [smem:$0x3F96]  }
0x2b: {  	s6 =	sld [smem:$0x3F97]  }
0x2c: {  	s7 =	sld [smem:$0x3F98]  }
0x2d: {  	s3 =	simm.s32 $0x108;
	s8 =	sld [smem:$0x3F99]  }
0x2e: {  	s3 =	simm.s32 @!p0 $0x1082;
	s9 =	sld [smem:$0x3F9A]  }
0x2f: {  	lr =	sadd.s32 s0, s3;
	s0 =	sld [smem:$0x3F91]  }
0x30: {  	s3 =	sld [smem:$0x3F94]  }
0x31: {  	[smem:$0x3F9D] =	sst s10  }
0x32: {  	s10 =	sld [smem:$0x3F9B];
	_ =	sdelay $0x3  }
0x33: {  	p0 =	seq.s32 s10, $0x1;
	s10 =	sld [smem:$0x3F9D];
	_ =	sdelay $0x3  }
0x34: {  	[smem:$0x3F9D] =	sst s10  }
0x35: {  	s10 =	sld [smem:$0x3F9C];
	_ =	sdelay $0x3  }
0x36: {  	p1 =	seq.s32 s10, $0x1;
	s10 =	sld [smem:$0x3F9D];
	_ =	sdelay $0x3  }
0x37: {  	[smem:$0x3F9D] =	sst s10  }
0x38: {  	s10 =	sld [smem:$0x3F9E]  }
0x39: {  	_ = 	snop;
	(pc) =	sbr.ind lr, $3  }
0x3a: {  	_ = 	snop  }
0x3b: {  	_ = 	snop  }
0x3c: {  	p2 =	seq.s32 s10, $0x1;
	s10 =	sld [smem:$0x3F9D]  }
0x3d: {  	_ =	shalt  }
0x3e: {  	_ =	shalt  }
0x3f: {  	_ =	shalt  }
0x40: {  	_ =	shalt  }
0x41: {  	_ =	shalt  }
0x42: {  	_ =	shalt  }
0x43: {  	_ =	shalt  }
0x44: {  	_ =	shalt  }
0x45: {  	_ =	shalt  }
0x46: {  	_ =	shalt  }
0x47: {  	_ =	shalt  }
0x48: {  	_ =	shalt  }
0x49: {  	_ =	shalt  }
0x4a: {  	_ =	shalt  }
0x4b: {  	_ =	shalt  }
0x4c: {  	_ =	shalt  }
0x4d: {  	_ =	shalt  }
0x4e: {  	_ =	shalt  }
0x4f: {  	_ =	shalt  }
0x50: {  	_ =	shalt  }
0x51: {  	_ =	shalt  }
0x52: {  	_ =	shalt  }
0x53: {  	_ =	shalt  }
0x54: {  	_ =	shalt  }
0x55: {  	_ =	shalt  }
0x56: {  	_ =	shalt  }
0x57: {  	_ =	shalt  }
0x58: {  	_ =	shalt  }
0x59: {  	_ =	shalt  }
0x5a: {  	_ =	shalt  }
0x5b: {  	_ =	shalt  }
0x5c: {  	_ =	shalt  }
0x5d: {  	_ =	shalt  }
0x5e: {  	_ =	shalt  }
0x5f: {  	_ =	shalt  }
0x60: {  	_ =	shalt  }
0x61: {  	_ =	shalt  }
0x62: {  	_ =	shalt  }
0x63: {  	_ =	shalt  }
0x64: {  	_ =	shalt  }
0x65: {  	_ =	shalt  }
0x66: {  	_ =	shalt  }
0x67: {  	_ =	shalt  }
0x68: {  	_ =	shalt  }
0x69: {  	_ =	shalt  }
0x6a: {  	_ =	shalt  }
0x6b: {  	_ =	shalt  }
0x6c: {  	_ =	shalt  }
0x6d: {  	_ =	shalt  }
0x6e: {  	_ =	shalt  }
0x6f: {  	_ =	shalt  }
0x70: {  	_ =	shalt  }
0x71: {  	_ =	shalt  }
0x72: {  	_ =	shalt  }
0x73: {  	_ =	shalt  }
0x74: {  	_ =	shalt  }
0x75: {  	_ =	shalt  }
0x76: {  	_ =	shalt  }
0x77: {  	_ =	shalt  }
0x78: {  	_ =	shalt  }
0x79: {  	_ =	shalt  }
0x7a: {  	_ =	shalt  }
0x7b: {  	_ =	shalt  }
0x7c: {  	_ =	shalt  }
0x7d: {  	_ =	shalt  }
0x7e: {  	_ =	shalt  }
0x7f: {  	_ =	shalt  }
0x80: {  	_ =	shalt  }
0x81: {  	_ =	shalt  }
0x82: {  	_ =	shalt  }
0x83: {  	_ =	shalt  }
0x84: {  	_ =	shalt  }
0x85: {  	_ =	shalt  }
0x86: {  	_ =	shalt  }
0x87: {  	_ =	shalt  }
.Lfunc_end0:
.L_simem_size_0:
called_computation_lowered:
.L_overlay_start_0:
0x88: {  	s2 =	sld [smem:$0x3FD9]  }
0x89: {  	s3 =	sld [smem:$0x3FFE];
	_ =	sdelay $0x1  }
0x8a: {  	s1 =	srdreg.scid  }
0x8b: {  	s0 =	sand.u32 $0x1, s1  }
0x8c: {  	s16 =	sshll.u32 s0, $0xA;
	s2 =	sadd.s32 s3, s2  }
0x8d: {  	s2 =	sadd.s32 s2, s16  }
0x8e: {  	[smem:$0x3FA9] =	sst s2  }
0x8f: {  	_ = 	snop  }
0x90: {  	(tm) =	ssettm $0x1  }
0x91: {  	s17 =	sld [smem:$0x3FFB];
	_ =	sdelay $0x3  }
0x92: {  	_ =	strace s17  }
0x93: {  	s2 =	sld [smem:$0x3FFC];
	_ =	sdelay $0x3  }
0x94: {  	_ =	strace s2  }
0x95: {  	s2 =	sld [smem:$0x3FFD];
	_ =	sdelay $0x3  }
0x96: {  	_ =	strace s2  }
0x97: {  	_ =	strace $0x8FFFFFFF  }
0x98: {  	s18 =	sld [smem:$0x3FDB];
	_ =	sdelay $0x1  }
0x99: {  	s19 =	simm.s32 $_scs_section_size  }
0x9a: {  	s4 =	simm.s32 $_size__tile_overlayer_lowered;
	s5 =	simm.s32 $_tile_overlayer_lowered  }
0x9b: {  	s22 =	simm.s32 $0x1BFF;
	s21 =	sshll.u32 s5, $0x1;
	s2 =	sadd.s32 s19, s18  }
0x9c: {  	s6 =	simm.s32 $0x0;
	s20 =	sshll.u32 s4, $0x1;
	s4 =	sadd.s32 s21, s2  }
0x9d: {  	[timem:s6], [sflag:s22] =	dma.local [hbm:s4], s20  }
0x9e: {  	_ =	swait.ge [sflag:s22], s20  }
0x9f: {  	s3 =	ssub.s32 $0x0, s20;
	[sflag:s22] =	ssyncset.done $0x0  }
0xa0: {  	[sflag:s22] =	ssyncadd.s32 s3;
	_ =	sdelay $0x1  }
0xa1: {  	s23 =	simm.s32 $0x1B8B  }
0xa2: {  	_ =	swait.ge [sflag:s23], $0x1  }
0xa3: {  	[sflag:s23] =	ssyncset.done $0x0  }
0xa4: {  	s25 =	simm.s32 $0x1B8E;
	s24 =	sld [smem:$0x3FFE];
	[sflag:s23] =	ssyncadd.s32 $0xFFFFFFFF  }
0xa5: {  	s26 =	simm.s32 $execute0_lowered;
	[smem:$0x3FD2] =	sst s25  }
0xa6: {  	s4 =	sshll.u32 s26, $0x1;
	_ =	strace $0x80000046;
	[dreg:$0x1] =	wrdreg $0xFFFFFFFF  }
0xa7: {  	s28 =	simm.s32 $_size_execute0_lowered;
	s2 =	sadd.s32 s2, s4;
	[dreg:$0x0] =	wrdreg $0x0  }
0xa8: {  	s4 =	sshll.u32 s28, $0x1;
	[dreg:$0x2] =	wrdreg s2  }
0xa9: {  	[dreg:$0x3] =	wrdreg s4  }
0xaa: {  	[dreg:$0x4] =	wrdreg $0xC0  }
0xab: {  	_ =	task [dreg:s6], $0x5FFFF  }
0xac: {  	[dreg:$0x1] =	wrdreg $0xFFFFFFFF  }
0xad: {  	[dreg:$0x0] =	wrdreg $0x60  }
0xae: {  	[dreg:$0x2] =	wrdreg s24  }
0xaf: {  	[dreg:$0x3] =	wrdreg $0x86000  }
0xb0: {  	[dreg:$0x4] =	wrdreg $0x9  }
0xb1: {  	_ =	task.clear_ibuf [dreg:s6], $0x5FFFF;
	_ =	strace $0x90000046  }
0xb2: {  	s29 =	simm.s32 $0x9;
	_ =	strace $0x80000048  }
0xb3: {  	_ =	swait.ge [sflag:s29], $0x1  }
0xb4: {  	[sflag:s29] =	ssyncadd.s32 $0xFFFFFFFF  }
0xb5: {  	_ =	strace $0x90000048  }
0xb6: {  	_ =	sfence  }
0xb7: {  	s30 =	sld [smem:$0x0];
	_ =	sdelay $0x2  }
0xb8: {  	s31 =	sshll.u32 s1, $0xD;
	s1 =	sshrl.u32 s1, $0x2  }
0xb9: {  	s3 =	sand.u32 $0x4000, s31;
	s1 =	sadd.s32 s1, s30  }
0xba: {  	s0 =	sor.u32 s3, s0;
	s1 =	sshll.u32 s1, $0x11  }
0xbb: {  	s0 =	sor.u32 s1, s0  }
0xbc: {  	s0 =	sadd.s32 $0x8F2B, s0  }
0xbd: {  	[sflag:s0] =	ssyncadd.remote.s32 $0x1  }
0xbe: {  	_ =	sfence.sel $0xFFFF  }
0xbf: {  	[dreg:$0x0] =	wrdreg $0xFFFFFFFF;
	(pc) =	sbr.abs _section_cstart, $3  }
0xc0: {  	[dreg:$0x1] =	wrdreg $0xFFFFFFFF  }
0xc1: {  	_ =	task.clear_ibuf [dreg:s6], $0x2FFFF;
	_ =	strace $0x9FFFFFFF  }
0xc2: {  	(tm) =	ssettm $0x7FFFFFFF  }
0xc3: {  	_ =	shalt  }
tec
execute0_lowered:
.L_overlay_start_1:
0x0: {  	(tag) =	ssettag $0x1  }
0x1: {  	s0 =	rddreg [dreg:$0x0]  }
0x2: {  	s1 =	rddreg [dreg:$0x1];
	s3 =	simm.s32 $0x0;
	s2 =	srdreg.scid  }
0x3: {  	s12 =	stileid.u32;
	s15 =	simm.s32 $0x7;
	s16 =	simm.s32 $0x200  }
0x4: {  	s17 =	simm.s32 $0x1;
	s28 =	simm.s32 $0x6600;
	s29 =	simm.s32 $0x3  }
0x5: {  	s30 =	simm.s32 $0x80;
	s31 =	simm.s32 $0x500;
	s6 =	smul.u32 $0x14000, s12  }
0x6: {  	[smem:$0x7FF] =	sst s3;
	s2 =	sand.u32 $0x1, s2;
	s19 =	smul.u32 $0x50000, s12  }
0x7: {  	s4 =	sadd.s32 $0x2C600, s0;
	s8 =	sadd.s32 $0x4600, s0;
	s10 =	smul.u32 $0x50, s12  }
0x8: {  	s9 =	sadd.s32 $0xCC600, s0;
	s23 =	sshll.u32 s12, $0x6;
	s5 =	smul.u32 $0x140000, s2  }
0x9: {  	_ =	strace $0x80000047;
	s7 =	sshll.u32 s2, $0x4;
	[dreg:$0x3] =	wrdreg s9  }
0xa: {  	s21 =	ssub.s32 $0x2, s2;
	s2 =	smul.u32 $0x500, s2;
	s18 =	sor.u32 s12, s7  }
0xb: {  	s22 =	sshrl.u32 s21, $0x1;
	s7 =	sshrl.u32 s19, $0x2;
	s19 =	simm.s32 $0x400  }
0xc: {  	s5 =	sadd.s32 s6, s5;
	s20 =	smul.u32 $0x1400, s18;
	s11 =	sadd.s32 s7, s1  }
0xd: {  	s6 =	sor.u32 $0x1C07, s23;
	s2 =	sadd.s32 s10, s2;
	s18 =	simm.s32 $0x40  }
0xe: {  	s23 =	simm.s32 $0x2;
	s5 =	sshrl.u32 s5, $0x3;
	s2 =	sshll.u32 s2, $0x6  }
0xf: {  	s14 =	sshrl.u32 s11, $0x3;
	s0 =	sadd.s32 s5, s0;
	s5 =	ssub.s32 s21, s22  }
0x10: {  	s24 =	sadd.s32 s8, s20;
	s26 =	sadd.s32 s2, s8;
	s20 =	simm.s32 $0x600  }
0x11: {  	s21 =	simm.s32 $0x440;
	s22 =	simm.s32 $0x2600;
	s2 =	simm.s32 $0x580  }
0x12: {  	s9 =	sadd.s32 $0x40, s24;
	[dreg:$0x4] =	wrdreg s24;
	s7 =	sadd.s32 $0x80, s24  }
.Ltmp0:
0x13: {  	s0 =	sadd.s32 $0xCEE00, s0;
	[dreg:$0x5] =	wrdreg s9;
	(pc) =	sbr.rel .LBB2_1-.Ltmp0, $4  }
0x14: {  	s25 =	smax.u32 s5, $0x1;
	s12 =	sadd.s32 $0x100, s26;
	[dreg:$0x6] =	wrdreg s7  }
0x15: {  	s13 =	sadd.s32 $0xC0, s26;
	s24 =	simm.s32 $0x480;
	[dreg:$0x7] =	wrdreg s0  }
0x16: {  	s26 =	simm.s32 $0x4C0;
	s5 =	simm.s32 $0x5;
	[dreg:$0x8] =	wrdreg s25  }
0x17: {  	s25 =	simm.s32 $0x4600;
	s0 =	simm.s32 $0x4;
	s9 =	simm.s32 $0x0  }
.LBB2_6:
0x18: {  	_ =	swait.ge [sflag:s5], $0x4000  }
0x19: {  	[sflag:s5] =	ssyncset.done $0x0  }
0x1a: {  	s7 =	simm.s32 $0x6;
	[sflag:s5] =	ssyncadd.s32 $0xFFFFC000  }
0x1b: {  	_ =	swait.ge [sflag:s7], $0x4000  }
0x1c: {  	[sflag:s7] =	ssyncset.done $0x0  }
0x1d: {  	[sflag:s7] =	ssyncadd.s32 $0xFFFFC000  }
0x1e: {  	[bflag:$0x0] =	sbarrier.arrive $0xFFFF  }
0x1f: {  	s10 =	rddreg [dreg:$0x7]  }
0x20: {  	[hbm:s10], [sflag:s6] =	dma.local [spmem:s14], $0x2800  }
0x21: {  	_ =	swait.ge [sflag:s15], $0x2800  }
0x22: {  	s9 =	sadd.s32 $0x1, s9;
	s11 =	rddreg [dreg:$0x8]  }
0x23: {  	p0 =	sne.s32 s9, s11  }
.Ltmp1:
0x24: {  	_ = 	snop;
	(pc) =	sbr.rel @!p0 .LBB2_7-.Ltmp1, $3  }
0x25: {  	_ =	sdelay $0x1  }
0x26: {  	[sflag:s15] =	ssyncset.done $0x0  }
0x27: {  	[sflag:s15] =	ssyncadd.s32 $0xFFFFD800  }
.LBB2_1:
0x28: {  	s7 =	rddreg [dreg:$0x3]  }
0x29: {  	[spmem:s14], [sflag:s6] =	dma.local [hbm:s7], $0x2800  }
0x2a: {  	_ =	swait.ge [sflag:s15], $0x2800  }
0x2b: {  	[sflag:s15] =	ssyncset.done $0x0  }
0x2c: {  	[sflag:s15] =	ssyncadd.s32 $0xFFFFD800  }
0x2d: {  	[bflag:$0x0] =	sbarrier.arrive $0xFFFF  }
0x2e: {  	s8 =	rddreg [dreg:$0x4]  }
0x2f: {  	[tilespmem:s3], [sflag:$0x1] =	stream.linear.gather [hbm4b:s8+s3], $0x180, $0x38;
	[tilespmem:$0x1C600] =	vst v63  }
0x30: {  	s10 =	rddreg [dreg:$0x5]  }
0x31: {  	[tilespmem:s16], [sflag:$0x2] =	stream.linear.gather [hbm4b:s10+s3], $0x180, $0x38;
	[tilespmem:$0x1C600] =	vst v63  }
0x32: {  	_ =	swait.ge [sflag:s17], $0x180  }
0x33: {  	[sflag:s17] =	ssyncset.done $0x0  }
0x34: {  	[sflag:s17] =	ssyncadd.s32 $0xFFFFFE80  }
0x35: {  	v0 =	vld [tilespmem:$0x0]  }
0x36: {  	v1 =	vld [tilespmem:$0x80]  }
0x37: {  	v2 =	vld [tilespmem:$0x100]  }
0x38: {  	v3 =	vld [tilespmem:$0x10]  }
0x39: {  	v4 =	vld [tilespmem:$0x90]  }
0x3a: {  	v5 =	vld [tilespmem:$0x110]  }
0x3b: {  	v6 =	vld [tilespmem:$0x20]  }
0x3c: {  	v7 =	vld [tilespmem:$0xA0]  }
0x3d: {  	v8 =	vld [tilespmem:$0x120]  }
0x3e: {  	v9 =	vld [tilespmem:$0x30]  }
0x3f: {  	v10 =	vld [tilespmem:$0xB0]  }
0x40: {  	v11 =	vld [tilespmem:$0x130]  }
0x41: {  	v12 =	vld [tilespmem:$0x40]  }
0x42: {  	v48 =	vld [tilespmem:$0x140]  }
0x43: {  	v53 =	vld [tilespmem:$0x150];
	[tilespmem:$0x500] =	vst v2  }
0x44: {  	v57 =	vld [tilespmem:$0x160];
	[tilespmem:$0x510] =	vst v5  }
0x45: {  	v61 =	vld [tilespmem:$0x170];
	[tilespmem:$0x520] =	vst v8  }
0x46: {  	v47 =	vld [tilespmem:$0xC0];
	[tilespmem:$0x530] =	vst v11  }
0x47: {  	v51 =	vld [tilespmem:$0xD0];
	[tilespmem:$0x540] =	vst v48  }
0x48: {  	v56 =	vld [tilespmem:$0xF0];
	v1 =	vmul.u32 $0x2800, v1;
	[tilespmem:$0x550] =	vst v53  }
0x49: {  	v54 =	vld [tilespmem:$0xE0];
	v46 =	vmul.u32 $0x2800, v4;
	[tilespmem:$0x560] =	vst v57  }
0x4a: {  	v58 =	vld [tilespmem:$0x70];
	v49 =	vmul.u32 $0x2800, v7;
	[tilespmem:$0x570] =	vst v61;
	v0 =	vadd.s32 v0, v1  }
0x4b: {  	v50 =	vld [tilespmem:$0x50];
	v52 =	vmul.u32 $0x2800, v10;
	v1 =	vadd.s32 v3, v46;
	[tilespmem:$0x400] =	vst v0  }
0x4c: {  	v55 =	vld [tilespmem:$0x60];
	v4 =	vmul.u32 $0x2800, v47;
	v2 =	vadd.s32 v6, v49;
	[tilespmem:$0x410] =	vst v1  }
0x4d: {  	v62 =	vmul.u32 $0x2800, v56;
	v5 =	vadd.s32 v9, v52;
	[tilespmem:$0x420] =	vst v2  }
0x4e: {  	v4 =	vadd.s32 v12, v4;
	[tilespmem:$0x430] =	vst v5;
	v1 =	vmul.u32 $0x2800, v51  }
0x4f: {  	v60 =	vmul.u32 $0x2800, v54;
	v63 =	vadd.s32 v58, v62;
	[tilespmem:$0x440] =	vst v4  }
0x50: {  	[tilespmem:$0x470] =	vst v63;
	v59 =	vadd.s32 v50, v1  }
0x51: {  	v1 =	vadd.s32 v55, v60;
	[tilespmem:$0x450] =	vst v59  }
0x52: {  	s11 =	rddreg [dreg:$0x6];
	[tilespmem:$0x460] =	vst v1  }
0x53: {  	[tilespmem:s3], [sflag:$0x1] =	stream.linear.gather [hbm4b:s11+s3], $0x180, $0x38;
	[tilespmem:$0x1C600] =	vst v63  }
.Ltmp2:
0x54: {  	_ = 	snop;
	(pc) =	sbr.rel .LBB2_2-.Ltmp2, $4  }
0x55: {  	_ = 	snop  }
0x56: {  	[tilespmem:s20], [sflag:$0x3] =	stream.indirect.gather [hbm4b:s4+s18], $0x80, s19, s18, $0xb8;
	[tilespmem:$0x1C600] =	vst v63  }
0x57: {  	s10 =	simm.s32 $0x0;
	s11 =	simm.s32 $0x0  }
0x58: {  	[tilespmem:s22], [sflag:$0x3] =	stream.indirect.gather [hbm4b:s4+s18], $0x80, s21, s18, $0xb8;
	[tilespmem:$0x1C600] =	vst v63  }
.LBB2_4:
0x59: {  	[tilespmem:s25], [sflag:$0x4] =	stream.indirect.gather [hbm4b:s4+s18], $0x80, s24, s18, $0xb8;
	[tilespmem:$0x1C600] =	vst v63  }
0x5a: {  	_ = 	snop  }
0x5b: {  	[tilespmem:s28], [sflag:$0x4] =	stream.indirect.gather [hbm4b:s4+s18], $0x80, s26, s18, $0xb8;
	[tilespmem:$0x1C600] =	vst v63  }
0x5c: {  	_ =	swait.ge [sflag:s29], $0x2000  }
0x5d: {  	[sflag:s29] =	ssyncset.done $0x0  }
0x5e: {  	[sflag:s29] =	ssyncadd.s32 $0xFFFFE000  }
0x5f: {  	_ =	swait.ge [sflag:s29], $0x2000  }
0x60: {  	[sflag:s29] =	ssyncset.done $0x0  }
0x61: {  	[sflag:s29] =	ssyncadd.s32 $0xFFFFE000  }
0x62: {  	[spmem:s1] =	stream.indirect.scatter.add.f32 [tilespmem:s20], [sflag:$0x5], $0x80, s31, s30, $0xb8;
	[tilespmem:$0x1C600] =	vst v63  }
.LBB2_5:
0x63: {  	_ =	swait.ge [sflag:s0], $0x2000;
	s10 =	sadd.s32 $0x80, s10  }
0x64: {  	[sflag:s0] =	ssyncset.done $0x0;
	p0 =	sne.s32 s10, $0x1400  }
.Ltmp3:
0x65: {  	[sflag:s0] =	ssyncadd.s32 $0xFFFFE000;
	(pc) =	sbr.rel @!p0 .LBB2_6-.Ltmp3, $4  }
0x66: {  	_ =	swait.ge [sflag:s0], $0x2000  }
0x67: {  	[sflag:s0] =	ssyncset.done $0x0  }
0x68: {  	s11 =	sadd.s32 $0x1, s11;
	[sflag:s0] =	ssyncadd.s32 $0xFFFFE000  }
0x69: {  	[spmem:s1] =	stream.indirect.scatter.add.f32 [tilespmem:s25], [sflag:$0x6], $0x80, s2, s30, $0xb8;
	[tilespmem:$0x1C600] =	vst v63  }
.LBB2_2:
0x6a: {  	_ =	swait.ge [sflag:s23], $0x180  }
0x6b: {  	p0 =	seq.s32 s10, $0x0;
	[sflag:s23] =	ssyncset.done $0x0  }
0x6c: {  	s7 =	simm.s32 @!p0 $0x6;
	[sflag:s23] =	ssyncadd.s32 $0xFFFFFE80  }
0x6d: {  	_ =	swait.ge @!p0 [sflag:s7], $0x4000  }
0x6e: {  	[sflag:s7] =	ssyncset.done @!p0 $0x0  }
0x6f: {  	[sflag:s7] =	ssyncadd.s32 @!p0 $0xFFFFC000  }
0x70: {  	v0 =	vld [tilespmem:$0x200]  }
0x71: {  	v1 =	vld [tilespmem:$0x280]  }
0x72: {  	v2 =	vld [tilespmem:$0x300]  }
0x73: {  	v3 =	vld [tilespmem:$0x210]  }
0x74: {  	v4 =	vld [tilespmem:$0x290]  }
0x75: {  	v5 =	vld [tilespmem:$0x310]  }
0x76: {  	v6 =	vld [tilespmem:$0x220]  }
0x77: {  	v7 =	vld [tilespmem:$0x2A0]  }
0x78: {  	v8 =	vld [tilespmem:$0x320]  }
0x79: {  	v9 =	vld [tilespmem:$0x230]  }
0x7a: {  	v10 =	vld [tilespmem:$0x2B0]  }
0x7b: {  	v11 =	vld [tilespmem:$0x330]  }
0x7c: {  	v12 =	vld [tilespmem:$0x240]  }
0x7d: {  	v48 =	vld [tilespmem:$0x340]  }
0x7e: {  	v53 =	vld [tilespmem:$0x350];
	[tilespmem:$0x580] =	vst v2  }
0x7f: {  	v57 =	vld [tilespmem:$0x360];
	[tilespmem:$0x590] =	vst v5  }
0x80: {  	v61 =	vld [tilespmem:$0x370];
	[tilespmem:$0x5A0] =	vst v8  }
0x81: {  	v47 =	vld [tilespmem:$0x2C0];
	[tilespmem:$0x5B0] =	vst v11  }
0x82: {  	v51 =	vld [tilespmem:$0x2D0];
	[tilespmem:$0x5C0] =	vst v48  }
0x83: {  	v56 =	vld [tilespmem:$0x2F0];
	v1 =	vmul.u32 $0x2800, v1;
	[tilespmem:$0x5D0] =	vst v53  }
0x84: {  	v54 =	vld [tilespmem:$0x2E0];
	v46 =	vmul.u32 $0x2800, v4;
	[tilespmem:$0x5E0] =	vst v57  }
0x85: {  	v58 =	vld [tilespmem:$0x270];
	v49 =	vmul.u32 $0x2800, v7;
	[tilespmem:$0x5F0] =	vst v61;
	v0 =	vadd.s32 v0, v1  }
0x86: {  	v50 =	vld [tilespmem:$0x250];
	v52 =	vmul.u32 $0x2800, v10;
	v1 =	vadd.s32 v3, v46;
	[tilespmem:$0x480] =	vst v0  }
0x87: {  	v55 =	vld [tilespmem:$0x260];
	v4 =	vmul.u32 $0x2800, v47;
	v2 =	vadd.s32 v6, v49;
	[tilespmem:$0x490] =	vst v1  }
0x88: {  	p0 =	seq.s32 s10, $0x1380;
	v62 =	vmul.u32 $0x2800, v56;
	v5 =	vadd.s32 v9, v52;
	[tilespmem:$0x4A0] =	vst v2  }
.Ltmp4:
0x89: {  	v4 =	vadd.s32 v12, v4;
	[tilespmem:$0x4B0] =	vst v5;
	v1 =	vmul.u32 $0x2800, v51;
	(pc) =	sbr.rel @p0 .LBB2_4-.Ltmp4, $4  }
0x8a: {  	v60 =	vmul.u32 $0x2800, v54;
	v63 =	vadd.s32 v58, v62;
	[tilespmem:$0x4C0] =	vst v4  }
0x8b: {  	[tilespmem:$0x4F0] =	vst v63;
	v59 =	vadd.s32 v50, v1  }
0x8c: {  	v1 =	vadd.s32 v55, v60;
	[tilespmem:$0x4D0] =	vst v59  }
0x8d: {  	[tilespmem:$0x4E0] =	vst v1  }
0x8e: {  	s7 =	sadd.s32 s10, s13  }
0x8f: {  	[tilespmem:s16], [sflag:$0x2] =	stream.linear.gather [hbm4b:s7+s3], $0x180, $0x38;
	[tilespmem:$0x1C600] =	vst v63  }
0x90: {  	_ = 	snop  }
0x91: {  	[tilespmem:s25], [sflag:$0x4] =	stream.indirect.gather [hbm4b:s4+s18], $0x80, s24, s18, $0xb8;
	[tilespmem:$0x1C600] =	vst v63  }
0x92: {  	_ = 	snop  }
0x93: {  	[tilespmem:s28], [sflag:$0x4] =	stream.indirect.gather [hbm4b:s4+s18], $0x80, s26, s18, $0xb8;
	[tilespmem:$0x1C600] =	vst v63  }
0x94: {  	_ =	swait.ge [sflag:s29], $0x2000  }
0x95: {  	[sflag:s29] =	ssyncset.done $0x0  }
0x96: {  	[sflag:s29] =	ssyncadd.s32 $0xFFFFE000  }
0x97: {  	_ =	swait.ge [sflag:s29], $0x2000  }
0x98: {  	[sflag:s29] =	ssyncset.done $0x0  }
0x99: {  	[sflag:s29] =	ssyncadd.s32 $0xFFFFE000  }
0x9a: {  	[spmem:s1] =	stream.indirect.scatter.add.f32 [tilespmem:s20], [sflag:$0x5], $0x80, s31, s30, $0xb8;
	[tilespmem:$0x1C600] =	vst v63  }
0x9b: {  	_ =	swait.ge [sflag:s17], $0x180  }
0x9c: {  	[sflag:s17] =	ssyncset.done $0x0  }
0x9d: {  	[sflag:s17] =	ssyncadd.s32 $0xFFFFFE80  }
0x9e: {  	_ =	swait.ge [sflag:s5], $0x4000  }
0x9f: {  	[sflag:s5] =	ssyncset.done $0x0  }
0xa0: {  	[sflag:s5] =	ssyncadd.s32 $0xFFFFC000  }
0xa1: {  	v0 =	vld [tilespmem:$0x0]  }
0xa2: {  	v1 =	vld [tilespmem:$0x80]  }
0xa3: {  	v2 =	vld [tilespmem:$0x100]  }
0xa4: {  	v3 =	vld [tilespmem:$0x10]  }
0xa5: {  	v4 =	vld [tilespmem:$0x90]  }
0xa6: {  	v5 =	vld [tilespmem:$0x110]  }
0xa7: {  	v6 =	vld [tilespmem:$0x20]  }
0xa8: {  	v7 =	vld [tilespmem:$0xA0]  }
0xa9: {  	v8 =	vld [tilespmem:$0x120]  }
0xaa: {  	v9 =	vld [tilespmem:$0x30]  }
0xab: {  	v10 =	vld [tilespmem:$0xB0]  }
0xac: {  	v11 =	vld [tilespmem:$0x130]  }
0xad: {  	v12 =	vld [tilespmem:$0x40]  }
0xae: {  	v48 =	vld [tilespmem:$0x140]  }
0xaf: {  	v53 =	vld [tilespmem:$0x150];
	[tilespmem:$0x500] =	vst v2  }
0xb0: {  	v57 =	vld [tilespmem:$0x160];
	[tilespmem:$0x510] =	vst v5  }
0xb1: {  	v61 =	vld [tilespmem:$0x170];
	[tilespmem:$0x520] =	vst v8  }
0xb2: {  	v47 =	vld [tilespmem:$0xC0];
	[tilespmem:$0x530] =	vst v11  }
0xb3: {  	v51 =	vld [tilespmem:$0xD0];
	[tilespmem:$0x540] =	vst v48  }
0xb4: {  	v56 =	vld [tilespmem:$0xF0];
	v1 =	vmul.u32 $0x2800, v1;
	[tilespmem:$0x550] =	vst v53  }
0xb5: {  	v54 =	vld [tilespmem:$0xE0];
	v46 =	vmul.u32 $0x2800, v4;
	[tilespmem:$0x560] =	vst v57  }
0xb6: {  	v58 =	vld [tilespmem:$0x70];
	v49 =	vmul.u32 $0x2800, v7;
	[tilespmem:$0x570] =	vst v61;
	v0 =	vadd.s32 v0, v1  }
0xb7: {  	v50 =	vld [tilespmem:$0x50];
	v52 =	vmul.u32 $0x2800, v10;
	v1 =	vadd.s32 v3, v46;
	[tilespmem:$0x400] =	vst v0  }
0xb8: {  	v55 =	vld [tilespmem:$0x60];
	v4 =	vmul.u32 $0x2800, v47;
	v2 =	vadd.s32 v6, v49;
	[tilespmem:$0x410] =	vst v1  }
0xb9: {  	v62 =	vmul.u32 $0x2800, v56;
	v5 =	vadd.s32 v9, v52;
	[tilespmem:$0x420] =	vst v2  }
0xba: {  	v4 =	vadd.s32 v12, v4;
	[tilespmem:$0x430] =	vst v5;
	v1 =	vmul.u32 $0x2800, v51  }
0xbb: {  	v60 =	vmul.u32 $0x2800, v54;
	v63 =	vadd.s32 v58, v62;
	[tilespmem:$0x440] =	vst v4  }
0xbc: {  	[tilespmem:$0x470] =	vst v63;
	v59 =	vadd.s32 v50, v1  }
0xbd: {  	p0 =	sgt.u32 s11, $0x25;
	v1 =	vadd.s32 v55, v60;
	[tilespmem:$0x450] =	vst v59  }
0xbe: {  	s7 =	sadd.s32 @!p0 s10, s12;
	s8 =	simm.s32 @!p0 $0x0;
	[tilespmem:$0x460] =	vst v1  }
0xbf: {  	[tilespmem:s8], [sflag:$0x1] =	stream.linear.gather @!p0 [hbm4b:s7+s8], $0x180, $0x38;
	[tilespmem:$0x1C600] =	vst v63  }
.Ltmp5:
0xc0: {  	_ = 	snop;
	(pc) =	sbr.rel .LBB2_5-.Ltmp5, $4  }
0xc1: {  	_ = 	snop  }
0xc2: {  	[tilespmem:s20], [sflag:$0x3] =	stream.indirect.gather [hbm4b:s4+s18], $0x80, s19, s18, $0xb8;
	[tilespmem:$0x1C600] =	vst v63  }
0xc3: {  	_ = 	snop  }
0xc4: {  	[tilespmem:s22], [sflag:$0x3] =	stream.indirect.gather [hbm4b:s4+s18], $0x80, s21, s18, $0xb8;
	[tilespmem:$0x1C600] =	vst v63  }
.LBB2_7:
0xc5: {  	_ =	sfence.sel $0x180000  }
0xc6: {  	[bflag:$0x0] =	sbarrier.arrive $0xFFFF  }
0xc7: {  	_ =	strace $0x90000047  }
0xc8: {  	s0 =	stileid.u32;
	[bflag:$0x2] =	sbarrier.arrive $0xFFFF  }
0xc9: {  	p0 =	sne.s32 s0, $0x0;
	s0 =	rddreg [dreg:$0x2]  }
0xca: {  	s0 =	sadd.s32 @!p0 $0x100000, s0  }
0xcb: {  	[sflag:s0] =	ssyncadd.tile.s32 @!p0 $0x1;
	_ =	shalt  }
.Lfunc_end2:
_tile_overlayer_lowered:
.L_overlay_start_2:
0xcc: {  	(tag) =	ssettag $0x2  }
0xcd: {  	s0 =	rddreg [dreg:$0x0];
	s2 =	stileid.u32  }
0xce: {  	s1 =	rddreg [dreg:$0x1];
	p0 =	sne.s32 s2, $0x0  }
0xcf: {  	s3 =	rddreg [dreg:$0x2];
	[bflag:$0x3] =	sbarrier.arrive $0xFFFF;
	s2 =	simm.s32 @!p0 $0x1C07  }
0xd0: {  	[timem:s3], [sflag:s2] =	dma.local @!p0 [hbm:s0], s1  }
0xd1: {  	s0 =	simm.s32 @!p0 $0x7  }
0xd2: {  	_ =	swait.ge @!p0 [sflag:s0], s1  }
0xd3: {  	s1 =	ssub.s32 @!p0 $0x0, s1;
	[sflag:s0] =	ssyncset.done @!p0 $0x0  }
0xd4: {  	[sflag:s0] =	ssyncadd.s32 @!p0 s1  }
0xd5: {  	[bflag:$0x3] =	sbarrier.arrive $0xFFFF  }
0xd6: {  	_ =	shalt  }

</sc_bundles>
